<compile_context>
chip_gen: v7x
topology: tpu7x:2x2x1
jax: 0.10.2.dev20260603
libtpu: 0.0.44.dev20260713+nightly
codegen_flags: <defaults>
</compile_context>

<pallas_src>
import functools

import jax
import jax.numpy as jnp
from jax import lax
from jax.experimental import pallas as pl
from jax.experimental.pallas import tpu as pltpu
from jax.experimental.pallas import tpu_sc as plsc

N = 10000
E = 320000
NHID = 64
NFEAT = 128

NC = 2
NS = 16
NW = NC * NS
CHUNK = 128
NCH = 80
E_PAD = NW * NCH * CHUNK
R_PAD = 10240
RPT = R_PAD // NS
RB = 1000


_SC_MESH = plsc.VectorSubcoreMesh(core_axis_name="c", subcore_axis_name="s")



@functools.partial(
    pl.kernel,
    out_type=jax.ShapeDtypeStruct((NC, R_PAD), jnp.float32),
    mesh=_SC_MESH,
    scratch_types=[
        pltpu.VMEM((NCH, CHUNK), jnp.int32),
        pltpu.VMEM((CHUNK,), jnp.float32),
        pltpu.VMEM_SHARED((R_PAD,), jnp.float32),
    ]
    + [pltpu.SemaphoreType.DMA] * 8,
    compiler_params=pltpu.CompilerParams(use_tc_tiling_on_sc=False),
)
def _deg_kernel(dst3, zeros1, degp, didx, ones_v, acc, *sems):
    c = lax.axis_index("c")
    s = lax.axis_index("s")
    wid = s * NC + c
    pltpu.sync_copy(dst3.at[wid], didx)
    for i in range(CHUNK // 16):
        ones_v[pl.ds(i * 16, 16)] = jnp.full((16,), 1.0, jnp.float32)
    pltpu.sync_copy(zeros1.at[pl.ds(s * RPT, RPT)], acc.at[pl.ds(s * RPT, RPT)])
    plsc.subcore_barrier()

    nsem = len(sems)
    for b in range(nsem):
        pltpu.async_copy(ones_v, acc.at[didx.at[b]], sems[b], add=True)

    def body(i, carry):
        j0 = nsem * i
        for b in range(nsem):
            pltpu.make_async_copy(ones_v, acc.at[didx.at[0]], sems[b]).wait()
            pltpu.async_copy(ones_v, acc.at[didx.at[j0 + nsem + b]], sems[b], add=True)
        return carry

    lax.fori_loop(0, NCH // nsem - 1, body, 0)
    for b in range(nsem):
        pltpu.make_async_copy(ones_v, acc.at[didx.at[0]], sems[b]).wait()
    plsc.subcore_barrier()
    pltpu.sync_copy(acc.at[pl.ds(s * RPT, RPT)], degp.at[c, pl.ds(s * RPT, RPT)])


NBUF = 8


@functools.partial(
    pl.kernel,
    out_type=jax.ShapeDtypeStruct((NC, R_PAD, NHID), jnp.float32),
    mesh=_SC_MESH,
    scratch_types=[
        pltpu.VMEM((NCH, CHUNK), jnp.int32),
        pltpu.VMEM((NCH, CHUNK), jnp.int32),
        pltpu.VMEM((NBUF, CHUNK, NHID), jnp.float32),
        pltpu.VMEM_SHARED((R_PAD, NHID), jnp.float32),
    ]
    + [pltpu.SemaphoreType.DMA] * (2 * NBUF),
    compiler_params=pltpu.CompilerParams(use_tc_tiling_on_sc=False),
)
def _scatter_kernel(table, src3, dst3, zeros2, part, sidx, didx, rows, acc, *sems):
    gs, ss = sems[:NBUF], sems[NBUF:]
    c = lax.axis_index("c")
    s = lax.axis_index("s")
    wid = s * NC + c
    pltpu.sync_copy(src3.at[wid], sidx)
    for b in range(NBUF):
        pltpu.async_copy(table.at[sidx.at[b]], rows.at[b], gs[b])
    pltpu.sync_copy(dst3.at[wid], didx)
    pltpu.sync_copy(zeros2.at[pl.ds(s * RPT, RPT)], acc.at[pl.ds(s * RPT, RPT)])
    plsc.subcore_barrier()

    def gwait(b):
        pltpu.make_async_copy(table.at[sidx.at[0]], rows.at[b], gs[b]).wait()

    def swait(b):
        pltpu.make_async_copy(rows.at[b], acc.at[didx.at[0]], ss[b]).wait()

    def body(i, carry):
        j0 = NBUF * i
        for b in range(NBUF):
            gwait(b)
            pltpu.async_copy(rows.at[b], acc.at[didx.at[j0 + b]], ss[b], add=True)
        for b in range(NBUF):
            jn = j0 + NBUF + b

            @pl.when(jn < NCH)
            def _():
                swait(b)
                pltpu.async_copy(table.at[sidx.at[jn]], rows.at[b], gs[b])

        return carry

    lax.fori_loop(0, NCH // NBUF, body, 0)
    for b in range(NBUF):
        swait(b)
    plsc.subcore_barrier()
    pltpu.sync_copy(acc.at[pl.ds(s * RPT, RPT)], part.at[c, pl.ds(s * RPT, RPT)])



def _dis_of(dt):
    return lax.rsqrt(1.0 + dt[:, 0:1] + dt[:, 1:2])


def _xs_body(dt_ref, x_ref, xs_ref):
    xs_ref[...] = x_ref[...] * _dis_of(dt_ref[...])


def _layer1_body(dt_ref, p_ref, xs_ref, w_ref, b_ref, hs_ref):
    dis = _dis_of(dt_ref[...])
    a = (p_ref[0] + p_ref[1] + xs_ref[...]) * dis
    h = jnp.dot(a, w_ref[...], preferred_element_type=jnp.float32) + b_ref[...]
    hs_ref[...] = jnp.maximum(h, 0.0) * dis


def _layer2_body(dt_ref, q_ref, hs_ref, w_ref, b_ref, o_ref):
    dis = _dis_of(dt_ref[...])
    a = (q_ref[0] + q_ref[1] + hs_ref[...]) * dis
    o_ref[...] = jnp.dot(a, w_ref[...], preferred_element_type=jnp.float32) + b_ref[...]


_GRID = (N // RB,)
_DT_SPEC = pl.BlockSpec((RB, 2), lambda i: (i, 0))
_ROW_SPEC = pl.BlockSpec((RB, NHID), lambda i: (i, 0))
_P_SPEC = pl.BlockSpec((2, RB, NHID), lambda i: (0, i, 0))


def _tc_xs(dt, x):
    return pl.pallas_call(
        _xs_body,
        grid=_GRID,
        in_specs=[_DT_SPEC, _ROW_SPEC],
        out_specs=_ROW_SPEC,
        out_shape=jax.ShapeDtypeStruct((N, NHID), jnp.float32),
    )(dt, x)


def _tc_layer1(dt, p, xs, w1, b1):
    return pl.pallas_call(
        _layer1_body,
        grid=_GRID,
        in_specs=[
            _DT_SPEC,
            _P_SPEC,
            _ROW_SPEC,
            pl.BlockSpec((NHID, NHID), lambda i: (0, 0)),
            pl.BlockSpec((1, NHID), lambda i: (0, 0)),
        ],
        out_specs=_ROW_SPEC,
        out_shape=jax.ShapeDtypeStruct((N, NHID), jnp.float32),
    )(dt, p, xs, w1, b1)


def _tc_layer2(dt, q, hs, w2, b2):
    return pl.pallas_call(
        _layer2_body,
        grid=_GRID,
        in_specs=[
            _DT_SPEC,
            _P_SPEC,
            _ROW_SPEC,
            pl.BlockSpec((NHID, NFEAT), lambda i: (0, 0)),
            pl.BlockSpec((1, NFEAT), lambda i: (0, 0)),
        ],
        out_specs=pl.BlockSpec((RB, NFEAT), lambda i: (i, 0)),
        out_shape=jax.ShapeDtypeStruct((N, NFEAT), jnp.float32),
    )(dt, q, hs, w2, b2)



def kernel(x, edge_index, W1, b1, W2, b2):
    src = edge_index[0]
    dst = edge_index[1]
    pad = E_PAD - E
    ar = jnp.arange(pad, dtype=jnp.int32)
    src3 = jnp.concatenate([src, ar % N]).reshape(NW, NCH, CHUNK)
    dst3 = jnp.concatenate([dst, N + ar % (R_PAD - N)]).reshape(NW, NCH, CHUNK)
    zeros1 = jnp.zeros((R_PAD,), jnp.float32)
    zeros2 = jnp.zeros((R_PAD, NHID), jnp.float32)

    degp = _deg_kernel(dst3, zeros1)
    dt = degp.T
    xs = _tc_xs(dt, x)
    p = _scatter_kernel(xs, src3, dst3, zeros2)
    hs = _tc_layer1(dt, p, xs, W1, b1.reshape(1, NHID))
    q = _scatter_kernel(hs, src3, dst3, zeros2)
    return _tc_layer2(dt, q, hs, W2, b2.reshape(1, NFEAT))

# --- scband reference (transcript-rebuilt; emitter-appended) ---
"""Pipeline reference for scband-attribute-decoder-81131932221578 (READ-ONLY COPY).

The authoritative reference and input builder live on the scoring server;
editing this copy changes nothing except your own understanding.
"""

import jax, jax.numpy as jnp
import numpy as np

N = 10000
E = 320000
NHID = 64
NFEAT = 128


def setup_inputs(seed: int = 0) -> dict:
    key = jax.random.key(seed)
    k1, k2, k3, k4 = jax.random.split(key, 4)
    x = jax.random.normal(k1, (N, NHID), dtype=jnp.float32)
    edge_index = jax.random.randint(k2, (2, E), 0, N, dtype=jnp.int32)
    W1 = jax.random.normal(k3, (NHID, NHID), dtype=jnp.float32) * 0.1
    b1 = jnp.zeros((NHID,), dtype=jnp.float32)
    W2 = jax.random.normal(k4, (NHID, NFEAT), dtype=jnp.float32) * 0.1
    b2 = jnp.zeros((NFEAT,), dtype=jnp.float32)
    return {"x": x, "edge_index": edge_index, "W1": W1, "b1": b1, "W2": W2, "b2": b2}


def _gcn_conv(x, src, dst, W, b):
    # PyG GCNConv: linear transform, add self-loops, symmetric normalization, scatter-add aggregation
    h = x @ W
    loop = jnp.arange(N, dtype=src.dtype)
    s = jnp.concatenate([src, loop])
    d = jnp.concatenate([dst, loop])
    ew = jnp.ones((s.shape[0],), dtype=h.dtype)
    deg = jnp.zeros((N,), dtype=h.dtype).at[d].add(ew)
    deg_inv_sqrt = jnp.where(deg > 0, jax.lax.rsqrt(jnp.maximum(deg, 1e-12)), 0.0)
    norm = deg_inv_sqrt[s] * ew * deg_inv_sqrt[d]
    msg = h[s] * norm[:, None]
    out = jax.ops.segment_sum(msg, d, num_segments=N)
    return out + b


def reference(x, edge_index, W1, b1, W2, b2):
    src = edge_index[0]
    dst = edge_index[1]
    h = jax.nn.relu(_gcn_conv(x, src, dst, W1, b1))
    # F.dropout with training=False (eval mode) is identity
    out = _gcn_conv(h, src, dst, W2, b2)
    return out

if __name__ == "__main__":
    import jax
    _d = setup_inputs()
    print(jax.jit(kernel)(*tuple(_d.values())))

</pallas_src>

<mosaic_0001>
#map = affine_map<(d0, d1) -> (0, 0)>
#map1 = affine_map<(d0, d1) -> (0, 0, 0)>
module attributes {stable_mosaic.version = 14 : i64} {
  func.func @_scatter_kernel(%arg0: i32, %arg1: i32, %arg2: memref<10000x64xf32, #tpu.memory_space<hbm>>, %arg3: memref<32x80x128xi32, #tpu.memory_space<hbm>>, %arg4: memref<32x80x128xi32, #tpu.memory_space<hbm>>, %arg5: memref<10240x64xf32, #tpu.memory_space<hbm>>, %arg6: memref<2x10240x64xf32, #tpu.memory_space<hbm>>, %arg7: memref<80x128xi32, #tpu.memory_space<vmem>>, %arg8: memref<80x128xi32, #tpu.memory_space<vmem>>, %arg9: memref<8x128x64xf32, #tpu.memory_space<vmem>>, %arg10: memref<10240x64xf32, #tpu.memory_space<vmem_shared>>, %arg11: memref<!tpu.dma_semaphore, #tpu.memory_space<semaphore_mem>>, %arg12: memref<!tpu.dma_semaphore, #tpu.memory_space<semaphore_mem>>, %arg13: memref<!tpu.dma_semaphore, #tpu.memory_space<semaphore_mem>>, %arg14: memref<!tpu.dma_semaphore, #tpu.memory_space<semaphore_mem>>, %arg15: memref<!tpu.dma_semaphore, #tpu.memory_space<semaphore_mem>>, %arg16: memref<!tpu.dma_semaphore, #tpu.memory_space<semaphore_mem>>, %arg17: memref<!tpu.dma_semaphore, #tpu.memory_space<semaphore_mem>>, %arg18: memref<!tpu.dma_semaphore, #tpu.memory_space<semaphore_mem>>, %arg19: memref<!tpu.dma_semaphore, #tpu.memory_space<semaphore_mem>>, %arg20: memref<!tpu.dma_semaphore, #tpu.memory_space<semaphore_mem>>, %arg21: memref<!tpu.dma_semaphore, #tpu.memory_space<semaphore_mem>>, %arg22: memref<!tpu.dma_semaphore, #tpu.memory_space<semaphore_mem>>, %arg23: memref<!tpu.dma_semaphore, #tpu.memory_space<semaphore_mem>>, %arg24: memref<!tpu.dma_semaphore, #tpu.memory_space<semaphore_mem>>, %arg25: memref<!tpu.dma_semaphore, #tpu.memory_space<semaphore_mem>>, %arg26: memref<!tpu.dma_semaphore, #tpu.memory_space<semaphore_mem>>) attributes {dimension_semantics = [#tpu.dimension_semantics<core_parallel>, #tpu.dimension_semantics<subcore_parallel>], iteration_bounds = array<i64: 2, 16>, scalar_prefetch = 0 : i64, scratch_operands = 20 : i64, tpu.core_type = #tpu.core_type<sc_vector_subcore>, window_params = [{transform_indices = #map}, {transform_indices = #map1}, {transform_indices = #map1}, {transform_indices = #map}, {transform_indices = #map1}]} {
    %mul3A = arith.constant 2 : i32
    %mul3A_0 = arith.muli %arg1, %mul3A : i32
    %add3A = arith.addi %mul3A_0, %arg0 : i32
    "tpu.region"() ({
      %run_scoped3A = tpu.sem_alloc : memref<!tpu.dma_semaphore, #tpu.memory_space<semaphore_mem>>
      %dma_start3A_205 = arith.constant 0 : i32
      %dma_start3A_206 = arith.constant 0 : i32
      %dma_start3A_207 = tpu.memref_slice %arg3[%add3A, %dma_start3A_205, %dma_start3A_206] : memref<32x80x128xi32, #tpu.memory_space<hbm>> -> memref<1x80x128xi32, #tpu.memory_space<hbm>>
      %dma_start3A_208 = tpu.memref_squeeze %dma_start3A_207 : memref<1x80x128xi32, #tpu.memory_space<hbm>> -> memref<80x128xi32, #tpu.memory_space<hbm>>
      %dma_start3A_209 = arith.constant 0 : i32
      %dma_start3A_210 = arith.constant 0 : i32
      %dma_start3A_211 = tpu.memref_slice %arg3[%add3A, %dma_start3A_209, %dma_start3A_210] : memref<32x80x128xi32, #tpu.memory_space<hbm>> -> memref<1x80x128xi32, #tpu.memory_space<hbm>>
      %dma_start3A_212 = tpu.memref_squeeze %dma_start3A_211 : memref<1x80x128xi32, #tpu.memory_space<hbm>> -> memref<80x128xi32, #tpu.memory_space<hbm>>
      tpu.enqueue_dma source(%dma_start3A_212 : memref<80x128xi32, #tpu.memory_space<hbm>>) target(%arg7 : memref<80x128xi32, #tpu.memory_space<vmem>>) target_semaphore(%run_scoped3A : memref<!tpu.dma_semaphore, #tpu.memory_space<semaphore_mem>>)
      %dma_wait3A_213 = arith.constant 0 : i32
      %dma_wait3A_214 = arith.constant 0 : i32
      %dma_wait3A_215 = tpu.memref_slice %arg3[%add3A, %dma_wait3A_213, %dma_wait3A_214] : memref<32x80x128xi32, #tpu.memory_space<hbm>> -> memref<1x80x128xi32, #tpu.memory_space<hbm>>
      %dma_wait3A_216 = tpu.memref_squeeze %dma_wait3A_215 : memref<1x80x128xi32, #tpu.memory_space<hbm>> -> memref<80x128xi32, #tpu.memory_space<hbm>>
      %dma_wait3A_217 = arith.constant 0 : i32
      %dma_wait3A_218 = arith.constant 0 : i32
      %dma_wait3A_219 = tpu.memref_slice %arg3[%add3A, %dma_wait3A_217, %dma_wait3A_218] : memref<32x80x128xi32, #tpu.memory_space<hbm>> -> memref<1x80x128xi32, #tpu.memory_space<hbm>>
      %dma_wait3A_220 = tpu.memref_squeeze %dma_wait3A_219 : memref<1x80x128xi32, #tpu.memory_space<hbm>> -> memref<80x128xi32, #tpu.memory_space<hbm>>
      tpu.wait_dma2 semaphore(%run_scoped3A : memref<!tpu.dma_semaphore, #tpu.memory_space<semaphore_mem>>) src(%dma_wait3A_220 : memref<80x128xi32, #tpu.memory_space<hbm>>) dst(%arg7 : memref<80x128xi32, #tpu.memory_space<vmem>>)
      tpu.yield
    }) : () -> ()
    %dma_start3A = arith.constant 0 : i32
    %dma_start3A_1 = arith.constant 0 : i32
    %dma_start3A_2 = arith.constant 0 : i32
    %dma_start3A_3 = arith.constant 0 : i32
    %dma_start3A_4 = tpu.memref_slice %arg9[%dma_start3A_1, %dma_start3A_2, %dma_start3A_3] : memref<8x128x64xf32, #tpu.memory_space<vmem>> -> memref<1x128x64xf32, #tpu.memory_space<vmem>>
    %dma_start3A_5 = tpu.memref_squeeze %dma_start3A_4 : memref<1x128x64xf32, #tpu.memory_space<vmem>> -> memref<128x64xf32, #tpu.memory_space<vmem>>
    %dma_start3A_6 = arith.constant 0 : i32
    %dma_start3A_7 = tpu.memref_slice %arg7[%dma_start3A, %dma_start3A_6] : memref<80x128xi32, #tpu.memory_space<vmem>> -> memref<1x128xi32, #tpu.memory_space<vmem>>
    %dma_start3A_8 = tpu.memref_squeeze %dma_start3A_7 : memref<1x128xi32, #tpu.memory_space<vmem>> -> memref<128xi32, #tpu.memory_space<vmem>>
    %dma_start3A_9 = arith.constant 0 : i32
    %dma_start3A_10 = arith.constant 0 : i32
    %dma_start3A_11 = tpu.memref_slice %arg2[%dma_start3A_9, %dma_start3A_10] : memref<10000x64xf32, #tpu.memory_space<hbm>> -> memref<10000x64xf32, #tpu.memory_space<hbm>>
    tpu.enqueue_indirect_dma source(%dma_start3A_11 : memref<10000x64xf32, #tpu.memory_space<hbm>>) target(%dma_start3A_5 : memref<128x64xf32, #tpu.memory_space<vmem>>) offsets(%dma_start3A_8 : memref<128xi32, #tpu.memory_space<vmem>>) semaphore(%arg11 : memref<!tpu.dma_semaphore, #tpu.memory_space<semaphore_mem>>)
    %dma_start3A_12 = arith.constant 1 : i32
    %dma_start3A_13 = arith.constant 1 : i32
    %dma_start3A_14 = arith.constant 0 : i32
    %dma_start3A_15 = arith.constant 0 : i32
    %dma_start3A_16 = tpu.memref_slice %arg9[%dma_start3A_13, %dma_start3A_14, %dma_start3A_15] : memref<8x128x64xf32, #tpu.memory_space<vmem>> -> memref<1x128x64xf32, #tpu.memory_space<vmem>>
    %dma_start3A_17 = tpu.memref_squeeze %dma_start3A_16 : memref<1x128x64xf32, #tpu.memory_space<vmem>> -> memref<128x64xf32, #tpu.memory_space<vmem>>
    %dma_start3A_18 = arith.constant 0 : i32
    %dma_start3A_19 = tpu.memref_slice %arg7[%dma_start3A_12, %dma_start3A_18] : memref<80x128xi32, #tpu.memory_space<vmem>> -> memref<1x128xi32, #tpu.memory_space<vmem>>
    %dma_start3A_20 = tpu.memref_squeeze %dma_start3A_19 : memref<1x128xi32, #tpu.memory_space<vmem>> -> memref<128xi32, #tpu.memory_space<vmem>>
    %dma_start3A_21 = arith.constant 0 : i32
    %dma_start3A_22 = arith.constant 0 : i32
    %dma_start3A_23 = tpu.memref_slice %arg2[%dma_start3A_21, %dma_start3A_22] : memref<10000x64xf32, #tpu.memory_space<hbm>> -> memref<10000x64xf32, #tpu.memory_space<hbm>>
    tpu.enqueue_indirect_dma source(%dma_start3A_23 : memref<10000x64xf32, #tpu.memory_space<hbm>>) target(%dma_start3A_17 : memref<128x64xf32, #tpu.memory_space<vmem>>) offsets(%dma_start3A_20 : memref<128xi32, #tpu.memory_space<vmem>>) semaphore(%arg12 : memref<!tpu.dma_semaphore, #tpu.memory_space<semaphore_mem>>)
    %dma_start3A_24 = arith.constant 2 : i32
    %dma_start3A_25 = arith.constant 2 : i32
    %dma_start3A_26 = arith.constant 0 : i32
    %dma_start3A_27 = arith.constant 0 : i32
    %dma_start3A_28 = tpu.memref_slice %arg9[%dma_start3A_25, %dma_start3A_26, %dma_start3A_27] : memref<8x128x64xf32, #tpu.memory_space<vmem>> -> memref<1x128x64xf32, #tpu.memory_space<vmem>>
    %dma_start3A_29 = tpu.memref_squeeze %dma_start3A_28 : memref<1x128x64xf32, #tpu.memory_space<vmem>> -> memref<128x64xf32, #tpu.memory_space<vmem>>
    %dma_start3A_30 = arith.constant 0 : i32
    %dma_start3A_31 = tpu.memref_slice %arg7[%dma_start3A_24, %dma_start3A_30] : memref<80x128xi32, #tpu.memory_space<vmem>> -> memref<1x128xi32, #tpu.memory_space<vmem>>
    %dma_start3A_32 = tpu.memref_squeeze %dma_start3A_31 : memref<1x128xi32, #tpu.memory_space<vmem>> -> memref<128xi32, #tpu.memory_space<vmem>>
    %dma_start3A_33 = arith.constant 0 : i32
    %dma_start3A_34 = arith.constant 0 : i32
    %dma_start3A_35 = tpu.memref_slice %arg2[%dma_start3A_33, %dma_start3A_34] : memref<10000x64xf32, #tpu.memory_space<hbm>> -> memref<10000x64xf32, #tpu.memory_space<hbm>>
    tpu.enqueue_indirect_dma source(%dma_start3A_35 : memref<10000x64xf32, #tpu.memory_space<hbm>>) target(%dma_start3A_29 : memref<128x64xf32, #tpu.memory_space<vmem>>) offsets(%dma_start3A_32 : memref<128xi32, #tpu.memory_space<vmem>>) semaphore(%arg13 : memref<!tpu.dma_semaphore, #tpu.memory_space<semaphore_mem>>)
    %dma_start3A_36 = arith.constant 3 : i32
    %dma_start3A_37 = arith.constant 3 : i32
    %dma_start3A_38 = arith.constant 0 : i32
    %dma_start3A_39 = arith.constant 0 : i32
    %dma_start3A_40 = tpu.memref_slice %arg9[%dma_start3A_37, %dma_start3A_38, %dma_start3A_39] : memref<8x128x64xf32, #tpu.memory_space<vmem>> -> memref<1x128x64xf32, #tpu.memory_space<vmem>>
    %dma_start3A_41 = tpu.memref_squeeze %dma_start3A_40 : memref<1x128x64xf32, #tpu.memory_space<vmem>> -> memref<128x64xf32, #tpu.memory_space<vmem>>
    %dma_start3A_42 = arith.constant 0 : i32
    %dma_start3A_43 = tpu.memref_slice %arg7[%dma_start3A_36, %dma_start3A_42] : memref<80x128xi32, #tpu.memory_space<vmem>> -> memref<1x128xi32, #tpu.memory_space<vmem>>
    %dma_start3A_44 = tpu.memref_squeeze %dma_start3A_43 : memref<1x128xi32, #tpu.memory_space<vmem>> -> memref<128xi32, #tpu.memory_space<vmem>>
    %dma_start3A_45 = arith.constant 0 : i32
    %dma_start3A_46 = arith.constant 0 : i32
    %dma_start3A_47 = tpu.memref_slice %arg2[%dma_start3A_45, %dma_start3A_46] : memref<10000x64xf32, #tpu.memory_space<hbm>> -> memref<10000x64xf32, #tpu.memory_space<hbm>>
    tpu.enqueue_indirect_dma source(%dma_start3A_47 : memref<10000x64xf32, #tpu.memory_space<hbm>>) target(%dma_start3A_41 : memref<128x64xf32, #tpu.memory_space<vmem>>) offsets(%dma_start3A_44 : memref<128xi32, #tpu.memory_space<vmem>>) semaphore(%arg14 : memref<!tpu.dma_semaphore, #tpu.memory_space<semaphore_mem>>)
    %dma_start3A_48 = arith.constant 4 : i32
    %dma_start3A_49 = arith.constant 4 : i32
    %dma_start3A_50 = arith.constant 0 : i32
    %dma_start3A_51 = arith.constant 0 : i32
    %dma_start3A_52 = tpu.memref_slice %arg9[%dma_start3A_49, %dma_start3A_50, %dma_start3A_51] : memref<8x128x64xf32, #tpu.memory_space<vmem>> -> memref<1x128x64xf32, #tpu.memory_space<vmem>>
    %dma_start3A_53 = tpu.memref_squeeze %dma_start3A_52 : memref<1x128x64xf32, #tpu.memory_space<vmem>> -> memref<128x64xf32, #tpu.memory_space<vmem>>
    %dma_start3A_54 = arith.constant 0 : i32
    %dma_start3A_55 = tpu.memref_slice %arg7[%dma_start3A_48, %dma_start3A_54] : memref<80x128xi32, #tpu.memory_space<vmem>> -> memref<1x128xi32, #tpu.memory_space<vmem>>
    %dma_start3A_56 = tpu.memref_squeeze %dma_start3A_55 : memref<1x128xi32, #tpu.memory_space<vmem>> -> memref<128xi32, #tpu.memory_space<vmem>>
    %dma_start3A_57 = arith.constant 0 : i32
    %dma_start3A_58 = arith.constant 0 : i32
    %dma_start3A_59 = tpu.memref_slice %arg2[%dma_start3A_57, %dma_start3A_58] : memref<10000x64xf32, #tpu.memory_space<hbm>> -> memref<10000x64xf32, #tpu.memory_space<hbm>>
    tpu.enqueue_indirect_dma source(%dma_start3A_59 : memref<10000x64xf32, #tpu.memory_space<hbm>>) target(%dma_start3A_53 : memref<128x64xf32, #tpu.memory_space<vmem>>) offsets(%dma_start3A_56 : memref<128xi32, #tpu.memory_space<vmem>>) semaphore(%arg15 : memref<!tpu.dma_semaphore, #tpu.memory_space<semaphore_mem>>)
    %dma_start3A_60 = arith.constant 5 : i32
    %dma_start3A_61 = arith.constant 5 : i32
    %dma_start3A_62 = arith.constant 0 : i32
    %dma_start3A_63 = arith.constant 0 : i32
    %dma_start3A_64 = tpu.memref_slice %arg9[%dma_start3A_61, %dma_start3A_62, %dma_start3A_63] : memref<8x128x64xf32, #tpu.memory_space<vmem>> -> memref<1x128x64xf32, #tpu.memory_space<vmem>>
    %dma_start3A_65 = tpu.memref_squeeze %dma_start3A_64 : memref<1x128x64xf32, #tpu.memory_space<vmem>> -> memref<128x64xf32, #tpu.memory_space<vmem>>
    %dma_start3A_66 = arith.constant 0 : i32
    %dma_start3A_67 = tpu.memref_slice %arg7[%dma_start3A_60, %dma_start3A_66] : memref<80x128xi32, #tpu.memory_space<vmem>> -> memref<1x128xi32, #tpu.memory_space<vmem>>
    %dma_start3A_68 = tpu.memref_squeeze %dma_start3A_67 : memref<1x128xi32, #tpu.memory_space<vmem>> -> memref<128xi32, #tpu.memory_space<vmem>>
    %dma_start3A_69 = arith.constant 0 : i32
    %dma_start3A_70 = arith.constant 0 : i32
    %dma_start3A_71 = tpu.memref_slice %arg2[%dma_start3A_69, %dma_start3A_70] : memref<10000x64xf32, #tpu.memory_space<hbm>> -> memref<10000x64xf32, #tpu.memory_space<hbm>>
    tpu.enqueue_indirect_dma source(%dma_start3A_71 : memref<10000x64xf32, #tpu.memory_space<hbm>>) target(%dma_start3A_65 : memref<128x64xf32, #tpu.memory_space<vmem>>) offsets(%dma_start3A_68 : memref<128xi32, #tpu.memory_space<vmem>>) semaphore(%arg16 : memref<!tpu.dma_semaphore, #tpu.memory_space<semaphore_mem>>)
    %dma_start3A_72 = arith.constant 6 : i32
    %dma_start3A_73 = arith.constant 6 : i32
    %dma_start3A_74 = arith.constant 0 : i32
    %dma_start3A_75 = arith.constant 0 : i32
    %dma_start3A_76 = tpu.memref_slice %arg9[%dma_start3A_73, %dma_start3A_74, %dma_start3A_75] : memref<8x128x64xf32, #tpu.memory_space<vmem>> -> memref<1x128x64xf32, #tpu.memory_space<vmem>>
    %dma_start3A_77 = tpu.memref_squeeze %dma_start3A_76 : memref<1x128x64xf32, #tpu.memory_space<vmem>> -> memref<128x64xf32, #tpu.memory_space<vmem>>
    %dma_start3A_78 = arith.constant 0 : i32
    %dma_start3A_79 = tpu.memref_slice %arg7[%dma_start3A_72, %dma_start3A_78] : memref<80x128xi32, #tpu.memory_space<vmem>> -> memref<1x128xi32, #tpu.memory_space<vmem>>
    %dma_start3A_80 = tpu.memref_squeeze %dma_start3A_79 : memref<1x128xi32, #tpu.memory_space<vmem>> -> memref<128xi32, #tpu.memory_space<vmem>>
    %dma_start3A_81 = arith.constant 0 : i32
    %dma_start3A_82 = arith.constant 0 : i32
    %dma_start3A_83 = tpu.memref_slice %arg2[%dma_start3A_81, %dma_start3A_82] : memref<10000x64xf32, #tpu.memory_space<hbm>> -> memref<10000x64xf32, #tpu.memory_space<hbm>>
    tpu.enqueue_indirect_dma source(%dma_start3A_83 : memref<10000x64xf32, #tpu.memory_space<hbm>>) target(%dma_start3A_77 : memref<128x64xf32, #tpu.memory_space<vmem>>) offsets(%dma_start3A_80 : memref<128xi32, #tpu.memory_space<vmem>>) semaphore(%arg17 : memref<!tpu.dma_semaphore, #tpu.memory_space<semaphore_mem>>)
    %dma_start3A_84 = arith.constant 7 : i32
    %dma_start3A_85 = arith.constant 7 : i32
    %dma_start3A_86 = arith.constant 0 : i32
    %dma_start3A_87 = arith.constant 0 : i32
    %dma_start3A_88 = tpu.memref_slice %arg9[%dma_start3A_85, %dma_start3A_86, %dma_start3A_87] : memref<8x128x64xf32, #tpu.memory_space<vmem>> -> memref<1x128x64xf32, #tpu.memory_space<vmem>>
    %dma_start3A_89 = tpu.memref_squeeze %dma_start3A_88 : memref<1x128x64xf32, #tpu.memory_space<vmem>> -> memref<128x64xf32, #tpu.memory_space<vmem>>
    %dma_start3A_90 = arith.constant 0 : i32
    %dma_start3A_91 = tpu.memref_slice %arg7[%dma_start3A_84, %dma_start3A_90] : memref<80x128xi32, #tpu.memory_space<vmem>> -> memref<1x128xi32, #tpu.memory_space<vmem>>
    %dma_start3A_92 = tpu.memref_squeeze %dma_start3A_91 : memref<1x128xi32, #tpu.memory_space<vmem>> -> memref<128xi32, #tpu.memory_space<vmem>>
    %dma_start3A_93 = arith.constant 0 : i32
    %dma_start3A_94 = arith.constant 0 : i32
    %dma_start3A_95 = tpu.memref_slice %arg2[%dma_start3A_93, %dma_start3A_94] : memref<10000x64xf32, #tpu.memory_space<hbm>> -> memref<10000x64xf32, #tpu.memory_space<hbm>>
    tpu.enqueue_indirect_dma source(%dma_start3A_95 : memref<10000x64xf32, #tpu.memory_space<hbm>>) target(%dma_start3A_89 : memref<128x64xf32, #tpu.memory_space<vmem>>) offsets(%dma_start3A_92 : memref<128xi32, #tpu.memory_space<vmem>>) semaphore(%arg18 : memref<!tpu.dma_semaphore, #tpu.memory_space<semaphore_mem>>)
    "tpu.region"() ({
      %run_scoped3A = tpu.sem_alloc : memref<!tpu.dma_semaphore, #tpu.memory_space<semaphore_mem>>
      %dma_start3A_205 = arith.constant 0 : i32
      %dma_start3A_206 = arith.constant 0 : i32
      %dma_start3A_207 = tpu.memref_slice %arg4[%add3A, %dma_start3A_205, %dma_start3A_206] : memref<32x80x128xi32, #tpu.memory_space<hbm>> -> memref<1x80x128xi32, #tpu.memory_space<hbm>>
      %dma_start3A_208 = tpu.memref_squeeze %dma_start3A_207 : memref<1x80x128xi32, #tpu.memory_space<hbm>> -> memref<80x128xi32, #tpu.memory_space<hbm>>
      %dma_start3A_209 = arith.constant 0 : i32
      %dma_start3A_210 = arith.constant 0 : i32
      %dma_start3A_211 = tpu.memref_slice %arg4[%add3A, %dma_start3A_209, %dma_start3A_210] : memref<32x80x128xi32, #tpu.memory_space<hbm>> -> memref<1x80x128xi32, #tpu.memory_space<hbm>>
      %dma_start3A_212 = tpu.memref_squeeze %dma_start3A_211 : memref<1x80x128xi32, #tpu.memory_space<hbm>> -> memref<80x128xi32, #tpu.memory_space<hbm>>
      tpu.enqueue_dma source(%dma_start3A_212 : memref<80x128xi32, #tpu.memory_space<hbm>>) target(%arg8 : memref<80x128xi32, #tpu.memory_space<vmem>>) target_semaphore(%run_scoped3A : memref<!tpu.dma_semaphore, #tpu.memory_space<semaphore_mem>>)
      %dma_wait3A_213 = arith.constant 0 : i32
      %dma_wait3A_214 = arith.constant 0 : i32
      %dma_wait3A_215 = tpu.memref_slice %arg4[%add3A, %dma_wait3A_213, %dma_wait3A_214] : memref<32x80x128xi32, #tpu.memory_space<hbm>> -> memref<1x80x128xi32, #tpu.memory_space<hbm>>
      %dma_wait3A_216 = tpu.memref_squeeze %dma_wait3A_215 : memref<1x80x128xi32, #tpu.memory_space<hbm>> -> memref<80x128xi32, #tpu.memory_space<hbm>>
      %dma_wait3A_217 = arith.constant 0 : i32
      %dma_wait3A_218 = arith.constant 0 : i32
      %dma_wait3A_219 = tpu.memref_slice %arg4[%add3A, %dma_wait3A_217, %dma_wait3A_218] : memref<32x80x128xi32, #tpu.memory_space<hbm>> -> memref<1x80x128xi32, #tpu.memory_space<hbm>>
      %dma_wait3A_220 = tpu.memref_squeeze %dma_wait3A_219 : memref<1x80x128xi32, #tpu.memory_space<hbm>> -> memref<80x128xi32, #tpu.memory_space<hbm>>
      tpu.wait_dma2 semaphore(%run_scoped3A : memref<!tpu.dma_semaphore, #tpu.memory_space<semaphore_mem>>) src(%dma_wait3A_220 : memref<80x128xi32, #tpu.memory_space<hbm>>) dst(%arg8 : memref<80x128xi32, #tpu.memory_space<vmem>>)
      tpu.yield
    }) : () -> ()
    %mul3A_96 = arith.constant 640 : i32
    %mul3A_97 = arith.muli %arg1, %mul3A_96 : i32
    %mul3A_98 = arith.constant 640 : i32
    %mul3A_99 = arith.muli %arg1, %mul3A_98 : i32
    "tpu.region"() ({
      %run_scoped3A = tpu.sem_alloc : memref<!tpu.dma_semaphore, #tpu.memory_space<semaphore_mem>>
      %dma_start3A_205 = arith.constant 0 : i32
      %dma_start3A_206 = tpu.memref_slice %arg10[%mul3A_99, %dma_start3A_205] : memref<10240x64xf32, #tpu.memory_space<vmem_shared>> -> memref<640x64xf32, #tpu.memory_space<vmem_shared>>
      %dma_start3A_207 = arith.constant 0 : i32
      %dma_start3A_208 = tpu.memref_slice %arg5[%mul3A_97, %dma_start3A_207] : memref<10240x64xf32, #tpu.memory_space<hbm>> -> memref<640x64xf32, #tpu.memory_space<hbm>>
      tpu.enqueue_dma source(%dma_start3A_208 : memref<640x64xf32, #tpu.memory_space<hbm>>) target(%dma_start3A_206 : memref<640x64xf32, #tpu.memory_space<vmem_shared>>) target_semaphore(%run_scoped3A : memref<!tpu.dma_semaphore, #tpu.memory_space<semaphore_mem>>)
      %dma_wait3A_209 = arith.constant 0 : i32
      %dma_wait3A_210 = tpu.memref_slice %arg10[%mul3A_99, %dma_wait3A_209] : memref<10240x64xf32, #tpu.memory_space<vmem_shared>> -> memref<640x64xf32, #tpu.memory_space<vmem_shared>>
      %dma_wait3A_211 = arith.constant 0 : i32
      %dma_wait3A_212 = tpu.memref_slice %arg5[%mul3A_97, %dma_wait3A_211] : memref<10240x64xf32, #tpu.memory_space<hbm>> -> memref<640x64xf32, #tpu.memory_space<hbm>>
      tpu.wait_dma2 semaphore(%run_scoped3A : memref<!tpu.dma_semaphore, #tpu.memory_space<semaphore_mem>>) src(%dma_wait3A_212 : memref<640x64xf32, #tpu.memory_space<hbm>>) dst(%dma_wait3A_210 : memref<640x64xf32, #tpu.memory_space<vmem_shared>>)
      tpu.yield
    }) : () -> ()
    %barrier3A = arith.constant 0 : index
    tpu.barrier barrier_id(%barrier3A)
    %scan3A = arith.constant 0 : i32
    %scan3A_100 = arith.constant 0 : i32
    %scan3A_101 = arith.constant 10 : i32
    %scan3A_102 = arith.addi %scan3A_100, %scan3A_101 : i32
    %scan3A_103 = arith.constant 1 : i32
    scf.for %scan3A_205 = %scan3A_100 to %scan3A_102 step %scan3A_103  : i32 {
      %mul3A_206 = arith.constant 8 : i32
      %mul3A_207 = arith.muli %mul3A_206, %scan3A_205 : i32
      %dma_wait3A_208 = arith.constant 0 : i32
      %dma_wait3A_209 = arith.constant 0 : i32
      %dma_wait3A_210 = arith.constant 0 : i32
      %dma_wait3A_211 = arith.constant 0 : i32
      %dma_wait3A_212 = tpu.memref_slice %arg9[%dma_wait3A_209, %dma_wait3A_210, %dma_wait3A_211] : memref<8x128x64xf32, #tpu.memory_space<vmem>> -> memref<1x128x64xf32, #tpu.memory_space<vmem>>
      %dma_wait3A_213 = tpu.memref_squeeze %dma_wait3A_212 : memref<1x128x64xf32, #tpu.memory_space<vmem>> -> memref<128x64xf32, #tpu.memory_space<vmem>>
      %dma_wait3A_214 = arith.constant 0 : i32
      %dma_wait3A_215 = tpu.memref_slice %arg7[%dma_wait3A_208, %dma_wait3A_214] : memref<80x128xi32, #tpu.memory_space<vmem>> -> memref<1x128xi32, #tpu.memory_space<vmem>>
      %dma_wait3A_216 = tpu.memref_squeeze %dma_wait3A_215 : memref<1x128xi32, #tpu.memory_space<vmem>> -> memref<128xi32, #tpu.memory_space<vmem>>
      %dma_wait3A_217 = arith.constant 0 : i32
      %dma_wait3A_218 = arith.constant 0 : i32
      %dma_wait3A_219 = tpu.memref_slice %arg2[%dma_wait3A_217, %dma_wait3A_218] : memref<10000x64xf32, #tpu.memory_space<hbm>> -> memref<10000x64xf32, #tpu.memory_space<hbm>>
      tpu.wait_indirect_dma semaphore(%arg11 : memref<!tpu.dma_semaphore, #tpu.memory_space<semaphore_mem>>) src(%dma_wait3A_219 : memref<10000x64xf32, #tpu.memory_space<hbm>>) dst(%dma_wait3A_213 : memref<128x64xf32, #tpu.memory_space<vmem>>)
      %add3A_220 = arith.constant 0 : i32
      %add3A_221 = arith.addi %mul3A_207, %add3A_220 : i32
      %dma_start3A_222 = arith.constant 0 : i32
      %dma_start3A_223 = arith.constant 0 : i32
      %dma_start3A_224 = arith.constant 0 : i32
      %dma_start3A_225 = tpu.memref_slice %arg9[%dma_start3A_222, %dma_start3A_223, %dma_start3A_224] : memref<8x128x64xf32, #tpu.memory_space<vmem>> -> memref<1x128x64xf32, #tpu.memory_space<vmem>>
      %dma_start3A_226 = tpu.memref_squeeze %dma_start3A_225 : memref<1x128x64xf32, #tpu.memory_space<vmem>> -> memref<128x64xf32, #tpu.memory_space<vmem>>
      %dma_start3A_227 = arith.constant 0 : i32
      %dma_start3A_228 = tpu.memref_slice %arg8[%add3A_221, %dma_start3A_227] : memref<80x128xi32, #tpu.memory_space<vmem>> -> memref<1x128xi32, #tpu.memory_space<vmem>>
      %dma_start3A_229 = tpu.memref_squeeze %dma_start3A_228 : memref<1x128xi32, #tpu.memory_space<vmem>> -> memref<128xi32, #tpu.memory_space<vmem>>
      %dma_start3A_230 = arith.constant 0 : i32
      %dma_start3A_231 = arith.constant 0 : i32
      %dma_start3A_232 = tpu.memref_slice %arg10[%dma_start3A_230, %dma_start3A_231] : memref<10240x64xf32, #tpu.memory_space<vmem_shared>> -> memref<10240x64xf32, #tpu.memory_space<vmem_shared>>
      tpu.enqueue_indirect_dma source(%dma_start3A_226 : memref<128x64xf32, #tpu.memory_space<vmem>>) target(%dma_start3A_232 : memref<10240x64xf32, #tpu.memory_space<vmem_shared>>) offsets(%dma_start3A_229 : memref<128xi32, #tpu.memory_space<vmem>>) semaphore(%arg19 : memref<!tpu.dma_semaphore, #tpu.memory_space<semaphore_mem>>) {add = true}
      %dma_wait3A_233 = arith.constant 0 : i32
      %dma_wait3A_234 = arith.constant 1 : i32
      %dma_wait3A_235 = arith.constant 0 : i32
      %dma_wait3A_236 = arith.constant 0 : i32
      %dma_wait3A_237 = tpu.memref_slice %arg9[%dma_wait3A_234, %dma_wait3A_235, %dma_wait3A_236] : memref<8x128x64xf32, #tpu.memory_space<vmem>> -> memref<1x128x64xf32, #tpu.memory_space<vmem>>
      %dma_wait3A_238 = tpu.memref_squeeze %dma_wait3A_237 : memref<1x128x64xf32, #tpu.memory_space<vmem>> -> memref<128x64xf32, #tpu.memory_space<vmem>>
      %dma_wait3A_239 = arith.constant 0 : i32
      %dma_wait3A_240 = tpu.memref_slice %arg7[%dma_wait3A_233, %dma_wait3A_239] : memref<80x128xi32, #tpu.memory_space<vmem>> -> memref<1x128xi32, #tpu.memory_space<vmem>>
      %dma_wait3A_241 = tpu.memref_squeeze %dma_wait3A_240 : memref<1x128xi32, #tpu.memory_space<vmem>> -> memref<128xi32, #tpu.memory_space<vmem>>
      %dma_wait3A_242 = arith.constant 0 : i32
      %dma_wait3A_243 = arith.constant 0 : i32
      %dma_wait3A_244 = tpu.memref_slice %arg2[%dma_wait3A_242, %dma_wait3A_243] : memref<10000x64xf32, #tpu.memory_space<hbm>> -> memref<10000x64xf32, #tpu.memory_space<hbm>>
      tpu.wait_indirect_dma semaphore(%arg12 : memref<!tpu.dma_semaphore, #tpu.memory_space<semaphore_mem>>) src(%dma_wait3A_244 : memref<10000x64xf32, #tpu.memory_space<hbm>>) dst(%dma_wait3A_238 : memref<128x64xf32, #tpu.memory_space<vmem>>)
      %add3A_245 = arith.constant 1 : i32
      %add3A_246 = arith.addi %mul3A_207, %add3A_245 : i32
      %dma_start3A_247 = arith.constant 1 : i32
      %dma_start3A_248 = arith.constant 0 : i32
      %dma_start3A_249 = arith.constant 0 : i32
      %dma_start3A_250 = tpu.memref_slice %arg9[%dma_start3A_247, %dma_start3A_248, %dma_start3A_249] : memref<8x128x64xf32, #tpu.memory_space<vmem>> -> memref<1x128x64xf32, #tpu.memory_space<vmem>>
      %dma_start3A_251 = tpu.memref_squeeze %dma_start3A_250 : memref<1x128x64xf32, #tpu.memory_space<vmem>> -> memref<128x64xf32, #tpu.memory_space<vmem>>
      %dma_start3A_252 = arith.constant 0 : i32
      %dma_start3A_253 = tpu.memref_slice %arg8[%add3A_246, %dma_start3A_252] : memref<80x128xi32, #tpu.memory_space<vmem>> -> memref<1x128xi32, #tpu.memory_space<vmem>>
      %dma_start3A_254 = tpu.memref_squeeze %dma_start3A_253 : memref<1x128xi32, #tpu.memory_space<vmem>> -> memref<128xi32, #tpu.memory_space<vmem>>
      %dma_start3A_255 = arith.constant 0 : i32
      %dma_start3A_256 = arith.constant 0 : i32
      %dma_start3A_257 = tpu.memref_slice %arg10[%dma_start3A_255, %dma_start3A_256] : memref<10240x64xf32, #tpu.memory_space<vmem_shared>> -> memref<10240x64xf32, #tpu.memory_space<vmem_shared>>
      tpu.enqueue_indirect_dma source(%dma_start3A_251 : memref<128x64xf32, #tpu.memory_space<vmem>>) target(%dma_start3A_257 : memref<10240x64xf32, #tpu.memory_space<vmem_shared>>) offsets(%dma_start3A_254 : memref<128xi32, #tpu.memory_space<vmem>>) semaphore(%arg20 : memref<!tpu.dma_semaphore, #tpu.memory_space<semaphore_mem>>) {add = true}
      %dma_wait3A_258 = arith.constant 0 : i32
      %dma_wait3A_259 = arith.constant 2 : i32
      %dma_wait3A_260 = arith.constant 0 : i32
      %dma_wait3A_261 = arith.constant 0 : i32
      %dma_wait3A_262 = tpu.memref_slice %arg9[%dma_wait3A_259, %dma_wait3A_260, %dma_wait3A_261] : memref<8x128x64xf32, #tpu.memory_space<vmem>> -> memref<1x128x64xf32, #tpu.memory_space<vmem>>
      %dma_wait3A_263 = tpu.memref_squeeze %dma_wait3A_262 : memref<1x128x64xf32, #tpu.memory_space<vmem>> -> memref<128x64xf32, #tpu.memory_space<vmem>>
      %dma_wait3A_264 = arith.constant 0 : i32
      %dma_wait3A_265 = tpu.memref_slice %arg7[%dma_wait3A_258, %dma_wait3A_264] : memref<80x128xi32, #tpu.memory_space<vmem>> -> memref<1x128xi32, #tpu.memory_space<vmem>>
      %dma_wait3A_266 = tpu.memref_squeeze %dma_wait3A_265 : memref<1x128xi32, #tpu.memory_space<vmem>> -> memref<128xi32, #tpu.memory_space<vmem>>
      %dma_wait3A_267 = arith.constant 0 : i32
      %dma_wait3A_268 = arith.constant 0 : i32
      %dma_wait3A_269 = tpu.memref_slice %arg2[%dma_wait3A_267, %dma_wait3A_268] : memref<10000x64xf32, #tpu.memory_space<hbm>> -> memref<10000x64xf32, #tpu.memory_space<hbm>>
      tpu.wait_indirect_dma semaphore(%arg13 : memref<!tpu.dma_semaphore, #tpu.memory_space<semaphore_mem>>) src(%dma_wait3A_269 : memref<10000x64xf32, #tpu.memory_space<hbm>>) dst(%dma_wait3A_263 : memref<128x64xf32, #tpu.memory_space<vmem>>)
      %add3A_270 = arith.constant 2 : i32
      %add3A_271 = arith.addi %mul3A_207, %add3A_270 : i32
      %dma_start3A_272 = arith.constant 2 : i32
      %dma_start3A_273 = arith.constant 0 : i32
      %dma_start3A_274 = arith.constant 0 : i32
      %dma_start3A_275 = tpu.memref_slice %arg9[%dma_start3A_272, %dma_start3A_273, %dma_start3A_274] : memref<8x128x64xf32, #tpu.memory_space<vmem>> -> memref<1x128x64xf32, #tpu.memory_space<vmem>>
      %dma_start3A_276 = tpu.memref_squeeze %dma_start3A_275 : memref<1x128x64xf32, #tpu.memory_space<vmem>> -> memref<128x64xf32, #tpu.memory_space<vmem>>
      %dma_start3A_277 = arith.constant 0 : i32
      %dma_start3A_278 = tpu.memref_slice %arg8[%add3A_271, %dma_start3A_277] : memref<80x128xi32, #tpu.memory_space<vmem>> -> memref<1x128xi32, #tpu.memory_space<vmem>>
      %dma_start3A_279 = tpu.memref_squeeze %dma_start3A_278 : memref<1x128xi32, #tpu.memory_space<vmem>> -> memref<128xi32, #tpu.memory_space<vmem>>
      %dma_start3A_280 = arith.constant 0 : i32
      %dma_start3A_281 = arith.constant 0 : i32
      %dma_start3A_282 = tpu.memref_slice %arg10[%dma_start3A_280, %dma_start3A_281] : memref<10240x64xf32, #tpu.memory_space<vmem_shared>> -> memref<10240x64xf32, #tpu.memory_space<vmem_shared>>
      tpu.enqueue_indirect_dma source(%dma_start3A_276 : memref<128x64xf32, #tpu.memory_space<vmem>>) target(%dma_start3A_282 : memref<10240x64xf32, #tpu.memory_space<vmem_shared>>) offsets(%dma_start3A_279 : memref<128xi32, #tpu.memory_space<vmem>>) semaphore(%arg21 : memref<!tpu.dma_semaphore, #tpu.memory_space<semaphore_mem>>) {add = true}
      %dma_wait3A_283 = arith.constant 0 : i32
      %dma_wait3A_284 = arith.constant 3 : i32
      %dma_wait3A_285 = arith.constant 0 : i32
      %dma_wait3A_286 = arith.constant 0 : i32
      %dma_wait3A_287 = tpu.memref_slice %arg9[%dma_wait3A_284, %dma_wait3A_285, %dma_wait3A_286] : memref<8x128x64xf32, #tpu.memory_space<vmem>> -> memref<1x128x64xf32, #tpu.memory_space<vmem>>
      %dma_wait3A_288 = tpu.memref_squeeze %dma_wait3A_287 : memref<1x128x64xf32, #tpu.memory_space<vmem>> -> memref<128x64xf32, #tpu.memory_space<vmem>>
      %dma_wait3A_289 = arith.constant 0 : i32
      %dma_wait3A_290 = tpu.memref_slice %arg7[%dma_wait3A_283, %dma_wait3A_289] : memref<80x128xi32, #tpu.memory_space<vmem>> -> memref<1x128xi32, #tpu.memory_space<vmem>>
      %dma_wait3A_291 = tpu.memref_squeeze %dma_wait3A_290 : memref<1x128xi32, #tpu.memory_space<vmem>> -> memref<128xi32, #tpu.memory_space<vmem>>
      %dma_wait3A_292 = arith.constant 0 : i32
      %dma_wait3A_293 = arith.constant 0 : i32
      %dma_wait3A_294 = tpu.memref_slice %arg2[%dma_wait3A_292, %dma_wait3A_293] : memref<10000x64xf32, #tpu.memory_space<hbm>> -> memref<10000x64xf32, #tpu.memory_space<hbm>>
      tpu.wait_indirect_dma semaphore(%arg14 : memref<!tpu.dma_semaphore, #tpu.memory_space<semaphore_mem>>) src(%dma_wait3A_294 : memref<10000x64xf32, #tpu.memory_space<hbm>>) dst(%dma_wait3A_288 : memref<128x64xf32, #tpu.memory_space<vmem>>)
      %add3A_295 = arith.constant 3 : i32
      %add3A_296 = arith.addi %mul3A_207, %add3A_295 : i32
      %dma_start3A_297 = arith.constant 3 : i32
      %dma_start3A_298 = arith.constant 0 : i32
      %dma_start3A_299 = arith.constant 0 : i32
      %dma_start3A_300 = tpu.memref_slice %arg9[%dma_start3A_297, %dma_start3A_298, %dma_start3A_299] : memref<8x128x64xf32, #tpu.memory_space<vmem>> -> memref<1x128x64xf32, #tpu.memory_space<vmem>>
      %dma_start3A_301 = tpu.memref_squeeze %dma_start3A_300 : memref<1x128x64xf32, #tpu.memory_space<vmem>> -> memref<128x64xf32, #tpu.memory_space<vmem>>
      %dma_start3A_302 = arith.constant 0 : i32
      %dma_start3A_303 = tpu.memref_slice %arg8[%add3A_296, %dma_start3A_302] : memref<80x128xi32, #tpu.memory_space<vmem>> -> memref<1x128xi32, #tpu.memory_space<vmem>>
      %dma_start3A_304 = tpu.memref_squeeze %dma_start3A_303 : memref<1x128xi32, #tpu.memory_space<vmem>> -> memref<128xi32, #tpu.memory_space<vmem>>
      %dma_start3A_305 = arith.constant 0 : i32
      %dma_start3A_306 = arith.constant 0 : i32
      %dma_start3A_307 = tpu.memref_slice %arg10[%dma_start3A_305, %dma_start3A_306] : memref<10240x64xf32, #tpu.memory_space<vmem_shared>> -> memref<10240x64xf32, #tpu.memory_space<vmem_shared>>
      tpu.enqueue_indirect_dma source(%dma_start3A_301 : memref<128x64xf32, #tpu.memory_space<vmem>>) target(%dma_start3A_307 : memref<10240x64xf32, #tpu.memory_space<vmem_shared>>) offsets(%dma_start3A_304 : memref<128xi32, #tpu.memory_space<vmem>>) semaphore(%arg22 : memref<!tpu.dma_semaphore, #tpu.memory_space<semaphore_mem>>) {add = true}
      %dma_wait3A_308 = arith.constant 0 : i32
      %dma_wait3A_309 = arith.constant 4 : i32
      %dma_wait3A_310 = arith.constant 0 : i32
      %dma_wait3A_311 = arith.constant 0 : i32
      %dma_wait3A_312 = tpu.memref_slice %arg9[%dma_wait3A_309, %dma_wait3A_310, %dma_wait3A_311] : memref<8x128x64xf32, #tpu.memory_space<vmem>> -> memref<1x128x64xf32, #tpu.memory_space<vmem>>
      %dma_wait3A_313 = tpu.memref_squeeze %dma_wait3A_312 : memref<1x128x64xf32, #tpu.memory_space<vmem>> -> memref<128x64xf32, #tpu.memory_space<vmem>>
      %dma_wait3A_314 = arith.constant 0 : i32
      %dma_wait3A_315 = tpu.memref_slice %arg7[%dma_wait3A_308, %dma_wait3A_314] : memref<80x128xi32, #tpu.memory_space<vmem>> -> memref<1x128xi32, #tpu.memory_space<vmem>>
      %dma_wait3A_316 = tpu.memref_squeeze %dma_wait3A_315 : memref<1x128xi32, #tpu.memory_space<vmem>> -> memref<128xi32, #tpu.memory_space<vmem>>
      %dma_wait3A_317 = arith.constant 0 : i32
      %dma_wait3A_318 = arith.constant 0 : i32
      %dma_wait3A_319 = tpu.memref_slice %arg2[%dma_wait3A_317, %dma_wait3A_318] : memref<10000x64xf32, #tpu.memory_space<hbm>> -> memref<10000x64xf32, #tpu.memory_space<hbm>>
      tpu.wait_indirect_dma semaphore(%arg15 : memref<!tpu.dma_semaphore, #tpu.memory_space<semaphore_mem>>) src(%dma_wait3A_319 : memref<10000x64xf32, #tpu.memory_space<hbm>>) dst(%dma_wait3A_313 : memref<128x64xf32, #tpu.memory_space<vmem>>)
      %add3A_320 = arith.constant 4 : i32
      %add3A_321 = arith.addi %mul3A_207, %add3A_320 : i32
      %dma_start3A_322 = arith.constant 4 : i32
      %dma_start3A_323 = arith.constant 0 : i32
      %dma_start3A_324 = arith.constant 0 : i32
      %dma_start3A_325 = tpu.memref_slice %arg9[%dma_start3A_322, %dma_start3A_323, %dma_start3A_324] : memref<8x128x64xf32, #tpu.memory_space<vmem>> -> memref<1x128x64xf32, #tpu.memory_space<vmem>>
      %dma_start3A_326 = tpu.memref_squeeze %dma_start3A_325 : memref<1x128x64xf32, #tpu.memory_space<vmem>> -> memref<128x64xf32, #tpu.memory_space<vmem>>
      %dma_start3A_327 = arith.constant 0 : i32
      %dma_start3A_328 = tpu.memref_slice %arg8[%add3A_321, %dma_start3A_327] : memref<80x128xi32, #tpu.memory_space<vmem>> -> memref<1x128xi32, #tpu.memory_space<vmem>>
      %dma_start3A_329 = tpu.memref_squeeze %dma_start3A_328 : memref<1x128xi32, #tpu.memory_space<vmem>> -> memref<128xi32, #tpu.memory_space<vmem>>
      %dma_start3A_330 = arith.constant 0 : i32
      %dma_start3A_331 = arith.constant 0 : i32
      %dma_start3A_332 = tpu.memref_slice %arg10[%dma_start3A_330, %dma_start3A_331] : memref<10240x64xf32, #tpu.memory_space<vmem_shared>> -> memref<10240x64xf32, #tpu.memory_space<vmem_shared>>
      tpu.enqueue_indirect_dma source(%dma_start3A_326 : memref<128x64xf32, #tpu.memory_space<vmem>>) target(%dma_start3A_332 : memref<10240x64xf32, #tpu.memory_space<vmem_shared>>) offsets(%dma_start3A_329 : memref<128xi32, #tpu.memory_space<vmem>>) semaphore(%arg23 : memref<!tpu.dma_semaphore, #tpu.memory_space<semaphore_mem>>) {add = true}
      %dma_wait3A_333 = arith.constant 0 : i32
      %dma_wait3A_334 = arith.constant 5 : i32
      %dma_wait3A_335 = arith.constant 0 : i32
      %dma_wait3A_336 = arith.constant 0 : i32
      %dma_wait3A_337 = tpu.memref_slice %arg9[%dma_wait3A_334, %dma_wait3A_335, %dma_wait3A_336] : memref<8x128x64xf32, #tpu.memory_space<vmem>> -> memref<1x128x64xf32, #tpu.memory_space<vmem>>
      %dma_wait3A_338 = tpu.memref_squeeze %dma_wait3A_337 : memref<1x128x64xf32, #tpu.memory_space<vmem>> -> memref<128x64xf32, #tpu.memory_space<vmem>>
      %dma_wait3A_339 = arith.constant 0 : i32
      %dma_wait3A_340 = tpu.memref_slice %arg7[%dma_wait3A_333, %dma_wait3A_339] : memref<80x128xi32, #tpu.memory_space<vmem>> -> memref<1x128xi32, #tpu.memory_space<vmem>>
      %dma_wait3A_341 = tpu.memref_squeeze %dma_wait3A_340 : memref<1x128xi32, #tpu.memory_space<vmem>> -> memref<128xi32, #tpu.memory_space<vmem>>
      %dma_wait3A_342 = arith.constant 0 : i32
      %dma_wait3A_343 = arith.constant 0 : i32
      %dma_wait3A_344 = tpu.memref_slice %arg2[%dma_wait3A_342, %dma_wait3A_343] : memref<10000x64xf32, #tpu.memory_space<hbm>> -> memref<10000x64xf32, #tpu.memory_space<hbm>>
      tpu.wait_indirect_dma semaphore(%arg16 : memref<!tpu.dma_semaphore, #tpu.memory_space<semaphore_mem>>) src(%dma_wait3A_344 : memref<10000x64xf32, #tpu.memory_space<hbm>>) dst(%dma_wait3A_338 : memref<128x64xf32, #tpu.memory_space<vmem>>)
      %add3A_345 = arith.constant 5 : i32
      %add3A_346 = arith.addi %mul3A_207, %add3A_345 : i32
      %dma_start3A_347 = arith.constant 5 : i32
      %dma_start3A_348 = arith.constant 0 : i32
      %dma_start3A_349 = arith.constant 0 : i32
      %dma_start3A_350 = tpu.memref_slice %arg9[%dma_start3A_347, %dma_start3A_348, %dma_start3A_349] : memref<8x128x64xf32, #tpu.memory_space<vmem>> -> memref<1x128x64xf32, #tpu.memory_space<vmem>>
      %dma_start3A_351 = tpu.memref_squeeze %dma_start3A_350 : memref<1x128x64xf32, #tpu.memory_space<vmem>> -> memref<128x64xf32, #tpu.memory_space<vmem>>
      %dma_start3A_352 = arith.constant 0 : i32
      %dma_start3A_353 = tpu.memref_slice %arg8[%add3A_346, %dma_start3A_352] : memref<80x128xi32, #tpu.memory_space<vmem>> -> memref<1x128xi32, #tpu.memory_space<vmem>>
      %dma_start3A_354 = tpu.memref_squeeze %dma_start3A_353 : memref<1x128xi32, #tpu.memory_space<vmem>> -> memref<128xi32, #tpu.memory_space<vmem>>
      %dma_start3A_355 = arith.constant 0 : i32
      %dma_start3A_356 = arith.constant 0 : i32
      %dma_start3A_357 = tpu.memref_slice %arg10[%dma_start3A_355, %dma_start3A_356] : memref<10240x64xf32, #tpu.memory_space<vmem_shared>> -> memref<10240x64xf32, #tpu.memory_space<vmem_shared>>
      tpu.enqueue_indirect_dma source(%dma_start3A_351 : memref<128x64xf32, #tpu.memory_space<vmem>>) target(%dma_start3A_357 : memref<10240x64xf32, #tpu.memory_space<vmem_shared>>) offsets(%dma_start3A_354 : memref<128xi32, #tpu.memory_space<vmem>>) semaphore(%arg24 : memref<!tpu.dma_semaphore, #tpu.memory_space<semaphore_mem>>) {add = true}
      %dma_wait3A_358 = arith.constant 0 : i32
      %dma_wait3A_359 = arith.constant 6 : i32
      %dma_wait3A_360 = arith.constant 0 : i32
      %dma_wait3A_361 = arith.constant 0 : i32
      %dma_wait3A_362 = tpu.memref_slice %arg9[%dma_wait3A_359, %dma_wait3A_360, %dma_wait3A_361] : memref<8x128x64xf32, #tpu.memory_space<vmem>> -> memref<1x128x64xf32, #tpu.memory_space<vmem>>
      %dma_wait3A_363 = tpu.memref_squeeze %dma_wait3A_362 : memref<1x128x64xf32, #tpu.memory_space<vmem>> -> memref<128x64xf32, #tpu.memory_space<vmem>>
      %dma_wait3A_364 = arith.constant 0 : i32
      %dma_wait3A_365 = tpu.memref_slice %arg7[%dma_wait3A_358, %dma_wait3A_364] : memref<80x128xi32, #tpu.memory_space<vmem>> -> memref<1x128xi32, #tpu.memory_space<vmem>>
      %dma_wait3A_366 = tpu.memref_squeeze %dma_wait3A_365 : memref<1x128xi32, #tpu.memory_space<vmem>> -> memref<128xi32, #tpu.memory_space<vmem>>
      %dma_wait3A_367 = arith.constant 0 : i32
      %dma_wait3A_368 = arith.constant 0 : i32
      %dma_wait3A_369 = tpu.memref_slice %arg2[%dma_wait3A_367, %dma_wait3A_368] : memref<10000x64xf32, #tpu.memory_space<hbm>> -> memref<10000x64xf32, #tpu.memory_space<hbm>>
      tpu.wait_indirect_dma semaphore(%arg17 : memref<!tpu.dma_semaphore, #tpu.memory_space<semaphore_mem>>) src(%dma_wait3A_369 : memref<10000x64xf32, #tpu.memory_space<hbm>>) dst(%dma_wait3A_363 : memref<128x64xf32, #tpu.memory_space<vmem>>)
      %add3A_370 = arith.constant 6 : i32
      %add3A_371 = arith.addi %mul3A_207, %add3A_370 : i32
      %dma_start3A_372 = arith.constant 6 : i32
      %dma_start3A_373 = arith.constant 0 : i32
      %dma_start3A_374 = arith.constant 0 : i32
      %dma_start3A_375 = tpu.memref_slice %arg9[%dma_start3A_372, %dma_start3A_373, %dma_start3A_374] : memref<8x128x64xf32, #tpu.memory_space<vmem>> -> memref<1x128x64xf32, #tpu.memory_space<vmem>>
      %dma_start3A_376 = tpu.memref_squeeze %dma_start3A_375 : memref<1x128x64xf32, #tpu.memory_space<vmem>> -> memref<128x64xf32, #tpu.memory_space<vmem>>
      %dma_start3A_377 = arith.constant 0 : i32
      %dma_start3A_378 = tpu.memref_slice %arg8[%add3A_371, %dma_start3A_377] : memref<80x128xi32, #tpu.memory_space<vmem>> -> memref<1x128xi32, #tpu.memory_space<vmem>>
      %dma_start3A_379 = tpu.memref_squeeze %dma_start3A_378 : memref<1x128xi32, #tpu.memory_space<vmem>> -> memref<128xi32, #tpu.memory_space<vmem>>
      %dma_start3A_380 = arith.constant 0 : i32
      %dma_start3A_381 = arith.constant 0 : i32
      %dma_start3A_382 = tpu.memref_slice %arg10[%dma_start3A_380, %dma_start3A_381] : memref<10240x64xf32, #tpu.memory_space<vmem_shared>> -> memref<10240x64xf32, #tpu.memory_space<vmem_shared>>
      tpu.enqueue_indirect_dma source(%dma_start3A_376 : memref<128x64xf32, #tpu.memory_space<vmem>>) target(%dma_start3A_382 : memref<10240x64xf32, #tpu.memory_space<vmem_shared>>) offsets(%dma_start3A_379 : memref<128xi32, #tpu.memory_space<vmem>>) semaphore(%arg25 : memref<!tpu.dma_semaphore, #tpu.memory_space<semaphore_mem>>) {add = true}
      %dma_wait3A_383 = arith.constant 0 : i32
      %dma_wait3A_384 = arith.constant 7 : i32
      %dma_wait3A_385 = arith.constant 0 : i32
      %dma_wait3A_386 = arith.constant 0 : i32
      %dma_wait3A_387 = tpu.memref_slice %arg9[%dma_wait3A_384, %dma_wait3A_385, %dma_wait3A_386] : memref<8x128x64xf32, #tpu.memory_space<vmem>> -> memref<1x128x64xf32, #tpu.memory_space<vmem>>
      %dma_wait3A_388 = tpu.memref_squeeze %dma_wait3A_387 : memref<1x128x64xf32, #tpu.memory_space<vmem>> -> memref<128x64xf32, #tpu.memory_space<vmem>>
      %dma_wait3A_389 = arith.constant 0 : i32
      %dma_wait3A_390 = tpu.memref_slice %arg7[%dma_wait3A_383, %dma_wait3A_389] : memref<80x128xi32, #tpu.memory_space<vmem>> -> memref<1x128xi32, #tpu.memory_space<vmem>>
      %dma_wait3A_391 = tpu.memref_squeeze %dma_wait3A_390 : memref<1x128xi32, #tpu.memory_space<vmem>> -> memref<128xi32, #tpu.memory_space<vmem>>
      %dma_wait3A_392 = arith.constant 0 : i32
      %dma_wait3A_393 = arith.constant 0 : i32
      %dma_wait3A_394 = tpu.memref_slice %arg2[%dma_wait3A_392, %dma_wait3A_393] : memref<10000x64xf32, #tpu.memory_space<hbm>> -> memref<10000x64xf32, #tpu.memory_space<hbm>>
      tpu.wait_indirect_dma semaphore(%arg18 : memref<!tpu.dma_semaphore, #tpu.memory_space<semaphore_mem>>) src(%dma_wait3A_394 : memref<10000x64xf32, #tpu.memory_space<hbm>>) dst(%dma_wait3A_388 : memref<128x64xf32, #tpu.memory_space<vmem>>)
      %add3A_395 = arith.constant 7 : i32
      %add3A_396 = arith.addi %mul3A_207, %add3A_395 : i32
      %dma_start3A_397 = arith.constant 7 : i32
      %dma_start3A_398 = arith.constant 0 : i32
      %dma_start3A_399 = arith.constant 0 : i32
      %dma_start3A_400 = tpu.memref_slice %arg9[%dma_start3A_397, %dma_start3A_398, %dma_start3A_399] : memref<8x128x64xf32, #tpu.memory_space<vmem>> -> memref<1x128x64xf32, #tpu.memory_space<vmem>>
      %dma_start3A_401 = tpu.memref_squeeze %dma_start3A_400 : memref<1x128x64xf32, #tpu.memory_space<vmem>> -> memref<128x64xf32, #tpu.memory_space<vmem>>
      %dma_start3A_402 = arith.constant 0 : i32
      %dma_start3A_403 = tpu.memref_slice %arg8[%add3A_396, %dma_start3A_402] : memref<80x128xi32, #tpu.memory_space<vmem>> -> memref<1x128xi32, #tpu.memory_space<vmem>>
      %dma_start3A_404 = tpu.memref_squeeze %dma_start3A_403 : memref<1x128xi32, #tpu.memory_space<vmem>> -> memref<128xi32, #tpu.memory_space<vmem>>
      %dma_start3A_405 = arith.constant 0 : i32
      %dma_start3A_406 = arith.constant 0 : i32
      %dma_start3A_407 = tpu.memref_slice %arg10[%dma_start3A_405, %dma_start3A_406] : memref<10240x64xf32, #tpu.memory_space<vmem_shared>> -> memref<10240x64xf32, #tpu.memory_space<vmem_shared>>
      tpu.enqueue_indirect_dma source(%dma_start3A_401 : memref<128x64xf32, #tpu.memory_space<vmem>>) target(%dma_start3A_407 : memref<10240x64xf32, #tpu.memory_space<vmem_shared>>) offsets(%dma_start3A_404 : memref<128xi32, #tpu.memory_space<vmem>>) semaphore(%arg26 : memref<!tpu.dma_semaphore, #tpu.memory_space<semaphore_mem>>) {add = true}
      %add3A_408 = arith.constant 8 : i32
      %add3A_409 = arith.addi %mul3A_207, %add3A_408 : i32
      %add3A_410 = arith.constant 0 : i32
      %add3A_411 = arith.addi %add3A_409, %add3A_410 : i32
      %lt3A = arith.constant 80 : i32
      %lt3A_412 = arith.cmpi slt, %add3A_411, %lt3A : i32
      %convert_element_type3A = arith.extui %lt3A_412 : i1 to i32
      %cond3A = arith.constant 0 : i32
      %cond3A_413 = arith.cmpi ne, %convert_element_type3A, %cond3A : i32
      scf.if %cond3A_413 {
        %dma_wait3A_477 = arith.constant 0 : i32
        %dma_wait3A_478 = arith.constant 0 : i32
        %dma_wait3A_479 = arith.constant 0 : i32
        %dma_wait3A_480 = arith.constant 0 : i32
        %dma_wait3A_481 = tpu.memref_slice %arg9[%dma_wait3A_477, %dma_wait3A_479, %dma_wait3A_480] : memref<8x128x64xf32, #tpu.memory_space<vmem>> -> memref<1x128x64xf32, #tpu.memory_space<vmem>>
        %dma_wait3A_482 = tpu.memref_squeeze %dma_wait3A_481 : memref<1x128x64xf32, #tpu.memory_space<vmem>> -> memref<128x64xf32, #tpu.memory_space<vmem>>
        %dma_wait3A_483 = arith.constant 0 : i32
        %dma_wait3A_484 = tpu.memref_slice %arg8[%dma_wait3A_478, %dma_wait3A_483] : memref<80x128xi32, #tpu.memory_space<vmem>> -> memref<1x128xi32, #tpu.memory_space<vmem>>
        %dma_wait3A_485 = tpu.memref_squeeze %dma_wait3A_484 : memref<1x128xi32, #tpu.memory_space<vmem>> -> memref<128xi32, #tpu.memory_space<vmem>>
        %dma_wait3A_486 = arith.constant 0 : i32
        %dma_wait3A_487 = arith.constant 0 : i32
        %dma_wait3A_488 = tpu.memref_slice %arg10[%dma_wait3A_486, %dma_wait3A_487] : memref<10240x64xf32, #tpu.memory_space<vmem_shared>> -> memref<10240x64xf32, #tpu.memory_space<vmem_shared>>
        tpu.wait_indirect_dma semaphore(%arg19 : memref<!tpu.dma_semaphore, #tpu.memory_space<semaphore_mem>>) src(%dma_wait3A_482 : memref<128x64xf32, #tpu.memory_space<vmem>>) dst(%dma_wait3A_488 : memref<10240x64xf32, #tpu.memory_space<vmem_shared>>)
        %dma_start3A_489 = arith.constant 0 : i32
        %dma_start3A_490 = arith.constant 0 : i32
        %dma_start3A_491 = arith.constant 0 : i32
        %dma_start3A_492 = tpu.memref_slice %arg9[%dma_start3A_489, %dma_start3A_490, %dma_start3A_491] : memref<8x128x64xf32, #tpu.memory_space<vmem>> -> memref<1x128x64xf32, #tpu.memory_space<vmem>>
        %dma_start3A_493 = tpu.memref_squeeze %dma_start3A_492 : memref<1x128x64xf32, #tpu.memory_space<vmem>> -> memref<128x64xf32, #tpu.memory_space<vmem>>
        %dma_start3A_494 = arith.constant 0 : i32
        %dma_start3A_495 = tpu.memref_slice %arg7[%add3A_411, %dma_start3A_494] : memref<80x128xi32, #tpu.memory_space<vmem>> -> memref<1x128xi32, #tpu.memory_space<vmem>>
        %dma_start3A_496 = tpu.memref_squeeze %dma_start3A_495 : memref<1x128xi32, #tpu.memory_space<vmem>> -> memref<128xi32, #tpu.memory_space<vmem>>
        %dma_start3A_497 = arith.constant 0 : i32
        %dma_start3A_498 = arith.constant 0 : i32
        %dma_start3A_499 = tpu.memref_slice %arg2[%dma_start3A_497, %dma_start3A_498] : memref<10000x64xf32, #tpu.memory_space<hbm>> -> memref<10000x64xf32, #tpu.memory_space<hbm>>
        tpu.enqueue_indirect_dma source(%dma_start3A_499 : memref<10000x64xf32, #tpu.memory_space<hbm>>) target(%dma_start3A_493 : memref<128x64xf32, #tpu.memory_space<vmem>>) offsets(%dma_start3A_496 : memref<128xi32, #tpu.memory_space<vmem>>) semaphore(%arg11 : memref<!tpu.dma_semaphore, #tpu.memory_space<semaphore_mem>>)
      } else {
      }
      %add3A_414 = arith.constant 8 : i32
      %add3A_415 = arith.addi %mul3A_207, %add3A_414 : i32
      %add3A_416 = arith.constant 1 : i32
      %add3A_417 = arith.addi %add3A_415, %add3A_416 : i32
      %lt3A_418 = arith.constant 80 : i32
      %lt3A_419 = arith.cmpi slt, %add3A_417, %lt3A_418 : i32
      %convert_element_type3A_420 = arith.extui %lt3A_419 : i1 to i32
      %cond3A_421 = arith.constant 0 : i32
      %cond3A_422 = arith.cmpi ne, %convert_element_type3A_420, %cond3A_421 : i32
      scf.if %cond3A_422 {
        %dma_wait3A_477 = arith.constant 1 : i32
        %dma_wait3A_478 = arith.constant 0 : i32
        %dma_wait3A_479 = arith.constant 0 : i32
        %dma_wait3A_480 = arith.constant 0 : i32
        %dma_wait3A_481 = tpu.memref_slice %arg9[%dma_wait3A_477, %dma_wait3A_479, %dma_wait3A_480] : memref<8x128x64xf32, #tpu.memory_space<vmem>> -> memref<1x128x64xf32, #tpu.memory_space<vmem>>
        %dma_wait3A_482 = tpu.memref_squeeze %dma_wait3A_481 : memref<1x128x64xf32, #tpu.memory_space<vmem>> -> memref<128x64xf32, #tpu.memory_space<vmem>>
        %dma_wait3A_483 = arith.constant 0 : i32
        %dma_wait3A_484 = tpu.memref_slice %arg8[%dma_wait3A_478, %dma_wait3A_483] : memref<80x128xi32, #tpu.memory_space<vmem>> -> memref<1x128xi32, #tpu.memory_space<vmem>>
        %dma_wait3A_485 = tpu.memref_squeeze %dma_wait3A_484 : memref<1x128xi32, #tpu.memory_space<vmem>> -> memref<128xi32, #tpu.memory_space<vmem>>
        %dma_wait3A_486 = arith.constant 0 : i32
        %dma_wait3A_487 = arith.constant 0 : i32
        %dma_wait3A_488 = tpu.memref_slice %arg10[%dma_wait3A_486, %dma_wait3A_487] : memref<10240x64xf32, #tpu.memory_space<vmem_shared>> -> memref<10240x64xf32, #tpu.memory_space<vmem_shared>>
        tpu.wait_indirect_dma semaphore(%arg20 : memref<!tpu.dma_semaphore, #tpu.memory_space<semaphore_mem>>) src(%dma_wait3A_482 : memref<128x64xf32, #tpu.memory_space<vmem>>) dst(%dma_wait3A_488 : memref<10240x64xf32, #tpu.memory_space<vmem_shared>>)
        %dma_start3A_489 = arith.constant 1 : i32
        %dma_start3A_490 = arith.constant 0 : i32
        %dma_start3A_491 = arith.constant 0 : i32
        %dma_start3A_492 = tpu.memref_slice %arg9[%dma_start3A_489, %dma_start3A_490, %dma_start3A_491] : memref<8x128x64xf32, #tpu.memory_space<vmem>> -> memref<1x128x64xf32, #tpu.memory_space<vmem>>
        %dma_start3A_493 = tpu.memref_squeeze %dma_start3A_492 : memref<1x128x64xf32, #tpu.memory_space<vmem>> -> memref<128x64xf32, #tpu.memory_space<vmem>>
        %dma_start3A_494 = arith.constant 0 : i32
        %dma_start3A_495 = tpu.memref_slice %arg7[%add3A_417, %dma_start3A_494] : memref<80x128xi32, #tpu.memory_space<vmem>> -> memref<1x128xi32, #tpu.memory_space<vmem>>
        %dma_start3A_496 = tpu.memref_squeeze %dma_start3A_495 : memref<1x128xi32, #tpu.memory_space<vmem>> -> memref<128xi32, #tpu.memory_space<vmem>>
        %dma_start3A_497 = arith.constant 0 : i32
        %dma_start3A_498 = arith.constant 0 : i32
        %dma_start3A_499 = tpu.memref_slice %arg2[%dma_start3A_497, %dma_start3A_498] : memref<10000x64xf32, #tpu.memory_space<hbm>> -> memref<10000x64xf32, #tpu.memory_space<hbm>>
        tpu.enqueue_indirect_dma source(%dma_start3A_499 : memref<10000x64xf32, #tpu.memory_space<hbm>>) target(%dma_start3A_493 : memref<128x64xf32, #tpu.memory_space<vmem>>) offsets(%dma_start3A_496 : memref<128xi32, #tpu.memory_space<vmem>>) semaphore(%arg12 : memref<!tpu.dma_semaphore, #tpu.memory_space<semaphore_mem>>)
      } else {
      }
      %add3A_423 = arith.constant 8 : i32
      %add3A_424 = arith.addi %mul3A_207, %add3A_423 : i32
      %add3A_425 = arith.constant 2 : i32
      %add3A_426 = arith.addi %add3A_424, %add3A_425 : i32
      %lt3A_427 = arith.constant 80 : i32
      %lt3A_428 = arith.cmpi slt, %add3A_426, %lt3A_427 : i32
      %convert_element_type3A_429 = arith.extui %lt3A_428 : i1 to i32
      %cond3A_430 = arith.constant 0 : i32
      %cond3A_431 = arith.cmpi ne, %convert_element_type3A_429, %cond3A_430 : i32
      scf.if %cond3A_431 {
        %dma_wait3A_477 = arith.constant 2 : i32
        %dma_wait3A_478 = arith.constant 0 : i32
        %dma_wait3A_479 = arith.constant 0 : i32
        %dma_wait3A_480 = arith.constant 0 : i32
        %dma_wait3A_481 = tpu.memref_slice %arg9[%dma_wait3A_477, %dma_wait3A_479, %dma_wait3A_480] : memref<8x128x64xf32, #tpu.memory_space<vmem>> -> memref<1x128x64xf32, #tpu.memory_space<vmem>>
        %dma_wait3A_482 = tpu.memref_squeeze %dma_wait3A_481 : memref<1x128x64xf32, #tpu.memory_space<vmem>> -> memref<128x64xf32, #tpu.memory_space<vmem>>
        %dma_wait3A_483 = arith.constant 0 : i32
        %dma_wait3A_484 = tpu.memref_slice %arg8[%dma_wait3A_478, %dma_wait3A_483] : memref<80x128xi32, #tpu.memory_space<vmem>> -> memref<1x128xi32, #tpu.memory_space<vmem>>
        %dma_wait3A_485 = tpu.memref_squeeze %dma_wait3A_484 : memref<1x128xi32, #tpu.memory_space<vmem>> -> memref<128xi32, #tpu.memory_space<vmem>>
        %dma_wait3A_486 = arith.constant 0 : i32
        %dma_wait3A_487 = arith.constant 0 : i32
        %dma_wait3A_488 = tpu.memref_slice %arg10[%dma_wait3A_486, %dma_wait3A_487] : memref<10240x64xf32, #tpu.memory_space<vmem_shared>> -> memref<10240x64xf32, #tpu.memory_space<vmem_shared>>
        tpu.wait_indirect_dma semaphore(%arg21 : memref<!tpu.dma_semaphore, #tpu.memory_space<semaphore_mem>>) src(%dma_wait3A_482 : memref<128x64xf32, #tpu.memory_space<vmem>>) dst(%dma_wait3A_488 : memref<10240x64xf32, #tpu.memory_space<vmem_shared>>)
        %dma_start3A_489 = arith.constant 2 : i32
        %dma_start3A_490 = arith.constant 0 : i32
        %dma_start3A_491 = arith.constant 0 : i32
        %dma_start3A_492 = tpu.memref_slice %arg9[%dma_start3A_489, %dma_start3A_490, %dma_start3A_491] : memref<8x128x64xf32, #tpu.memory_space<vmem>> -> memref<1x128x64xf32, #tpu.memory_space<vmem>>
        %dma_start3A_493 = tpu.memref_squeeze %dma_start3A_492 : memref<1x128x64xf32, #tpu.memory_space<vmem>> -> memref<128x64xf32, #tpu.memory_space<vmem>>
        %dma_start3A_494 = arith.constant 0 : i32
        %dma_start3A_495 = tpu.memref_slice %arg7[%add3A_426, %dma_start3A_494] : memref<80x128xi32, #tpu.memory_space<vmem>> -> memref<1x128xi32, #tpu.memory_space<vmem>>
        %dma_start3A_496 = tpu.memref_squeeze %dma_start3A_495 : memref<1x128xi32, #tpu.memory_space<vmem>> -> memref<128xi32, #tpu.memory_space<vmem>>
        %dma_start3A_497 = arith.constant 0 : i32
        %dma_start3A_498 = arith.constant 0 : i32
        %dma_start3A_499 = tpu.memref_slice %arg2[%dma_start3A_497, %dma_start3A_498] : memref<10000x64xf32, #tpu.memory_space<hbm>> -> memref<10000x64xf32, #tpu.memory_space<hbm>>
        tpu.enqueue_indirect_dma source(%dma_start3A_499 : memref<10000x64xf32, #tpu.memory_space<hbm>>) target(%dma_start3A_493 : memref<128x64xf32, #tpu.memory_space<vmem>>) offsets(%dma_start3A_496 : memref<128xi32, #tpu.memory_space<vmem>>) semaphore(%arg13 : memref<!tpu.dma_semaphore, #tpu.memory_space<semaphore_mem>>)
      } else {
      }
      %add3A_432 = arith.constant 8 : i32
      %add3A_433 = arith.addi %mul3A_207, %add3A_432 : i32
      %add3A_434 = arith.constant 3 : i32
      %add3A_435 = arith.addi %add3A_433, %add3A_434 : i32
      %lt3A_436 = arith.constant 80 : i32
      %lt3A_437 = arith.cmpi slt, %add3A_435, %lt3A_436 : i32
      %convert_element_type3A_438 = arith.extui %lt3A_437 : i1 to i32
      %cond3A_439 = arith.constant 0 : i32
      %cond3A_440 = arith.cmpi ne, %convert_element_type3A_438, %cond3A_439 : i32
      scf.if %cond3A_440 {
        %dma_wait3A_477 = arith.constant 3 : i32
        %dma_wait3A_478 = arith.constant 0 : i32
        %dma_wait3A_479 = arith.constant 0 : i32
        %dma_wait3A_480 = arith.constant 0 : i32
        %dma_wait3A_481 = tpu.memref_slice %arg9[%dma_wait3A_477, %dma_wait3A_479, %dma_wait3A_480] : memref<8x128x64xf32, #tpu.memory_space<vmem>> -> memref<1x128x64xf32, #tpu.memory_space<vmem>>
        %dma_wait3A_482 = tpu.memref_squeeze %dma_wait3A_481 : memref<1x128x64xf32, #tpu.memory_space<vmem>> -> memref<128x64xf32, #tpu.memory_space<vmem>>
        %dma_wait3A_483 = arith.constant 0 : i32
        %dma_wait3A_484 = tpu.memref_slice %arg8[%dma_wait3A_478, %dma_wait3A_483] : memref<80x128xi32, #tpu.memory_space<vmem>> -> memref<1x128xi32, #tpu.memory_space<vmem>>
        %dma_wait3A_485 = tpu.memref_squeeze %dma_wait3A_484 : memref<1x128xi32, #tpu.memory_space<vmem>> -> memref<128xi32, #tpu.memory_space<vmem>>
        %dma_wait3A_486 = arith.constant 0 : i32
        %dma_wait3A_487 = arith.constant 0 : i32
        %dma_wait3A_488 = tpu.memref_slice %arg10[%dma_wait3A_486, %dma_wait3A_487] : memref<10240x64xf32, #tpu.memory_space<vmem_shared>> -> memref<10240x64xf32, #tpu.memory_space<vmem_shared>>
        tpu.wait_indirect_dma semaphore(%arg22 : memref<!tpu.dma_semaphore, #tpu.memory_space<semaphore_mem>>) src(%dma_wait3A_482 : memref<128x64xf32, #tpu.memory_space<vmem>>) dst(%dma_wait3A_488 : memref<10240x64xf32, #tpu.memory_space<vmem_shared>>)
        %dma_start3A_489 = arith.constant 3 : i32
        %dma_start3A_490 = arith.constant 0 : i32
        %dma_start3A_491 = arith.constant 0 : i32
        %dma_start3A_492 = tpu.memref_slice %arg9[%dma_start3A_489, %dma_start3A_490, %dma_start3A_491] : memref<8x128x64xf32, #tpu.memory_space<vmem>> -> memref<1x128x64xf32, #tpu.memory_space<vmem>>
        %dma_start3A_493 = tpu.memref_squeeze %dma_start3A_492 : memref<1x128x64xf32, #tpu.memory_space<vmem>> -> memref<128x64xf32, #tpu.memory_space<vmem>>
        %dma_start3A_494 = arith.constant 0 : i32
        %dma_start3A_495 = tpu.memref_slice %arg7[%add3A_435, %dma_start3A_494] : memref<80x128xi32, #tpu.memory_space<vmem>> -> memref<1x128xi32, #tpu.memory_space<vmem>>
        %dma_start3A_496 = tpu.memref_squeeze %dma_start3A_495 : memref<1x128xi32, #tpu.memory_space<vmem>> -> memref<128xi32, #tpu.memory_space<vmem>>
        %dma_start3A_497 = arith.constant 0 : i32
        %dma_start3A_498 = arith.constant 0 : i32
        %dma_start3A_499 = tpu.memref_slice %arg2[%dma_start3A_497, %dma_start3A_498] : memref<10000x64xf32, #tpu.memory_space<hbm>> -> memref<10000x64xf32, #tpu.memory_space<hbm>>
        tpu.enqueue_indirect_dma source(%dma_start3A_499 : memref<10000x64xf32, #tpu.memory_space<hbm>>) target(%dma_start3A_493 : memref<128x64xf32, #tpu.memory_space<vmem>>) offsets(%dma_start3A_496 : memref<128xi32, #tpu.memory_space<vmem>>) semaphore(%arg14 : memref<!tpu.dma_semaphore, #tpu.memory_space<semaphore_mem>>)
      } else {
      }
      %add3A_441 = arith.constant 8 : i32
      %add3A_442 = arith.addi %mul3A_207, %add3A_441 : i32
      %add3A_443 = arith.constant 4 : i32
      %add3A_444 = arith.addi %add3A_442, %add3A_443 : i32
      %lt3A_445 = arith.constant 80 : i32
      %lt3A_446 = arith.cmpi slt, %add3A_444, %lt3A_445 : i32
      %convert_element_type3A_447 = arith.extui %lt3A_446 : i1 to i32
      %cond3A_448 = arith.constant 0 : i32
      %cond3A_449 = arith.cmpi ne, %convert_element_type3A_447, %cond3A_448 : i32
      scf.if %cond3A_449 {
        %dma_wait3A_477 = arith.constant 4 : i32
        %dma_wait3A_478 = arith.constant 0 : i32
        %dma_wait3A_479 = arith.constant 0 : i32
        %dma_wait3A_480 = arith.constant 0 : i32
        %dma_wait3A_481 = tpu.memref_slice %arg9[%dma_wait3A_477, %dma_wait3A_479, %dma_wait3A_480] : memref<8x128x64xf32, #tpu.memory_space<vmem>> -> memref<1x128x64xf32, #tpu.memory_space<vmem>>
        %dma_wait3A_482 = tpu.memref_squeeze %dma_wait3A_481 : memref<1x128x64xf32, #tpu.memory_space<vmem>> -> memref<128x64xf32, #tpu.memory_space<vmem>>
        %dma_wait3A_483 = arith.constant 0 : i32
        %dma_wait3A_484 = tpu.memref_slice %arg8[%dma_wait3A_478, %dma_wait3A_483] : memref<80x128xi32, #tpu.memory_space<vmem>> -> memref<1x128xi32, #tpu.memory_space<vmem>>
        %dma_wait3A_485 = tpu.memref_squeeze %dma_wait3A_484 : memref<1x128xi32, #tpu.memory_space<vmem>> -> memref<128xi32, #tpu.memory_space<vmem>>
        %dma_wait3A_486 = arith.constant 0 : i32
        %dma_wait3A_487 = arith.constant 0 : i32
        %dma_wait3A_488 = tpu.memref_slice %arg10[%dma_wait3A_486, %dma_wait3A_487] : memref<10240x64xf32, #tpu.memory_space<vmem_shared>> -> memref<10240x64xf32, #tpu.memory_space<vmem_shared>>
        tpu.wait_indirect_dma semaphore(%arg23 : memref<!tpu.dma_semaphore, #tpu.memory_space<semaphore_mem>>) src(%dma_wait3A_482 : memref<128x64xf32, #tpu.memory_space<vmem>>) dst(%dma_wait3A_488 : memref<10240x64xf32, #tpu.memory_space<vmem_shared>>)
        %dma_start3A_489 = arith.constant 4 : i32
        %dma_start3A_490 = arith.constant 0 : i32
        %dma_start3A_491 = arith.constant 0 : i32
        %dma_start3A_492 = tpu.memref_slice %arg9[%dma_start3A_489, %dma_start3A_490, %dma_start3A_491] : memref<8x128x64xf32, #tpu.memory_space<vmem>> -> memref<1x128x64xf32, #tpu.memory_space<vmem>>
        %dma_start3A_493 = tpu.memref_squeeze %dma_start3A_492 : memref<1x128x64xf32, #tpu.memory_space<vmem>> -> memref<128x64xf32, #tpu.memory_space<vmem>>
        %dma_start3A_494 = arith.constant 0 : i32
        %dma_start3A_495 = tpu.memref_slice %arg7[%add3A_444, %dma_start3A_494] : memref<80x128xi32, #tpu.memory_space<vmem>> -> memref<1x128xi32, #tpu.memory_space<vmem>>
        %dma_start3A_496 = tpu.memref_squeeze %dma_start3A_495 : memref<1x128xi32, #tpu.memory_space<vmem>> -> memref<128xi32, #tpu.memory_space<vmem>>
        %dma_start3A_497 = arith.constant 0 : i32
        %dma_start3A_498 = arith.constant 0 : i32
        %dma_start3A_499 = tpu.memref_slice %arg2[%dma_start3A_497, %dma_start3A_498] : memref<10000x64xf32, #tpu.memory_space<hbm>> -> memref<10000x64xf32, #tpu.memory_space<hbm>>
        tpu.enqueue_indirect_dma source(%dma_start3A_499 : memref<10000x64xf32, #tpu.memory_space<hbm>>) target(%dma_start3A_493 : memref<128x64xf32, #tpu.memory_space<vmem>>) offsets(%dma_start3A_496 : memref<128xi32, #tpu.memory_space<vmem>>) semaphore(%arg15 : memref<!tpu.dma_semaphore, #tpu.memory_space<semaphore_mem>>)
      } else {
      }
      %add3A_450 = arith.constant 8 : i32
      %add3A_451 = arith.addi %mul3A_207, %add3A_450 : i32
      %add3A_452 = arith.constant 5 : i32
      %add3A_453 = arith.addi %add3A_451, %add3A_452 : i32
      %lt3A_454 = arith.constant 80 : i32
      %lt3A_455 = arith.cmpi slt, %add3A_453, %lt3A_454 : i32
      %convert_element_type3A_456 = arith.extui %lt3A_455 : i1 to i32
      %cond3A_457 = arith.constant 0 : i32
      %cond3A_458 = arith.cmpi ne, %convert_element_type3A_456, %cond3A_457 : i32
      scf.if %cond3A_458 {
        %dma_wait3A_477 = arith.constant 5 : i32
        %dma_wait3A_478 = arith.constant 0 : i32
        %dma_wait3A_479 = arith.constant 0 : i32
        %dma_wait3A_480 = arith.constant 0 : i32
        %dma_wait3A_481 = tpu.memref_slice %arg9[%dma_wait3A_477, %dma_wait3A_479, %dma_wait3A_480] : memref<8x128x64xf32, #tpu.memory_space<vmem>> -> memref<1x128x64xf32, #tpu.memory_space<vmem>>
        %dma_wait3A_482 = tpu.memref_squeeze %dma_wait3A_481 : memref<1x128x64xf32, #tpu.memory_space<vmem>> -> memref<128x64xf32, #tpu.memory_space<vmem>>
        %dma_wait3A_483 = arith.constant 0 : i32
        %dma_wait3A_484 = tpu.memref_slice %arg8[%dma_wait3A_478, %dma_wait3A_483] : memref<80x128xi32, #tpu.memory_space<vmem>> -> memref<1x128xi32, #tpu.memory_space<vmem>>
        %dma_wait3A_485 = tpu.memref_squeeze %dma_wait3A_484 : memref<1x128xi32, #tpu.memory_space<vmem>> -> memref<128xi32, #tpu.memory_space<vmem>>
        %dma_wait3A_486 = arith.constant 0 : i32
        %dma_wait3A_487 = arith.constant 0 : i32
        %dma_wait3A_488 = tpu.memref_slice %arg10[%dma_wait3A_486, %dma_wait3A_487] : memref<10240x64xf32, #tpu.memory_space<vmem_shared>> -> memref<10240x64xf32, #tpu.memory_space<vmem_shared>>
        tpu.wait_indirect_dma semaphore(%arg24 : memref<!tpu.dma_semaphore, #tpu.memory_space<semaphore_mem>>) src(%dma_wait3A_482 : memref<128x64xf32, #tpu.memory_space<vmem>>) dst(%dma_wait3A_488 : memref<10240x64xf32, #tpu.memory_space<vmem_shared>>)
        %dma_start3A_489 = arith.constant 5 : i32
        %dma_start3A_490 = arith.constant 0 : i32
        %dma_start3A_491 = arith.constant 0 : i32
        %dma_start3A_492 = tpu.memref_slice %arg9[%dma_start3A_489, %dma_start3A_490, %dma_start3A_491] : memref<8x128x64xf32, #tpu.memory_space<vmem>> -> memref<1x128x64xf32, #tpu.memory_space<vmem>>
        %dma_start3A_493 = tpu.memref_squeeze %dma_start3A_492 : memref<1x128x64xf32, #tpu.memory_space<vmem>> -> memref<128x64xf32, #tpu.memory_space<vmem>>
        %dma_start3A_494 = arith.constant 0 : i32
        %dma_start3A_495 = tpu.memref_slice %arg7[%add3A_453, %dma_start3A_494] : memref<80x128xi32, #tpu.memory_space<vmem>> -> memref<1x128xi32, #tpu.memory_space<vmem>>
        %dma_start3A_496 = tpu.memref_squeeze %dma_start3A_495 : memref<1x128xi32, #tpu.memory_space<vmem>> -> memref<128xi32, #tpu.memory_space<vmem>>
        %dma_start3A_497 = arith.constant 0 : i32
        %dma_start3A_498 = arith.constant 0 : i32
        %dma_start3A_499 = tpu.memref_slice %arg2[%dma_start3A_497, %dma_start3A_498] : memref<10000x64xf32, #tpu.memory_space<hbm>> -> memref<10000x64xf32, #tpu.memory_space<hbm>>
        tpu.enqueue_indirect_dma source(%dma_start3A_499 : memref<10000x64xf32, #tpu.memory_space<hbm>>) target(%dma_start3A_493 : memref<128x64xf32, #tpu.memory_space<vmem>>) offsets(%dma_start3A_496 : memref<128xi32, #tpu.memory_space<vmem>>) semaphore(%arg16 : memref<!tpu.dma_semaphore, #tpu.memory_space<semaphore_mem>>)
      } else {
      }
      %add3A_459 = arith.constant 8 : i32
      %add3A_460 = arith.addi %mul3A_207, %add3A_459 : i32
      %add3A_461 = arith.constant 6 : i32
      %add3A_462 = arith.addi %add3A_460, %add3A_461 : i32
      %lt3A_463 = arith.constant 80 : i32
      %lt3A_464 = arith.cmpi slt, %add3A_462, %lt3A_463 : i32
      %convert_element_type3A_465 = arith.extui %lt3A_464 : i1 to i32
      %cond3A_466 = arith.constant 0 : i32
      %cond3A_467 = arith.cmpi ne, %convert_element_type3A_465, %cond3A_466 : i32
      scf.if %cond3A_467 {
        %dma_wait3A_477 = arith.constant 6 : i32
        %dma_wait3A_478 = arith.constant 0 : i32
        %dma_wait3A_479 = arith.constant 0 : i32
        %dma_wait3A_480 = arith.constant 0 : i32
        %dma_wait3A_481 = tpu.memref_slice %arg9[%dma_wait3A_477, %dma_wait3A_479, %dma_wait3A_480] : memref<8x128x64xf32, #tpu.memory_space<vmem>> -> memref<1x128x64xf32, #tpu.memory_space<vmem>>
        %dma_wait3A_482 = tpu.memref_squeeze %dma_wait3A_481 : memref<1x128x64xf32, #tpu.memory_space<vmem>> -> memref<128x64xf32, #tpu.memory_space<vmem>>
        %dma_wait3A_483 = arith.constant 0 : i32
        %dma_wait3A_484 = tpu.memref_slice %arg8[%dma_wait3A_478, %dma_wait3A_483] : memref<80x128xi32, #tpu.memory_space<vmem>> -> memref<1x128xi32, #tpu.memory_space<vmem>>
        %dma_wait3A_485 = tpu.memref_squeeze %dma_wait3A_484 : memref<1x128xi32, #tpu.memory_space<vmem>> -> memref<128xi32, #tpu.memory_space<vmem>>
        %dma_wait3A_486 = arith.constant 0 : i32
        %dma_wait3A_487 = arith.constant 0 : i32
        %dma_wait3A_488 = tpu.memref_slice %arg10[%dma_wait3A_486, %dma_wait3A_487] : memref<10240x64xf32, #tpu.memory_space<vmem_shared>> -> memref<10240x64xf32, #tpu.memory_space<vmem_shared>>
        tpu.wait_indirect_dma semaphore(%arg25 : memref<!tpu.dma_semaphore, #tpu.memory_space<semaphore_mem>>) src(%dma_wait3A_482 : memref<128x64xf32, #tpu.memory_space<vmem>>) dst(%dma_wait3A_488 : memref<10240x64xf32, #tpu.memory_space<vmem_shared>>)
        %dma_start3A_489 = arith.constant 6 : i32
        %dma_start3A_490 = arith.constant 0 : i32
        %dma_start3A_491 = arith.constant 0 : i32
        %dma_start3A_492 = tpu.memref_slice %arg9[%dma_start3A_489, %dma_start3A_490, %dma_start3A_491] : memref<8x128x64xf32, #tpu.memory_space<vmem>> -> memref<1x128x64xf32, #tpu.memory_space<vmem>>
        %dma_start3A_493 = tpu.memref_squeeze %dma_start3A_492 : memref<1x128x64xf32, #tpu.memory_space<vmem>> -> memref<128x64xf32, #tpu.memory_space<vmem>>
        %dma_start3A_494 = arith.constant 0 : i32
        %dma_start3A_495 = tpu.memref_slice %arg7[%add3A_462, %dma_start3A_494] : memref<80x128xi32, #tpu.memory_space<vmem>> -> memref<1x128xi32, #tpu.memory_space<vmem>>
        %dma_start3A_496 = tpu.memref_squeeze %dma_start3A_495 : memref<1x128xi32, #tpu.memory_space<vmem>> -> memref<128xi32, #tpu.memory_space<vmem>>
        %dma_start3A_497 = arith.constant 0 : i32
        %dma_start3A_498 = arith.constant 0 : i32
        %dma_start3A_499 = tpu.memref_slice %arg2[%dma_start3A_497, %dma_start3A_498] : memref<10000x64xf32, #tpu.memory_space<hbm>> -> memref<10000x64xf32, #tpu.memory_space<hbm>>
        tpu.enqueue_indirect_dma source(%dma_start3A_499 : memref<10000x64xf32, #tpu.memory_space<hbm>>) target(%dma_start3A_493 : memref<128x64xf32, #tpu.memory_space<vmem>>) offsets(%dma_start3A_496 : memref<128xi32, #tpu.memory_space<vmem>>) semaphore(%arg17 : memref<!tpu.dma_semaphore, #tpu.memory_space<semaphore_mem>>)
      } else {
      }
      %add3A_468 = arith.constant 8 : i32
      %add3A_469 = arith.addi %mul3A_207, %add3A_468 : i32
      %add3A_470 = arith.constant 7 : i32
      %add3A_471 = arith.addi %add3A_469, %add3A_470 : i32
      %lt3A_472 = arith.constant 80 : i32
      %lt3A_473 = arith.cmpi slt, %add3A_471, %lt3A_472 : i32
      %convert_element_type3A_474 = arith.extui %lt3A_473 : i1 to i32
      %cond3A_475 = arith.constant 0 : i32
      %cond3A_476 = arith.cmpi ne, %convert_element_type3A_474, %cond3A_475 : i32
      scf.if %cond3A_476 {
        %dma_wait3A_477 = arith.constant 7 : i32
        %dma_wait3A_478 = arith.constant 0 : i32
        %dma_wait3A_479 = arith.constant 0 : i32
        %dma_wait3A_480 = arith.constant 0 : i32
        %dma_wait3A_481 = tpu.memref_slice %arg9[%dma_wait3A_477, %dma_wait3A_479, %dma_wait3A_480] : memref<8x128x64xf32, #tpu.memory_space<vmem>> -> memref<1x128x64xf32, #tpu.memory_space<vmem>>
        %dma_wait3A_482 = tpu.memref_squeeze %dma_wait3A_481 : memref<1x128x64xf32, #tpu.memory_space<vmem>> -> memref<128x64xf32, #tpu.memory_space<vmem>>
        %dma_wait3A_483 = arith.constant 0 : i32
        %dma_wait3A_484 = tpu.memref_slice %arg8[%dma_wait3A_478, %dma_wait3A_483] : memref<80x128xi32, #tpu.memory_space<vmem>> -> memref<1x128xi32, #tpu.memory_space<vmem>>
        %dma_wait3A_485 = tpu.memref_squeeze %dma_wait3A_484 : memref<1x128xi32, #tpu.memory_space<vmem>> -> memref<128xi32, #tpu.memory_space<vmem>>
        %dma_wait3A_486 = arith.constant 0 : i32
        %dma_wait3A_487 = arith.constant 0 : i32
        %dma_wait3A_488 = tpu.memref_slice %arg10[%dma_wait3A_486, %dma_wait3A_487] : memref<10240x64xf32, #tpu.memory_space<vmem_shared>> -> memref<10240x64xf32, #tpu.memory_space<vmem_shared>>
        tpu.wait_indirect_dma semaphore(%arg26 : memref<!tpu.dma_semaphore, #tpu.memory_space<semaphore_mem>>) src(%dma_wait3A_482 : memref<128x64xf32, #tpu.memory_space<vmem>>) dst(%dma_wait3A_488 : memref<10240x64xf32, #tpu.memory_space<vmem_shared>>)
        %dma_start3A_489 = arith.constant 7 : i32
        %dma_start3A_490 = arith.constant 0 : i32
        %dma_start3A_491 = arith.constant 0 : i32
        %dma_start3A_492 = tpu.memref_slice %arg9[%dma_start3A_489, %dma_start3A_490, %dma_start3A_491] : memref<8x128x64xf32, #tpu.memory_space<vmem>> -> memref<1x128x64xf32, #tpu.memory_space<vmem>>
        %dma_start3A_493 = tpu.memref_squeeze %dma_start3A_492 : memref<1x128x64xf32, #tpu.memory_space<vmem>> -> memref<128x64xf32, #tpu.memory_space<vmem>>
        %dma_start3A_494 = arith.constant 0 : i32
        %dma_start3A_495 = tpu.memref_slice %arg7[%add3A_471, %dma_start3A_494] : memref<80x128xi32, #tpu.memory_space<vmem>> -> memref<1x128xi32, #tpu.memory_space<vmem>>
        %dma_start3A_496 = tpu.memref_squeeze %dma_start3A_495 : memref<1x128xi32, #tpu.memory_space<vmem>> -> memref<128xi32, #tpu.memory_space<vmem>>
        %dma_start3A_497 = arith.constant 0 : i32
        %dma_start3A_498 = arith.constant 0 : i32
        %dma_start3A_499 = tpu.memref_slice %arg2[%dma_start3A_497, %dma_start3A_498] : memref<10000x64xf32, #tpu.memory_space<hbm>> -> memref<10000x64xf32, #tpu.memory_space<hbm>>
        tpu.enqueue_indirect_dma source(%dma_start3A_499 : memref<10000x64xf32, #tpu.memory_space<hbm>>) target(%dma_start3A_493 : memref<128x64xf32, #tpu.memory_space<vmem>>) offsets(%dma_start3A_496 : memref<128xi32, #tpu.memory_space<vmem>>) semaphore(%arg18 : memref<!tpu.dma_semaphore, #tpu.memory_space<semaphore_mem>>)
      } else {
      }
    }
    %scan3A_104 = arith.constant 10 : i32
    %dma_wait3A = arith.constant 0 : i32
    %dma_wait3A_105 = arith.constant 0 : i32
    %dma_wait3A_106 = arith.constant 0 : i32
    %dma_wait3A_107 = arith.constant 0 : i32
    %dma_wait3A_108 = tpu.memref_slice %arg9[%dma_wait3A, %dma_wait3A_106, %dma_wait3A_107] : memref<8x128x64xf32, #tpu.memory_space<vmem>> -> memref<1x128x64xf32, #tpu.memory_space<vmem>>
    %dma_wait3A_109 = tpu.memref_squeeze %dma_wait3A_108 : memref<1x128x64xf32, #tpu.memory_space<vmem>> -> memref<128x64xf32, #tpu.memory_space<vmem>>
    %dma_wait3A_110 = arith.constant 0 : i32
    %dma_wait3A_111 = tpu.memref_slice %arg8[%dma_wait3A_105, %dma_wait3A_110] : memref<80x128xi32, #tpu.memory_space<vmem>> -> memref<1x128xi32, #tpu.memory_space<vmem>>
    %dma_wait3A_112 = tpu.memref_squeeze %dma_wait3A_111 : memref<1x128xi32, #tpu.memory_space<vmem>> -> memref<128xi32, #tpu.memory_space<vmem>>
    %dma_wait3A_113 = arith.constant 0 : i32
    %dma_wait3A_114 = arith.constant 0 : i32
    %dma_wait3A_115 = tpu.memref_slice %arg10[%dma_wait3A_113, %dma_wait3A_114] : memref<10240x64xf32, #tpu.memory_space<vmem_shared>> -> memref<10240x64xf32, #tpu.memory_space<vmem_shared>>
    tpu.wait_indirect_dma semaphore(%arg19 : memref<!tpu.dma_semaphore, #tpu.memory_space<semaphore_mem>>) src(%dma_wait3A_109 : memref<128x64xf32, #tpu.memory_space<vmem>>) dst(%dma_wait3A_115 : memref<10240x64xf32, #tpu.memory_space<vmem_shared>>)
    %dma_wait3A_116 = arith.constant 1 : i32
    %dma_wait3A_117 = arith.constant 0 : i32
    %dma_wait3A_118 = arith.constant 0 : i32
    %dma_wait3A_119 = arith.constant 0 : i32
    %dma_wait3A_120 = tpu.memref_slice %arg9[%dma_wait3A_116, %dma_wait3A_118, %dma_wait3A_119] : memref<8x128x64xf32, #tpu.memory_space<vmem>> -> memref<1x128x64xf32, #tpu.memory_space<vmem>>
    %dma_wait3A_121 = tpu.memref_squeeze %dma_wait3A_120 : memref<1x128x64xf32, #tpu.memory_space<vmem>> -> memref<128x64xf32, #tpu.memory_space<vmem>>
    %dma_wait3A_122 = arith.constant 0 : i32
    %dma_wait3A_123 = tpu.memref_slice %arg8[%dma_wait3A_117, %dma_wait3A_122] : memref<80x128xi32, #tpu.memory_space<vmem>> -> memref<1x128xi32, #tpu.memory_space<vmem>>
    %dma_wait3A_124 = tpu.memref_squeeze %dma_wait3A_123 : memref<1x128xi32, #tpu.memory_space<vmem>> -> memref<128xi32, #tpu.memory_space<vmem>>
    %dma_wait3A_125 = arith.constant 0 : i32
    %dma_wait3A_126 = arith.constant 0 : i32
    %dma_wait3A_127 = tpu.memref_slice %arg10[%dma_wait3A_125, %dma_wait3A_126] : memref<10240x64xf32, #tpu.memory_space<vmem_shared>> -> memref<10240x64xf32, #tpu.memory_space<vmem_shared>>
    tpu.wait_indirect_dma semaphore(%arg20 : memref<!tpu.dma_semaphore, #tpu.memory_space<semaphore_mem>>) src(%dma_wait3A_121 : memref<128x64xf32, #tpu.memory_space<vmem>>) dst(%dma_wait3A_127 : memref<10240x64xf32, #tpu.memory_space<vmem_shared>>)
    %dma_wait3A_128 = arith.constant 2 : i32
    %dma_wait3A_129 = arith.constant 0 : i32
    %dma_wait3A_130 = arith.constant 0 : i32
    %dma_wait3A_131 = arith.constant 0 : i32
    %dma_wait3A_132 = tpu.memref_slice %arg9[%dma_wait3A_128, %dma_wait3A_130, %dma_wait3A_131] : memref<8x128x64xf32, #tpu.memory_space<vmem>> -> memref<1x128x64xf32, #tpu.memory_space<vmem>>
    %dma_wait3A_133 = tpu.memref_squeeze %dma_wait3A_132 : memref<1x128x64xf32, #tpu.memory_space<vmem>> -> memref<128x64xf32, #tpu.memory_space<vmem>>
    %dma_wait3A_134 = arith.constant 0 : i32
    %dma_wait3A_135 = tpu.memref_slice %arg8[%dma_wait3A_129, %dma_wait3A_134] : memref<80x128xi32, #tpu.memory_space<vmem>> -> memref<1x128xi32, #tpu.memory_space<vmem>>
    %dma_wait3A_136 = tpu.memref_squeeze %dma_wait3A_135 : memref<1x128xi32, #tpu.memory_space<vmem>> -> memref<128xi32, #tpu.memory_space<vmem>>
    %dma_wait3A_137 = arith.constant 0 : i32
    %dma_wait3A_138 = arith.constant 0 : i32
    %dma_wait3A_139 = tpu.memref_slice %arg10[%dma_wait3A_137, %dma_wait3A_138] : memref<10240x64xf32, #tpu.memory_space<vmem_shared>> -> memref<10240x64xf32, #tpu.memory_space<vmem_shared>>
    tpu.wait_indirect_dma semaphore(%arg21 : memref<!tpu.dma_semaphore, #tpu.memory_space<semaphore_mem>>) src(%dma_wait3A_133 : memref<128x64xf32, #tpu.memory_space<vmem>>) dst(%dma_wait3A_139 : memref<10240x64xf32, #tpu.memory_space<vmem_shared>>)
    %dma_wait3A_140 = arith.constant 3 : i32
    %dma_wait3A_141 = arith.constant 0 : i32
    %dma_wait3A_142 = arith.constant 0 : i32
    %dma_wait3A_143 = arith.constant 0 : i32
    %dma_wait3A_144 = tpu.memref_slice %arg9[%dma_wait3A_140, %dma_wait3A_142, %dma_wait3A_143] : memref<8x128x64xf32, #tpu.memory_space<vmem>> -> memref<1x128x64xf32, #tpu.memory_space<vmem>>
    %dma_wait3A_145 = tpu.memref_squeeze %dma_wait3A_144 : memref<1x128x64xf32, #tpu.memory_space<vmem>> -> memref<128x64xf32, #tpu.memory_space<vmem>>
    %dma_wait3A_146 = arith.constant 0 : i32
    %dma_wait3A_147 = tpu.memref_slice %arg8[%dma_wait3A_141, %dma_wait3A_146] : memref<80x128xi32, #tpu.memory_space<vmem>> -> memref<1x128xi32, #tpu.memory_space<vmem>>
    %dma_wait3A_148 = tpu.memref_squeeze %dma_wait3A_147 : memref<1x128xi32, #tpu.memory_space<vmem>> -> memref<128xi32, #tpu.memory_space<vmem>>
    %dma_wait3A_149 = arith.constant 0 : i32
    %dma_wait3A_150 = arith.constant 0 : i32
    %dma_wait3A_151 = tpu.memref_slice %arg10[%dma_wait3A_149, %dma_wait3A_150] : memref<10240x64xf32, #tpu.memory_space<vmem_shared>> -> memref<10240x64xf32, #tpu.memory_space<vmem_shared>>
    tpu.wait_indirect_dma semaphore(%arg22 : memref<!tpu.dma_semaphore, #tpu.memory_space<semaphore_mem>>) src(%dma_wait3A_145 : memref<128x64xf32, #tpu.memory_space<vmem>>) dst(%dma_wait3A_151 : memref<10240x64xf32, #tpu.memory_space<vmem_shared>>)
    %dma_wait3A_152 = arith.constant 4 : i32
    %dma_wait3A_153 = arith.constant 0 : i32
    %dma_wait3A_154 = arith.constant 0 : i32
    %dma_wait3A_155 = arith.constant 0 : i32
    %dma_wait3A_156 = tpu.memref_slice %arg9[%dma_wait3A_152, %dma_wait3A_154, %dma_wait3A_155] : memref<8x128x64xf32, #tpu.memory_space<vmem>> -> memref<1x128x64xf32, #tpu.memory_space<vmem>>
    %dma_wait3A_157 = tpu.memref_squeeze %dma_wait3A_156 : memref<1x128x64xf32, #tpu.memory_space<vmem>> -> memref<128x64xf32, #tpu.memory_space<vmem>>
    %dma_wait3A_158 = arith.constant 0 : i32
    %dma_wait3A_159 = tpu.memref_slice %arg8[%dma_wait3A_153, %dma_wait3A_158] : memref<80x128xi32, #tpu.memory_space<vmem>> -> memref<1x128xi32, #tpu.memory_space<vmem>>
    %dma_wait3A_160 = tpu.memref_squeeze %dma_wait3A_159 : memref<1x128xi32, #tpu.memory_space<vmem>> -> memref<128xi32, #tpu.memory_space<vmem>>
    %dma_wait3A_161 = arith.constant 0 : i32
    %dma_wait3A_162 = arith.constant 0 : i32
    %dma_wait3A_163 = tpu.memref_slice %arg10[%dma_wait3A_161, %dma_wait3A_162] : memref<10240x64xf32, #tpu.memory_space<vmem_shared>> -> memref<10240x64xf32, #tpu.memory_space<vmem_shared>>
    tpu.wait_indirect_dma semaphore(%arg23 : memref<!tpu.dma_semaphore, #tpu.memory_space<semaphore_mem>>) src(%dma_wait3A_157 : memref<128x64xf32, #tpu.memory_space<vmem>>) dst(%dma_wait3A_163 : memref<10240x64xf32, #tpu.memory_space<vmem_shared>>)
    %dma_wait3A_164 = arith.constant 5 : i32
    %dma_wait3A_165 = arith.constant 0 : i32
    %dma_wait3A_166 = arith.constant 0 : i32
    %dma_wait3A_167 = arith.constant 0 : i32
    %dma_wait3A_168 = tpu.memref_slice %arg9[%dma_wait3A_164, %dma_wait3A_166, %dma_wait3A_167] : memref<8x128x64xf32, #tpu.memory_space<vmem>> -> memref<1x128x64xf32, #tpu.memory_space<vmem>>
    %dma_wait3A_169 = tpu.memref_squeeze %dma_wait3A_168 : memref<1x128x64xf32, #tpu.memory_space<vmem>> -> memref<128x64xf32, #tpu.memory_space<vmem>>
    %dma_wait3A_170 = arith.constant 0 : i32
    %dma_wait3A_171 = tpu.memref_slice %arg8[%dma_wait3A_165, %dma_wait3A_170] : memref<80x128xi32, #tpu.memory_space<vmem>> -> memref<1x128xi32, #tpu.memory_space<vmem>>
    %dma_wait3A_172 = tpu.memref_squeeze %dma_wait3A_171 : memref<1x128xi32, #tpu.memory_space<vmem>> -> memref<128xi32, #tpu.memory_space<vmem>>
    %dma_wait3A_173 = arith.constant 0 : i32
    %dma_wait3A_174 = arith.constant 0 : i32
    %dma_wait3A_175 = tpu.memref_slice %arg10[%dma_wait3A_173, %dma_wait3A_174] : memref<10240x64xf32, #tpu.memory_space<vmem_shared>> -> memref<10240x64xf32, #tpu.memory_space<vmem_shared>>
    tpu.wait_indirect_dma semaphore(%arg24 : memref<!tpu.dma_semaphore, #tpu.memory_space<semaphore_mem>>) src(%dma_wait3A_169 : memref<128x64xf32, #tpu.memory_space<vmem>>) dst(%dma_wait3A_175 : memref<10240x64xf32, #tpu.memory_space<vmem_shared>>)
    %dma_wait3A_176 = arith.constant 6 : i32
    %dma_wait3A_177 = arith.constant 0 : i32
    %dma_wait3A_178 = arith.constant 0 : i32
    %dma_wait3A_179 = arith.constant 0 : i32
    %dma_wait3A_180 = tpu.memref_slice %arg9[%dma_wait3A_176, %dma_wait3A_178, %dma_wait3A_179] : memref<8x128x64xf32, #tpu.memory_space<vmem>> -> memref<1x128x64xf32, #tpu.memory_space<vmem>>
    %dma_wait3A_181 = tpu.memref_squeeze %dma_wait3A_180 : memref<1x128x64xf32, #tpu.memory_space<vmem>> -> memref<128x64xf32, #tpu.memory_space<vmem>>
    %dma_wait3A_182 = arith.constant 0 : i32
    %dma_wait3A_183 = tpu.memref_slice %arg8[%dma_wait3A_177, %dma_wait3A_182] : memref<80x128xi32, #tpu.memory_space<vmem>> -> memref<1x128xi32, #tpu.memory_space<vmem>>
    %dma_wait3A_184 = tpu.memref_squeeze %dma_wait3A_183 : memref<1x128xi32, #tpu.memory_space<vmem>> -> memref<128xi32, #tpu.memory_space<vmem>>
    %dma_wait3A_185 = arith.constant 0 : i32
    %dma_wait3A_186 = arith.constant 0 : i32
    %dma_wait3A_187 = tpu.memref_slice %arg10[%dma_wait3A_185, %dma_wait3A_186] : memref<10240x64xf32, #tpu.memory_space<vmem_shared>> -> memref<10240x64xf32, #tpu.memory_space<vmem_shared>>
    tpu.wait_indirect_dma semaphore(%arg25 : memref<!tpu.dma_semaphore, #tpu.memory_space<semaphore_mem>>) src(%dma_wait3A_181 : memref<128x64xf32, #tpu.memory_space<vmem>>) dst(%dma_wait3A_187 : memref<10240x64xf32, #tpu.memory_space<vmem_shared>>)
    %dma_wait3A_188 = arith.constant 7 : i32
    %dma_wait3A_189 = arith.constant 0 : i32
    %dma_wait3A_190 = arith.constant 0 : i32
    %dma_wait3A_191 = arith.constant 0 : i32
    %dma_wait3A_192 = tpu.memref_slice %arg9[%dma_wait3A_188, %dma_wait3A_190, %dma_wait3A_191] : memref<8x128x64xf32, #tpu.memory_space<vmem>> -> memref<1x128x64xf32, #tpu.memory_space<vmem>>
    %dma_wait3A_193 = tpu.memref_squeeze %dma_wait3A_192 : memref<1x128x64xf32, #tpu.memory_space<vmem>> -> memref<128x64xf32, #tpu.memory_space<vmem>>
    %dma_wait3A_194 = arith.constant 0 : i32
    %dma_wait3A_195 = tpu.memref_slice %arg8[%dma_wait3A_189, %dma_wait3A_194] : memref<80x128xi32, #tpu.memory_space<vmem>> -> memref<1x128xi32, #tpu.memory_space<vmem>>
    %dma_wait3A_196 = tpu.memref_squeeze %dma_wait3A_195 : memref<1x128xi32, #tpu.memory_space<vmem>> -> memref<128xi32, #tpu.memory_space<vmem>>
    %dma_wait3A_197 = arith.constant 0 : i32
    %dma_wait3A_198 = arith.constant 0 : i32
    %dma_wait3A_199 = tpu.memref_slice %arg10[%dma_wait3A_197, %dma_wait3A_198] : memref<10240x64xf32, #tpu.memory_space<vmem_shared>> -> memref<10240x64xf32, #tpu.memory_space<vmem_shared>>
    tpu.wait_indirect_dma semaphore(%arg26 : memref<!tpu.dma_semaphore, #tpu.memory_space<semaphore_mem>>) src(%dma_wait3A_193 : memref<128x64xf32, #tpu.memory_space<vmem>>) dst(%dma_wait3A_199 : memref<10240x64xf32, #tpu.memory_space<vmem_shared>>)
    %barrier3A_200 = arith.constant 0 : index
    tpu.barrier barrier_id(%barrier3A_200)
    %mul3A_201 = arith.constant 640 : i32
    %mul3A_202 = arith.muli %arg1, %mul3A_201 : i32
    %mul3A_203 = arith.constant 640 : i32
    %mul3A_204 = arith.muli %arg1, %mul3A_203 : i32
    "tpu.region"() ({
      %run_scoped3A = tpu.sem_alloc : memref<!tpu.dma_semaphore, #tpu.memory_space<semaphore_mem>>
      %dma_start3A_205 = arith.constant 0 : i32
      %dma_start3A_206 = tpu.memref_slice %arg6[%arg0, %mul3A_204, %dma_start3A_205] : memref<2x10240x64xf32, #tpu.memory_space<hbm>> -> memref<1x640x64xf32, #tpu.memory_space<hbm>>
      %dma_start3A_207 = tpu.memref_squeeze %dma_start3A_206 : memref<1x640x64xf32, #tpu.memory_space<hbm>> -> memref<640x64xf32, #tpu.memory_space<hbm>>
      %dma_start3A_208 = arith.constant 0 : i32
      %dma_start3A_209 = tpu.memref_slice %arg10[%mul3A_202, %dma_start3A_208] : memref<10240x64xf32, #tpu.memory_space<vmem_shared>> -> memref<640x64xf32, #tpu.memory_space<vmem_shared>>
      tpu.enqueue_dma source(%dma_start3A_209 : memref<640x64xf32, #tpu.memory_space<vmem_shared>>) target(%dma_start3A_207 : memref<640x64xf32, #tpu.memory_space<hbm>>) target_semaphore(%run_scoped3A : memref<!tpu.dma_semaphore, #tpu.memory_space<semaphore_mem>>)
      %dma_wait3A_210 = arith.constant 0 : i32
      %dma_wait3A_211 = tpu.memref_slice %arg6[%arg0, %mul3A_204, %dma_wait3A_210] : memref<2x10240x64xf32, #tpu.memory_space<hbm>> -> memref<1x640x64xf32, #tpu.memory_space<hbm>>
      %dma_wait3A_212 = tpu.memref_squeeze %dma_wait3A_211 : memref<1x640x64xf32, #tpu.memory_space<hbm>> -> memref<640x64xf32, #tpu.memory_space<hbm>>
      %dma_wait3A_213 = arith.constant 0 : i32
      %dma_wait3A_214 = tpu.memref_slice %arg10[%mul3A_202, %dma_wait3A_213] : memref<10240x64xf32, #tpu.memory_space<vmem_shared>> -> memref<640x64xf32, #tpu.memory_space<vmem_shared>>
      tpu.wait_dma2 semaphore(%run_scoped3A : memref<!tpu.dma_semaphore, #tpu.memory_space<semaphore_mem>>) src(%dma_wait3A_214 : memref<640x64xf32, #tpu.memory_space<vmem_shared>>) dst(%dma_wait3A_212 : memref<640x64xf32, #tpu.memory_space<hbm>>)
      tpu.yield
    }) : () -> ()
    return
  }
}

#map = affine_map<(d0, d1) -> (0, 0, 0)>
#map1 = affine_map<(d0, d1) -> (0)>
#map2 = affine_map<(d0, d1) -> (0, 0)>
module attributes {stable_mosaic.version = 14 : i64} {
  func.func @_deg_kernel(%arg0: i32, %arg1: i32, %arg2: memref<32x80x128xi32, #tpu.memory_space<hbm>>, %arg3: memref<10240xf32, #tpu.memory_space<hbm>>, %arg4: memref<2x10240xf32, #tpu.memory_space<hbm>>, %arg5: memref<80x128xi32, #tpu.memory_space<vmem>>, %arg6: memref<128xf32, #tpu.memory_space<vmem>>, %arg7: memref<10240xf32, #tpu.memory_space<vmem_shared>>, %arg8: memref<!tpu.dma_semaphore, #tpu.memory_space<semaphore_mem>>, %arg9: memref<!tpu.dma_semaphore, #tpu.memory_space<semaphore_mem>>, %arg10: memref<!tpu.dma_semaphore, #tpu.memory_space<semaphore_mem>>, %arg11: memref<!tpu.dma_semaphore, #tpu.memory_space<semaphore_mem>>, %arg12: memref<!tpu.dma_semaphore, #tpu.memory_space<semaphore_mem>>, %arg13: memref<!tpu.dma_semaphore, #tpu.memory_space<semaphore_mem>>, %arg14: memref<!tpu.dma_semaphore, #tpu.memory_space<semaphore_mem>>, %arg15: memref<!tpu.dma_semaphore, #tpu.memory_space<semaphore_mem>>) attributes {dimension_semantics = [#tpu.dimension_semantics<core_parallel>, #tpu.dimension_semantics<subcore_parallel>], iteration_bounds = array<i64: 2, 16>, scalar_prefetch = 0 : i64, scratch_operands = 11 : i64, tpu.core_type = #tpu.core_type<sc_vector_subcore>, window_params = [{transform_indices = #map}, {transform_indices = #map1}, {transform_indices = #map2}]} {
    %mul3A = arith.constant 2 : i32
    %mul3A_0 = arith.muli %arg1, %mul3A : i32
    %add3A = arith.addi %mul3A_0, %arg0 : i32
    "tpu.region"() ({
      %run_scoped3A = tpu.sem_alloc : memref<!tpu.dma_semaphore, #tpu.memory_space<semaphore_mem>>
      %dma_start3A_155 = arith.constant 0 : i32
      %dma_start3A_156 = arith.constant 0 : i32
      %dma_start3A_157 = tpu.memref_slice %arg2[%add3A, %dma_start3A_155, %dma_start3A_156] : memref<32x80x128xi32, #tpu.memory_space<hbm>> -> memref<1x80x128xi32, #tpu.memory_space<hbm>>
      %dma_start3A_158 = tpu.memref_squeeze %dma_start3A_157 : memref<1x80x128xi32, #tpu.memory_space<hbm>> -> memref<80x128xi32, #tpu.memory_space<hbm>>
      %dma_start3A_159 = arith.constant 0 : i32
      %dma_start3A_160 = arith.constant 0 : i32
      %dma_start3A_161 = tpu.memref_slice %arg2[%add3A, %dma_start3A_159, %dma_start3A_160] : memref<32x80x128xi32, #tpu.memory_space<hbm>> -> memref<1x80x128xi32, #tpu.memory_space<hbm>>
      %dma_start3A_162 = tpu.memref_squeeze %dma_start3A_161 : memref<1x80x128xi32, #tpu.memory_space<hbm>> -> memref<80x128xi32, #tpu.memory_space<hbm>>
      tpu.enqueue_dma source(%dma_start3A_162 : memref<80x128xi32, #tpu.memory_space<hbm>>) target(%arg5 : memref<80x128xi32, #tpu.memory_space<vmem>>) target_semaphore(%run_scoped3A : memref<!tpu.dma_semaphore, #tpu.memory_space<semaphore_mem>>)
      %dma_wait3A_163 = arith.constant 0 : i32
      %dma_wait3A_164 = arith.constant 0 : i32
      %dma_wait3A_165 = tpu.memref_slice %arg2[%add3A, %dma_wait3A_163, %dma_wait3A_164] : memref<32x80x128xi32, #tpu.memory_space<hbm>> -> memref<1x80x128xi32, #tpu.memory_space<hbm>>
      %dma_wait3A_166 = tpu.memref_squeeze %dma_wait3A_165 : memref<1x80x128xi32, #tpu.memory_space<hbm>> -> memref<80x128xi32, #tpu.memory_space<hbm>>
      %dma_wait3A_167 = arith.constant 0 : i32
      %dma_wait3A_168 = arith.constant 0 : i32
      %dma_wait3A_169 = tpu.memref_slice %arg2[%add3A, %dma_wait3A_167, %dma_wait3A_168] : memref<32x80x128xi32, #tpu.memory_space<hbm>> -> memref<1x80x128xi32, #tpu.memory_space<hbm>>
      %dma_wait3A_170 = tpu.memref_squeeze %dma_wait3A_169 : memref<1x80x128xi32, #tpu.memory_space<hbm>> -> memref<80x128xi32, #tpu.memory_space<hbm>>
      tpu.wait_dma2 semaphore(%run_scoped3A : memref<!tpu.dma_semaphore, #tpu.memory_space<semaphore_mem>>) src(%dma_wait3A_170 : memref<80x128xi32, #tpu.memory_space<hbm>>) dst(%arg5 : memref<80x128xi32, #tpu.memory_space<vmem>>)
      tpu.yield
    }) : () -> ()
    %broadcast_in_dim3A = arith.constant 1.000000e+00 : f32
    %broadcast_in_dim3A_1 = vector.broadcast %broadcast_in_dim3A : f32 to vector<16xf32>
    %swap3A = arith.constant 0 : index
    %swap3A_2 = tpu.vector_load %arg6[%swap3A] {strides = array<i32>} : memref<128xf32, #tpu.memory_space<vmem>>, vector<16xf32>,
    %swap3A_3 = vector.shape_cast %swap3A_2 : vector<16xf32> to vector<16xf32>
    %swap3A_4 = vector.shape_cast %broadcast_in_dim3A_1 : vector<16xf32> to vector<16xf32>
    tpu.vector_store %arg6[%swap3A], %swap3A_4 {strides = array<i32>} : memref<128xf32, #tpu.memory_space<vmem>>, vector<16xf32>,
    %broadcast_in_dim3A_5 = arith.constant 1.000000e+00 : f32
    %broadcast_in_dim3A_6 = vector.broadcast %broadcast_in_dim3A_5 : f32 to vector<16xf32>
    %swap3A_7 = arith.constant 16 : index
    %swap3A_8 = tpu.vector_load %arg6[%swap3A_7] {strides = array<i32>} : memref<128xf32, #tpu.memory_space<vmem>>, vector<16xf32>,
    %swap3A_9 = vector.shape_cast %swap3A_8 : vector<16xf32> to vector<16xf32>
    %swap3A_10 = vector.shape_cast %broadcast_in_dim3A_6 : vector<16xf32> to vector<16xf32>
    tpu.vector_store %arg6[%swap3A_7], %swap3A_10 {strides = array<i32>} : memref<128xf32, #tpu.memory_space<vmem>>, vector<16xf32>,
    %broadcast_in_dim3A_11 = arith.constant 1.000000e+00 : f32
    %broadcast_in_dim3A_12 = vector.broadcast %broadcast_in_dim3A_11 : f32 to vector<16xf32>
    %swap3A_13 = arith.constant 32 : index
    %swap3A_14 = tpu.vector_load %arg6[%swap3A_13] {strides = array<i32>} : memref<128xf32, #tpu.memory_space<vmem>>, vector<16xf32>,
    %swap3A_15 = vector.shape_cast %swap3A_14 : vector<16xf32> to vector<16xf32>
    %swap3A_16 = vector.shape_cast %broadcast_in_dim3A_12 : vector<16xf32> to vector<16xf32>
    tpu.vector_store %arg6[%swap3A_13], %swap3A_16 {strides = array<i32>} : memref<128xf32, #tpu.memory_space<vmem>>, vector<16xf32>,
    %broadcast_in_dim3A_17 = arith.constant 1.000000e+00 : f32
    %broadcast_in_dim3A_18 = vector.broadcast %broadcast_in_dim3A_17 : f32 to vector<16xf32>
    %swap3A_19 = arith.constant 48 : index
    %swap3A_20 = tpu.vector_load %arg6[%swap3A_19] {strides = array<i32>} : memref<128xf32, #tpu.memory_space<vmem>>, vector<16xf32>,
    %swap3A_21 = vector.shape_cast %swap3A_20 : vector<16xf32> to vector<16xf32>
    %swap3A_22 = vector.shape_cast %broadcast_in_dim3A_18 : vector<16xf32> to vector<16xf32>
    tpu.vector_store %arg6[%swap3A_19], %swap3A_22 {strides = array<i32>} : memref<128xf32, #tpu.memory_space<vmem>>, vector<16xf32>,
    %broadcast_in_dim3A_23 = arith.constant 1.000000e+00 : f32
    %broadcast_in_dim3A_24 = vector.broadcast %broadcast_in_dim3A_23 : f32 to vector<16xf32>
    %swap3A_25 = arith.constant 64 : index
    %swap3A_26 = tpu.vector_load %arg6[%swap3A_25] {strides = array<i32>} : memref<128xf32, #tpu.memory_space<vmem>>, vector<16xf32>,
    %swap3A_27 = vector.shape_cast %swap3A_26 : vector<16xf32> to vector<16xf32>
    %swap3A_28 = vector.shape_cast %broadcast_in_dim3A_24 : vector<16xf32> to vector<16xf32>
    tpu.vector_store %arg6[%swap3A_25], %swap3A_28 {strides = array<i32>} : memref<128xf32, #tpu.memory_space<vmem>>, vector<16xf32>,
    %broadcast_in_dim3A_29 = arith.constant 1.000000e+00 : f32
    %broadcast_in_dim3A_30 = vector.broadcast %broadcast_in_dim3A_29 : f32 to vector<16xf32>
    %swap3A_31 = arith.constant 80 : index
    %swap3A_32 = tpu.vector_load %arg6[%swap3A_31] {strides = array<i32>} : memref<128xf32, #tpu.memory_space<vmem>>, vector<16xf32>,
    %swap3A_33 = vector.shape_cast %swap3A_32 : vector<16xf32> to vector<16xf32>
    %swap3A_34 = vector.shape_cast %broadcast_in_dim3A_30 : vector<16xf32> to vector<16xf32>
    tpu.vector_store %arg6[%swap3A_31], %swap3A_34 {strides = array<i32>} : memref<128xf32, #tpu.memory_space<vmem>>, vector<16xf32>,
    %broadcast_in_dim3A_35 = arith.constant 1.000000e+00 : f32
    %broadcast_in_dim3A_36 = vector.broadcast %broadcast_in_dim3A_35 : f32 to vector<16xf32>
    %swap3A_37 = arith.constant 96 : index
    %swap3A_38 = tpu.vector_load %arg6[%swap3A_37] {strides = array<i32>} : memref<128xf32, #tpu.memory_space<vmem>>, vector<16xf32>,
    %swap3A_39 = vector.shape_cast %swap3A_38 : vector<16xf32> to vector<16xf32>
    %swap3A_40 = vector.shape_cast %broadcast_in_dim3A_36 : vector<16xf32> to vector<16xf32>
    tpu.vector_store %arg6[%swap3A_37], %swap3A_40 {strides = array<i32>} : memref<128xf32, #tpu.memory_space<vmem>>, vector<16xf32>,
    %broadcast_in_dim3A_41 = arith.constant 1.000000e+00 : f32
    %broadcast_in_dim3A_42 = vector.broadcast %broadcast_in_dim3A_41 : f32 to vector<16xf32>
    %swap3A_43 = arith.constant 112 : index
    %swap3A_44 = tpu.vector_load %arg6[%swap3A_43] {strides = array<i32>} : memref<128xf32, #tpu.memory_space<vmem>>, vector<16xf32>,
    %swap3A_45 = vector.shape_cast %swap3A_44 : vector<16xf32> to vector<16xf32>
    %swap3A_46 = vector.shape_cast %broadcast_in_dim3A_42 : vector<16xf32> to vector<16xf32>
    tpu.vector_store %arg6[%swap3A_43], %swap3A_46 {strides = array<i32>} : memref<128xf32, #tpu.memory_space<vmem>>, vector<16xf32>,
    %mul3A_47 = arith.constant 640 : i32
    %mul3A_48 = arith.muli %arg1, %mul3A_47 : i32
    %mul3A_49 = arith.constant 640 : i32
    %mul3A_50 = arith.muli %arg1, %mul3A_49 : i32
    "tpu.region"() ({
      %run_scoped3A = tpu.sem_alloc : memref<!tpu.dma_semaphore, #tpu.memory_space<semaphore_mem>>
      %dma_start3A_155 = tpu.memref_slice %arg7[%mul3A_50] : memref<10240xf32, #tpu.memory_space<vmem_shared>> -> memref<640xf32, #tpu.memory_space<vmem_shared>>
      %dma_start3A_156 = tpu.memref_slice %arg3[%mul3A_48] : memref<10240xf32, #tpu.memory_space<hbm>> -> memref<640xf32, #tpu.memory_space<hbm>>
      tpu.enqueue_dma source(%dma_start3A_156 : memref<640xf32, #tpu.memory_space<hbm>>) target(%dma_start3A_155 : memref<640xf32, #tpu.memory_space<vmem_shared>>) target_semaphore(%run_scoped3A : memref<!tpu.dma_semaphore, #tpu.memory_space<semaphore_mem>>)
      %dma_wait3A_157 = tpu.memref_slice %arg7[%mul3A_50] : memref<10240xf32, #tpu.memory_space<vmem_shared>> -> memref<640xf32, #tpu.memory_space<vmem_shared>>
      %dma_wait3A_158 = tpu.memref_slice %arg3[%mul3A_48] : memref<10240xf32, #tpu.memory_space<hbm>> -> memref<640xf32, #tpu.memory_space<hbm>>
      tpu.wait_dma2 semaphore(%run_scoped3A : memref<!tpu.dma_semaphore, #tpu.memory_space<semaphore_mem>>) src(%dma_wait3A_158 : memref<640xf32, #tpu.memory_space<hbm>>) dst(%dma_wait3A_157 : memref<640xf32, #tpu.memory_space<vmem_shared>>)
      tpu.yield
    }) : () -> ()
    %barrier3A = arith.constant 0 : index
    tpu.barrier barrier_id(%barrier3A)
    %dma_start3A = arith.constant 0 : i32
    %dma_start3A_51 = arith.constant 0 : i32
    %dma_start3A_52 = tpu.memref_slice %arg5[%dma_start3A, %dma_start3A_51] : memref<80x128xi32, #tpu.memory_space<vmem>> -> memref<1x128xi32, #tpu.memory_space<vmem>>
    %dma_start3A_53 = tpu.memref_squeeze %dma_start3A_52 : memref<1x128xi32, #tpu.memory_space<vmem>> -> memref<128xi32, #tpu.memory_space<vmem>>
    %dma_start3A_54 = arith.constant 0 : i32
    %dma_start3A_55 = tpu.memref_slice %arg7[%dma_start3A_54] : memref<10240xf32, #tpu.memory_space<vmem_shared>> -> memref<10240xf32, #tpu.memory_space<vmem_shared>>
    tpu.enqueue_indirect_dma source(%arg6 : memref<128xf32, #tpu.memory_space<vmem>>) target(%dma_start3A_55 : memref<10240xf32, #tpu.memory_space<vmem_shared>>) offsets(%dma_start3A_53 : memref<128xi32, #tpu.memory_space<vmem>>) semaphore(%arg8 : memref<!tpu.dma_semaphore, #tpu.memory_space<semaphore_mem>>) {add = true}
    %dma_start3A_56 = arith.constant 1 : i32
    %dma_start3A_57 = arith.constant 0 : i32
    %dma_start3A_58 = tpu.memref_slice %arg5[%dma_start3A_56, %dma_start3A_57] : memref<80x128xi32, #tpu.memory_space<vmem>> -> memref<1x128xi32, #tpu.memory_space<vmem>>
    %dma_start3A_59 = tpu.memref_squeeze %dma_start3A_58 : memref<1x128xi32, #tpu.memory_space<vmem>> -> memref<128xi32, #tpu.memory_space<vmem>>
    %dma_start3A_60 = arith.constant 0 : i32
    %dma_start3A_61 = tpu.memref_slice %arg7[%dma_start3A_60] : memref<10240xf32, #tpu.memory_space<vmem_shared>> -> memref<10240xf32, #tpu.memory_space<vmem_shared>>
    tpu.enqueue_indirect_dma source(%arg6 : memref<128xf32, #tpu.memory_space<vmem>>) target(%dma_start3A_61 : memref<10240xf32, #tpu.memory_space<vmem_shared>>) offsets(%dma_start3A_59 : memref<128xi32, #tpu.memory_space<vmem>>) semaphore(%arg9 : memref<!tpu.dma_semaphore, #tpu.memory_space<semaphore_mem>>) {add = true}
    %dma_start3A_62 = arith.constant 2 : i32
    %dma_start3A_63 = arith.constant 0 : i32
    %dma_start3A_64 = tpu.memref_slice %arg5[%dma_start3A_62, %dma_start3A_63] : memref<80x128xi32, #tpu.memory_space<vmem>> -> memref<1x128xi32, #tpu.memory_space<vmem>>
    %dma_start3A_65 = tpu.memref_squeeze %dma_start3A_64 : memref<1x128xi32, #tpu.memory_space<vmem>> -> memref<128xi32, #tpu.memory_space<vmem>>
    %dma_start3A_66 = arith.constant 0 : i32
    %dma_start3A_67 = tpu.memref_slice %arg7[%dma_start3A_66] : memref<10240xf32, #tpu.memory_space<vmem_shared>> -> memref<10240xf32, #tpu.memory_space<vmem_shared>>
    tpu.enqueue_indirect_dma source(%arg6 : memref<128xf32, #tpu.memory_space<vmem>>) target(%dma_start3A_67 : memref<10240xf32, #tpu.memory_space<vmem_shared>>) offsets(%dma_start3A_65 : memref<128xi32, #tpu.memory_space<vmem>>) semaphore(%arg10 : memref<!tpu.dma_semaphore, #tpu.memory_space<semaphore_mem>>) {add = true}
    %dma_start3A_68 = arith.constant 3 : i32
    %dma_start3A_69 = arith.constant 0 : i32
    %dma_start3A_70 = tpu.memref_slice %arg5[%dma_start3A_68, %dma_start3A_69] : memref<80x128xi32, #tpu.memory_space<vmem>> -> memref<1x128xi32, #tpu.memory_space<vmem>>
    %dma_start3A_71 = tpu.memref_squeeze %dma_start3A_70 : memref<1x128xi32, #tpu.memory_space<vmem>> -> memref<128xi32, #tpu.memory_space<vmem>>
    %dma_start3A_72 = arith.constant 0 : i32
    %dma_start3A_73 = tpu.memref_slice %arg7[%dma_start3A_72] : memref<10240xf32, #tpu.memory_space<vmem_shared>> -> memref<10240xf32, #tpu.memory_space<vmem_shared>>
    tpu.enqueue_indirect_dma source(%arg6 : memref<128xf32, #tpu.memory_space<vmem>>) target(%dma_start3A_73 : memref<10240xf32, #tpu.memory_space<vmem_shared>>) offsets(%dma_start3A_71 : memref<128xi32, #tpu.memory_space<vmem>>) semaphore(%arg11 : memref<!tpu.dma_semaphore, #tpu.memory_space<semaphore_mem>>) {add = true}
    %dma_start3A_74 = arith.constant 4 : i32
    %dma_start3A_75 = arith.constant 0 : i32
    %dma_start3A_76 = tpu.memref_slice %arg5[%dma_start3A_74, %dma_start3A_75] : memref<80x128xi32, #tpu.memory_space<vmem>> -> memref<1x128xi32, #tpu.memory_space<vmem>>
    %dma_start3A_77 = tpu.memref_squeeze %dma_start3A_76 : memref<1x128xi32, #tpu.memory_space<vmem>> -> memref<128xi32, #tpu.memory_space<vmem>>
    %dma_start3A_78 = arith.constant 0 : i32
    %dma_start3A_79 = tpu.memref_slice %arg7[%dma_start3A_78] : memref<10240xf32, #tpu.memory_space<vmem_shared>> -> memref<10240xf32, #tpu.memory_space<vmem_shared>>
    tpu.enqueue_indirect_dma source(%arg6 : memref<128xf32, #tpu.memory_space<vmem>>) target(%dma_start3A_79 : memref<10240xf32, #tpu.memory_space<vmem_shared>>) offsets(%dma_start3A_77 : memref<128xi32, #tpu.memory_space<vmem>>) semaphore(%arg12 : memref<!tpu.dma_semaphore, #tpu.memory_space<semaphore_mem>>) {add = true}
    %dma_start3A_80 = arith.constant 5 : i32
    %dma_start3A_81 = arith.constant 0 : i32
    %dma_start3A_82 = tpu.memref_slice %arg5[%dma_start3A_80, %dma_start3A_81] : memref<80x128xi32, #tpu.memory_space<vmem>> -> memref<1x128xi32, #tpu.memory_space<vmem>>
    %dma_start3A_83 = tpu.memref_squeeze %dma_start3A_82 : memref<1x128xi32, #tpu.memory_space<vmem>> -> memref<128xi32, #tpu.memory_space<vmem>>
    %dma_start3A_84 = arith.constant 0 : i32
    %dma_start3A_85 = tpu.memref_slice %arg7[%dma_start3A_84] : memref<10240xf32, #tpu.memory_space<vmem_shared>> -> memref<10240xf32, #tpu.memory_space<vmem_shared>>
    tpu.enqueue_indirect_dma source(%arg6 : memref<128xf32, #tpu.memory_space<vmem>>) target(%dma_start3A_85 : memref<10240xf32, #tpu.memory_space<vmem_shared>>) offsets(%dma_start3A_83 : memref<128xi32, #tpu.memory_space<vmem>>) semaphore(%arg13 : memref<!tpu.dma_semaphore, #tpu.memory_space<semaphore_mem>>) {add = true}
    %dma_start3A_86 = arith.constant 6 : i32
    %dma_start3A_87 = arith.constant 0 : i32
    %dma_start3A_88 = tpu.memref_slice %arg5[%dma_start3A_86, %dma_start3A_87] : memref<80x128xi32, #tpu.memory_space<vmem>> -> memref<1x128xi32, #tpu.memory_space<vmem>>
    %dma_start3A_89 = tpu.memref_squeeze %dma_start3A_88 : memref<1x128xi32, #tpu.memory_space<vmem>> -> memref<128xi32, #tpu.memory_space<vmem>>
    %dma_start3A_90 = arith.constant 0 : i32
    %dma_start3A_91 = tpu.memref_slice %arg7[%dma_start3A_90] : memref<10240xf32, #tpu.memory_space<vmem_shared>> -> memref<10240xf32, #tpu.memory_space<vmem_shared>>
    tpu.enqueue_indirect_dma source(%arg6 : memref<128xf32, #tpu.memory_space<vmem>>) target(%dma_start3A_91 : memref<10240xf32, #tpu.memory_space<vmem_shared>>) offsets(%dma_start3A_89 : memref<128xi32, #tpu.memory_space<vmem>>) semaphore(%arg14 : memref<!tpu.dma_semaphore, #tpu.memory_space<semaphore_mem>>) {add = true}
    %dma_start3A_92 = arith.constant 7 : i32
    %dma_start3A_93 = arith.constant 0 : i32
    %dma_start3A_94 = tpu.memref_slice %arg5[%dma_start3A_92, %dma_start3A_93] : memref<80x128xi32, #tpu.memory_space<vmem>> -> memref<1x128xi32, #tpu.memory_space<vmem>>
    %dma_start3A_95 = tpu.memref_squeeze %dma_start3A_94 : memref<1x128xi32, #tpu.memory_space<vmem>> -> memref<128xi32, #tpu.memory_space<vmem>>
    %dma_start3A_96 = arith.constant 0 : i32
    %dma_start3A_97 = tpu.memref_slice %arg7[%dma_start3A_96] : memref<10240xf32, #tpu.memory_space<vmem_shared>> -> memref<10240xf32, #tpu.memory_space<vmem_shared>>
    tpu.enqueue_indirect_dma source(%arg6 : memref<128xf32, #tpu.memory_space<vmem>>) target(%dma_start3A_97 : memref<10240xf32, #tpu.memory_space<vmem_shared>>) offsets(%dma_start3A_95 : memref<128xi32, #tpu.memory_space<vmem>>) semaphore(%arg15 : memref<!tpu.dma_semaphore, #tpu.memory_space<semaphore_mem>>) {add = true}
    %scan3A = arith.constant 0 : i32
    %scan3A_98 = arith.constant 0 : i32
    %scan3A_99 = arith.constant 9 : i32
    %scan3A_100 = arith.addi %scan3A_98, %scan3A_99 : i32
    %scan3A_101 = arith.constant 1 : i32
    scf.for %scan3A_155 = %scan3A_98 to %scan3A_100 step %scan3A_101  : i32 {
      %mul3A_156 = arith.constant 8 : i32
      %mul3A_157 = arith.muli %mul3A_156, %scan3A_155 : i32
      %dma_wait3A_158 = arith.constant 0 : i32
      %dma_wait3A_159 = arith.constant 0 : i32
      %dma_wait3A_160 = tpu.memref_slice %arg5[%dma_wait3A_158, %dma_wait3A_159] : memref<80x128xi32, #tpu.memory_space<vmem>> -> memref<1x128xi32, #tpu.memory_space<vmem>>
      %dma_wait3A_161 = tpu.memref_squeeze %dma_wait3A_160 : memref<1x128xi32, #tpu.memory_space<vmem>> -> memref<128xi32, #tpu.memory_space<vmem>>
      %dma_wait3A_162 = arith.constant 0 : i32
      %dma_wait3A_163 = tpu.memref_slice %arg7[%dma_wait3A_162] : memref<10240xf32, #tpu.memory_space<vmem_shared>> -> memref<10240xf32, #tpu.memory_space<vmem_shared>>
      tpu.wait_indirect_dma semaphore(%arg8 : memref<!tpu.dma_semaphore, #tpu.memory_space<semaphore_mem>>) src(%arg6 : memref<128xf32, #tpu.memory_space<vmem>>) dst(%dma_wait3A_163 : memref<10240xf32, #tpu.memory_space<vmem_shared>>)
      %add3A_164 = arith.constant 8 : i32
      %add3A_165 = arith.addi %mul3A_157, %add3A_164 : i32
      %add3A_166 = arith.constant 0 : i32
      %add3A_167 = arith.addi %add3A_165, %add3A_166 : i32
      %dma_start3A_168 = arith.constant 0 : i32
      %dma_start3A_169 = tpu.memref_slice %arg5[%add3A_167, %dma_start3A_168] : memref<80x128xi32, #tpu.memory_space<vmem>> -> memref<1x128xi32, #tpu.memory_space<vmem>>
      %dma_start3A_170 = tpu.memref_squeeze %dma_start3A_169 : memref<1x128xi32, #tpu.memory_space<vmem>> -> memref<128xi32, #tpu.memory_space<vmem>>
      %dma_start3A_171 = arith.constant 0 : i32
      %dma_start3A_172 = tpu.memref_slice %arg7[%dma_start3A_171] : memref<10240xf32, #tpu.memory_space<vmem_shared>> -> memref<10240xf32, #tpu.memory_space<vmem_shared>>
      tpu.enqueue_indirect_dma source(%arg6 : memref<128xf32, #tpu.memory_space<vmem>>) target(%dma_start3A_172 : memref<10240xf32, #tpu.memory_space<vmem_shared>>) offsets(%dma_start3A_170 : memref<128xi32, #tpu.memory_space<vmem>>) semaphore(%arg8 : memref<!tpu.dma_semaphore, #tpu.memory_space<semaphore_mem>>) {add = true}
      %dma_wait3A_173 = arith.constant 0 : i32
      %dma_wait3A_174 = arith.constant 0 : i32
      %dma_wait3A_175 = tpu.memref_slice %arg5[%dma_wait3A_173, %dma_wait3A_174] : memref<80x128xi32, #tpu.memory_space<vmem>> -> memref<1x128xi32, #tpu.memory_space<vmem>>
      %dma_wait3A_176 = tpu.memref_squeeze %dma_wait3A_175 : memref<1x128xi32, #tpu.memory_space<vmem>> -> memref<128xi32, #tpu.memory_space<vmem>>
      %dma_wait3A_177 = arith.constant 0 : i32
      %dma_wait3A_178 = tpu.memref_slice %arg7[%dma_wait3A_177] : memref<10240xf32, #tpu.memory_space<vmem_shared>> -> memref<10240xf32, #tpu.memory_space<vmem_shared>>
      tpu.wait_indirect_dma semaphore(%arg9 : memref<!tpu.dma_semaphore, #tpu.memory_space<semaphore_mem>>) src(%arg6 : memref<128xf32, #tpu.memory_space<vmem>>) dst(%dma_wait3A_178 : memref<10240xf32, #tpu.memory_space<vmem_shared>>)
      %add3A_179 = arith.constant 8 : i32
      %add3A_180 = arith.addi %mul3A_157, %add3A_179 : i32
      %add3A_181 = arith.constant 1 : i32
      %add3A_182 = arith.addi %add3A_180, %add3A_181 : i32
      %dma_start3A_183 = arith.constant 0 : i32
      %dma_start3A_184 = tpu.memref_slice %arg5[%add3A_182, %dma_start3A_183] : memref<80x128xi32, #tpu.memory_space<vmem>> -> memref<1x128xi32, #tpu.memory_space<vmem>>
      %dma_start3A_185 = tpu.memref_squeeze %dma_start3A_184 : memref<1x128xi32, #tpu.memory_space<vmem>> -> memref<128xi32, #tpu.memory_space<vmem>>
      %dma_start3A_186 = arith.constant 0 : i32
      %dma_start3A_187 = tpu.memref_slice %arg7[%dma_start3A_186] : memref<10240xf32, #tpu.memory_space<vmem_shared>> -> memref<10240xf32, #tpu.memory_space<vmem_shared>>
      tpu.enqueue_indirect_dma source(%arg6 : memref<128xf32, #tpu.memory_space<vmem>>) target(%dma_start3A_187 : memref<10240xf32, #tpu.memory_space<vmem_shared>>) offsets(%dma_start3A_185 : memref<128xi32, #tpu.memory_space<vmem>>) semaphore(%arg9 : memref<!tpu.dma_semaphore, #tpu.memory_space<semaphore_mem>>) {add = true}
      %dma_wait3A_188 = arith.constant 0 : i32
      %dma_wait3A_189 = arith.constant 0 : i32
      %dma_wait3A_190 = tpu.memref_slice %arg5[%dma_wait3A_188, %dma_wait3A_189] : memref<80x128xi32, #tpu.memory_space<vmem>> -> memref<1x128xi32, #tpu.memory_space<vmem>>
      %dma_wait3A_191 = tpu.memref_squeeze %dma_wait3A_190 : memref<1x128xi32, #tpu.memory_space<vmem>> -> memref<128xi32, #tpu.memory_space<vmem>>
      %dma_wait3A_192 = arith.constant 0 : i32
      %dma_wait3A_193 = tpu.memref_slice %arg7[%dma_wait3A_192] : memref<10240xf32, #tpu.memory_space<vmem_shared>> -> memref<10240xf32, #tpu.memory_space<vmem_shared>>
      tpu.wait_indirect_dma semaphore(%arg10 : memref<!tpu.dma_semaphore, #tpu.memory_space<semaphore_mem>>) src(%arg6 : memref<128xf32, #tpu.memory_space<vmem>>) dst(%dma_wait3A_193 : memref<10240xf32, #tpu.memory_space<vmem_shared>>)
      %add3A_194 = arith.constant 8 : i32
      %add3A_195 = arith.addi %mul3A_157, %add3A_194 : i32
      %add3A_196 = arith.constant 2 : i32
      %add3A_197 = arith.addi %add3A_195, %add3A_196 : i32
      %dma_start3A_198 = arith.constant 0 : i32
      %dma_start3A_199 = tpu.memref_slice %arg5[%add3A_197, %dma_start3A_198] : memref<80x128xi32, #tpu.memory_space<vmem>> -> memref<1x128xi32, #tpu.memory_space<vmem>>
      %dma_start3A_200 = tpu.memref_squeeze %dma_start3A_199 : memref<1x128xi32, #tpu.memory_space<vmem>> -> memref<128xi32, #tpu.memory_space<vmem>>
      %dma_start3A_201 = arith.constant 0 : i32
      %dma_start3A_202 = tpu.memref_slice %arg7[%dma_start3A_201] : memref<10240xf32, #tpu.memory_space<vmem_shared>> -> memref<10240xf32, #tpu.memory_space<vmem_shared>>
      tpu.enqueue_indirect_dma source(%arg6 : memref<128xf32, #tpu.memory_space<vmem>>) target(%dma_start3A_202 : memref<10240xf32, #tpu.memory_space<vmem_shared>>) offsets(%dma_start3A_200 : memref<128xi32, #tpu.memory_space<vmem>>) semaphore(%arg10 : memref<!tpu.dma_semaphore, #tpu.memory_space<semaphore_mem>>) {add = true}
      %dma_wait3A_203 = arith.constant 0 : i32
      %dma_wait3A_204 = arith.constant 0 : i32
      %dma_wait3A_205 = tpu.memref_slice %arg5[%dma_wait3A_203, %dma_wait3A_204] : memref<80x128xi32, #tpu.memory_space<vmem>> -> memref<1x128xi32, #tpu.memory_space<vmem>>
      %dma_wait3A_206 = tpu.memref_squeeze %dma_wait3A_205 : memref<1x128xi32, #tpu.memory_space<vmem>> -> memref<128xi32, #tpu.memory_space<vmem>>
      %dma_wait3A_207 = arith.constant 0 : i32
      %dma_wait3A_208 = tpu.memref_slice %arg7[%dma_wait3A_207] : memref<10240xf32, #tpu.memory_space<vmem_shared>> -> memref<10240xf32, #tpu.memory_space<vmem_shared>>
      tpu.wait_indirect_dma semaphore(%arg11 : memref<!tpu.dma_semaphore, #tpu.memory_space<semaphore_mem>>) src(%arg6 : memref<128xf32, #tpu.memory_space<vmem>>) dst(%dma_wait3A_208 : memref<10240xf32, #tpu.memory_space<vmem_shared>>)
      %add3A_209 = arith.constant 8 : i32
      %add3A_210 = arith.addi %mul3A_157, %add3A_209 : i32
      %add3A_211 = arith.constant 3 : i32
      %add3A_212 = arith.addi %add3A_210, %add3A_211 : i32
      %dma_start3A_213 = arith.constant 0 : i32
      %dma_start3A_214 = tpu.memref_slice %arg5[%add3A_212, %dma_start3A_213] : memref<80x128xi32, #tpu.memory_space<vmem>> -> memref<1x128xi32, #tpu.memory_space<vmem>>
      %dma_start3A_215 = tpu.memref_squeeze %dma_start3A_214 : memref<1x128xi32, #tpu.memory_space<vmem>> -> memref<128xi32, #tpu.memory_space<vmem>>
      %dma_start3A_216 = arith.constant 0 : i32
      %dma_start3A_217 = tpu.memref_slice %arg7[%dma_start3A_216] : memref<10240xf32, #tpu.memory_space<vmem_shared>> -> memref<10240xf32, #tpu.memory_space<vmem_shared>>
      tpu.enqueue_indirect_dma source(%arg6 : memref<128xf32, #tpu.memory_space<vmem>>) target(%dma_start3A_217 : memref<10240xf32, #tpu.memory_space<vmem_shared>>) offsets(%dma_start3A_215 : memref<128xi32, #tpu.memory_space<vmem>>) semaphore(%arg11 : memref<!tpu.dma_semaphore, #tpu.memory_space<semaphore_mem>>) {add = true}
      %dma_wait3A_218 = arith.constant 0 : i32
      %dma_wait3A_219 = arith.constant 0 : i32
      %dma_wait3A_220 = tpu.memref_slice %arg5[%dma_wait3A_218, %dma_wait3A_219] : memref<80x128xi32, #tpu.memory_space<vmem>> -> memref<1x128xi32, #tpu.memory_space<vmem>>
      %dma_wait3A_221 = tpu.memref_squeeze %dma_wait3A_220 : memref<1x128xi32, #tpu.memory_space<vmem>> -> memref<128xi32, #tpu.memory_space<vmem>>
      %dma_wait3A_222 = arith.constant 0 : i32
      %dma_wait3A_223 = tpu.memref_slice %arg7[%dma_wait3A_222] : memref<10240xf32, #tpu.memory_space<vmem_shared>> -> memref<10240xf32, #tpu.memory_space<vmem_shared>>
      tpu.wait_indirect_dma semaphore(%arg12 : memref<!tpu.dma_semaphore, #tpu.memory_space<semaphore_mem>>) src(%arg6 : memref<128xf32, #tpu.memory_space<vmem>>) dst(%dma_wait3A_223 : memref<10240xf32, #tpu.memory_space<vmem_shared>>)
      %add3A_224 = arith.constant 8 : i32
      %add3A_225 = arith.addi %mul3A_157, %add3A_224 : i32
      %add3A_226 = arith.constant 4 : i32
      %add3A_227 = arith.addi %add3A_225, %add3A_226 : i32
      %dma_start3A_228 = arith.constant 0 : i32
      %dma_start3A_229 = tpu.memref_slice %arg5[%add3A_227, %dma_start3A_228] : memref<80x128xi32, #tpu.memory_space<vmem>> -> memref<1x128xi32, #tpu.memory_space<vmem>>
      %dma_start3A_230 = tpu.memref_squeeze %dma_start3A_229 : memref<1x128xi32, #tpu.memory_space<vmem>> -> memref<128xi32, #tpu.memory_space<vmem>>
      %dma_start3A_231 = arith.constant 0 : i32
      %dma_start3A_232 = tpu.memref_slice %arg7[%dma_start3A_231] : memref<10240xf32, #tpu.memory_space<vmem_shared>> -> memref<10240xf32, #tpu.memory_space<vmem_shared>>
      tpu.enqueue_indirect_dma source(%arg6 : memref<128xf32, #tpu.memory_space<vmem>>) target(%dma_start3A_232 : memref<10240xf32, #tpu.memory_space<vmem_shared>>) offsets(%dma_start3A_230 : memref<128xi32, #tpu.memory_space<vmem>>) semaphore(%arg12 : memref<!tpu.dma_semaphore, #tpu.memory_space<semaphore_mem>>) {add = true}
      %dma_wait3A_233 = arith.constant 0 : i32
      %dma_wait3A_234 = arith.constant 0 : i32
      %dma_wait3A_235 = tpu.memref_slice %arg5[%dma_wait3A_233, %dma_wait3A_234] : memref<80x128xi32, #tpu.memory_space<vmem>> -> memref<1x128xi32, #tpu.memory_space<vmem>>
      %dma_wait3A_236 = tpu.memref_squeeze %dma_wait3A_235 : memref<1x128xi32, #tpu.memory_space<vmem>> -> memref<128xi32, #tpu.memory_space<vmem>>
      %dma_wait3A_237 = arith.constant 0 : i32
      %dma_wait3A_238 = tpu.memref_slice %arg7[%dma_wait3A_237] : memref<10240xf32, #tpu.memory_space<vmem_shared>> -> memref<10240xf32, #tpu.memory_space<vmem_shared>>
      tpu.wait_indirect_dma semaphore(%arg13 : memref<!tpu.dma_semaphore, #tpu.memory_space<semaphore_mem>>) src(%arg6 : memref<128xf32, #tpu.memory_space<vmem>>) dst(%dma_wait3A_238 : memref<10240xf32, #tpu.memory_space<vmem_shared>>)
      %add3A_239 = arith.constant 8 : i32
      %add3A_240 = arith.addi %mul3A_157, %add3A_239 : i32
      %add3A_241 = arith.constant 5 : i32
      %add3A_242 = arith.addi %add3A_240, %add3A_241 : i32
      %dma_start3A_243 = arith.constant 0 : i32
      %dma_start3A_244 = tpu.memref_slice %arg5[%add3A_242, %dma_start3A_243] : memref<80x128xi32, #tpu.memory_space<vmem>> -> memref<1x128xi32, #tpu.memory_space<vmem>>
      %dma_start3A_245 = tpu.memref_squeeze %dma_start3A_244 : memref<1x128xi32, #tpu.memory_space<vmem>> -> memref<128xi32, #tpu.memory_space<vmem>>
      %dma_start3A_246 = arith.constant 0 : i32
      %dma_start3A_247 = tpu.memref_slice %arg7[%dma_start3A_246] : memref<10240xf32, #tpu.memory_space<vmem_shared>> -> memref<10240xf32, #tpu.memory_space<vmem_shared>>
      tpu.enqueue_indirect_dma source(%arg6 : memref<128xf32, #tpu.memory_space<vmem>>) target(%dma_start3A_247 : memref<10240xf32, #tpu.memory_space<vmem_shared>>) offsets(%dma_start3A_245 : memref<128xi32, #tpu.memory_space<vmem>>) semaphore(%arg13 : memref<!tpu.dma_semaphore, #tpu.memory_space<semaphore_mem>>) {add = true}
      %dma_wait3A_248 = arith.constant 0 : i32
      %dma_wait3A_249 = arith.constant 0 : i32
      %dma_wait3A_250 = tpu.memref_slice %arg5[%dma_wait3A_248, %dma_wait3A_249] : memref<80x128xi32, #tpu.memory_space<vmem>> -> memref<1x128xi32, #tpu.memory_space<vmem>>
      %dma_wait3A_251 = tpu.memref_squeeze %dma_wait3A_250 : memref<1x128xi32, #tpu.memory_space<vmem>> -> memref<128xi32, #tpu.memory_space<vmem>>
      %dma_wait3A_252 = arith.constant 0 : i32
      %dma_wait3A_253 = tpu.memref_slice %arg7[%dma_wait3A_252] : memref<10240xf32, #tpu.memory_space<vmem_shared>> -> memref<10240xf32, #tpu.memory_space<vmem_shared>>
      tpu.wait_indirect_dma semaphore(%arg14 : memref<!tpu.dma_semaphore, #tpu.memory_space<semaphore_mem>>) src(%arg6 : memref<128xf32, #tpu.memory_space<vmem>>) dst(%dma_wait3A_253 : memref<10240xf32, #tpu.memory_space<vmem_shared>>)
      %add3A_254 = arith.constant 8 : i32
      %add3A_255 = arith.addi %mul3A_157, %add3A_254 : i32
      %add3A_256 = arith.constant 6 : i32
      %add3A_257 = arith.addi %add3A_255, %add3A_256 : i32
      %dma_start3A_258 = arith.constant 0 : i32
      %dma_start3A_259 = tpu.memref_slice %arg5[%add3A_257, %dma_start3A_258] : memref<80x128xi32, #tpu.memory_space<vmem>> -> memref<1x128xi32, #tpu.memory_space<vmem>>
      %dma_start3A_260 = tpu.memref_squeeze %dma_start3A_259 : memref<1x128xi32, #tpu.memory_space<vmem>> -> memref<128xi32, #tpu.memory_space<vmem>>
      %dma_start3A_261 = arith.constant 0 : i32
      %dma_start3A_262 = tpu.memref_slice %arg7[%dma_start3A_261] : memref<10240xf32, #tpu.memory_space<vmem_shared>> -> memref<10240xf32, #tpu.memory_space<vmem_shared>>
      tpu.enqueue_indirect_dma source(%arg6 : memref<128xf32, #tpu.memory_space<vmem>>) target(%dma_start3A_262 : memref<10240xf32, #tpu.memory_space<vmem_shared>>) offsets(%dma_start3A_260 : memref<128xi32, #tpu.memory_space<vmem>>) semaphore(%arg14 : memref<!tpu.dma_semaphore, #tpu.memory_space<semaphore_mem>>) {add = true}
      %dma_wait3A_263 = arith.constant 0 : i32
      %dma_wait3A_264 = arith.constant 0 : i32
      %dma_wait3A_265 = tpu.memref_slice %arg5[%dma_wait3A_263, %dma_wait3A_264] : memref<80x128xi32, #tpu.memory_space<vmem>> -> memref<1x128xi32, #tpu.memory_space<vmem>>
      %dma_wait3A_266 = tpu.memref_squeeze %dma_wait3A_265 : memref<1x128xi32, #tpu.memory_space<vmem>> -> memref<128xi32, #tpu.memory_space<vmem>>
      %dma_wait3A_267 = arith.constant 0 : i32
      %dma_wait3A_268 = tpu.memref_slice %arg7[%dma_wait3A_267] : memref<10240xf32, #tpu.memory_space<vmem_shared>> -> memref<10240xf32, #tpu.memory_space<vmem_shared>>
      tpu.wait_indirect_dma semaphore(%arg15 : memref<!tpu.dma_semaphore, #tpu.memory_space<semaphore_mem>>) src(%arg6 : memref<128xf32, #tpu.memory_space<vmem>>) dst(%dma_wait3A_268 : memref<10240xf32, #tpu.memory_space<vmem_shared>>)
      %add3A_269 = arith.constant 8 : i32
      %add3A_270 = arith.addi %mul3A_157, %add3A_269 : i32
      %add3A_271 = arith.constant 7 : i32
      %add3A_272 = arith.addi %add3A_270, %add3A_271 : i32
      %dma_start3A_273 = arith.constant 0 : i32
      %dma_start3A_274 = tpu.memref_slice %arg5[%add3A_272, %dma_start3A_273] : memref<80x128xi32, #tpu.memory_space<vmem>> -> memref<1x128xi32, #tpu.memory_space<vmem>>
      %dma_start3A_275 = tpu.memref_squeeze %dma_start3A_274 : memref<1x128xi32, #tpu.memory_space<vmem>> -> memref<128xi32, #tpu.memory_space<vmem>>
      %dma_start3A_276 = arith.constant 0 : i32
      %dma_start3A_277 = tpu.memref_slice %arg7[%dma_start3A_276] : memref<10240xf32, #tpu.memory_space<vmem_shared>> -> memref<10240xf32, #tpu.memory_space<vmem_shared>>
      tpu.enqueue_indirect_dma source(%arg6 : memref<128xf32, #tpu.memory_space<vmem>>) target(%dma_start3A_277 : memref<10240xf32, #tpu.memory_space<vmem_shared>>) offsets(%dma_start3A_275 : memref<128xi32, #tpu.memory_space<vmem>>) semaphore(%arg15 : memref<!tpu.dma_semaphore, #tpu.memory_space<semaphore_mem>>) {add = true}
    }
    %scan3A_102 = arith.constant 9 : i32
    %dma_wait3A = arith.constant 0 : i32
    %dma_wait3A_103 = arith.constant 0 : i32
    %dma_wait3A_104 = tpu.memref_slice %arg5[%dma_wait3A, %dma_wait3A_103] : memref<80x128xi32, #tpu.memory_space<vmem>> -> memref<1x128xi32, #tpu.memory_space<vmem>>
    %dma_wait3A_105 = tpu.memref_squeeze %dma_wait3A_104 : memref<1x128xi32, #tpu.memory_space<vmem>> -> memref<128xi32, #tpu.memory_space<vmem>>
    %dma_wait3A_106 = arith.constant 0 : i32
    %dma_wait3A_107 = tpu.memref_slice %arg7[%dma_wait3A_106] : memref<10240xf32, #tpu.memory_space<vmem_shared>> -> memref<10240xf32, #tpu.memory_space<vmem_shared>>
    tpu.wait_indirect_dma semaphore(%arg8 : memref<!tpu.dma_semaphore, #tpu.memory_space<semaphore_mem>>) src(%arg6 : memref<128xf32, #tpu.memory_space<vmem>>) dst(%dma_wait3A_107 : memref<10240xf32, #tpu.memory_space<vmem_shared>>)
    %dma_wait3A_108 = arith.constant 0 : i32
    %dma_wait3A_109 = arith.constant 0 : i32
    %dma_wait3A_110 = tpu.memref_slice %arg5[%dma_wait3A_108, %dma_wait3A_109] : memref<80x128xi32, #tpu.memory_space<vmem>> -> memref<1x128xi32, #tpu.memory_space<vmem>>
    %dma_wait3A_111 = tpu.memref_squeeze %dma_wait3A_110 : memref<1x128xi32, #tpu.memory_space<vmem>> -> memref<128xi32, #tpu.memory_space<vmem>>
    %dma_wait3A_112 = arith.constant 0 : i32
    %dma_wait3A_113 = tpu.memref_slice %arg7[%dma_wait3A_112] : memref<10240xf32, #tpu.memory_space<vmem_shared>> -> memref<10240xf32, #tpu.memory_space<vmem_shared>>
    tpu.wait_indirect_dma semaphore(%arg9 : memref<!tpu.dma_semaphore, #tpu.memory_space<semaphore_mem>>) src(%arg6 : memref<128xf32, #tpu.memory_space<vmem>>) dst(%dma_wait3A_113 : memref<10240xf32, #tpu.memory_space<vmem_shared>>)
    %dma_wait3A_114 = arith.constant 0 : i32
    %dma_wait3A_115 = arith.constant 0 : i32
    %dma_wait3A_116 = tpu.memref_slice %arg5[%dma_wait3A_114, %dma_wait3A_115] : memref<80x128xi32, #tpu.memory_space<vmem>> -> memref<1x128xi32, #tpu.memory_space<vmem>>
    %dma_wait3A_117 = tpu.memref_squeeze %dma_wait3A_116 : memref<1x128xi32, #tpu.memory_space<vmem>> -> memref<128xi32, #tpu.memory_space<vmem>>
    %dma_wait3A_118 = arith.constant 0 : i32
    %dma_wait3A_119 = tpu.memref_slice %arg7[%dma_wait3A_118] : memref<10240xf32, #tpu.memory_space<vmem_shared>> -> memref<10240xf32, #tpu.memory_space<vmem_shared>>
    tpu.wait_indirect_dma semaphore(%arg10 : memref<!tpu.dma_semaphore, #tpu.memory_space<semaphore_mem>>) src(%arg6 : memref<128xf32, #tpu.memory_space<vmem>>) dst(%dma_wait3A_119 : memref<10240xf32, #tpu.memory_space<vmem_shared>>)
    %dma_wait3A_120 = arith.constant 0 : i32
    %dma_wait3A_121 = arith.constant 0 : i32
    %dma_wait3A_122 = tpu.memref_slice %arg5[%dma_wait3A_120, %dma_wait3A_121] : memref<80x128xi32, #tpu.memory_space<vmem>> -> memref<1x128xi32, #tpu.memory_space<vmem>>
    %dma_wait3A_123 = tpu.memref_squeeze %dma_wait3A_122 : memref<1x128xi32, #tpu.memory_space<vmem>> -> memref<128xi32, #tpu.memory_space<vmem>>
    %dma_wait3A_124 = arith.constant 0 : i32
    %dma_wait3A_125 = tpu.memref_slice %arg7[%dma_wait3A_124] : memref<10240xf32, #tpu.memory_space<vmem_shared>> -> memref<10240xf32, #tpu.memory_space<vmem_shared>>
    tpu.wait_indirect_dma semaphore(%arg11 : memref<!tpu.dma_semaphore, #tpu.memory_space<semaphore_mem>>) src(%arg6 : memref<128xf32, #tpu.memory_space<vmem>>) dst(%dma_wait3A_125 : memref<10240xf32, #tpu.memory_space<vmem_shared>>)
    %dma_wait3A_126 = arith.constant 0 : i32
    %dma_wait3A_127 = arith.constant 0 : i32
    %dma_wait3A_128 = tpu.memref_slice %arg5[%dma_wait3A_126, %dma_wait3A_127] : memref<80x128xi32, #tpu.memory_space<vmem>> -> memref<1x128xi32, #tpu.memory_space<vmem>>
    %dma_wait3A_129 = tpu.memref_squeeze %dma_wait3A_128 : memref<1x128xi32, #tpu.memory_space<vmem>> -> memref<128xi32, #tpu.memory_space<vmem>>
    %dma_wait3A_130 = arith.constant 0 : i32
    %dma_wait3A_131 = tpu.memref_slice %arg7[%dma_wait3A_130] : memref<10240xf32, #tpu.memory_space<vmem_shared>> -> memref<10240xf32, #tpu.memory_space<vmem_shared>>
    tpu.wait_indirect_dma semaphore(%arg12 : memref<!tpu.dma_semaphore, #tpu.memory_space<semaphore_mem>>) src(%arg6 : memref<128xf32, #tpu.memory_space<vmem>>) dst(%dma_wait3A_131 : memref<10240xf32, #tpu.memory_space<vmem_shared>>)
    %dma_wait3A_132 = arith.constant 0 : i32
    %dma_wait3A_133 = arith.constant 0 : i32
    %dma_wait3A_134 = tpu.memref_slice %arg5[%dma_wait3A_132, %dma_wait3A_133] : memref<80x128xi32, #tpu.memory_space<vmem>> -> memref<1x128xi32, #tpu.memory_space<vmem>>
    %dma_wait3A_135 = tpu.memref_squeeze %dma_wait3A_134 : memref<1x128xi32, #tpu.memory_space<vmem>> -> memref<128xi32, #tpu.memory_space<vmem>>
    %dma_wait3A_136 = arith.constant 0 : i32
    %dma_wait3A_137 = tpu.memref_slice %arg7[%dma_wait3A_136] : memref<10240xf32, #tpu.memory_space<vmem_shared>> -> memref<10240xf32, #tpu.memory_space<vmem_shared>>
    tpu.wait_indirect_dma semaphore(%arg13 : memref<!tpu.dma_semaphore, #tpu.memory_space<semaphore_mem>>) src(%arg6 : memref<128xf32, #tpu.memory_space<vmem>>) dst(%dma_wait3A_137 : memref<10240xf32, #tpu.memory_space<vmem_shared>>)
    %dma_wait3A_138 = arith.constant 0 : i32
    %dma_wait3A_139 = arith.constant 0 : i32
    %dma_wait3A_140 = tpu.memref_slice %arg5[%dma_wait3A_138, %dma_wait3A_139] : memref<80x128xi32, #tpu.memory_space<vmem>> -> memref<1x128xi32, #tpu.memory_space<vmem>>
    %dma_wait3A_141 = tpu.memref_squeeze %dma_wait3A_140 : memref<1x128xi32, #tpu.memory_space<vmem>> -> memref<128xi32, #tpu.memory_space<vmem>>
    %dma_wait3A_142 = arith.constant 0 : i32
    %dma_wait3A_143 = tpu.memref_slice %arg7[%dma_wait3A_142] : memref<10240xf32, #tpu.memory_space<vmem_shared>> -> memref<10240xf32, #tpu.memory_space<vmem_shared>>
    tpu.wait_indirect_dma semaphore(%arg14 : memref<!tpu.dma_semaphore, #tpu.memory_space<semaphore_mem>>) src(%arg6 : memref<128xf32, #tpu.memory_space<vmem>>) dst(%dma_wait3A_143 : memref<10240xf32, #tpu.memory_space<vmem_shared>>)
    %dma_wait3A_144 = arith.constant 0 : i32
    %dma_wait3A_145 = arith.constant 0 : i32
    %dma_wait3A_146 = tpu.memref_slice %arg5[%dma_wait3A_144, %dma_wait3A_145] : memref<80x128xi32, #tpu.memory_space<vmem>> -> memref<1x128xi32, #tpu.memory_space<vmem>>
    %dma_wait3A_147 = tpu.memref_squeeze %dma_wait3A_146 : memref<1x128xi32, #tpu.memory_space<vmem>> -> memref<128xi32, #tpu.memory_space<vmem>>
    %dma_wait3A_148 = arith.constant 0 : i32
    %dma_wait3A_149 = tpu.memref_slice %arg7[%dma_wait3A_148] : memref<10240xf32, #tpu.memory_space<vmem_shared>> -> memref<10240xf32, #tpu.memory_space<vmem_shared>>
    tpu.wait_indirect_dma semaphore(%arg15 : memref<!tpu.dma_semaphore, #tpu.memory_space<semaphore_mem>>) src(%arg6 : memref<128xf32, #tpu.memory_space<vmem>>) dst(%dma_wait3A_149 : memref<10240xf32, #tpu.memory_space<vmem_shared>>)
    %barrier3A_150 = arith.constant 0 : index
    tpu.barrier barrier_id(%barrier3A_150)
    %mul3A_151 = arith.constant 640 : i32
    %mul3A_152 = arith.muli %arg1, %mul3A_151 : i32
    %mul3A_153 = arith.constant 640 : i32
    %mul3A_154 = arith.muli %arg1, %mul3A_153 : i32
    "tpu.region"() ({
      %run_scoped3A = tpu.sem_alloc : memref<!tpu.dma_semaphore, #tpu.memory_space<semaphore_mem>>
      %dma_start3A_155 = tpu.memref_slice %arg4[%arg0, %mul3A_154] : memref<2x10240xf32, #tpu.memory_space<hbm>> -> memref<1x640xf32, #tpu.memory_space<hbm>>
      %dma_start3A_156 = tpu.memref_squeeze %dma_start3A_155 : memref<1x640xf32, #tpu.memory_space<hbm>> -> memref<640xf32, #tpu.memory_space<hbm>>
      %dma_start3A_157 = tpu.memref_slice %arg7[%mul3A_152] : memref<10240xf32, #tpu.memory_space<vmem_shared>> -> memref<640xf32, #tpu.memory_space<vmem_shared>>
      tpu.enqueue_dma source(%dma_start3A_157 : memref<640xf32, #tpu.memory_space<vmem_shared>>) target(%dma_start3A_156 : memref<640xf32, #tpu.memory_space<hbm>>) target_semaphore(%run_scoped3A : memref<!tpu.dma_semaphore, #tpu.memory_space<semaphore_mem>>)
      %dma_wait3A_158 = tpu.memref_slice %arg4[%arg0, %mul3A_154] : memref<2x10240xf32, #tpu.memory_space<hbm>> -> memref<1x640xf32, #tpu.memory_space<hbm>>
      %dma_wait3A_159 = tpu.memref_squeeze %dma_wait3A_158 : memref<1x640xf32, #tpu.memory_space<hbm>> -> memref<640xf32, #tpu.memory_space<hbm>>
      %dma_wait3A_160 = tpu.memref_slice %arg7[%mul3A_152] : memref<10240xf32, #tpu.memory_space<vmem_shared>> -> memref<640xf32, #tpu.memory_space<vmem_shared>>
      tpu.wait_dma2 semaphore(%run_scoped3A : memref<!tpu.dma_semaphore, #tpu.memory_space<semaphore_mem>>) src(%dma_wait3A_160 : memref<640xf32, #tpu.memory_space<vmem_shared>>) dst(%dma_wait3A_159 : memref<640xf32, #tpu.memory_space<hbm>>)
      tpu.yield
    }) : () -> ()
    return
  }
}

#map = affine_map<(d0, d1) -> (0, 0)>
#map1 = affine_map<(d0, d1) -> (0, 0, 0)>
module attributes {stable_mosaic.version = 14 : i64} {
  func.func @_scatter_kernel(%arg0: i32, %arg1: i32, %arg2: memref<10000x64xf32, #tpu.memory_space<hbm>>, %arg3: memref<32x80x128xi32, #tpu.memory_space<hbm>>, %arg4: memref<32x80x128xi32, #tpu.memory_space<hbm>>, %arg5: memref<10240x64xf32, #tpu.memory_space<hbm>>, %arg6: memref<2x10240x64xf32, #tpu.memory_space<hbm>>, %arg7: memref<80x128xi32, #tpu.memory_space<vmem>>, %arg8: memref<80x128xi32, #tpu.memory_space<vmem>>, %arg9: memref<8x128x64xf32, #tpu.memory_space<vmem>>, %arg10: memref<10240x64xf32, #tpu.memory_space<vmem_shared>>, %arg11: memref<!tpu.dma_semaphore, #tpu.memory_space<semaphore_mem>>, %arg12: memref<!tpu.dma_semaphore, #tpu.memory_space<semaphore_mem>>, %arg13: memref<!tpu.dma_semaphore, #tpu.memory_space<semaphore_mem>>, %arg14: memref<!tpu.dma_semaphore, #tpu.memory_space<semaphore_mem>>, %arg15: memref<!tpu.dma_semaphore, #tpu.memory_space<semaphore_mem>>, %arg16: memref<!tpu.dma_semaphore, #tpu.memory_space<semaphore_mem>>, %arg17: memref<!tpu.dma_semaphore, #tpu.memory_space<semaphore_mem>>, %arg18: memref<!tpu.dma_semaphore, #tpu.memory_space<semaphore_mem>>, %arg19: memref<!tpu.dma_semaphore, #tpu.memory_space<semaphore_mem>>, %arg20: memref<!tpu.dma_semaphore, #tpu.memory_space<semaphore_mem>>, %arg21: memref<!tpu.dma_semaphore, #tpu.memory_space<semaphore_mem>>, %arg22: memref<!tpu.dma_semaphore, #tpu.memory_space<semaphore_mem>>, %arg23: memref<!tpu.dma_semaphore, #tpu.memory_space<semaphore_mem>>, %arg24: memref<!tpu.dma_semaphore, #tpu.memory_space<semaphore_mem>>, %arg25: memref<!tpu.dma_semaphore, #tpu.memory_space<semaphore_mem>>, %arg26: memref<!tpu.dma_semaphore, #tpu.memory_space<semaphore_mem>>) attributes {dimension_semantics = [#tpu.dimension_semantics<core_parallel>, #tpu.dimension_semantics<subcore_parallel>], iteration_bounds = array<i64: 2, 16>, scalar_prefetch = 0 : i64, scratch_operands = 20 : i64, tpu.core_type = #tpu.core_type<sc_vector_subcore>, window_params = [{transform_indices = #map}, {transform_indices = #map1}, {transform_indices = #map1}, {transform_indices = #map}, {transform_indices = #map1}]} {
    %mul3A = arith.constant 2 : i32
    %mul3A_0 = arith.muli %arg1, %mul3A : i32
    %add3A = arith.addi %mul3A_0, %arg0 : i32
    "tpu.region"() ({
      %run_scoped3A = tpu.sem_alloc : memref<!tpu.dma_semaphore, #tpu.memory_space<semaphore_mem>>
      %dma_start3A_205 = arith.constant 0 : i32
      %dma_start3A_206 = arith.constant 0 : i32
      %dma_start3A_207 = tpu.memref_slice %arg3[%add3A, %dma_start3A_205, %dma_start3A_206] : memref<32x80x128xi32, #tpu.memory_space<hbm>> -> memref<1x80x128xi32, #tpu.memory_space<hbm>>
      %dma_start3A_208 = tpu.memref_squeeze %dma_start3A_207 : memref<1x80x128xi32, #tpu.memory_space<hbm>> -> memref<80x128xi32, #tpu.memory_space<hbm>>
      %dma_start3A_209 = arith.constant 0 : i32
      %dma_start3A_210 = arith.constant 0 : i32
      %dma_start3A_211 = tpu.memref_slice %arg3[%add3A, %dma_start3A_209, %dma_start3A_210] : memref<32x80x128xi32, #tpu.memory_space<hbm>> -> memref<1x80x128xi32, #tpu.memory_space<hbm>>
      %dma_start3A_212 = tpu.memref_squeeze %dma_start3A_211 : memref<1x80x128xi32, #tpu.memory_space<hbm>> -> memref<80x128xi32, #tpu.memory_space<hbm>>
      tpu.enqueue_dma source(%dma_start3A_212 : memref<80x128xi32, #tpu.memory_space<hbm>>) target(%arg7 : memref<80x128xi32, #tpu.memory_space<vmem>>) target_semaphore(%run_scoped3A : memref<!tpu.dma_semaphore, #tpu.memory_space<semaphore_mem>>)
      %dma_wait3A_213 = arith.constant 0 : i32
      %dma_wait3A_214 = arith.constant 0 : i32
      %dma_wait3A_215 = tpu.memref_slice %arg3[%add3A, %dma_wait3A_213, %dma_wait3A_214] : memref<32x80x128xi32, #tpu.memory_space<hbm>> -> memref<1x80x128xi32, #tpu.memory_space<hbm>>
      %dma_wait3A_216 = tpu.memref_squeeze %dma_wait3A_215 : memref<1x80x128xi32, #tpu.memory_space<hbm>> -> memref<80x128xi32, #tpu.memory_space<hbm>>
      %dma_wait3A_217 = arith.constant 0 : i32
      %dma_wait3A_218 = arith.constant 0 : i32
      %dma_wait3A_219 = tpu.memref_slice %arg3[%add3A, %dma_wait3A_217, %dma_wait3A_218] : memref<32x80x128xi32, #tpu.memory_space<hbm>> -> memref<1x80x128xi32, #tpu.memory_space<hbm>>
      %dma_wait3A_220 = tpu.memref_squeeze %dma_wait3A_219 : memref<1x80x128xi32, #tpu.memory_space<hbm>> -> memref<80x128xi32, #tpu.memory_space<hbm>>
      tpu.wait_dma2 semaphore(%run_scoped3A : memref<!tpu.dma_semaphore, #tpu.memory_space<semaphore_mem>>) src(%dma_wait3A_220 : memref<80x128xi32, #tpu.memory_space<hbm>>) dst(%arg7 : memref<80x128xi32, #tpu.memory_space<vmem>>)
      tpu.yield
    }) : () -> ()
    %dma_start3A = arith.constant 0 : i32
    %dma_start3A_1 = arith.constant 0 : i32
    %dma_start3A_2 = arith.constant 0 : i32
    %dma_start3A_3 = arith.constant 0 : i32
    %dma_start3A_4 = tpu.memref_slice %arg9[%dma_start3A_1, %dma_start3A_2, %dma_start3A_3] : memref<8x128x64xf32, #tpu.memory_space<vmem>> -> memref<1x128x64xf32, #tpu.memory_space<vmem>>
    %dma_start3A_5 = tpu.memref_squeeze %dma_start3A_4 : memref<1x128x64xf32, #tpu.memory_space<vmem>> -> memref<128x64xf32, #tpu.memory_space<vmem>>
    %dma_start3A_6 = arith.constant 0 : i32
    %dma_start3A_7 = tpu.memref_slice %arg7[%dma_start3A, %dma_start3A_6] : memref<80x128xi32, #tpu.memory_space<vmem>> -> memref<1x128xi32, #tpu.memory_space<vmem>>
    %dma_start3A_8 = tpu.memref_squeeze %dma_start3A_7 : memref<1x128xi32, #tpu.memory_space<vmem>> -> memref<128xi32, #tpu.memory_space<vmem>>
    %dma_start3A_9 = arith.constant 0 : i32
    %dma_start3A_10 = arith.constant 0 : i32
    %dma_start3A_11 = tpu.memref_slice %arg2[%dma_start3A_9, %dma_start3A_10] : memref<10000x64xf32, #tpu.memory_space<hbm>> -> memref<10000x64xf32, #tpu.memory_space<hbm>>
    tpu.enqueue_indirect_dma source(%dma_start3A_11 : memref<10000x64xf32, #tpu.memory_space<hbm>>) target(%dma_start3A_5 : memref<128x64xf32, #tpu.memory_space<vmem>>) offsets(%dma_start3A_8 : memref<128xi32, #tpu.memory_space<vmem>>) semaphore(%arg11 : memref<!tpu.dma_semaphore, #tpu.memory_space<semaphore_mem>>)
    %dma_start3A_12 = arith.constant 1 : i32
    %dma_start3A_13 = arith.constant 1 : i32
    %dma_start3A_14 = arith.constant 0 : i32
    %dma_start3A_15 = arith.constant 0 : i32
    %dma_start3A_16 = tpu.memref_slice %arg9[%dma_start3A_13, %dma_start3A_14, %dma_start3A_15] : memref<8x128x64xf32, #tpu.memory_space<vmem>> -> memref<1x128x64xf32, #tpu.memory_space<vmem>>
    %dma_start3A_17 = tpu.memref_squeeze %dma_start3A_16 : memref<1x128x64xf32, #tpu.memory_space<vmem>> -> memref<128x64xf32, #tpu.memory_space<vmem>>
    %dma_start3A_18 = arith.constant 0 : i32
    %dma_start3A_19 = tpu.memref_slice %arg7[%dma_start3A_12, %dma_start3A_18] : memref<80x128xi32, #tpu.memory_space<vmem>> -> memref<1x128xi32, #tpu.memory_space<vmem>>
    %dma_start3A_20 = tpu.memref_squeeze %dma_start3A_19 : memref<1x128xi32, #tpu.memory_space<vmem>> -> memref<128xi32, #tpu.memory_space<vmem>>
    %dma_start3A_21 = arith.constant 0 : i32
    %dma_start3A_22 = arith.constant 0 : i32
    %dma_start3A_23 = tpu.memref_slice %arg2[%dma_start3A_21, %dma_start3A_22] : memref<10000x64xf32, #tpu.memory_space<hbm>> -> memref<10000x64xf32, #tpu.memory_space<hbm>>
    tpu.enqueue_indirect_dma source(%dma_start3A_23 : memref<10000x64xf32, #tpu.memory_space<hbm>>) target(%dma_start3A_17 : memref<128x64xf32, #tpu.memory_space<vmem>>) offsets(%dma_start3A_20 : memref<128xi32, #tpu.memory_space<vmem>>) semaphore(%arg12 : memref<!tpu.dma_semaphore, #tpu.memory_space<semaphore_mem>>)
    %dma_start3A_24 = arith.constant 2 : i32
    %dma_start3A_25 = arith.constant 2 : i32
    %dma_start3A_26 = arith.constant 0 : i32
    %dma_start3A_27 = arith.constant 0 : i32
    %dma_start3A_28 = tpu.memref_slice %arg9[%dma_start3A_25, %dma_start3A_26, %dma_start3A_27] : memref<8x128x64xf32, #tpu.memory_space<vmem>> -> memref<1x128x64xf32, #tpu.memory_space<vmem>>
    %dma_start3A_29 = tpu.memref_squeeze %dma_start3A_28 : memref<1x128x64xf32, #tpu.memory_space<vmem>> -> memref<128x64xf32, #tpu.memory_space<vmem>>
    %dma_start3A_30 = arith.constant 0 : i32
    %dma_start3A_31 = tpu.memref_slice %arg7[%dma_start3A_24, %dma_start3A_30] : memref<80x128xi32, #tpu.memory_space<vmem>> -> memref<1x128xi32, #tpu.memory_space<vmem>>
    %dma_start3A_32 = tpu.memref_squeeze %dma_start3A_31 : memref<1x128xi32, #tpu.memory_space<vmem>> -> memref<128xi32, #tpu.memory_space<vmem>>
    %dma_start3A_33 = arith.constant 0 : i32
    %dma_start3A_34 = arith.constant 0 : i32
    %dma_start3A_35 = tpu.memref_slice %arg2[%dma_start3A_33, %dma_start3A_34] : memref<10000x64xf32, #tpu.memory_space<hbm>> -> memref<10000x64xf32, #tpu.memory_space<hbm>>
    tpu.enqueue_indirect_dma source(%dma_start3A_35 : memref<10000x64xf32, #tpu.memory_space<hbm>>) target(%dma_start3A_29 : memref<128x64xf32, #tpu.memory_space<vmem>>) offsets(%dma_start3A_32 : memref<128xi32, #tpu.memory_space<vmem>>) semaphore(%arg13 : memref<!tpu.dma_semaphore, #tpu.memory_space<semaphore_mem>>)
    %dma_start3A_36 = arith.constant 3 : i32
    %dma_start3A_37 = arith.constant 3 : i32
    %dma_start3A_38 = arith.constant 0 : i32
    %dma_start3A_39 = arith.constant 0 : i32
    %dma_start3A_40 = tpu.memref_slice %arg9[%dma_start3A_37, %dma_start3A_38, %dma_start3A_39] : memref<8x128x64xf32, #tpu.memory_space<vmem>> -> memref<1x128x64xf32, #tpu.memory_space<vmem>>
    %dma_start3A_41 = tpu.memref_squeeze %dma_start3A_40 : memref<1x128x64xf32, #tpu.memory_space<vmem>> -> memref<128x64xf32, #tpu.memory_space<vmem>>
    %dma_start3A_42 = arith.constant 0 : i32
    %dma_start3A_43 = tpu.memref_slice %arg7[%dma_start3A_36, %dma_start3A_42] : memref<80x128xi32, #tpu.memory_space<vmem>> -> memref<1x128xi32, #tpu.memory_space<vmem>>
    %dma_start3A_44 = tpu.memref_squeeze %dma_start3A_43 : memref<1x128xi32, #tpu.memory_space<vmem>> -> memref<128xi32, #tpu.memory_space<vmem>>
    %dma_start3A_45 = arith.constant 0 : i32
    %dma_start3A_46 = arith.constant 0 : i32
    %dma_start3A_47 = tpu.memref_slice %arg2[%dma_start3A_45, %dma_start3A_46] : memref<10000x64xf32, #tpu.memory_space<hbm>> -> memref<10000x64xf32, #tpu.memory_space<hbm>>
    tpu.enqueue_indirect_dma source(%dma_start3A_47 : memref<10000x64xf32, #tpu.memory_space<hbm>>) target(%dma_start3A_41 : memref<128x64xf32, #tpu.memory_space<vmem>>) offsets(%dma_start3A_44 : memref<128xi32, #tpu.memory_space<vmem>>) semaphore(%arg14 : memref<!tpu.dma_semaphore, #tpu.memory_space<semaphore_mem>>)
    %dma_start3A_48 = arith.constant 4 : i32
    %dma_start3A_49 = arith.constant 4 : i32
    %dma_start3A_50 = arith.constant 0 : i32
    %dma_start3A_51 = arith.constant 0 : i32
    %dma_start3A_52 = tpu.memref_slice %arg9[%dma_start3A_49, %dma_start3A_50, %dma_start3A_51] : memref<8x128x64xf32, #tpu.memory_space<vmem>> -> memref<1x128x64xf32, #tpu.memory_space<vmem>>
    %dma_start3A_53 = tpu.memref_squeeze %dma_start3A_52 : memref<1x128x64xf32, #tpu.memory_space<vmem>> -> memref<128x64xf32, #tpu.memory_space<vmem>>
    %dma_start3A_54 = arith.constant 0 : i32
    %dma_start3A_55 = tpu.memref_slice %arg7[%dma_start3A_48, %dma_start3A_54] : memref<80x128xi32, #tpu.memory_space<vmem>> -> memref<1x128xi32, #tpu.memory_space<vmem>>
    %dma_start3A_56 = tpu.memref_squeeze %dma_start3A_55 : memref<1x128xi32, #tpu.memory_space<vmem>> -> memref<128xi32, #tpu.memory_space<vmem>>
    %dma_start3A_57 = arith.constant 0 : i32
    %dma_start3A_58 = arith.constant 0 : i32
    %dma_start3A_59 = tpu.memref_slice %arg2[%dma_start3A_57, %dma_start3A_58] : memref<10000x64xf32, #tpu.memory_space<hbm>> -> memref<10000x64xf32, #tpu.memory_space<hbm>>
    tpu.enqueue_indirect_dma source(%dma_start3A_59 : memref<10000x64xf32, #tpu.memory_space<hbm>>) target(%dma_start3A_53 : memref<128x64xf32, #tpu.memory_space<vmem>>) offsets(%dma_start3A_56 : memref<128xi32, #tpu.memory_space<vmem>>) semaphore(%arg15 : memref<!tpu.dma_semaphore, #tpu.memory_space<semaphore_mem>>)
    %dma_start3A_60 = arith.constant 5 : i32
    %dma_start3A_61 = arith.constant 5 : i32
    %dma_start3A_62 = arith.constant 0 : i32
    %dma_start3A_63 = arith.constant 0 : i32
    %dma_start3A_64 = tpu.memref_slice %arg9[%dma_start3A_61, %dma_start3A_62, %dma_start3A_63] : memref<8x128x64xf32, #tpu.memory_space<vmem>> -> memref<1x128x64xf32, #tpu.memory_space<vmem>>
    %dma_start3A_65 = tpu.memref_squeeze %dma_start3A_64 : memref<1x128x64xf32, #tpu.memory_space<vmem>> -> memref<128x64xf32, #tpu.memory_space<vmem>>
    %dma_start3A_66 = arith.constant 0 : i32
    %dma_start3A_67 = tpu.memref_slice %arg7[%dma_start3A_60, %dma_start3A_66] : memref<80x128xi32, #tpu.memory_space<vmem>> -> memref<1x128xi32, #tpu.memory_space<vmem>>
    %dma_start3A_68 = tpu.memref_squeeze %dma_start3A_67 : memref<1x128xi32, #tpu.memory_space<vmem>> -> memref<128xi32, #tpu.memory_space<vmem>>
    %dma_start3A_69 = arith.constant 0 : i32
    %dma_start3A_70 = arith.constant 0 : i32
    %dma_start3A_71 = tpu.memref_slice %arg2[%dma_start3A_69, %dma_start3A_70] : memref<10000x64xf32, #tpu.memory_space<hbm>> -> memref<10000x64xf32, #tpu.memory_space<hbm>>
    tpu.enqueue_indirect_dma source(%dma_start3A_71 : memref<10000x64xf32, #tpu.memory_space<hbm>>) target(%dma_start3A_65 : memref<128x64xf32, #tpu.memory_space<vmem>>) offsets(%dma_start3A_68 : memref<128xi32, #tpu.memory_space<vmem>>) semaphore(%arg16 : memref<!tpu.dma_semaphore, #tpu.memory_space<semaphore_mem>>)
    %dma_start3A_72 = arith.constant 6 : i32
    %dma_start3A_73 = arith.constant 6 : i32
    %dma_start3A_74 = arith.constant 0 : i32
    %dma_start3A_75 = arith.constant 0 : i32
    %dma_start3A_76 = tpu.memref_slice %arg9[%dma_start3A_73, %dma_start3A_74, %dma_start3A_75] : memref<8x128x64xf32, #tpu.memory_space<vmem>> -> memref<1x128x64xf32, #tpu.memory_space<vmem>>
    %dma_start3A_77 = tpu.memref_squeeze %dma_start3A_76 : memref<1x128x64xf32, #tpu.memory_space<vmem>> -> memref<128x64xf32, #tpu.memory_space<vmem>>
    %dma_start3A_78 = arith.constant 0 : i32
    %dma_start3A_79 = tpu.memref_slice %arg7[%dma_start3A_72, %dma_start3A_78] : memref<80x128xi32, #tpu.memory_space<vmem>> -> memref<1x128xi32, #tpu.memory_space<vmem>>
    %dma_start3A_80 = tpu.memref_squeeze %dma_start3A_79 : memref<1x128xi32, #tpu.memory_space<vmem>> -> memref<128xi32, #tpu.memory_space<vmem>>
    %dma_start3A_81 = arith.constant 0 : i32
    %dma_start3A_82 = arith.constant 0 : i32
    %dma_start3A_83 = tpu.memref_slice %arg2[%dma_start3A_81, %dma_start3A_82] : memref<10000x64xf32, #tpu.memory_space<hbm>> -> memref<10000x64xf32, #tpu.memory_space<hbm>>
    tpu.enqueue_indirect_dma source(%dma_start3A_83 : memref<10000x64xf32, #tpu.memory_space<hbm>>) target(%dma_start3A_77 : memref<128x64xf32, #tpu.memory_space<vmem>>) offsets(%dma_start3A_80 : memref<128xi32, #tpu.memory_space<vmem>>) semaphore(%arg17 : memref<!tpu.dma_semaphore, #tpu.memory_space<semaphore_mem>>)
    %dma_start3A_84 = arith.constant 7 : i32
    %dma_start3A_85 = arith.constant 7 : i32
    %dma_start3A_86 = arith.constant 0 : i32
    %dma_start3A_87 = arith.constant 0 : i32
    %dma_start3A_88 = tpu.memref_slice %arg9[%dma_start3A_85, %dma_start3A_86, %dma_start3A_87] : memref<8x128x64xf32, #tpu.memory_space<vmem>> -> memref<1x128x64xf32, #tpu.memory_space<vmem>>
    %dma_start3A_89 = tpu.memref_squeeze %dma_start3A_88 : memref<1x128x64xf32, #tpu.memory_space<vmem>> -> memref<128x64xf32, #tpu.memory_space<vmem>>
    %dma_start3A_90 = arith.constant 0 : i32
    %dma_start3A_91 = tpu.memref_slice %arg7[%dma_start3A_84, %dma_start3A_90] : memref<80x128xi32, #tpu.memory_space<vmem>> -> memref<1x128xi32, #tpu.memory_space<vmem>>
    %dma_start3A_92 = tpu.memref_squeeze %dma_start3A_91 : memref<1x128xi32, #tpu.memory_space<vmem>> -> memref<128xi32, #tpu.memory_space<vmem>>
    %dma_start3A_93 = arith.constant 0 : i32
    %dma_start3A_94 = arith.constant 0 : i32
    %dma_start3A_95 = tpu.memref_slice %arg2[%dma_start3A_93, %dma_start3A_94] : memref<10000x64xf32, #tpu.memory_space<hbm>> -> memref<10000x64xf32, #tpu.memory_space<hbm>>
    tpu.enqueue_indirect_dma source(%dma_start3A_95 : memref<10000x64xf32, #tpu.memory_space<hbm>>) target(%dma_start3A_89 : memref<128x64xf32, #tpu.memory_space<vmem>>) offsets(%dma_start3A_92 : memref<128xi32, #tpu.memory_space<vmem>>) semaphore(%arg18 : memref<!tpu.dma_semaphore, #tpu.memory_space<semaphore_mem>>)
    "tpu.region"() ({
      %run_scoped3A = tpu.sem_alloc : memref<!tpu.dma_semaphore, #tpu.memory_space<semaphore_mem>>
      %dma_start3A_205 = arith.constant 0 : i32
      %dma_start3A_206 = arith.constant 0 : i32
      %dma_start3A_207 = tpu.memref_slice %arg4[%add3A, %dma_start3A_205, %dma_start3A_206] : memref<32x80x128xi32, #tpu.memory_space<hbm>> -> memref<1x80x128xi32, #tpu.memory_space<hbm>>
      %dma_start3A_208 = tpu.memref_squeeze %dma_start3A_207 : memref<1x80x128xi32, #tpu.memory_space<hbm>> -> memref<80x128xi32, #tpu.memory_space<hbm>>
      %dma_start3A_209 = arith.constant 0 : i32
      %dma_start3A_210 = arith.constant 0 : i32
      %dma_start3A_211 = tpu.memref_slice %arg4[%add3A, %dma_start3A_209, %dma_start3A_210] : memref<32x80x128xi32, #tpu.memory_space<hbm>> -> memref<1x80x128xi32, #tpu.memory_space<hbm>>
      %dma_start3A_212 = tpu.memref_squeeze %dma_start3A_211 : memref<1x80x128xi32, #tpu.memory_space<hbm>> -> memref<80x128xi32, #tpu.memory_space<hbm>>
      tpu.enqueue_dma source(%dma_start3A_212 : memref<80x128xi32, #tpu.memory_space<hbm>>) target(%arg8 : memref<80x128xi32, #tpu.memory_space<vmem>>) target_semaphore(%run_scoped3A : memref<!tpu.dma_semaphore, #tpu.memory_space<semaphore_mem>>)
      %dma_wait3A_213 = arith.constant 0 : i32
      %dma_wait3A_214 = arith.constant 0 : i32
      %dma_wait3A_215 = tpu.memref_slice %arg4[%add3A, %dma_wait3A_213, %dma_wait3A_214] : memref<32x80x128xi32, #tpu.memory_space<hbm>> -> memref<1x80x128xi32, #tpu.memory_space<hbm>>
      %dma_wait3A_216 = tpu.memref_squeeze %dma_wait3A_215 : memref<1x80x128xi32, #tpu.memory_space<hbm>> -> memref<80x128xi32, #tpu.memory_space<hbm>>
      %dma_wait3A_217 = arith.constant 0 : i32
      %dma_wait3A_218 = arith.constant 0 : i32
      %dma_wait3A_219 = tpu.memref_slice %arg4[%add3A, %dma_wait3A_217, %dma_wait3A_218] : memref<32x80x128xi32, #tpu.memory_space<hbm>> -> memref<1x80x128xi32, #tpu.memory_space<hbm>>
      %dma_wait3A_220 = tpu.memref_squeeze %dma_wait3A_219 : memref<1x80x128xi32, #tpu.memory_space<hbm>> -> memref<80x128xi32, #tpu.memory_space<hbm>>
      tpu.wait_dma2 semaphore(%run_scoped3A : memref<!tpu.dma_semaphore, #tpu.memory_space<semaphore_mem>>) src(%dma_wait3A_220 : memref<80x128xi32, #tpu.memory_space<hbm>>) dst(%arg8 : memref<80x128xi32, #tpu.memory_space<vmem>>)
      tpu.yield
    }) : () -> ()
    %mul3A_96 = arith.constant 640 : i32
    %mul3A_97 = arith.muli %arg1, %mul3A_96 : i32
    %mul3A_98 = arith.constant 640 : i32
    %mul3A_99 = arith.muli %arg1, %mul3A_98 : i32
    "tpu.region"() ({
      %run_scoped3A = tpu.sem_alloc : memref<!tpu.dma_semaphore, #tpu.memory_space<semaphore_mem>>
      %dma_start3A_205 = arith.constant 0 : i32
      %dma_start3A_206 = tpu.memref_slice %arg10[%mul3A_99, %dma_start3A_205] : memref<10240x64xf32, #tpu.memory_space<vmem_shared>> -> memref<640x64xf32, #tpu.memory_space<vmem_shared>>
      %dma_start3A_207 = arith.constant 0 : i32
      %dma_start3A_208 = tpu.memref_slice %arg5[%mul3A_97, %dma_start3A_207] : memref<10240x64xf32, #tpu.memory_space<hbm>> -> memref<640x64xf32, #tpu.memory_space<hbm>>
      tpu.enqueue_dma source(%dma_start3A_208 : memref<640x64xf32, #tpu.memory_space<hbm>>) target(%dma_start3A_206 : memref<640x64xf32, #tpu.memory_space<vmem_shared>>) target_semaphore(%run_scoped3A : memref<!tpu.dma_semaphore, #tpu.memory_space<semaphore_mem>>)
      %dma_wait3A_209 = arith.constant 0 : i32
      %dma_wait3A_210 = tpu.memref_slice %arg10[%mul3A_99, %dma_wait3A_209] : memref<10240x64xf32, #tpu.memory_space<vmem_shared>> -> memref<640x64xf32, #tpu.memory_space<vmem_shared>>
      %dma_wait3A_211 = arith.constant 0 : i32
      %dma_wait3A_212 = tpu.memref_slice %arg5[%mul3A_97, %dma_wait3A_211] : memref<10240x64xf32, #tpu.memory_space<hbm>> -> memref<640x64xf32, #tpu.memory_space<hbm>>
      tpu.wait_dma2 semaphore(%run_scoped3A : memref<!tpu.dma_semaphore, #tpu.memory_space<semaphore_mem>>) src(%dma_wait3A_212 : memref<640x64xf32, #tpu.memory_space<hbm>>) dst(%dma_wait3A_210 : memref<640x64xf32, #tpu.memory_space<vmem_shared>>)
      tpu.yield
    }) : () -> ()
    %barrier3A = arith.constant 0 : index
    tpu.barrier barrier_id(%barrier3A)
    %scan3A = arith.constant 0 : i32
    %scan3A_100 = arith.constant 0 : i32
    %scan3A_101 = arith.constant 10 : i32
    %scan3A_102 = arith.addi %scan3A_100, %scan3A_101 : i32
    %scan3A_103 = arith.constant 1 : i32
    scf.for %scan3A_205 = %scan3A_100 to %scan3A_102 step %scan3A_103  : i32 {
      %mul3A_206 = arith.constant 8 : i32
      %mul3A_207 = arith.muli %mul3A_206, %scan3A_205 : i32
      %dma_wait3A_208 = arith.constant 0 : i32
      %dma_wait3A_209 = arith.constant 0 : i32
      %dma_wait3A_210 = arith.constant 0 : i32
      %dma_wait3A_211 = arith.constant 0 : i32
      %dma_wait3A_212 = tpu.memref_slice %arg9[%dma_wait3A_209, %dma_wait3A_210, %dma_wait3A_211] : memref<8x128x64xf32, #tpu.memory_space<vmem>> -> memref<1x128x64xf32, #tpu.memory_space<vmem>>
      %dma_wait3A_213 = tpu.memref_squeeze %dma_wait3A_212 : memref<1x128x64xf32, #tpu.memory_space<vmem>> -> memref<128x64xf32, #tpu.memory_space<vmem>>
      %dma_wait3A_214 = arith.constant 0 : i32
      %dma_wait3A_215 = tpu.memref_slice %arg7[%dma_wait3A_208, %dma_wait3A_214] : memref<80x128xi32, #tpu.memory_space<vmem>> -> memref<1x128xi32, #tpu.memory_space<vmem>>
      %dma_wait3A_216 = tpu.memref_squeeze %dma_wait3A_215 : memref<1x128xi32, #tpu.memory_space<vmem>> -> memref<128xi32, #tpu.memory_space<vmem>>
      %dma_wait3A_217 = arith.constant 0 : i32
      %dma_wait3A_218 = arith.constant 0 : i32
      %dma_wait3A_219 = tpu.memref_slice %arg2[%dma_wait3A_217, %dma_wait3A_218] : memref<10000x64xf32, #tpu.memory_space<hbm>> -> memref<10000x64xf32, #tpu.memory_space<hbm>>
      tpu.wait_indirect_dma semaphore(%arg11 : memref<!tpu.dma_semaphore, #tpu.memory_space<semaphore_mem>>) src(%dma_wait3A_219 : memref<10000x64xf32, #tpu.memory_space<hbm>>) dst(%dma_wait3A_213 : memref<128x64xf32, #tpu.memory_space<vmem>>)
      %add3A_220 = arith.constant 0 : i32
      %add3A_221 = arith.addi %mul3A_207, %add3A_220 : i32
      %dma_start3A_222 = arith.constant 0 : i32
      %dma_start3A_223 = arith.constant 0 : i32
      %dma_start3A_224 = arith.constant 0 : i32
      %dma_start3A_225 = tpu.memref_slice %arg9[%dma_start3A_222, %dma_start3A_223, %dma_start3A_224] : memref<8x128x64xf32, #tpu.memory_space<vmem>> -> memref<1x128x64xf32, #tpu.memory_space<vmem>>
      %dma_start3A_226 = tpu.memref_squeeze %dma_start3A_225 : memref<1x128x64xf32, #tpu.memory_space<vmem>> -> memref<128x64xf32, #tpu.memory_space<vmem>>
      %dma_start3A_227 = arith.constant 0 : i32
      %dma_start3A_228 = tpu.memref_slice %arg8[%add3A_221, %dma_start3A_227] : memref<80x128xi32, #tpu.memory_space<vmem>> -> memref<1x128xi32, #tpu.memory_space<vmem>>
      %dma_start3A_229 = tpu.memref_squeeze %dma_start3A_228 : memref<1x128xi32, #tpu.memory_space<vmem>> -> memref<128xi32, #tpu.memory_space<vmem>>
      %dma_start3A_230 = arith.constant 0 : i32
      %dma_start3A_231 = arith.constant 0 : i32
      %dma_start3A_232 = tpu.memref_slice %arg10[%dma_start3A_230, %dma_start3A_231] : memref<10240x64xf32, #tpu.memory_space<vmem_shared>> -> memref<10240x64xf32, #tpu.memory_space<vmem_shared>>
      tpu.enqueue_indirect_dma source(%dma_start3A_226 : memref<128x64xf32, #tpu.memory_space<vmem>>) target(%dma_start3A_232 : memref<10240x64xf32, #tpu.memory_space<vmem_shared>>) offsets(%dma_start3A_229 : memref<128xi32, #tpu.memory_space<vmem>>) semaphore(%arg19 : memref<!tpu.dma_semaphore, #tpu.memory_space<semaphore_mem>>) {add = true}
      %dma_wait3A_233 = arith.constant 0 : i32
      %dma_wait3A_234 = arith.constant 1 : i32
      %dma_wait3A_235 = arith.constant 0 : i32
      %dma_wait3A_236 = arith.constant 0 : i32
      %dma_wait3A_237 = tpu.memref_slice %arg9[%dma_wait3A_234, %dma_wait3A_235, %dma_wait3A_236] : memref<8x128x64xf32, #tpu.memory_space<vmem>> -> memref<1x128x64xf32, #tpu.memory_space<vmem>>
      %dma_wait3A_238 = tpu.memref_squeeze %dma_wait3A_237 : memref<1x128x64xf32, #tpu.memory_space<vmem>> -> memref<128x64xf32, #tpu.memory_space<vmem>>
      %dma_wait3A_239 = arith.constant 0 : i32
      %dma_wait3A_240 = tpu.memref_slice %arg7[%dma_wait3A_233, %dma_wait3A_239] : memref<80x128xi32, #tpu.memory_space<vmem>> -> memref<1x128xi32, #tpu.memory_space<vmem>>
      %dma_wait3A_241 = tpu.memref_squeeze %dma_wait3A_240 : memref<1x128xi32, #tpu.memory_space<vmem>> -> memref<128xi32, #tpu.memory_space<vmem>>
      %dma_wait3A_242 = arith.constant 0 : i32
      %dma_wait3A_243 = arith.constant 0 : i32
      %dma_wait3A_244 = tpu.memref_slice %arg2[%dma_wait3A_242, %dma_wait3A_243] : memref<10000x64xf32, #tpu.memory_space<hbm>> -> memref<10000x64xf32, #tpu.memory_space<hbm>>
      tpu.wait_indirect_dma semaphore(%arg12 : memref<!tpu.dma_semaphore, #tpu.memory_space<semaphore_mem>>) src(%dma_wait3A_244 : memref<10000x64xf32, #tpu.memory_space<hbm>>) dst(%dma_wait3A_238 : memref<128x64xf32, #tpu.memory_space<vmem>>)
      %add3A_245 = arith.constant 1 : i32
      %add3A_246 = arith.addi %mul3A_207, %add3A_245 : i32
      %dma_start3A_247 = arith.constant 1 : i32
      %dma_start3A_248 = arith.constant 0 : i32
      %dma_start3A_249 = arith.constant 0 : i32
      %dma_start3A_250 = tpu.memref_slice %arg9[%dma_start3A_247, %dma_start3A_248, %dma_start3A_249] : memref<8x128x64xf32, #tpu.memory_space<vmem>> -> memref<1x128x64xf32, #tpu.memory_space<vmem>>
      %dma_start3A_251 = tpu.memref_squeeze %dma_start3A_250 : memref<1x128x64xf32, #tpu.memory_space<vmem>> -> memref<128x64xf32, #tpu.memory_space<vmem>>
      %dma_start3A_252 = arith.constant 0 : i32
      %dma_start3A_253 = tpu.memref_slice %arg8[%add3A_246, %dma_start3A_252] : memref<80x128xi32, #tpu.memory_space<vmem>> -> memref<1x128xi32, #tpu.memory_space<vmem>>
      %dma_start3A_254 = tpu.memref_squeeze %dma_start3A_253 : memref<1x128xi32, #tpu.memory_space<vmem>> -> memref<128xi32, #tpu.memory_space<vmem>>
      %dma_start3A_255 = arith.constant 0 : i32
      %dma_start3A_256 = arith.constant 0 : i32
      %dma_start3A_257 = tpu.memref_slice %arg10[%dma_start3A_255, %dma_start3A_256] : memref<10240x64xf32, #tpu.memory_space<vmem_shared>> -> memref<10240x64xf32, #tpu.memory_space<vmem_shared>>
      tpu.enqueue_indirect_dma source(%dma_start3A_251 : memref<128x64xf32, #tpu.memory_space<vmem>>) target(%dma_start3A_257 : memref<10240x64xf32, #tpu.memory_space<vmem_shared>>) offsets(%dma_start3A_254 : memref<128xi32, #tpu.memory_space<vmem>>) semaphore(%arg20 : memref<!tpu.dma_semaphore, #tpu.memory_space<semaphore_mem>>) {add = true}
      %dma_wait3A_258 = arith.constant 0 : i32
      %dma_wait3A_259 = arith.constant 2 : i32
      %dma_wait3A_260 = arith.constant 0 : i32
      %dma_wait3A_261 = arith.constant 0 : i32
      %dma_wait3A_262 = tpu.memref_slice %arg9[%dma_wait3A_259, %dma_wait3A_260, %dma_wait3A_261] : memref<8x128x64xf32, #tpu.memory_space<vmem>> -> memref<1x128x64xf32, #tpu.memory_space<vmem>>
      %dma_wait3A_263 = tpu.memref_squeeze %dma_wait3A_262 : memref<1x128x64xf32, #tpu.memory_space<vmem>> -> memref<128x64xf32, #tpu.memory_space<vmem>>
      %dma_wait3A_264 = arith.constant 0 : i32
      %dma_wait3A_265 = tpu.memref_slice %arg7[%dma_wait3A_258, %dma_wait3A_264] : memref<80x128xi32, #tpu.memory_space<vmem>> -> memref<1x128xi32, #tpu.memory_space<vmem>>
      %dma_wait3A_266 = tpu.memref_squeeze %dma_wait3A_265 : memref<1x128xi32, #tpu.memory_space<vmem>> -> memref<128xi32, #tpu.memory_space<vmem>>
      %dma_wait3A_267 = arith.constant 0 : i32
      %dma_wait3A_268 = arith.constant 0 : i32
      %dma_wait3A_269 = tpu.memref_slice %arg2[%dma_wait3A_267, %dma_wait3A_268] : memref<10000x64xf32, #tpu.memory_space<hbm>> -> memref<10000x64xf32, #tpu.memory_space<hbm>>
      tpu.wait_indirect_dma semaphore(%arg13 : memref<!tpu.dma_semaphore, #tpu.memory_space<semaphore_mem>>) src(%dma_wait3A_269 : memref<10000x64xf32, #tpu.memory_space<hbm>>) dst(%dma_wait3A_263 : memref<128x64xf32, #tpu.memory_space<vmem>>)
      %add3A_270 = arith.constant 2 : i32
      %add3A_271 = arith.addi %mul3A_207, %add3A_270 : i32
      %dma_start3A_272 = arith.constant 2 : i32
      %dma_start3A_273 = arith.constant 0 : i32
      %dma_start3A_274 = arith.constant 0 : i32
      %dma_start3A_275 = tpu.memref_slice %arg9[%dma_start3A_272, %dma_start3A_273, %dma_start3A_274] : memref<8x128x64xf32, #tpu.memory_space<vmem>> -> memref<1x128x64xf32, #tpu.memory_space<vmem>>
      %dma_start3A_276 = tpu.memref_squeeze %dma_start3A_275 : memref<1x128x64xf32, #tpu.memory_space<vmem>> -> memref<128x64xf32, #tpu.memory_space<vmem>>
      %dma_start3A_277 = arith.constant 0 : i32
      %dma_start3A_278 = tpu.memref_slice %arg8[%add3A_271, %dma_start3A_277] : memref<80x128xi32, #tpu.memory_space<vmem>> -> memref<1x128xi32, #tpu.memory_space<vmem>>
      %dma_start3A_279 = tpu.memref_squeeze %dma_start3A_278 : memref<1x128xi32, #tpu.memory_space<vmem>> -> memref<128xi32, #tpu.memory_space<vmem>>
      %dma_start3A_280 = arith.constant 0 : i32
      %dma_start3A_281 = arith.constant 0 : i32
      %dma_start3A_282 = tpu.memref_slice %arg10[%dma_start3A_280, %dma_start3A_281] : memref<10240x64xf32, #tpu.memory_space<vmem_shared>> -> memref<10240x64xf32, #tpu.memory_space<vmem_shared>>
      tpu.enqueue_indirect_dma source(%dma_start3A_276 : memref<128x64xf32, #tpu.memory_space<vmem>>) target(%dma_start3A_282 : memref<10240x64xf32, #tpu.memory_space<vmem_shared>>) offsets(%dma_start3A_279 : memref<128xi32, #tpu.memory_space<vmem>>) semaphore(%arg21 : memref<!tpu.dma_semaphore, #tpu.memory_space<semaphore_mem>>) {add = true}
      %dma_wait3A_283 = arith.constant 0 : i32
      %dma_wait3A_284 = arith.constant 3 : i32
      %dma_wait3A_285 = arith.constant 0 : i32
      %dma_wait3A_286 = arith.constant 0 : i32
      %dma_wait3A_287 = tpu.memref_slice %arg9[%dma_wait3A_284, %dma_wait3A_285, %dma_wait3A_286] : memref<8x128x64xf32, #tpu.memory_space<vmem>> -> memref<1x128x64xf32, #tpu.memory_space<vmem>>
      %dma_wait3A_288 = tpu.memref_squeeze %dma_wait3A_287 : memref<1x128x64xf32, #tpu.memory_space<vmem>> -> memref<128x64xf32, #tpu.memory_space<vmem>>
      %dma_wait3A_289 = arith.constant 0 : i32
      %dma_wait3A_290 = tpu.memref_slice %arg7[%dma_wait3A_283, %dma_wait3A_289] : memref<80x128xi32, #tpu.memory_space<vmem>> -> memref<1x128xi32, #tpu.memory_space<vmem>>
      %dma_wait3A_291 = tpu.memref_squeeze %dma_wait3A_290 : memref<1x128xi32, #tpu.memory_space<vmem>> -> memref<128xi32, #tpu.memory_space<vmem>>
      %dma_wait3A_292 = arith.constant 0 : i32
      %dma_wait3A_293 = arith.constant 0 : i32
      %dma_wait3A_294 = tpu.memref_slice %arg2[%dma_wait3A_292, %dma_wait3A_293] : memref<10000x64xf32, #tpu.memory_space<hbm>> -> memref<10000x64xf32, #tpu.memory_space<hbm>>
      tpu.wait_indirect_dma semaphore(%arg14 : memref<!tpu.dma_semaphore, #tpu.memory_space<semaphore_mem>>) src(%dma_wait3A_294 : memref<10000x64xf32, #tpu.memory_space<hbm>>) dst(%dma_wait3A_288 : memref<128x64xf32, #tpu.memory_space<vmem>>)
      %add3A_295 = arith.constant 3 : i32
      %add3A_296 = arith.addi %mul3A_207, %add3A_295 : i32
      %dma_start3A_297 = arith.constant 3 : i32
      %dma_start3A_298 = arith.constant 0 : i32
      %dma_start3A_299 = arith.constant 0 : i32
      %dma_start3A_300 = tpu.memref_slice %arg9[%dma_start3A_297, %dma_start3A_298, %dma_start3A_299] : memref<8x128x64xf32, #tpu.memory_space<vmem>> -> memref<1x128x64xf32, #tpu.memory_space<vmem>>
      %dma_start3A_301 = tpu.memref_squeeze %dma_start3A_300 : memref<1x128x64xf32, #tpu.memory_space<vmem>> -> memref<128x64xf32, #tpu.memory_space<vmem>>
      %dma_start3A_302 = arith.constant 0 : i32
      %dma_start3A_303 = tpu.memref_slice %arg8[%add3A_296, %dma_start3A_302] : memref<80x128xi32, #tpu.memory_space<vmem>> -> memref<1x128xi32, #tpu.memory_space<vmem>>
      %dma_start3A_304 = tpu.memref_squeeze %dma_start3A_303 : memref<1x128xi32, #tpu.memory_space<vmem>> -> memref<128xi32, #tpu.memory_space<vmem>>
      %dma_start3A_305 = arith.constant 0 : i32
      %dma_start3A_306 = arith.constant 0 : i32
      %dma_start3A_307 = tpu.memref_slice %arg10[%dma_start3A_305, %dma_start3A_306] : memref<10240x64xf32, #tpu.memory_space<vmem_shared>> -> memref<10240x64xf32, #tpu.memory_space<vmem_shared>>
      tpu.enqueue_indirect_dma source(%dma_start3A_301 : memref<128x64xf32, #tpu.memory_space<vmem>>) target(%dma_start3A_307 : memref<10240x64xf32, #tpu.memory_space<vmem_shared>>) offsets(%dma_start3A_304 : memref<128xi32, #tpu.memory_space<vmem>>) semaphore(%arg22 : memref<!tpu.dma_semaphore, #tpu.memory_space<semaphore_mem>>) {add = true}
      %dma_wait3A_308 = arith.constant 0 : i32
      %dma_wait3A_309 = arith.constant 4 : i32
      %dma_wait3A_310 = arith.constant 0 : i32
      %dma_wait3A_311 = arith.constant 0 : i32
      %dma_wait3A_312 = tpu.memref_slice %arg9[%dma_wait3A_309, %dma_wait3A_310, %dma_wait3A_311] : memref<8x128x64xf32, #tpu.memory_space<vmem>> -> memref<1x128x64xf32, #tpu.memory_space<vmem>>
      %dma_wait3A_313 = tpu.memref_squeeze %dma_wait3A_312 : memref<1x128x64xf32, #tpu.memory_space<vmem>> -> memref<128x64xf32, #tpu.memory_space<vmem>>
      %dma_wait3A_314 = arith.constant 0 : i32
      %dma_wait3A_315 = tpu.memref_slice %arg7[%dma_wait3A_308, %dma_wait3A_314] : memref<80x128xi32, #tpu.memory_space<vmem>> -> memref<1x128xi32, #tpu.memory_space<vmem>>
      %dma_wait3A_316 = tpu.memref_squeeze %dma_wait3A_315 : memref<1x128xi32, #tpu.memory_space<vmem>> -> memref<128xi32, #tpu.memory_space<vmem>>
      %dma_wait3A_317 = arith.constant 0 : i32
      %dma_wait3A_318 = arith.constant 0 : i32
      %dma_wait3A_319 = tpu.memref_slice %arg2[%dma_wait3A_317, %dma_wait3A_318] : memref<10000x64xf32, #tpu.memory_space<hbm>> -> memref<10000x64xf32, #tpu.memory_space<hbm>>
      tpu.wait_indirect_dma semaphore(%arg15 : memref<!tpu.dma_semaphore, #tpu.memory_space<semaphore_mem>>) src(%dma_wait3A_319 : memref<10000x64xf32, #tpu.memory_space<hbm>>) dst(%dma_wait3A_313 : memref<128x64xf32, #tpu.memory_space<vmem>>)
      %add3A_320 = arith.constant 4 : i32
      %add3A_321 = arith.addi %mul3A_207, %add3A_320 : i32
      %dma_start3A_322 = arith.constant 4 : i32
      %dma_start3A_323 = arith.constant 0 : i32
      %dma_start3A_324 = arith.constant 0 : i32
      %dma_start3A_325 = tpu.memref_slice %arg9[%dma_start3A_322, %dma_start3A_323, %dma_start3A_324] : memref<8x128x64xf32, #tpu.memory_space<vmem>> -> memref<1x128x64xf32, #tpu.memory_space<vmem>>
      %dma_start3A_326 = tpu.memref_squeeze %dma_start3A_325 : memref<1x128x64xf32, #tpu.memory_space<vmem>> -> memref<128x64xf32, #tpu.memory_space<vmem>>
      %dma_start3A_327 = arith.constant 0 : i32
      %dma_start3A_328 = tpu.memref_slice %arg8[%add3A_321, %dma_start3A_327] : memref<80x128xi32, #tpu.memory_space<vmem>> -> memref<1x128xi32, #tpu.memory_space<vmem>>
      %dma_start3A_329 = tpu.memref_squeeze %dma_start3A_328 : memref<1x128xi32, #tpu.memory_space<vmem>> -> memref<128xi32, #tpu.memory_space<vmem>>
      %dma_start3A_330 = arith.constant 0 : i32
      %dma_start3A_331 = arith.constant 0 : i32
      %dma_start3A_332 = tpu.memref_slice %arg10[%dma_start3A_330, %dma_start3A_331] : memref<10240x64xf32, #tpu.memory_space<vmem_shared>> -> memref<10240x64xf32, #tpu.memory_space<vmem_shared>>
      tpu.enqueue_indirect_dma source(%dma_start3A_326 : memref<128x64xf32, #tpu.memory_space<vmem>>) target(%dma_start3A_332 : memref<10240x64xf32, #tpu.memory_space<vmem_shared>>) offsets(%dma_start3A_329 : memref<128xi32, #tpu.memory_space<vmem>>) semaphore(%arg23 : memref<!tpu.dma_semaphore, #tpu.memory_space<semaphore_mem>>) {add = true}
      %dma_wait3A_333 = arith.constant 0 : i32
      %dma_wait3A_334 = arith.constant 5 : i32
      %dma_wait3A_335 = arith.constant 0 : i32
      %dma_wait3A_336 = arith.constant 0 : i32
      %dma_wait3A_337 = tpu.memref_slice %arg9[%dma_wait3A_334, %dma_wait3A_335, %dma_wait3A_336] : memref<8x128x64xf32, #tpu.memory_space<vmem>> -> memref<1x128x64xf32, #tpu.memory_space<vmem>>
      %dma_wait3A_338 = tpu.memref_squeeze %dma_wait3A_337 : memref<1x128x64xf32, #tpu.memory_space<vmem>> -> memref<128x64xf32, #tpu.memory_space<vmem>>
      %dma_wait3A_339 = arith.constant 0 : i32
      %dma_wait3A_340 = tpu.memref_slice %arg7[%dma_wait3A_333, %dma_wait3A_339] : memref<80x128xi32, #tpu.memory_space<vmem>> -> memref<1x128xi32, #tpu.memory_space<vmem>>
      %dma_wait3A_341 = tpu.memref_squeeze %dma_wait3A_340 : memref<1x128xi32, #tpu.memory_space<vmem>> -> memref<128xi32, #tpu.memory_space<vmem>>
      %dma_wait3A_342 = arith.constant 0 : i32
      %dma_wait3A_343 = arith.constant 0 : i32
      %dma_wait3A_344 = tpu.memref_slice %arg2[%dma_wait3A_342, %dma_wait3A_343] : memref<10000x64xf32, #tpu.memory_space<hbm>> -> memref<10000x64xf32, #tpu.memory_space<hbm>>
      tpu.wait_indirect_dma semaphore(%arg16 : memref<!tpu.dma_semaphore, #tpu.memory_space<semaphore_mem>>) src(%dma_wait3A_344 : memref<10000x64xf32, #tpu.memory_space<hbm>>) dst(%dma_wait3A_338 : memref<128x64xf32, #tpu.memory_space<vmem>>)
      %add3A_345 = arith.constant 5 : i32
      %add3A_346 = arith.addi %mul3A_207, %add3A_345 : i32
      %dma_start3A_347 = arith.constant 5 : i32
      %dma_start3A_348 = arith.constant 0 : i32
      %dma_start3A_349 = arith.constant 0 : i32
      %dma_start3A_350 = tpu.memref_slice %arg9[%dma_start3A_347, %dma_start3A_348, %dma_start3A_349] : memref<8x128x64xf32, #tpu.memory_space<vmem>> -> memref<1x128x64xf32, #tpu.memory_space<vmem>>
      %dma_start3A_351 = tpu.memref_squeeze %dma_start3A_350 : memref<1x128x64xf32, #tpu.memory_space<vmem>> -> memref<128x64xf32, #tpu.memory_space<vmem>>
      %dma_start3A_352 = arith.constant 0 : i32
      %dma_start3A_353 = tpu.memref_slice %arg8[%add3A_346, %dma_start3A_352] : memref<80x128xi32, #tpu.memory_space<vmem>> -> memref<1x128xi32, #tpu.memory_space<vmem>>
      %dma_start3A_354 = tpu.memref_squeeze %dma_start3A_353 : memref<1x128xi32, #tpu.memory_space<vmem>> -> memref<128xi32, #tpu.memory_space<vmem>>
      %dma_start3A_355 = arith.constant 0 : i32
      %dma_start3A_356 = arith.constant 0 : i32
      %dma_start3A_357 = tpu.memref_slice %arg10[%dma_start3A_355, %dma_start3A_356] : memref<10240x64xf32, #tpu.memory_space<vmem_shared>> -> memref<10240x64xf32, #tpu.memory_space<vmem_shared>>
      tpu.enqueue_indirect_dma source(%dma_start3A_351 : memref<128x64xf32, #tpu.memory_space<vmem>>) target(%dma_start3A_357 : memref<10240x64xf32, #tpu.memory_space<vmem_shared>>) offsets(%dma_start3A_354 : memref<128xi32, #tpu.memory_space<vmem>>) semaphore(%arg24 : memref<!tpu.dma_semaphore, #tpu.memory_space<semaphore_mem>>) {add = true}
      %dma_wait3A_358 = arith.constant 0 : i32
      %dma_wait3A_359 = arith.constant 6 : i32
      %dma_wait3A_360 = arith.constant 0 : i32
      %dma_wait3A_361 = arith.constant 0 : i32
      %dma_wait3A_362 = tpu.memref_slice %arg9[%dma_wait3A_359, %dma_wait3A_360, %dma_wait3A_361] : memref<8x128x64xf32, #tpu.memory_space<vmem>> -> memref<1x128x64xf32, #tpu.memory_space<vmem>>
      %dma_wait3A_363 = tpu.memref_squeeze %dma_wait3A_362 : memref<1x128x64xf32, #tpu.memory_space<vmem>> -> memref<128x64xf32, #tpu.memory_space<vmem>>
      %dma_wait3A_364 = arith.constant 0 : i32
      %dma_wait3A_365 = tpu.memref_slice %arg7[%dma_wait3A_358, %dma_wait3A_364] : memref<80x128xi32, #tpu.memory_space<vmem>> -> memref<1x128xi32, #tpu.memory_space<vmem>>
      %dma_wait3A_366 = tpu.memref_squeeze %dma_wait3A_365 : memref<1x128xi32, #tpu.memory_space<vmem>> -> memref<128xi32, #tpu.memory_space<vmem>>
      %dma_wait3A_367 = arith.constant 0 : i32
      %dma_wait3A_368 = arith.constant 0 : i32
      %dma_wait3A_369 = tpu.memref_slice %arg2[%dma_wait3A_367, %dma_wait3A_368] : memref<10000x64xf32, #tpu.memory_space<hbm>> -> memref<10000x64xf32, #tpu.memory_space<hbm>>
      tpu.wait_indirect_dma semaphore(%arg17 : memref<!tpu.dma_semaphore, #tpu.memory_space<semaphore_mem>>) src(%dma_wait3A_369 : memref<10000x64xf32, #tpu.memory_space<hbm>>) dst(%dma_wait3A_363 : memref<128x64xf32, #tpu.memory_space<vmem>>)
      %add3A_370 = arith.constant 6 : i32
      %add3A_371 = arith.addi %mul3A_207, %add3A_370 : i32
      %dma_start3A_372 = arith.constant 6 : i32
      %dma_start3A_373 = arith.constant 0 : i32
      %dma_start3A_374 = arith.constant 0 : i32
      %dma_start3A_375 = tpu.memref_slice %arg9[%dma_start3A_372, %dma_start3A_373, %dma_start3A_374] : memref<8x128x64xf32, #tpu.memory_space<vmem>> -> memref<1x128x64xf32, #tpu.memory_space<vmem>>
      %dma_start3A_376 = tpu.memref_squeeze %dma_start3A_375 : memref<1x128x64xf32, #tpu.memory_space<vmem>> -> memref<128x64xf32, #tpu.memory_space<vmem>>
      %dma_start3A_377 = arith.constant 0 : i32
      %dma_start3A_378 = tpu.memref_slice %arg8[%add3A_371, %dma_start3A_377] : memref<80x128xi32, #tpu.memory_space<vmem>> -> memref<1x128xi32, #tpu.memory_space<vmem>>
      %dma_start3A_379 = tpu.memref_squeeze %dma_start3A_378 : memref<1x128xi32, #tpu.memory_space<vmem>> -> memref<128xi32, #tpu.memory_space<vmem>>
      %dma_start3A_380 = arith.constant 0 : i32
      %dma_start3A_381 = arith.constant 0 : i32
      %dma_start3A_382 = tpu.memref_slice %arg10[%dma_start3A_380, %dma_start3A_381] : memref<10240x64xf32, #tpu.memory_space<vmem_shared>> -> memref<10240x64xf32, #tpu.memory_space<vmem_shared>>
      tpu.enqueue_indirect_dma source(%dma_start3A_376 : memref<128x64xf32, #tpu.memory_space<vmem>>) target(%dma_start3A_382 : memref<10240x64xf32, #tpu.memory_space<vmem_shared>>) offsets(%dma_start3A_379 : memref<128xi32, #tpu.memory_space<vmem>>) semaphore(%arg25 : memref<!tpu.dma_semaphore, #tpu.memory_space<semaphore_mem>>) {add = true}
      %dma_wait3A_383 = arith.constant 0 : i32
      %dma_wait3A_384 = arith.constant 7 : i32
      %dma_wait3A_385 = arith.constant 0 : i32
      %dma_wait3A_386 = arith.constant 0 : i32
      %dma_wait3A_387 = tpu.memref_slice %arg9[%dma_wait3A_384, %dma_wait3A_385, %dma_wait3A_386] : memref<8x128x64xf32, #tpu.memory_space<vmem>> -> memref<1x128x64xf32, #tpu.memory_space<vmem>>
      %dma_wait3A_388 = tpu.memref_squeeze %dma_wait3A_387 : memref<1x128x64xf32, #tpu.memory_space<vmem>> -> memref<128x64xf32, #tpu.memory_space<vmem>>
      %dma_wait3A_389 = arith.constant 0 : i32
      %dma_wait3A_390 = tpu.memref_slice %arg7[%dma_wait3A_383, %dma_wait3A_389] : memref<80x128xi32, #tpu.memory_space<vmem>> -> memref<1x128xi32, #tpu.memory_space<vmem>>
      %dma_wait3A_391 = tpu.memref_squeeze %dma_wait3A_390 : memref<1x128xi32, #tpu.memory_space<vmem>> -> memref<128xi32, #tpu.memory_space<vmem>>
      %dma_wait3A_392 = arith.constant 0 : i32
      %dma_wait3A_393 = arith.constant 0 : i32
      %dma_wait3A_394 = tpu.memref_slice %arg2[%dma_wait3A_392, %dma_wait3A_393] : memref<10000x64xf32, #tpu.memory_space<hbm>> -> memref<10000x64xf32, #tpu.memory_space<hbm>>
      tpu.wait_indirect_dma semaphore(%arg18 : memref<!tpu.dma_semaphore, #tpu.memory_space<semaphore_mem>>) src(%dma_wait3A_394 : memref<10000x64xf32, #tpu.memory_space<hbm>>) dst(%dma_wait3A_388 : memref<128x64xf32, #tpu.memory_space<vmem>>)
      %add3A_395 = arith.constant 7 : i32
      %add3A_396 = arith.addi %mul3A_207, %add3A_395 : i32
      %dma_start3A_397 = arith.constant 7 : i32
      %dma_start3A_398 = arith.constant 0 : i32
      %dma_start3A_399 = arith.constant 0 : i32
      %dma_start3A_400 = tpu.memref_slice %arg9[%dma_start3A_397, %dma_start3A_398, %dma_start3A_399] : memref<8x128x64xf32, #tpu.memory_space<vmem>> -> memref<1x128x64xf32, #tpu.memory_space<vmem>>
      %dma_start3A_401 = tpu.memref_squeeze %dma_start3A_400 : memref<1x128x64xf32, #tpu.memory_space<vmem>> -> memref<128x64xf32, #tpu.memory_space<vmem>>
      %dma_start3A_402 = arith.constant 0 : i32
      %dma_start3A_403 = tpu.memref_slice %arg8[%add3A_396, %dma_start3A_402] : memref<80x128xi32, #tpu.memory_space<vmem>> -> memref<1x128xi32, #tpu.memory_space<vmem>>
      %dma_start3A_404 = tpu.memref_squeeze %dma_start3A_403 : memref<1x128xi32, #tpu.memory_space<vmem>> -> memref<128xi32, #tpu.memory_space<vmem>>
      %dma_start3A_405 = arith.constant 0 : i32
      %dma_start3A_406 = arith.constant 0 : i32
      %dma_start3A_407 = tpu.memref_slice %arg10[%dma_start3A_405, %dma_start3A_406] : memref<10240x64xf32, #tpu.memory_space<vmem_shared>> -> memref<10240x64xf32, #tpu.memory_space<vmem_shared>>
      tpu.enqueue_indirect_dma source(%dma_start3A_401 : memref<128x64xf32, #tpu.memory_space<vmem>>) target(%dma_start3A_407 : memref<10240x64xf32, #tpu.memory_space<vmem_shared>>) offsets(%dma_start3A_404 : memref<128xi32, #tpu.memory_space<vmem>>) semaphore(%arg26 : memref<!tpu.dma_semaphore, #tpu.memory_space<semaphore_mem>>) {add = true}
      %add3A_408 = arith.constant 8 : i32
      %add3A_409 = arith.addi %mul3A_207, %add3A_408 : i32
      %add3A_410 = arith.constant 0 : i32
      %add3A_411 = arith.addi %add3A_409, %add3A_410 : i32
      %lt3A = arith.constant 80 : i32
      %lt3A_412 = arith.cmpi slt, %add3A_411, %lt3A : i32
      %convert_element_type3A = arith.extui %lt3A_412 : i1 to i32
      %cond3A = arith.constant 0 : i32
      %cond3A_413 = arith.cmpi ne, %convert_element_type3A, %cond3A : i32
      scf.if %cond3A_413 {
        %dma_wait3A_477 = arith.constant 0 : i32
        %dma_wait3A_478 = arith.constant 0 : i32
        %dma_wait3A_479 = arith.constant 0 : i32
        %dma_wait3A_480 = arith.constant 0 : i32
        %dma_wait3A_481 = tpu.memref_slice %arg9[%dma_wait3A_477, %dma_wait3A_479, %dma_wait3A_480] : memref<8x128x64xf32, #tpu.memory_space<vmem>> -> memref<1x128x64xf32, #tpu.memory_space<vmem>>
        %dma_wait3A_482 = tpu.memref_squeeze %dma_wait3A_481 : memref<1x128x64xf32, #tpu.memory_space<vmem>> -> memref<128x64xf32, #tpu.memory_space<vmem>>
        %dma_wait3A_483 = arith.constant 0 : i32
        %dma_wait3A_484 = tpu.memref_slice %arg8[%dma_wait3A_478, %dma_wait3A_483] : memref<80x128xi32, #tpu.memory_space<vmem>> -> memref<1x128xi32, #tpu.memory_space<vmem>>
        %dma_wait3A_485 = tpu.memref_squeeze %dma_wait3A_484 : memref<1x128xi32, #tpu.memory_space<vmem>> -> memref<128xi32, #tpu.memory_space<vmem>>
        %dma_wait3A_486 = arith.constant 0 : i32
        %dma_wait3A_487 = arith.constant 0 : i32
        %dma_wait3A_488 = tpu.memref_slice %arg10[%dma_wait3A_486, %dma_wait3A_487] : memref<10240x64xf32, #tpu.memory_space<vmem_shared>> -> memref<10240x64xf32, #tpu.memory_space<vmem_shared>>
        tpu.wait_indirect_dma semaphore(%arg19 : memref<!tpu.dma_semaphore, #tpu.memory_space<semaphore_mem>>) src(%dma_wait3A_482 : memref<128x64xf32, #tpu.memory_space<vmem>>) dst(%dma_wait3A_488 : memref<10240x64xf32, #tpu.memory_space<vmem_shared>>)
        %dma_start3A_489 = arith.constant 0 : i32
        %dma_start3A_490 = arith.constant 0 : i32
        %dma_start3A_491 = arith.constant 0 : i32
        %dma_start3A_492 = tpu.memref_slice %arg9[%dma_start3A_489, %dma_start3A_490, %dma_start3A_491] : memref<8x128x64xf32, #tpu.memory_space<vmem>> -> memref<1x128x64xf32, #tpu.memory_space<vmem>>
        %dma_start3A_493 = tpu.memref_squeeze %dma_start3A_492 : memref<1x128x64xf32, #tpu.memory_space<vmem>> -> memref<128x64xf32, #tpu.memory_space<vmem>>
        %dma_start3A_494 = arith.constant 0 : i32
        %dma_start3A_495 = tpu.memref_slice %arg7[%add3A_411, %dma_start3A_494] : memref<80x128xi32, #tpu.memory_space<vmem>> -> memref<1x128xi32, #tpu.memory_space<vmem>>
        %dma_start3A_496 = tpu.memref_squeeze %dma_start3A_495 : memref<1x128xi32, #tpu.memory_space<vmem>> -> memref<128xi32, #tpu.memory_space<vmem>>
        %dma_start3A_497 = arith.constant 0 : i32
        %dma_start3A_498 = arith.constant 0 : i32
        %dma_start3A_499 = tpu.memref_slice %arg2[%dma_start3A_497, %dma_start3A_498] : memref<10000x64xf32, #tpu.memory_space<hbm>> -> memref<10000x64xf32, #tpu.memory_space<hbm>>
        tpu.enqueue_indirect_dma source(%dma_start3A_499 : memref<10000x64xf32, #tpu.memory_space<hbm>>) target(%dma_start3A_493 : memref<128x64xf32, #tpu.memory_space<vmem>>) offsets(%dma_start3A_496 : memref<128xi32, #tpu.memory_space<vmem>>) semaphore(%arg11 : memref<!tpu.dma_semaphore, #tpu.memory_space<semaphore_mem>>)
      } else {
      }
      %add3A_414 = arith.constant 8 : i32
      %add3A_415 = arith.addi %mul3A_207, %add3A_414 : i32
      %add3A_416 = arith.constant 1 : i32
      %add3A_417 = arith.addi %add3A_415, %add3A_416 : i32
      %lt3A_418 = arith.constant 80 : i32
      %lt3A_419 = arith.cmpi slt, %add3A_417, %lt3A_418 : i32
      %convert_element_type3A_420 = arith.extui %lt3A_419 : i1 to i32
      %cond3A_421 = arith.constant 0 : i32
      %cond3A_422 = arith.cmpi ne, %convert_element_type3A_420, %cond3A_421 : i32
      scf.if %cond3A_422 {
        %dma_wait3A_477 = arith.constant 1 : i32
        %dma_wait3A_478 = arith.constant 0 : i32
        %dma_wait3A_479 = arith.constant 0 : i32
        %dma_wait3A_480 = arith.constant 0 : i32
        %dma_wait3A_481 = tpu.memref_slice %arg9[%dma_wait3A_477, %dma_wait3A_479, %dma_wait3A_480] : memref<8x128x64xf32, #tpu.memory_space<vmem>> -> memref<1x128x64xf32, #tpu.memory_space<vmem>>
        %dma_wait3A_482 = tpu.memref_squeeze %dma_wait3A_481 : memref<1x128x64xf32, #tpu.memory_space<vmem>> -> memref<128x64xf32, #tpu.memory_space<vmem>>
        %dma_wait3A_483 = arith.constant 0 : i32
        %dma_wait3A_484 = tpu.memref_slice %arg8[%dma_wait3A_478, %dma_wait3A_483] : memref<80x128xi32, #tpu.memory_space<vmem>> -> memref<1x128xi32, #tpu.memory_space<vmem>>
        %dma_wait3A_485 = tpu.memref_squeeze %dma_wait3A_484 : memref<1x128xi32, #tpu.memory_space<vmem>> -> memref<128xi32, #tpu.memory_space<vmem>>
        %dma_wait3A_486 = arith.constant 0 : i32
        %dma_wait3A_487 = arith.constant 0 : i32
        %dma_wait3A_488 = tpu.memref_slice %arg10[%dma_wait3A_486, %dma_wait3A_487] : memref<10240x64xf32, #tpu.memory_space<vmem_shared>> -> memref<10240x64xf32, #tpu.memory_space<vmem_shared>>
        tpu.wait_indirect_dma semaphore(%arg20 : memref<!tpu.dma_semaphore, #tpu.memory_space<semaphore_mem>>) src(%dma_wait3A_482 : memref<128x64xf32, #tpu.memory_space<vmem>>) dst(%dma_wait3A_488 : memref<10240x64xf32, #tpu.memory_space<vmem_shared>>)
        %dma_start3A_489 = arith.constant 1 : i32
        %dma_start3A_490 = arith.constant 0 : i32
        %dma_start3A_491 = arith.constant 0 : i32
        %dma_start3A_492 = tpu.memref_slice %arg9[%dma_start3A_489, %dma_start3A_490, %dma_start3A_491] : memref<8x128x64xf32, #tpu.memory_space<vmem>> -> memref<1x128x64xf32, #tpu.memory_space<vmem>>
        %dma_start3A_493 = tpu.memref_squeeze %dma_start3A_492 : memref<1x128x64xf32, #tpu.memory_space<vmem>> -> memref<128x64xf32, #tpu.memory_space<vmem>>
        %dma_start3A_494 = arith.constant 0 : i32
        %dma_start3A_495 = tpu.memref_slice %arg7[%add3A_417, %dma_start3A_494] : memref<80x128xi32, #tpu.memory_space<vmem>> -> memref<1x128xi32, #tpu.memory_space<vmem>>
        %dma_start3A_496 = tpu.memref_squeeze %dma_start3A_495 : memref<1x128xi32, #tpu.memory_space<vmem>> -> memref<128xi32, #tpu.memory_space<vmem>>
        %dma_start3A_497 = arith.constant 0 : i32
        %dma_start3A_498 = arith.constant 0 : i32
        %dma_start3A_499 = tpu.memref_slice %arg2[%dma_start3A_497, %dma_start3A_498] : memref<10000x64xf32, #tpu.memory_space<hbm>> -> memref<10000x64xf32, #tpu.memory_space<hbm>>
        tpu.enqueue_indirect_dma source(%dma_start3A_499 : memref<10000x64xf32, #tpu.memory_space<hbm>>) target(%dma_start3A_493 : memref<128x64xf32, #tpu.memory_space<vmem>>) offsets(%dma_start3A_496 : memref<128xi32, #tpu.memory_space<vmem>>) semaphore(%arg12 : memref<!tpu.dma_semaphore, #tpu.memory_space<semaphore_mem>>)
      } else {
      }
      %add3A_423 = arith.constant 8 : i32
      %add3A_424 = arith.addi %mul3A_207, %add3A_423 : i32
      %add3A_425 = arith.constant 2 : i32
      %add3A_426 = arith.addi %add3A_424, %add3A_425 : i32
      %lt3A_427 = arith.constant 80 : i32
      %lt3A_428 = arith.cmpi slt, %add3A_426, %lt3A_427 : i32
      %convert_element_type3A_429 = arith.extui %lt3A_428 : i1 to i32
      %cond3A_430 = arith.constant 0 : i32
      %cond3A_431 = arith.cmpi ne, %convert_element_type3A_429, %cond3A_430 : i32
      scf.if %cond3A_431 {
        %dma_wait3A_477 = arith.constant 2 : i32
        %dma_wait3A_478 = arith.constant 0 : i32
        %dma_wait3A_479 = arith.constant 0 : i32
        %dma_wait3A_480 = arith.constant 0 : i32
        %dma_wait3A_481 = tpu.memref_slice %arg9[%dma_wait3A_477, %dma_wait3A_479, %dma_wait3A_480] : memref<8x128x64xf32, #tpu.memory_space<vmem>> -> memref<1x128x64xf32, #tpu.memory_space<vmem>>
        %dma_wait3A_482 = tpu.memref_squeeze %dma_wait3A_481 : memref<1x128x64xf32, #tpu.memory_space<vmem>> -> memref<128x64xf32, #tpu.memory_space<vmem>>
        %dma_wait3A_483 = arith.constant 0 : i32
        %dma_wait3A_484 = tpu.memref_slice %arg8[%dma_wait3A_478, %dma_wait3A_483] : memref<80x128xi32, #tpu.memory_space<vmem>> -> memref<1x128xi32, #tpu.memory_space<vmem>>
        %dma_wait3A_485 = tpu.memref_squeeze %dma_wait3A_484 : memref<1x128xi32, #tpu.memory_space<vmem>> -> memref<128xi32, #tpu.memory_space<vmem>>
        %dma_wait3A_486 = arith.constant 0 : i32
        %dma_wait3A_487 = arith.constant 0 : i32
        %dma_wait3A_488 = tpu.memref_slice %arg10[%dma_wait3A_486, %dma_wait3A_487] : memref<10240x64xf32, #tpu.memory_space<vmem_shared>> -> memref<10240x64xf32, #tpu.memory_space<vmem_shared>>
        tpu.wait_indirect_dma semaphore(%arg21 : memref<!tpu.dma_semaphore, #tpu.memory_space<semaphore_mem>>) src(%dma_wait3A_482 : memref<128x64xf32, #tpu.memory_space<vmem>>) dst(%dma_wait3A_488 : memref<10240x64xf32, #tpu.memory_space<vmem_shared>>)
        %dma_start3A_489 = arith.constant 2 : i32
        %dma_start3A_490 = arith.constant 0 : i32
        %dma_start3A_491 = arith.constant 0 : i32
        %dma_start3A_492 = tpu.memref_slice %arg9[%dma_start3A_489, %dma_start3A_490, %dma_start3A_491] : memref<8x128x64xf32, #tpu.memory_space<vmem>> -> memref<1x128x64xf32, #tpu.memory_space<vmem>>
        %dma_start3A_493 = tpu.memref_squeeze %dma_start3A_492 : memref<1x128x64xf32, #tpu.memory_space<vmem>> -> memref<128x64xf32, #tpu.memory_space<vmem>>
        %dma_start3A_494 = arith.constant 0 : i32
        %dma_start3A_495 = tpu.memref_slice %arg7[%add3A_426, %dma_start3A_494] : memref<80x128xi32, #tpu.memory_space<vmem>> -> memref<1x128xi32, #tpu.memory_space<vmem>>
        %dma_start3A_496 = tpu.memref_squeeze %dma_start3A_495 : memref<1x128xi32, #tpu.memory_space<vmem>> -> memref<128xi32, #tpu.memory_space<vmem>>
        %dma_start3A_497 = arith.constant 0 : i32
        %dma_start3A_498 = arith.constant 0 : i32
        %dma_start3A_499 = tpu.memref_slice %arg2[%dma_start3A_497, %dma_start3A_498] : memref<10000x64xf32, #tpu.memory_space<hbm>> -> memref<10000x64xf32, #tpu.memory_space<hbm>>
        tpu.enqueue_indirect_dma source(%dma_start3A_499 : memref<10000x64xf32, #tpu.memory_space<hbm>>) target(%dma_start3A_493 : memref<128x64xf32, #tpu.memory_space<vmem>>) offsets(%dma_start3A_496 : memref<128xi32, #tpu.memory_space<vmem>>) semaphore(%arg13 : memref<!tpu.dma_semaphore, #tpu.memory_space<semaphore_mem>>)
      } else {
      }
      %add3A_432 = arith.constant 8 : i32
      %add3A_433 = arith.addi %mul3A_207, %add3A_432 : i32
      %add3A_434 = arith.constant 3 : i32
      %add3A_435 = arith.addi %add3A_433, %add3A_434 : i32
      %lt3A_436 = arith.constant 80 : i32
      %lt3A_437 = arith.cmpi slt, %add3A_435, %lt3A_436 : i32
      %convert_element_type3A_438 = arith.extui %lt3A_437 : i1 to i32
      %cond3A_439 = arith.constant 0 : i32
      %cond3A_440 = arith.cmpi ne, %convert_element_type3A_438, %cond3A_439 : i32
      scf.if %cond3A_440 {
        %dma_wait3A_477 = arith.constant 3 : i32
        %dma_wait3A_478 = arith.constant 0 : i32
        %dma_wait3A_479 = arith.constant 0 : i32
        %dma_wait3A_480 = arith.constant 0 : i32
        %dma_wait3A_481 = tpu.memref_slice %arg9[%dma_wait3A_477, %dma_wait3A_479, %dma_wait3A_480] : memref<8x128x64xf32, #tpu.memory_space<vmem>> -> memref<1x128x64xf32, #tpu.memory_space<vmem>>
        %dma_wait3A_482 = tpu.memref_squeeze %dma_wait3A_481 : memref<1x128x64xf32, #tpu.memory_space<vmem>> -> memref<128x64xf32, #tpu.memory_space<vmem>>
        %dma_wait3A_483 = arith.constant 0 : i32
        %dma_wait3A_484 = tpu.memref_slice %arg8[%dma_wait3A_478, %dma_wait3A_483] : memref<80x128xi32, #tpu.memory_space<vmem>> -> memref<1x128xi32, #tpu.memory_space<vmem>>
        %dma_wait3A_485 = tpu.memref_squeeze %dma_wait3A_484 : memref<1x128xi32, #tpu.memory_space<vmem>> -> memref<128xi32, #tpu.memory_space<vmem>>
        %dma_wait3A_486 = arith.constant 0 : i32
        %dma_wait3A_487 = arith.constant 0 : i32
        %dma_wait3A_488 = tpu.memref_slice %arg10[%dma_wait3A_486, %dma_wait3A_487] : memref<10240x64xf32, #tpu.memory_space<vmem_shared>> -> memref<10240x64xf32, #tpu.memory_space<vmem_shared>>
        tpu.wait_indirect_dma semaphore(%arg22 : memref<!tpu.dma_semaphore, #tpu.memory_space<semaphore_mem>>) src(%dma_wait3A_482 : memref<128x64xf32, #tpu.memory_space<vmem>>) dst(%dma_wait3A_488 : memref<10240x64xf32, #tpu.memory_space<vmem_shared>>)
        %dma_start3A_489 = arith.constant 3 : i32
        %dma_start3A_490 = arith.constant 0 : i32
        %dma_start3A_491 = arith.constant 0 : i32
        %dma_start3A_492 = tpu.memref_slice %arg9[%dma_start3A_489, %dma_start3A_490, %dma_start3A_491] : memref<8x128x64xf32, #tpu.memory_space<vmem>> -> memref<1x128x64xf32, #tpu.memory_space<vmem>>
        %dma_start3A_493 = tpu.memref_squeeze %dma_start3A_492 : memref<1x128x64xf32, #tpu.memory_space<vmem>> -> memref<128x64xf32, #tpu.memory_space<vmem>>
        %dma_start3A_494 = arith.constant 0 : i32
        %dma_start3A_495 = tpu.memref_slice %arg7[%add3A_435, %dma_start3A_494] : memref<80x128xi32, #tpu.memory_space<vmem>> -> memref<1x128xi32, #tpu.memory_space<vmem>>
        %dma_start3A_496 = tpu.memref_squeeze %dma_start3A_495 : memref<1x128xi32, #tpu.memory_space<vmem>> -> memref<128xi32, #tpu.memory_space<vmem>>
        %dma_start3A_497 = arith.constant 0 : i32
        %dma_start3A_498 = arith.constant 0 : i32
        %dma_start3A_499 = tpu.memref_slice %arg2[%dma_start3A_497, %dma_start3A_498] : memref<10000x64xf32, #tpu.memory_space<hbm>> -> memref<10000x64xf32, #tpu.memory_space<hbm>>
        tpu.enqueue_indirect_dma source(%dma_start3A_499 : memref<10000x64xf32, #tpu.memory_space<hbm>>) target(%dma_start3A_493 : memref<128x64xf32, #tpu.memory_space<vmem>>) offsets(%dma_start3A_496 : memref<128xi32, #tpu.memory_space<vmem>>) semaphore(%arg14 : memref<!tpu.dma_semaphore, #tpu.memory_space<semaphore_mem>>)
      } else {
      }
      %add3A_441 = arith.constant 8 : i32
      %add3A_442 = arith.addi %mul3A_207, %add3A_441 : i32
      %add3A_443 = arith.constant 4 : i32
      %add3A_444 = arith.addi %add3A_442, %add3A_443 : i32
      %lt3A_445 = arith.constant 80 : i32
      %lt3A_446 = arith.cmpi slt, %add3A_444, %lt3A_445 : i32
      %convert_element_type3A_447 = arith.extui %lt3A_446 : i1 to i32
      %cond3A_448 = arith.constant 0 : i32
      %cond3A_449 = arith.cmpi ne, %convert_element_type3A_447, %cond3A_448 : i32
      scf.if %cond3A_449 {
        %dma_wait3A_477 = arith.constant 4 : i32
        %dma_wait3A_478 = arith.constant 0 : i32
        %dma_wait3A_479 = arith.constant 0 : i32
        %dma_wait3A_480 = arith.constant 0 : i32
        %dma_wait3A_481 = tpu.memref_slice %arg9[%dma_wait3A_477, %dma_wait3A_479, %dma_wait3A_480] : memref<8x128x64xf32, #tpu.memory_space<vmem>> -> memref<1x128x64xf32, #tpu.memory_space<vmem>>
        %dma_wait3A_482 = tpu.memref_squeeze %dma_wait3A_481 : memref<1x128x64xf32, #tpu.memory_space<vmem>> -> memref<128x64xf32, #tpu.memory_space<vmem>>
        %dma_wait3A_483 = arith.constant 0 : i32
        %dma_wait3A_484 = tpu.memref_slice %arg8[%dma_wait3A_478, %dma_wait3A_483] : memref<80x128xi32, #tpu.memory_space<vmem>> -> memref<1x128xi32, #tpu.memory_space<vmem>>
        %dma_wait3A_485 = tpu.memref_squeeze %dma_wait3A_484 : memref<1x128xi32, #tpu.memory_space<vmem>> -> memref<128xi32, #tpu.memory_space<vmem>>
        %dma_wait3A_486 = arith.constant 0 : i32
        %dma_wait3A_487 = arith.constant 0 : i32
        %dma_wait3A_488 = tpu.memref_slice %arg10[%dma_wait3A_486, %dma_wait3A_487] : memref<10240x64xf32, #tpu.memory_space<vmem_shared>> -> memref<10240x64xf32, #tpu.memory_space<vmem_shared>>
        tpu.wait_indirect_dma semaphore(%arg23 : memref<!tpu.dma_semaphore, #tpu.memory_space<semaphore_mem>>) src(%dma_wait3A_482 : memref<128x64xf32, #tpu.memory_space<vmem>>) dst(%dma_wait3A_488 : memref<10240x64xf32, #tpu.memory_space<vmem_shared>>)
        %dma_start3A_489 = arith.constant 4 : i32
        %dma_start3A_490 = arith.constant 0 : i32
        %dma_start3A_491 = arith.constant 0 : i32
        %dma_start3A_492 = tpu.memref_slice %arg9[%dma_start3A_489, %dma_start3A_490, %dma_start3A_491] : memref<8x128x64xf32, #tpu.memory_space<vmem>> -> memref<1x128x64xf32, #tpu.memory_space<vmem>>
        %dma_start3A_493 = tpu.memref_squeeze %dma_start3A_492 : memref<1x128x64xf32, #tpu.memory_space<vmem>> -> memref<128x64xf32, #tpu.memory_space<vmem>>
        %dma_start3A_494 = arith.constant 0 : i32
        %dma_start3A_495 = tpu.memref_slice %arg7[%add3A_444, %dma_start3A_494] : memref<80x128xi32, #tpu.memory_space<vmem>> -> memref<1x128xi32, #tpu.memory_space<vmem>>
        %dma_start3A_496 = tpu.memref_squeeze %dma_start3A_495 : memref<1x128xi32, #tpu.memory_space<vmem>> -> memref<128xi32, #tpu.memory_space<vmem>>
        %dma_start3A_497 = arith.constant 0 : i32
        %dma_start3A_498 = arith.constant 0 : i32
        %dma_start3A_499 = tpu.memref_slice %arg2[%dma_start3A_497, %dma_start3A_498] : memref<10000x64xf32, #tpu.memory_space<hbm>> -> memref<10000x64xf32, #tpu.memory_space<hbm>>
        tpu.enqueue_indirect_dma source(%dma_start3A_499 : memref<10000x64xf32, #tpu.memory_space<hbm>>) target(%dma_start3A_493 : memref<128x64xf32, #tpu.memory_space<vmem>>) offsets(%dma_start3A_496 : memref<128xi32, #tpu.memory_space<vmem>>) semaphore(%arg15 : memref<!tpu.dma_semaphore, #tpu.memory_space<semaphore_mem>>)
      } else {
      }
      %add3A_450 = arith.constant 8 : i32
      %add3A_451 = arith.addi %mul3A_207, %add3A_450 : i32
      %add3A_452 = arith.constant 5 : i32
      %add3A_453 = arith.addi %add3A_451, %add3A_452 : i32
      %lt3A_454 = arith.constant 80 : i32
      %lt3A_455 = arith.cmpi slt, %add3A_453, %lt3A_454 : i32
      %convert_element_type3A_456 = arith.extui %lt3A_455 : i1 to i32
      %cond3A_457 = arith.constant 0 : i32
      %cond3A_458 = arith.cmpi ne, %convert_element_type3A_456, %cond3A_457 : i32
      scf.if %cond3A_458 {
        %dma_wait3A_477 = arith.constant 5 : i32
        %dma_wait3A_478 = arith.constant 0 : i32
        %dma_wait3A_479 = arith.constant 0 : i32
        %dma_wait3A_480 = arith.constant 0 : i32
        %dma_wait3A_481 = tpu.memref_slice %arg9[%dma_wait3A_477, %dma_wait3A_479, %dma_wait3A_480] : memref<8x128x64xf32, #tpu.memory_space<vmem>> -> memref<1x128x64xf32, #tpu.memory_space<vmem>>
        %dma_wait3A_482 = tpu.memref_squeeze %dma_wait3A_481 : memref<1x128x64xf32, #tpu.memory_space<vmem>> -> memref<128x64xf32, #tpu.memory_space<vmem>>
        %dma_wait3A_483 = arith.constant 0 : i32
        %dma_wait3A_484 = tpu.memref_slice %arg8[%dma_wait3A_478, %dma_wait3A_483] : memref<80x128xi32, #tpu.memory_space<vmem>> -> memref<1x128xi32, #tpu.memory_space<vmem>>
        %dma_wait3A_485 = tpu.memref_squeeze %dma_wait3A_484 : memref<1x128xi32, #tpu.memory_space<vmem>> -> memref<128xi32, #tpu.memory_space<vmem>>
        %dma_wait3A_486 = arith.constant 0 : i32
        %dma_wait3A_487 = arith.constant 0 : i32
        %dma_wait3A_488 = tpu.memref_slice %arg10[%dma_wait3A_486, %dma_wait3A_487] : memref<10240x64xf32, #tpu.memory_space<vmem_shared>> -> memref<10240x64xf32, #tpu.memory_space<vmem_shared>>
        tpu.wait_indirect_dma semaphore(%arg24 : memref<!tpu.dma_semaphore, #tpu.memory_space<semaphore_mem>>) src(%dma_wait3A_482 : memref<128x64xf32, #tpu.memory_space<vmem>>) dst(%dma_wait3A_488 : memref<10240x64xf32, #tpu.memory_space<vmem_shared>>)
        %dma_start3A_489 = arith.constant 5 : i32
        %dma_start3A_490 = arith.constant 0 : i32
        %dma_start3A_491 = arith.constant 0 : i32
        %dma_start3A_492 = tpu.memref_slice %arg9[%dma_start3A_489, %dma_start3A_490, %dma_start3A_491] : memref<8x128x64xf32, #tpu.memory_space<vmem>> -> memref<1x128x64xf32, #tpu.memory_space<vmem>>
        %dma_start3A_493 = tpu.memref_squeeze %dma_start3A_492 : memref<1x128x64xf32, #tpu.memory_space<vmem>> -> memref<128x64xf32, #tpu.memory_space<vmem>>
        %dma_start3A_494 = arith.constant 0 : i32
        %dma_start3A_495 = tpu.memref_slice %arg7[%add3A_453, %dma_start3A_494] : memref<80x128xi32, #tpu.memory_space<vmem>> -> memref<1x128xi32, #tpu.memory_space<vmem>>
        %dma_start3A_496 = tpu.memref_squeeze %dma_start3A_495 : memref<1x128xi32, #tpu.memory_space<vmem>> -> memref<128xi32, #tpu.memory_space<vmem>>
        %dma_start3A_497 = arith.constant 0 : i32
        %dma_start3A_498 = arith.constant 0 : i32
        %dma_start3A_499 = tpu.memref_slice %arg2[%dma_start3A_497, %dma_start3A_498] : memref<10000x64xf32, #tpu.memory_space<hbm>> -> memref<10000x64xf32, #tpu.memory_space<hbm>>
        tpu.enqueue_indirect_dma source(%dma_start3A_499 : memref<10000x64xf32, #tpu.memory_space<hbm>>) target(%dma_start3A_493 : memref<128x64xf32, #tpu.memory_space<vmem>>) offsets(%dma_start3A_496 : memref<128xi32, #tpu.memory_space<vmem>>) semaphore(%arg16 : memref<!tpu.dma_semaphore, #tpu.memory_space<semaphore_mem>>)
      } else {
      }
      %add3A_459 = arith.constant 8 : i32
      %add3A_460 = arith.addi %mul3A_207, %add3A_459 : i32
      %add3A_461 = arith.constant 6 : i32
      %add3A_462 = arith.addi %add3A_460, %add3A_461 : i32
      %lt3A_463 = arith.constant 80 : i32
      %lt3A_464 = arith.cmpi slt, %add3A_462, %lt3A_463 : i32
      %convert_element_type3A_465 = arith.extui %lt3A_464 : i1 to i32
      %cond3A_466 = arith.constant 0 : i32
      %cond3A_467 = arith.cmpi ne, %convert_element_type3A_465, %cond3A_466 : i32
      scf.if %cond3A_467 {
        %dma_wait3A_477 = arith.constant 6 : i32
        %dma_wait3A_478 = arith.constant 0 : i32
        %dma_wait3A_479 = arith.constant 0 : i32
        %dma_wait3A_480 = arith.constant 0 : i32
        %dma_wait3A_481 = tpu.memref_slice %arg9[%dma_wait3A_477, %dma_wait3A_479, %dma_wait3A_480] : memref<8x128x64xf32, #tpu.memory_space<vmem>> -> memref<1x128x64xf32, #tpu.memory_space<vmem>>
        %dma_wait3A_482 = tpu.memref_squeeze %dma_wait3A_481 : memref<1x128x64xf32, #tpu.memory_space<vmem>> -> memref<128x64xf32, #tpu.memory_space<vmem>>
        %dma_wait3A_483 = arith.constant 0 : i32
        %dma_wait3A_484 = tpu.memref_slice %arg8[%dma_wait3A_478, %dma_wait3A_483] : memref<80x128xi32, #tpu.memory_space<vmem>> -> memref<1x128xi32, #tpu.memory_space<vmem>>
        %dma_wait3A_485 = tpu.memref_squeeze %dma_wait3A_484 : memref<1x128xi32, #tpu.memory_space<vmem>> -> memref<128xi32, #tpu.memory_space<vmem>>
        %dma_wait3A_486 = arith.constant 0 : i32
        %dma_wait3A_487 = arith.constant 0 : i32
        %dma_wait3A_488 = tpu.memref_slice %arg10[%dma_wait3A_486, %dma_wait3A_487] : memref<10240x64xf32, #tpu.memory_space<vmem_shared>> -> memref<10240x64xf32, #tpu.memory_space<vmem_shared>>
        tpu.wait_indirect_dma semaphore(%arg25 : memref<!tpu.dma_semaphore, #tpu.memory_space<semaphore_mem>>) src(%dma_wait3A_482 : memref<128x64xf32, #tpu.memory_space<vmem>>) dst(%dma_wait3A_488 : memref<10240x64xf32, #tpu.memory_space<vmem_shared>>)
        %dma_start3A_489 = arith.constant 6 : i32
        %dma_start3A_490 = arith.constant 0 : i32
        %dma_start3A_491 = arith.constant 0 : i32
        %dma_start3A_492 = tpu.memref_slice %arg9[%dma_start3A_489, %dma_start3A_490, %dma_start3A_491] : memref<8x128x64xf32, #tpu.memory_space<vmem>> -> memref<1x128x64xf32, #tpu.memory_space<vmem>>
        %dma_start3A_493 = tpu.memref_squeeze %dma_start3A_492 : memref<1x128x64xf32, #tpu.memory_space<vmem>> -> memref<128x64xf32, #tpu.memory_space<vmem>>
        %dma_start3A_494 = arith.constant 0 : i32
        %dma_start3A_495 = tpu.memref_slice %arg7[%add3A_462, %dma_start3A_494] : memref<80x128xi32, #tpu.memory_space<vmem>> -> memref<1x128xi32, #tpu.memory_space<vmem>>
        %dma_start3A_496 = tpu.memref_squeeze %dma_start3A_495 : memref<1x128xi32, #tpu.memory_space<vmem>> -> memref<128xi32, #tpu.memory_space<vmem>>
        %dma_start3A_497 = arith.constant 0 : i32
        %dma_start3A_498 = arith.constant 0 : i32
        %dma_start3A_499 = tpu.memref_slice %arg2[%dma_start3A_497, %dma_start3A_498] : memref<10000x64xf32, #tpu.memory_space<hbm>> -> memref<10000x64xf32, #tpu.memory_space<hbm>>
        tpu.enqueue_indirect_dma source(%dma_start3A_499 : memref<10000x64xf32, #tpu.memory_space<hbm>>) target(%dma_start3A_493 : memref<128x64xf32, #tpu.memory_space<vmem>>) offsets(%dma_start3A_496 : memref<128xi32, #tpu.memory_space<vmem>>) semaphore(%arg17 : memref<!tpu.dma_semaphore, #tpu.memory_space<semaphore_mem>>)
      } else {
      }
      %add3A_468 = arith.constant 8 : i32
      %add3A_469 = arith.addi %mul3A_207, %add3A_468 : i32
      %add3A_470 = arith.constant 7 : i32
      %add3A_471 = arith.addi %add3A_469, %add3A_470 : i32
      %lt3A_472 = arith.constant 80 : i32
      %lt3A_473 = arith.cmpi slt, %add3A_471, %lt3A_472 : i32
      %convert_element_type3A_474 = arith.extui %lt3A_473 : i1 to i32
      %cond3A_475 = arith.constant 0 : i32
      %cond3A_476 = arith.cmpi ne, %convert_element_type3A_474, %cond3A_475 : i32
      scf.if %cond3A_476 {
        %dma_wait3A_477 = arith.constant 7 : i32
        %dma_wait3A_478 = arith.constant 0 : i32
        %dma_wait3A_479 = arith.constant 0 : i32
        %dma_wait3A_480 = arith.constant 0 : i32
        %dma_wait3A_481 = tpu.memref_slice %arg9[%dma_wait3A_477, %dma_wait3A_479, %dma_wait3A_480] : memref<8x128x64xf32, #tpu.memory_space<vmem>> -> memref<1x128x64xf32, #tpu.memory_space<vmem>>
        %dma_wait3A_482 = tpu.memref_squeeze %dma_wait3A_481 : memref<1x128x64xf32, #tpu.memory_space<vmem>> -> memref<128x64xf32, #tpu.memory_space<vmem>>
        %dma_wait3A_483 = arith.constant 0 : i32
        %dma_wait3A_484 = tpu.memref_slice %arg8[%dma_wait3A_478, %dma_wait3A_483] : memref<80x128xi32, #tpu.memory_space<vmem>> -> memref<1x128xi32, #tpu.memory_space<vmem>>
        %dma_wait3A_485 = tpu.memref_squeeze %dma_wait3A_484 : memref<1x128xi32, #tpu.memory_space<vmem>> -> memref<128xi32, #tpu.memory_space<vmem>>
        %dma_wait3A_486 = arith.constant 0 : i32
        %dma_wait3A_487 = arith.constant 0 : i32
        %dma_wait3A_488 = tpu.memref_slice %arg10[%dma_wait3A_486, %dma_wait3A_487] : memref<10240x64xf32, #tpu.memory_space<vmem_shared>> -> memref<10240x64xf32, #tpu.memory_space<vmem_shared>>
        tpu.wait_indirect_dma semaphore(%arg26 : memref<!tpu.dma_semaphore, #tpu.memory_space<semaphore_mem>>) src(%dma_wait3A_482 : memref<128x64xf32, #tpu.memory_space<vmem>>) dst(%dma_wait3A_488 : memref<10240x64xf32, #tpu.memory_space<vmem_shared>>)
        %dma_start3A_489 = arith.constant 7 : i32
        %dma_start3A_490 = arith.constant 0 : i32
        %dma_start3A_491 = arith.constant 0 : i32
        %dma_start3A_492 = tpu.memref_slice %arg9[%dma_start3A_489, %dma_start3A_490, %dma_start3A_491] : memref<8x128x64xf32, #tpu.memory_space<vmem>> -> memref<1x128x64xf32, #tpu.memory_space<vmem>>
        %dma_start3A_493 = tpu.memref_squeeze %dma_start3A_492 : memref<1x128x64xf32, #tpu.memory_space<vmem>> -> memref<128x64xf32, #tpu.memory_space<vmem>>
        %dma_start3A_494 = arith.constant 0 : i32
        %dma_start3A_495 = tpu.memref_slice %arg7[%add3A_471, %dma_start3A_494] : memref<80x128xi32, #tpu.memory_space<vmem>> -> memref<1x128xi32, #tpu.memory_space<vmem>>
        %dma_start3A_496 = tpu.memref_squeeze %dma_start3A_495 : memref<1x128xi32, #tpu.memory_space<vmem>> -> memref<128xi32, #tpu.memory_space<vmem>>
        %dma_start3A_497 = arith.constant 0 : i32
        %dma_start3A_498 = arith.constant 0 : i32
        %dma_start3A_499 = tpu.memref_slice %arg2[%dma_start3A_497, %dma_start3A_498] : memref<10000x64xf32, #tpu.memory_space<hbm>> -> memref<10000x64xf32, #tpu.memory_space<hbm>>
        tpu.enqueue_indirect_dma source(%dma_start3A_499 : memref<10000x64xf32, #tpu.memory_space<hbm>>) target(%dma_start3A_493 : memref<128x64xf32, #tpu.memory_space<vmem>>) offsets(%dma_start3A_496 : memref<128xi32, #tpu.memory_space<vmem>>) semaphore(%arg18 : memref<!tpu.dma_semaphore, #tpu.memory_space<semaphore_mem>>)
      } else {
      }
    }
    %scan3A_104 = arith.constant 10 : i32
    %dma_wait3A = arith.constant 0 : i32
    %dma_wait3A_105 = arith.constant 0 : i32
    %dma_wait3A_106 = arith.constant 0 : i32
    %dma_wait3A_107 = arith.constant 0 : i32
    %dma_wait3A_108 = tpu.memref_slice %arg9[%dma_wait3A, %dma_wait3A_106, %dma_wait3A_107] : memref<8x128x64xf32, #tpu.memory_space<vmem>> -> memref<1x128x64xf32, #tpu.memory_space<vmem>>
    %dma_wait3A_109 = tpu.memref_squeeze %dma_wait3A_108 : memref<1x128x64xf32, #tpu.memory_space<vmem>> -> memref<128x64xf32, #tpu.memory_space<vmem>>
    %dma_wait3A_110 = arith.constant 0 : i32
    %dma_wait3A_111 = tpu.memref_slice %arg8[%dma_wait3A_105, %dma_wait3A_110] : memref<80x128xi32, #tpu.memory_space<vmem>> -> memref<1x128xi32, #tpu.memory_space<vmem>>
    %dma_wait3A_112 = tpu.memref_squeeze %dma_wait3A_111 : memref<1x128xi32, #tpu.memory_space<vmem>> -> memref<128xi32, #tpu.memory_space<vmem>>
    %dma_wait3A_113 = arith.constant 0 : i32
    %dma_wait3A_114 = arith.constant 0 : i32
    %dma_wait3A_115 = tpu.memref_slice %arg10[%dma_wait3A_113, %dma_wait3A_114] : memref<10240x64xf32, #tpu.memory_space<vmem_shared>> -> memref<10240x64xf32, #tpu.memory_space<vmem_shared>>
    tpu.wait_indirect_dma semaphore(%arg19 : memref<!tpu.dma_semaphore, #tpu.memory_space<semaphore_mem>>) src(%dma_wait3A_109 : memref<128x64xf32, #tpu.memory_space<vmem>>) dst(%dma_wait3A_115 : memref<10240x64xf32, #tpu.memory_space<vmem_shared>>)
    %dma_wait3A_116 = arith.constant 1 : i32
    %dma_wait3A_117 = arith.constant 0 : i32
    %dma_wait3A_118 = arith.constant 0 : i32
    %dma_wait3A_119 = arith.constant 0 : i32
    %dma_wait3A_120 = tpu.memref_slice %arg9[%dma_wait3A_116, %dma_wait3A_118, %dma_wait3A_119] : memref<8x128x64xf32, #tpu.memory_space<vmem>> -> memref<1x128x64xf32, #tpu.memory_space<vmem>>
    %dma_wait3A_121 = tpu.memref_squeeze %dma_wait3A_120 : memref<1x128x64xf32, #tpu.memory_space<vmem>> -> memref<128x64xf32, #tpu.memory_space<vmem>>
    %dma_wait3A_122 = arith.constant 0 : i32
    %dma_wait3A_123 = tpu.memref_slice %arg8[%dma_wait3A_117, %dma_wait3A_122] : memref<80x128xi32, #tpu.memory_space<vmem>> -> memref<1x128xi32, #tpu.memory_space<vmem>>
    %dma_wait3A_124 = tpu.memref_squeeze %dma_wait3A_123 : memref<1x128xi32, #tpu.memory_space<vmem>> -> memref<128xi32, #tpu.memory_space<vmem>>
    %dma_wait3A_125 = arith.constant 0 : i32
    %dma_wait3A_126 = arith.constant 0 : i32
    %dma_wait3A_127 = tpu.memref_slice %arg10[%dma_wait3A_125, %dma_wait3A_126] : memref<10240x64xf32, #tpu.memory_space<vmem_shared>> -> memref<10240x64xf32, #tpu.memory_space<vmem_shared>>
    tpu.wait_indirect_dma semaphore(%arg20 : memref<!tpu.dma_semaphore, #tpu.memory_space<semaphore_mem>>) src(%dma_wait3A_121 : memref<128x64xf32, #tpu.memory_space<vmem>>) dst(%dma_wait3A_127 : memref<10240x64xf32, #tpu.memory_space<vmem_shared>>)
    %dma_wait3A_128 = arith.constant 2 : i32
    %dma_wait3A_129 = arith.constant 0 : i32
    %dma_wait3A_130 = arith.constant 0 : i32
    %dma_wait3A_131 = arith.constant 0 : i32
    %dma_wait3A_132 = tpu.memref_slice %arg9[%dma_wait3A_128, %dma_wait3A_130, %dma_wait3A_131] : memref<8x128x64xf32, #tpu.memory_space<vmem>> -> memref<1x128x64xf32, #tpu.memory_space<vmem>>
    %dma_wait3A_133 = tpu.memref_squeeze %dma_wait3A_132 : memref<1x128x64xf32, #tpu.memory_space<vmem>> -> memref<128x64xf32, #tpu.memory_space<vmem>>
    %dma_wait3A_134 = arith.constant 0 : i32
    %dma_wait3A_135 = tpu.memref_slice %arg8[%dma_wait3A_129, %dma_wait3A_134] : memref<80x128xi32, #tpu.memory_space<vmem>> -> memref<1x128xi32, #tpu.memory_space<vmem>>
    %dma_wait3A_136 = tpu.memref_squeeze %dma_wait3A_135 : memref<1x128xi32, #tpu.memory_space<vmem>> -> memref<128xi32, #tpu.memory_space<vmem>>
    %dma_wait3A_137 = arith.constant 0 : i32
    %dma_wait3A_138 = arith.constant 0 : i32
    %dma_wait3A_139 = tpu.memref_slice %arg10[%dma_wait3A_137, %dma_wait3A_138] : memref<10240x64xf32, #tpu.memory_space<vmem_shared>> -> memref<10240x64xf32, #tpu.memory_space<vmem_shared>>
    tpu.wait_indirect_dma semaphore(%arg21 : memref<!tpu.dma_semaphore, #tpu.memory_space<semaphore_mem>>) src(%dma_wait3A_133 : memref<128x64xf32, #tpu.memory_space<vmem>>) dst(%dma_wait3A_139 : memref<10240x64xf32, #tpu.memory_space<vmem_shared>>)
    %dma_wait3A_140 = arith.constant 3 : i32
    %dma_wait3A_141 = arith.constant 0 : i32
    %dma_wait3A_142 = arith.constant 0 : i32
    %dma_wait3A_143 = arith.constant 0 : i32
    %dma_wait3A_144 = tpu.memref_slice %arg9[%dma_wait3A_140, %dma_wait3A_142, %dma_wait3A_143] : memref<8x128x64xf32, #tpu.memory_space<vmem>> -> memref<1x128x64xf32, #tpu.memory_space<vmem>>
    %dma_wait3A_145 = tpu.memref_squeeze %dma_wait3A_144 : memref<1x128x64xf32, #tpu.memory_space<vmem>> -> memref<128x64xf32, #tpu.memory_space<vmem>>
    %dma_wait3A_146 = arith.constant 0 : i32
    %dma_wait3A_147 = tpu.memref_slice %arg8[%dma_wait3A_141, %dma_wait3A_146] : memref<80x128xi32, #tpu.memory_space<vmem>> -> memref<1x128xi32, #tpu.memory_space<vmem>>
    %dma_wait3A_148 = tpu.memref_squeeze %dma_wait3A_147 : memref<1x128xi32, #tpu.memory_space<vmem>> -> memref<128xi32, #tpu.memory_space<vmem>>
    %dma_wait3A_149 = arith.constant 0 : i32
    %dma_wait3A_150 = arith.constant 0 : i32
    %dma_wait3A_151 = tpu.memref_slice %arg10[%dma_wait3A_149, %dma_wait3A_150] : memref<10240x64xf32, #tpu.memory_space<vmem_shared>> -> memref<10240x64xf32, #tpu.memory_space<vmem_shared>>
    tpu.wait_indirect_dma semaphore(%arg22 : memref<!tpu.dma_semaphore, #tpu.memory_space<semaphore_mem>>) src(%dma_wait3A_145 : memref<128x64xf32, #tpu.memory_space<vmem>>) dst(%dma_wait3A_151 : memref<10240x64xf32, #tpu.memory_space<vmem_shared>>)
    %dma_wait3A_152 = arith.constant 4 : i32
    %dma_wait3A_153 = arith.constant 0 : i32
    %dma_wait3A_154 = arith.constant 0 : i32
    %dma_wait3A_155 = arith.constant 0 : i32
    %dma_wait3A_156 = tpu.memref_slice %arg9[%dma_wait3A_152, %dma_wait3A_154, %dma_wait3A_155] : memref<8x128x64xf32, #tpu.memory_space<vmem>> -> memref<1x128x64xf32, #tpu.memory_space<vmem>>
    %dma_wait3A_157 = tpu.memref_squeeze %dma_wait3A_156 : memref<1x128x64xf32, #tpu.memory_space<vmem>> -> memref<128x64xf32, #tpu.memory_space<vmem>>
    %dma_wait3A_158 = arith.constant 0 : i32
    %dma_wait3A_159 = tpu.memref_slice %arg8[%dma_wait3A_153, %dma_wait3A_158] : memref<80x128xi32, #tpu.memory_space<vmem>> -> memref<1x128xi32, #tpu.memory_space<vmem>>
    %dma_wait3A_160 = tpu.memref_squeeze %dma_wait3A_159 : memref<1x128xi32, #tpu.memory_space<vmem>> -> memref<128xi32, #tpu.memory_space<vmem>>
    %dma_wait3A_161 = arith.constant 0 : i32
    %dma_wait3A_162 = arith.constant 0 : i32
    %dma_wait3A_163 = tpu.memref_slice %arg10[%dma_wait3A_161, %dma_wait3A_162] : memref<10240x64xf32, #tpu.memory_space<vmem_shared>> -> memref<10240x64xf32, #tpu.memory_space<vmem_shared>>
    tpu.wait_indirect_dma semaphore(%arg23 : memref<!tpu.dma_semaphore, #tpu.memory_space<semaphore_mem>>) src(%dma_wait3A_157 : memref<128x64xf32, #tpu.memory_space<vmem>>) dst(%dma_wait3A_163 : memref<10240x64xf32, #tpu.memory_space<vmem_shared>>)
    %dma_wait3A_164 = arith.constant 5 : i32
    %dma_wait3A_165 = arith.constant 0 : i32
    %dma_wait3A_166 = arith.constant 0 : i32
    %dma_wait3A_167 = arith.constant 0 : i32
    %dma_wait3A_168 = tpu.memref_slice %arg9[%dma_wait3A_164, %dma_wait3A_166, %dma_wait3A_167] : memref<8x128x64xf32, #tpu.memory_space<vmem>> -> memref<1x128x64xf32, #tpu.memory_space<vmem>>
    %dma_wait3A_169 = tpu.memref_squeeze %dma_wait3A_168 : memref<1x128x64xf32, #tpu.memory_space<vmem>> -> memref<128x64xf32, #tpu.memory_space<vmem>>
    %dma_wait3A_170 = arith.constant 0 : i32
    %dma_wait3A_171 = tpu.memref_slice %arg8[%dma_wait3A_165, %dma_wait3A_170] : memref<80x128xi32, #tpu.memory_space<vmem>> -> memref<1x128xi32, #tpu.memory_space<vmem>>
    %dma_wait3A_172 = tpu.memref_squeeze %dma_wait3A_171 : memref<1x128xi32, #tpu.memory_space<vmem>> -> memref<128xi32, #tpu.memory_space<vmem>>
    %dma_wait3A_173 = arith.constant 0 : i32
    %dma_wait3A_174 = arith.constant 0 : i32
    %dma_wait3A_175 = tpu.memref_slice %arg10[%dma_wait3A_173, %dma_wait3A_174] : memref<10240x64xf32, #tpu.memory_space<vmem_shared>> -> memref<10240x64xf32, #tpu.memory_space<vmem_shared>>
    tpu.wait_indirect_dma semaphore(%arg24 : memref<!tpu.dma_semaphore, #tpu.memory_space<semaphore_mem>>) src(%dma_wait3A_169 : memref<128x64xf32, #tpu.memory_space<vmem>>) dst(%dma_wait3A_175 : memref<10240x64xf32, #tpu.memory_space<vmem_shared>>)
    %dma_wait3A_176 = arith.constant 6 : i32
    %dma_wait3A_177 = arith.constant 0 : i32
    %dma_wait3A_178 = arith.constant 0 : i32
    %dma_wait3A_179 = arith.constant 0 : i32
    %dma_wait3A_180 = tpu.memref_slice %arg9[%dma_wait3A_176, %dma_wait3A_178, %dma_wait3A_179] : memref<8x128x64xf32, #tpu.memory_space<vmem>> -> memref<1x128x64xf32, #tpu.memory_space<vmem>>
    %dma_wait3A_181 = tpu.memref_squeeze %dma_wait3A_180 : memref<1x128x64xf32, #tpu.memory_space<vmem>> -> memref<128x64xf32, #tpu.memory_space<vmem>>
    %dma_wait3A_182 = arith.constant 0 : i32
    %dma_wait3A_183 = tpu.memref_slice %arg8[%dma_wait3A_177, %dma_wait3A_182] : memref<80x128xi32, #tpu.memory_space<vmem>> -> memref<1x128xi32, #tpu.memory_space<vmem>>
    %dma_wait3A_184 = tpu.memref_squeeze %dma_wait3A_183 : memref<1x128xi32, #tpu.memory_space<vmem>> -> memref<128xi32, #tpu.memory_space<vmem>>
    %dma_wait3A_185 = arith.constant 0 : i32
    %dma_wait3A_186 = arith.constant 0 : i32
    %dma_wait3A_187 = tpu.memref_slice %arg10[%dma_wait3A_185, %dma_wait3A_186] : memref<10240x64xf32, #tpu.memory_space<vmem_shared>> -> memref<10240x64xf32, #tpu.memory_space<vmem_shared>>
    tpu.wait_indirect_dma semaphore(%arg25 : memref<!tpu.dma_semaphore, #tpu.memory_space<semaphore_mem>>) src(%dma_wait3A_181 : memref<128x64xf32, #tpu.memory_space<vmem>>) dst(%dma_wait3A_187 : memref<10240x64xf32, #tpu.memory_space<vmem_shared>>)
    %dma_wait3A_188 = arith.constant 7 : i32
    %dma_wait3A_189 = arith.constant 0 : i32
    %dma_wait3A_190 = arith.constant 0 : i32
    %dma_wait3A_191 = arith.constant 0 : i32
    %dma_wait3A_192 = tpu.memref_slice %arg9[%dma_wait3A_188, %dma_wait3A_190, %dma_wait3A_191] : memref<8x128x64xf32, #tpu.memory_space<vmem>> -> memref<1x128x64xf32, #tpu.memory_space<vmem>>
    %dma_wait3A_193 = tpu.memref_squeeze %dma_wait3A_192 : memref<1x128x64xf32, #tpu.memory_space<vmem>> -> memref<128x64xf32, #tpu.memory_space<vmem>>
    %dma_wait3A_194 = arith.constant 0 : i32
    %dma_wait3A_195 = tpu.memref_slice %arg8[%dma_wait3A_189, %dma_wait3A_194] : memref<80x128xi32, #tpu.memory_space<vmem>> -> memref<1x128xi32, #tpu.memory_space<vmem>>
    %dma_wait3A_196 = tpu.memref_squeeze %dma_wait3A_195 : memref<1x128xi32, #tpu.memory_space<vmem>> -> memref<128xi32, #tpu.memory_space<vmem>>
    %dma_wait3A_197 = arith.constant 0 : i32
    %dma_wait3A_198 = arith.constant 0 : i32
    %dma_wait3A_199 = tpu.memref_slice %arg10[%dma_wait3A_197, %dma_wait3A_198] : memref<10240x64xf32, #tpu.memory_space<vmem_shared>> -> memref<10240x64xf32, #tpu.memory_space<vmem_shared>>
    tpu.wait_indirect_dma semaphore(%arg26 : memref<!tpu.dma_semaphore, #tpu.memory_space<semaphore_mem>>) src(%dma_wait3A_193 : memref<128x64xf32, #tpu.memory_space<vmem>>) dst(%dma_wait3A_199 : memref<10240x64xf32, #tpu.memory_space<vmem_shared>>)
    %barrier3A_200 = arith.constant 0 : index
    tpu.barrier barrier_id(%barrier3A_200)
    %mul3A_201 = arith.constant 640 : i32
    %mul3A_202 = arith.muli %arg1, %mul3A_201 : i32
    %mul3A_203 = arith.constant 640 : i32
    %mul3A_204 = arith.muli %arg1, %mul3A_203 : i32
    "tpu.region"() ({
      %run_scoped3A = tpu.sem_alloc : memref<!tpu.dma_semaphore, #tpu.memory_space<semaphore_mem>>
      %dma_start3A_205 = arith.constant 0 : i32
      %dma_start3A_206 = tpu.memref_slice %arg6[%arg0, %mul3A_204, %dma_start3A_205] : memref<2x10240x64xf32, #tpu.memory_space<hbm>> -> memref<1x640x64xf32, #tpu.memory_space<hbm>>
      %dma_start3A_207 = tpu.memref_squeeze %dma_start3A_206 : memref<1x640x64xf32, #tpu.memory_space<hbm>> -> memref<640x64xf32, #tpu.memory_space<hbm>>
      %dma_start3A_208 = arith.constant 0 : i32
      %dma_start3A_209 = tpu.memref_slice %arg10[%mul3A_202, %dma_start3A_208] : memref<10240x64xf32, #tpu.memory_space<vmem_shared>> -> memref<640x64xf32, #tpu.memory_space<vmem_shared>>
      tpu.enqueue_dma source(%dma_start3A_209 : memref<640x64xf32, #tpu.memory_space<vmem_shared>>) target(%dma_start3A_207 : memref<640x64xf32, #tpu.memory_space<hbm>>) target_semaphore(%run_scoped3A : memref<!tpu.dma_semaphore, #tpu.memory_space<semaphore_mem>>)
      %dma_wait3A_210 = arith.constant 0 : i32
      %dma_wait3A_211 = tpu.memref_slice %arg6[%arg0, %mul3A_204, %dma_wait3A_210] : memref<2x10240x64xf32, #tpu.memory_space<hbm>> -> memref<1x640x64xf32, #tpu.memory_space<hbm>>
      %dma_wait3A_212 = tpu.memref_squeeze %dma_wait3A_211 : memref<1x640x64xf32, #tpu.memory_space<hbm>> -> memref<640x64xf32, #tpu.memory_space<hbm>>
      %dma_wait3A_213 = arith.constant 0 : i32
      %dma_wait3A_214 = tpu.memref_slice %arg10[%mul3A_202, %dma_wait3A_213] : memref<10240x64xf32, #tpu.memory_space<vmem_shared>> -> memref<640x64xf32, #tpu.memory_space<vmem_shared>>
      tpu.wait_dma2 semaphore(%run_scoped3A : memref<!tpu.dma_semaphore, #tpu.memory_space<semaphore_mem>>) src(%dma_wait3A_214 : memref<640x64xf32, #tpu.memory_space<vmem_shared>>) dst(%dma_wait3A_212 : memref<640x64xf32, #tpu.memory_space<hbm>>)
      tpu.yield
    }) : () -> ()
    return
  }
}

module attributes {stable_mosaic.version = 14 : i64} {
  func.func @_xs_body(%arg0: i32, %arg1: memref<1000x2xf32, #tpu.memory_space<vmem>>, %arg2: memref<1000x64xf32, #tpu.memory_space<vmem>>, %arg3: memref<1000x64xf32, #tpu.memory_space<vmem>>) attributes {dimension_semantics = [#tpu.dimension_semantics<arbitrary>], iteration_bounds = array<i64: 10>, scalar_prefetch = 0 : i64, scratch_operands = 0 : i64, tpu.core_type = #tpu.core_type<tc>, window_params = [{transform_indices = @transform_0, window_bounds = array<i64: 1000, 2>}, {transform_indices = @transform_1, window_bounds = array<i64: 1000, 64>}, {transform_indices = @transform_2, window_bounds = array<i64: 1000, 64>}]} {
    %get3A = arith.constant 0 : index
    %get3A_0 = arith.constant 0 : index
    %get3A_1 = vector.load %arg2[%get3A, %get3A_0] : memref<1000x64xf32, #tpu.memory_space<vmem>>, vector<1000x64xf32>
    %get3A_2 = arith.constant 0 : index
    %get3A_3 = arith.constant 0 : index
    %get3A_4 = vector.load %arg1[%get3A_2, %get3A_3] : memref<1000x2xf32, #tpu.memory_space<vmem>>, vector<1000x2xf32>
    %slice3A = vector.extract_strided_slice %get3A_4 {offsets = [0, 0], sizes = [1000, 1], strides = [1, 1]} : vector<1000x2xf32> to vector<1000x1xf32>
    %add3A = arith.constant 1.000000e+00 : f32
    %add3A_5 = vector.broadcast %add3A : f32 to vector<1000x1xf32>
    %add3A_6 = arith.addf %add3A_5, %slice3A : vector<1000x1xf32>
    %slice3A_7 = vector.extract_strided_slice %get3A_4 {offsets = [0, 1], sizes = [1000, 1], strides = [1, 1]} : vector<1000x2xf32> to vector<1000x1xf32>
    %add3A_8 = arith.addf %add3A_6, %slice3A_7 : vector<1000x1xf32>
    %rsqrt3A = math.rsqrt %add3A_8 : vector<1000x1xf32>
    %mul3A = vector.broadcast %rsqrt3A : vector<1000x1xf32> to vector<1000x64xf32>
    %mul3A_9 = arith.mulf %get3A_1, %mul3A : vector<1000x64xf32>
    %swap3A = arith.constant 0 : index
    %swap3A_10 = arith.constant 0 : index
    %swap3A_11 = vector.load %arg3[%swap3A, %swap3A_10] : memref<1000x64xf32, #tpu.memory_space<vmem>>, vector<1000x64xf32>
    tpu.vector_store %arg3[%swap3A, %swap3A_10], %mul3A_9 {strides = array<i32>} : memref<1000x64xf32, #tpu.memory_space<vmem>>, vector<1000x64xf32>,
    return
  }
  func.func @transform_0(%arg0: i32) -> (i32, i32) {
    %c0_i32 = arith.constant 0 : i32
    %c0_i32_0 = arith.constant 0 : i32
    return %arg0, %c0_i32 : i32, i32
  }
  func.func @transform_1(%arg0: i32) -> (i32, i32) {
    %c0_i32 = arith.constant 0 : i32
    %c0_i32_0 = arith.constant 0 : i32
    return %arg0, %c0_i32 : i32, i32
  }
  func.func @transform_2(%arg0: i32) -> (i32, i32) {
    %c0_i32 = arith.constant 0 : i32
    %c0_i32_0 = arith.constant 0 : i32
    return %arg0, %c0_i32 : i32, i32
  }
}

module attributes {stable_mosaic.version = 14 : i64} {
  func.func @_layer1_body(%arg0: i32, %arg1: memref<1000x2xf32, #tpu.memory_space<vmem>>, %arg2: memref<2x1000x64xf32, #tpu.memory_space<vmem>>, %arg3: memref<1000x64xf32, #tpu.memory_space<vmem>>, %arg4: memref<64x64xf32, #tpu.memory_space<vmem>>, %arg5: memref<1x64xf32, #tpu.memory_space<vmem>>, %arg6: memref<1000x64xf32, #tpu.memory_space<vmem>>) attributes {dimension_semantics = [#tpu.dimension_semantics<arbitrary>], iteration_bounds = array<i64: 10>, scalar_prefetch = 0 : i64, scratch_operands = 0 : i64, tpu.core_type = #tpu.core_type<tc>, window_params = [{transform_indices = @transform_0, window_bounds = array<i64: 1000, 2>}, {transform_indices = @transform_1, window_bounds = array<i64: 2, 1000, 64>}, {transform_indices = @transform_2, window_bounds = array<i64: 1000, 64>}, {pipeline_mode = #tpu.pipeline_mode<synchronous>, transform_indices = @transform_3, window_bounds = array<i64: 64, 64>}, {pipeline_mode = #tpu.pipeline_mode<synchronous>, transform_indices = @transform_4, window_bounds = array<i64: 1, 64>}, {transform_indices = @transform_5, window_bounds = array<i64: 1000, 64>}]} {
    %get3A = arith.constant 0 : index
    %get3A_0 = arith.constant 0 : index
    %get3A_1 = vector.load %arg1[%get3A, %get3A_0] : memref<1000x2xf32, #tpu.memory_space<vmem>>, vector<1000x2xf32>
    %slice3A = vector.extract_strided_slice %get3A_1 {offsets = [0, 0], sizes = [1000, 1], strides = [1, 1]} : vector<1000x2xf32> to vector<1000x1xf32>
    %add3A = arith.constant 1.000000e+00 : f32
    %add3A_2 = vector.broadcast %add3A : f32 to vector<1000x1xf32>
    %add3A_3 = arith.addf %add3A_2, %slice3A : vector<1000x1xf32>
    %slice3A_4 = vector.extract_strided_slice %get3A_1 {offsets = [0, 1], sizes = [1000, 1], strides = [1, 1]} : vector<1000x2xf32> to vector<1000x1xf32>
    %add3A_5 = arith.addf %add3A_3, %slice3A_4 : vector<1000x1xf32>
    %rsqrt3A = math.rsqrt %add3A_5 : vector<1000x1xf32>
    %get3A_6 = arith.constant 0 : index
    %get3A_7 = arith.constant 0 : index
    %get3A_8 = arith.constant 0 : index
    %get3A_9 = vector.load %arg2[%get3A_6, %get3A_7, %get3A_8] : memref<2x1000x64xf32, #tpu.memory_space<vmem>>, vector<1x1000x64xf32>
    %get3A_10 = vector.shape_cast %get3A_9 : vector<1x1000x64xf32> to vector<1000x64xf32>
    %get3A_11 = arith.constant 1 : index
    %get3A_12 = arith.constant 0 : index
    %get3A_13 = arith.constant 0 : index
    %get3A_14 = vector.load %arg2[%get3A_11, %get3A_12, %get3A_13] : memref<2x1000x64xf32, #tpu.memory_space<vmem>>, vector<1x1000x64xf32>
    %get3A_15 = vector.shape_cast %get3A_14 : vector<1x1000x64xf32> to vector<1000x64xf32>
    %add3A_16 = arith.addf %get3A_10, %get3A_15 : vector<1000x64xf32>
    %get3A_17 = arith.constant 0 : index
    %get3A_18 = arith.constant 0 : index
    %get3A_19 = vector.load %arg3[%get3A_17, %get3A_18] : memref<1000x64xf32, #tpu.memory_space<vmem>>, vector<1000x64xf32>
    %add3A_20 = arith.addf %add3A_16, %get3A_19 : vector<1000x64xf32>
    %mul3A = vector.broadcast %rsqrt3A : vector<1000x1xf32> to vector<1000x64xf32>
    %mul3A_21 = arith.mulf %add3A_20, %mul3A : vector<1000x64xf32>
    %get3A_22 = arith.constant 0 : index
    %get3A_23 = arith.constant 0 : index
    %get3A_24 = vector.load %arg4[%get3A_22, %get3A_23] : memref<64x64xf32, #tpu.memory_space<vmem>>, vector<64x64xf32>
    %dot_general3A = arith.constant dense<0.000000e+00> : vector<1000x64xf32>
    %dot_general3A_25 = tpu.matmul %mul3A_21, %get3A_24, %dot_general3A {dimension_numbers = #tpu.dot_dimension_numbers<[1], [0], [0], [1], [0, 0, 1, 1], [], []>, transpose_lhs_hint = false} : vector<1000x64xf32>, vector<64x64xf32>, vector<1000x64xf32> -> vector<1000x64xf32>
    %get3A_26 = arith.constant 0 : index
    %get3A_27 = arith.constant 0 : index
    %get3A_28 = vector.load %arg5[%get3A_26, %get3A_27] : memref<1x64xf32, #tpu.memory_space<vmem>>, vector<1x64xf32>
    %add3A_29 = vector.broadcast %get3A_28 : vector<1x64xf32> to vector<1000x64xf32>
    %add3A_30 = arith.addf %dot_general3A_25, %add3A_29 : vector<1000x64xf32>
    %max3A = arith.constant 0.000000e+00 : f32
    %max3A_31 = vector.broadcast %max3A : f32 to vector<1000x64xf32>
    %max3A_32 = arith.maximumf %add3A_30, %max3A_31 : vector<1000x64xf32>
    %mul3A_33 = vector.broadcast %rsqrt3A : vector<1000x1xf32> to vector<1000x64xf32>
    %mul3A_34 = arith.mulf %max3A_32, %mul3A_33 : vector<1000x64xf32>
    %swap3A = arith.constant 0 : index
    %swap3A_35 = arith.constant 0 : index
    %swap3A_36 = vector.load %arg6[%swap3A, %swap3A_35] : memref<1000x64xf32, #tpu.memory_space<vmem>>, vector<1000x64xf32>
    tpu.vector_store %arg6[%swap3A, %swap3A_35], %mul3A_34 {strides = array<i32>} : memref<1000x64xf32, #tpu.memory_space<vmem>>, vector<1000x64xf32>,
    return
  }
  func.func @transform_0(%arg0: i32) -> (i32, i32) {
    %c0_i32 = arith.constant 0 : i32
    %c0_i32_0 = arith.constant 0 : i32
    return %arg0, %c0_i32 : i32, i32
  }
  func.func @transform_1(%arg0: i32) -> (i32, i32, i32) {
    %c0_i32 = arith.constant 0 : i32
    %c0_i32_0 = arith.constant 0 : i32
    %c0_i32_1 = arith.constant 0 : i32
    return %c0_i32, %arg0, %c0_i32_0 : i32, i32, i32
  }
  func.func @transform_2(%arg0: i32) -> (i32, i32) {
    %c0_i32 = arith.constant 0 : i32
    %c0_i32_0 = arith.constant 0 : i32
    return %arg0, %c0_i32 : i32, i32
  }
  func.func @transform_3(%arg0: i32) -> (i32, i32) {
    %c0_i32 = arith.constant 0 : i32
    %c0_i32_0 = arith.constant 0 : i32
    %c0_i32_1 = arith.constant 0 : i32
    return %c0_i32, %c0_i32_0 : i32, i32
  }
  func.func @transform_4(%arg0: i32) -> (i32, i32) {
    %c0_i32 = arith.constant 0 : i32
    %c0_i32_0 = arith.constant 0 : i32
    %c0_i32_1 = arith.constant 0 : i32
    return %c0_i32, %c0_i32_0 : i32, i32
  }
  func.func @transform_5(%arg0: i32) -> (i32, i32) {
    %c0_i32 = arith.constant 0 : i32
    %c0_i32_0 = arith.constant 0 : i32
    return %arg0, %c0_i32 : i32, i32
  }
}

module attributes {stable_mosaic.version = 14 : i64} {
  func.func @_layer2_body(%arg0: i32, %arg1: memref<1000x2xf32, #tpu.memory_space<vmem>>, %arg2: memref<2x1000x64xf32, #tpu.memory_space<vmem>>, %arg3: memref<1000x64xf32, #tpu.memory_space<vmem>>, %arg4: memref<64x128xf32, #tpu.memory_space<vmem>>, %arg5: memref<1x128xf32, #tpu.memory_space<vmem>>, %arg6: memref<1000x128xf32, #tpu.memory_space<vmem>>) attributes {dimension_semantics = [#tpu.dimension_semantics<arbitrary>], iteration_bounds = array<i64: 10>, scalar_prefetch = 0 : i64, scratch_operands = 0 : i64, tpu.core_type = #tpu.core_type<tc>, window_params = [{transform_indices = @transform_0, window_bounds = array<i64: 1000, 2>}, {transform_indices = @transform_1, window_bounds = array<i64: 2, 1000, 64>}, {transform_indices = @transform_2, window_bounds = array<i64: 1000, 64>}, {pipeline_mode = #tpu.pipeline_mode<synchronous>, transform_indices = @transform_3, window_bounds = array<i64: 64, 128>}, {pipeline_mode = #tpu.pipeline_mode<synchronous>, transform_indices = @transform_4, window_bounds = array<i64: 1, 128>}, {transform_indices = @transform_5, window_bounds = array<i64: 1000, 128>}]} {
    %get3A = arith.constant 0 : index
    %get3A_0 = arith.constant 0 : index
    %get3A_1 = vector.load %arg1[%get3A, %get3A_0] : memref<1000x2xf32, #tpu.memory_space<vmem>>, vector<1000x2xf32>
    %slice3A = vector.extract_strided_slice %get3A_1 {offsets = [0, 0], sizes = [1000, 1], strides = [1, 1]} : vector<1000x2xf32> to vector<1000x1xf32>
    %add3A = arith.constant 1.000000e+00 : f32
    %add3A_2 = vector.broadcast %add3A : f32 to vector<1000x1xf32>
    %add3A_3 = arith.addf %add3A_2, %slice3A : vector<1000x1xf32>
    %slice3A_4 = vector.extract_strided_slice %get3A_1 {offsets = [0, 1], sizes = [1000, 1], strides = [1, 1]} : vector<1000x2xf32> to vector<1000x1xf32>
    %add3A_5 = arith.addf %add3A_3, %slice3A_4 : vector<1000x1xf32>
    %rsqrt3A = math.rsqrt %add3A_5 : vector<1000x1xf32>
    %get3A_6 = arith.constant 0 : index
    %get3A_7 = arith.constant 0 : index
    %get3A_8 = arith.constant 0 : index
    %get3A_9 = vector.load %arg2[%get3A_6, %get3A_7, %get3A_8] : memref<2x1000x64xf32, #tpu.memory_space<vmem>>, vector<1x1000x64xf32>
    %get3A_10 = vector.shape_cast %get3A_9 : vector<1x1000x64xf32> to vector<1000x64xf32>
    %get3A_11 = arith.constant 1 : index
    %get3A_12 = arith.constant 0 : index
    %get3A_13 = arith.constant 0 : index
    %get3A_14 = vector.load %arg2[%get3A_11, %get3A_12, %get3A_13] : memref<2x1000x64xf32, #tpu.memory_space<vmem>>, vector<1x1000x64xf32>
    %get3A_15 = vector.shape_cast %get3A_14 : vector<1x1000x64xf32> to vector<1000x64xf32>
    %add3A_16 = arith.addf %get3A_10, %get3A_15 : vector<1000x64xf32>
    %get3A_17 = arith.constant 0 : index
    %get3A_18 = arith.constant 0 : index
    %get3A_19 = vector.load %arg3[%get3A_17, %get3A_18] : memref<1000x64xf32, #tpu.memory_space<vmem>>, vector<1000x64xf32>
    %add3A_20 = arith.addf %add3A_16, %get3A_19 : vector<1000x64xf32>
    %mul3A = vector.broadcast %rsqrt3A : vector<1000x1xf32> to vector<1000x64xf32>
    %mul3A_21 = arith.mulf %add3A_20, %mul3A : vector<1000x64xf32>
    %get3A_22 = arith.constant 0 : index
    %get3A_23 = arith.constant 0 : index
    %get3A_24 = vector.load %arg4[%get3A_22, %get3A_23] : memref<64x128xf32, #tpu.memory_space<vmem>>, vector<64x128xf32>
    %dot_general3A = arith.constant dense<0.000000e+00> : vector<1000x128xf32>
    %dot_general3A_25 = tpu.matmul %mul3A_21, %get3A_24, %dot_general3A {dimension_numbers = #tpu.dot_dimension_numbers<[1], [0], [0], [1], [0, 0, 1, 1], [], []>, transpose_lhs_hint = false} : vector<1000x64xf32>, vector<64x128xf32>, vector<1000x128xf32> -> vector<1000x128xf32>
    %get3A_26 = arith.constant 0 : index
    %get3A_27 = arith.constant 0 : index
    %get3A_28 = vector.load %arg5[%get3A_26, %get3A_27] : memref<1x128xf32, #tpu.memory_space<vmem>>, vector<1x128xf32>
    %add3A_29 = vector.broadcast %get3A_28 : vector<1x128xf32> to vector<1000x128xf32>
    %add3A_30 = arith.addf %dot_general3A_25, %add3A_29 : vector<1000x128xf32>
    %swap3A = arith.constant 0 : index
    %swap3A_31 = arith.constant 0 : index
    %swap3A_32 = vector.load %arg6[%swap3A, %swap3A_31] : memref<1000x128xf32, #tpu.memory_space<vmem>>, vector<1000x128xf32>
    tpu.vector_store %arg6[%swap3A, %swap3A_31], %add3A_30 {strides = array<i32>} : memref<1000x128xf32, #tpu.memory_space<vmem>>, vector<1000x128xf32>,
    return
  }
  func.func @transform_0(%arg0: i32) -> (i32, i32) {
    %c0_i32 = arith.constant 0 : i32
    %c0_i32_0 = arith.constant 0 : i32
    return %arg0, %c0_i32 : i32, i32
  }
  func.func @transform_1(%arg0: i32) -> (i32, i32, i32) {
    %c0_i32 = arith.constant 0 : i32
    %c0_i32_0 = arith.constant 0 : i32
    %c0_i32_1 = arith.constant 0 : i32
    return %c0_i32, %arg0, %c0_i32_0 : i32, i32, i32
  }
  func.func @transform_2(%arg0: i32) -> (i32, i32) {
    %c0_i32 = arith.constant 0 : i32
    %c0_i32_0 = arith.constant 0 : i32
    return %arg0, %c0_i32 : i32, i32
  }
  func.func @transform_3(%arg0: i32) -> (i32, i32) {
    %c0_i32 = arith.constant 0 : i32
    %c0_i32_0 = arith.constant 0 : i32
    %c0_i32_1 = arith.constant 0 : i32
    return %c0_i32, %c0_i32_0 : i32, i32
  }
  func.func @transform_4(%arg0: i32) -> (i32, i32) {
    %c0_i32 = arith.constant 0 : i32
    %c0_i32_0 = arith.constant 0 : i32
    %c0_i32_1 = arith.constant 0 : i32
    return %c0_i32, %c0_i32_0 : i32, i32
  }
  func.func @transform_5(%arg0: i32) -> (i32, i32) {
    %c0_i32 = arith.constant 0 : i32
    %c0_i32_0 = arith.constant 0 : i32
    return %arg0, %c0_i32 : i32, i32
  }
}

</mosaic_0001>

<sc_bundles>
// kernel: kernel.11.cloned.1.call-start
scs
__scs_entry_jumppad:
0x0: {  	(pc) =	sbr.rel $0x88, $3  }
0x1: {  	(tag) =	ssettag $0x0;
	lr =	simm.s32 $0x1  }
0x2: {  	[smem:$0x3F9B] =	sst lr;
	_ =	strace $0xD0000000  }
0x3: {  	_ = 	snop  }
0x4: {  	_ = 	snop  }
0x5: {  	_ = 	snop  }
0x6: {  	_ = 	snop  }
0x7: {  	_ = 	snop  }
__scs_overlays_trampoline_lowered:
0x8: {  	[smem:$0x3FAA] =	sst s0  }
0x9: {  	[smem:$0x3FAB] =	sst s1  }
0xa: {  	[smem:$0x3FAC] =	sst s2  }
0xb: {  	[smem:$0x3FAD] =	sst s3  }
0xc: {  	[smem:$0x3FAE] =	sst s4  }
0xd: {  	[smem:$0x3FAF] =	sst s5  }
0xe: {  	[smem:$0x3FB0] =	sst s6  }
0xf: {  	[smem:$0x3FB1] =	sst s7  }
0x10: {  	[smem:$0x3FB2] =	sst s8  }
0x11: {  	[smem:$0x3FB3] =	sst s9;
	s0 =	simm.s32 @!p0 $0x0  }
0x12: {  	s1 =	sld [smem:$0x3F99];
	s0 =	simm.s32 @p0 $0x1  }
0x13: {  	[smem:$0x3FB4] =	sst s0;
	s0 =	simm.s32 @!p1 $0x0  }
0x14: {  	s2 =	sld [smem:$0x3F98];
	s0 =	simm.s32 @p1 $0x1  }
0x15: {  	[smem:$0x3FB5] =	sst s0;
	s0 =	simm.s32 @!p2 $0x0  }
0x16: {  	s3 =	sld [smem:$0x3FDB];
	s0 =	simm.s32 @p2 $0x1  }
0x17: {  	s4 =	simm.s32 $0x1BF5;
	[smem:$0x3FB7] =	sst s0  }
0x18: {  	s0 =	sld [smem:$0x3F9A];
	_ =	swait.ge [sflag:s4], $0x0  }
0x19: {  	s7 =	sld [smem:$0x3F9B]  }
0x1a: {  	s8 =	sadd.s32 $0xFFFFE003, lr  }
0x1b: {  	s9 =	sadd.s32 $0xFFFFFEF7, lr;
	s5 =	simm.s32 $0xFFFFFFFF;
	p2 =	slt.u32 s8, $0xFFFFF086  }
0x1c: {  	p1 =	slt.u32 s9, $0xF7A;
	s5 =	simm.s32 @!p2 $0x0  }
0x1d: {  	s5 =	simm.s32 @p1 $0x1;
	p0 =	seq.s32 s7, s2  }
0x1e: {  	s7 =	smul.u32 @!p0 $0xF7A, s2;
	p2 =	seq.s32 @!p0 s5, $0x0  }
0x1f: {  	s9 =	smul.u32 $0xF7A, s1;
	s8 =	simm.s32 @!p0 $0x1BF5;
	p2 =	por !p2, p0  }
0x20: {  	[sflag:s8] =	ssyncset.s32 @!p0 $0xFFFFF086;
	s6 =	sadd.s32 @!p0 s3, s7;
	s7 =	simm.s32 @!p0 $0x108  }
0x21: {  	s3 =	sadd.s32 s3, s9;
	s6 =	sadd.s32 @!p0 $0x88, s6;
	s7 =	simm.s32 @p2 $0x1082  }
0x22: {  	[simem:s7], [sflag:s8] =	dma.local @!p0 [hbm:s6], $0xF7A  }
0x23: {  	s9 =	sor.u32 $0xD0000000, s2;
	s6 =	simm.s32 $0x108;
	_ =	swait.ge @!p0 [sflag:s8], $0x0  }
0x24: {  	s3 =	sadd.s32 $0x88, s3;
	s6 =	simm.s32 @!p1 $0x1082;
	[sflag:s4] =	ssyncset.s32 $0xFFFFF086  }
0x25: {  	[simem:s6], [sflag:s4] =	dma.local [hbm:s3], $0xF7A  }
0x26: {  	[smem:$0x3F9B] =	sst s1;
	(tag) =	ssettag s2;
	_ =	strace s9  }
0x27: {  	s1 =	sld [smem:$0x3FAB]  }
0x28: {  	s2 =	sld [smem:$0x3FAC]  }
0x29: {  	s4 =	sld [smem:$0x3FAE]  }
0x2a: {  	p0 =	seq.s32 s5, $0x0;
	s5 =	sld [smem:$0x3FAF]  }
0x2b: {  	s6 =	sld [smem:$0x3FB0]  }
0x2c: {  	s7 =	sld [smem:$0x3FB1]  }
0x2d: {  	s3 =	simm.s32 $0x108;
	s8 =	sld [smem:$0x3FB2]  }
0x2e: {  	s3 =	simm.s32 @!p0 $0x1082;
	s9 =	sld [smem:$0x3FB3]  }
0x2f: {  	lr =	sadd.s32 s0, s3;
	s0 =	sld [smem:$0x3FAA]  }
0x30: {  	s3 =	sld [smem:$0x3FAD]  }
0x31: {  	[smem:$0x3FB6] =	sst s10  }
0x32: {  	s10 =	sld [smem:$0x3FB4];
	_ =	sdelay $0x3  }
0x33: {  	p0 =	seq.s32 s10, $0x1;
	s10 =	sld [smem:$0x3FB6];
	_ =	sdelay $0x3  }
0x34: {  	[smem:$0x3FB6] =	sst s10  }
0x35: {  	s10 =	sld [smem:$0x3FB5];
	_ =	sdelay $0x3  }
0x36: {  	p1 =	seq.s32 s10, $0x1;
	s10 =	sld [smem:$0x3FB6];
	_ =	sdelay $0x3  }
0x37: {  	[smem:$0x3FB6] =	sst s10  }
0x38: {  	s10 =	sld [smem:$0x3FB7]  }
0x39: {  	_ = 	snop;
	(pc) =	sbr.ind lr, $3  }
0x3a: {  	_ = 	snop  }
0x3b: {  	_ = 	snop  }
0x3c: {  	p2 =	seq.s32 s10, $0x1;
	s10 =	sld [smem:$0x3FB6]  }
0x3d: {  	_ =	shalt  }
0x3e: {  	_ =	shalt  }
0x3f: {  	_ =	shalt  }
0x40: {  	_ =	shalt  }
0x41: {  	_ =	shalt  }
0x42: {  	_ =	shalt  }
0x43: {  	_ =	shalt  }
0x44: {  	_ =	shalt  }
0x45: {  	_ =	shalt  }
0x46: {  	_ =	shalt  }
0x47: {  	_ =	shalt  }
0x48: {  	_ =	shalt  }
0x49: {  	_ =	shalt  }
0x4a: {  	_ =	shalt  }
0x4b: {  	_ =	shalt  }
0x4c: {  	_ =	shalt  }
0x4d: {  	_ =	shalt  }
0x4e: {  	_ =	shalt  }
0x4f: {  	_ =	shalt  }
0x50: {  	_ =	shalt  }
0x51: {  	_ =	shalt  }
0x52: {  	_ =	shalt  }
0x53: {  	_ =	shalt  }
0x54: {  	_ =	shalt  }
0x55: {  	_ =	shalt  }
0x56: {  	_ =	shalt  }
0x57: {  	_ =	shalt  }
0x58: {  	_ =	shalt  }
0x59: {  	_ =	shalt  }
0x5a: {  	_ =	shalt  }
0x5b: {  	_ =	shalt  }
0x5c: {  	_ =	shalt  }
0x5d: {  	_ =	shalt  }
0x5e: {  	_ =	shalt  }
0x5f: {  	_ =	shalt  }
0x60: {  	_ =	shalt  }
0x61: {  	_ =	shalt  }
0x62: {  	_ =	shalt  }
0x63: {  	_ =	shalt  }
0x64: {  	_ =	shalt  }
0x65: {  	_ =	shalt  }
0x66: {  	_ =	shalt  }
0x67: {  	_ =	shalt  }
0x68: {  	_ =	shalt  }
0x69: {  	_ =	shalt  }
0x6a: {  	_ =	shalt  }
0x6b: {  	_ =	shalt  }
0x6c: {  	_ =	shalt  }
0x6d: {  	_ =	shalt  }
0x6e: {  	_ =	shalt  }
0x6f: {  	_ =	shalt  }
0x70: {  	_ =	shalt  }
0x71: {  	_ =	shalt  }
0x72: {  	_ =	shalt  }
0x73: {  	_ =	shalt  }
0x74: {  	_ =	shalt  }
0x75: {  	_ =	shalt  }
0x76: {  	_ =	shalt  }
0x77: {  	_ =	shalt  }
0x78: {  	_ =	shalt  }
0x79: {  	_ =	shalt  }
0x7a: {  	_ =	shalt  }
0x7b: {  	_ =	shalt  }
0x7c: {  	_ =	shalt  }
0x7d: {  	_ =	shalt  }
0x7e: {  	_ =	shalt  }
0x7f: {  	_ =	shalt  }
0x80: {  	_ =	shalt  }
0x81: {  	_ =	shalt  }
0x82: {  	_ =	shalt  }
0x83: {  	_ =	shalt  }
0x84: {  	_ =	shalt  }
0x85: {  	_ =	shalt  }
0x86: {  	_ =	shalt  }
0x87: {  	_ =	shalt  }
.Lfunc_end0:
.L_simem_size_0:
called_computation.1_lowered:
.L_overlay_start_0:
0x88: {  	s2 =	sld [smem:$0x3FD9]  }
0x89: {  	s3 =	sld [smem:$0x3FFE];
	_ =	sdelay $0x1  }
0x8a: {  	s1 =	srdreg.scid  }
0x8b: {  	s0 =	sand.u32 $0x1, s1  }
0x8c: {  	s17 =	sshll.u32 s0, $0xA;
	s2 =	sadd.s32 s3, s2  }
0x8d: {  	s2 =	sadd.s32 s2, s17  }
0x8e: {  	[smem:$0x3FC2] =	sst s2  }
0x8f: {  	_ = 	snop  }
0x90: {  	s2 =	sld [smem:$0x3FD0];
	(tm) =	ssettm $0x1  }
0x91: {  	s18 =	sld [smem:$0x3FFB];
	_ =	sdelay $0x3  }
0x92: {  	_ =	strace s18  }
0x93: {  	s3 =	sld [smem:$0x3FFC];
	_ =	sdelay $0x3  }
0x94: {  	_ =	strace s3  }
0x95: {  	s3 =	sld [smem:$0x3FFD];
	_ =	sdelay $0x3  }
0x96: {  	_ =	strace s3  }
0x97: {  	_ =	strace $0x8FFFFFFF  }
0x98: {  	s19 =	sld [smem:$0x3FDB];
	_ =	sdelay $0x1  }
0x99: {  	s4 =	simm.s32 $_scs_section_size  }
0x9a: {  	s5 =	simm.s32 $_size__tile_overlayer_lowered;
	s6 =	simm.s32 $_tile_overlayer_lowered  }
0x9b: {  	s22 =	simm.s32 $0x1BFF;
	s21 =	sshll.u32 s6, $0x1;
	s3 =	sadd.s32 s4, s19  }
0x9c: {  	s7 =	simm.s32 $0x0;
	s20 =	sshll.u32 s5, $0x1;
	s5 =	sadd.s32 s21, s3  }
0x9d: {  	[timem:s7], [sflag:s22] =	dma.local [hbm:s5], s20  }
0x9e: {  	_ =	swait.ge [sflag:s22], s20  }
0x9f: {  	s4 =	ssub.s32 $0x0, s20;
	[sflag:s22] =	ssyncset.done $0x0  }
0xa0: {  	[sflag:s22] =	ssyncadd.s32 s4;
	_ =	sdelay $0x1  }
0xa1: {  	s23 =	simm.s32 $0x1B8B  }
0xa2: {  	_ =	swait.ge [sflag:s23], $0x1  }
0xa3: {  	[sflag:s23] =	ssyncset.done $0x0  }
0xa4: {  	s25 =	simm.s32 $0x1B8E;
	s24 =	sld [smem:$0x3FFE];
	[sflag:s23] =	ssyncadd.s32 $0xFFFFFFFF  }
0xa5: {  	s26 =	simm.s32 $execute0_lowered;
	[smem:$0x3FD2] =	sst s25  }
0xa6: {  	s5 =	sshll.u32 s26, $0x1;
	_ =	strace $0x80000049;
	[dreg:$0x1] =	wrdreg $0xFFFFFFFF  }
0xa7: {  	s28 =	simm.s32 $_size_execute0_lowered;
	s3 =	sadd.s32 s3, s5;
	[dreg:$0x0] =	wrdreg $0x0  }
0xa8: {  	s5 =	sshll.u32 s28, $0x1;
	[dreg:$0x2] =	wrdreg s3  }
0xa9: {  	[dreg:$0x3] =	wrdreg s5  }
0xaa: {  	[dreg:$0x4] =	wrdreg $0xC0  }
0xab: {  	_ =	task [dreg:s7], $0x5FFFF  }
0xac: {  	[dreg:$0x1] =	wrdreg $0xFFFFFFFF  }
0xad: {  	[dreg:$0x0] =	wrdreg $0x60  }
0xae: {  	[dreg:$0x2] =	wrdreg s24  }
0xaf: {  	[dreg:$0x3] =	wrdreg s2  }
0xb0: {  	[dreg:$0x4] =	wrdreg $0x150000  }
0xb1: {  	[dreg:$0x5] =	wrdreg $0x9  }
0xb2: {  	_ =	task.clear_ibuf [dreg:s7], $0x6FFFF;
	_ =	strace $0x90000049  }
0xb3: {  	s29 =	simm.s32 $0x9;
	_ =	strace $0x8000004B  }
0xb4: {  	_ =	swait.ge [sflag:s29], $0x1  }
0xb5: {  	[sflag:s29] =	ssyncadd.s32 $0xFFFFFFFF  }
0xb6: {  	_ =	strace $0x9000004B  }
0xb7: {  	_ =	sfence  }
0xb8: {  	s30 =	sld [smem:$0x0];
	_ =	sdelay $0x2  }
0xb9: {  	s31 =	sshll.u32 s1, $0xD;
	s1 =	sshrl.u32 s1, $0x2  }
0xba: {  	s3 =	sand.u32 $0x4000, s31;
	s1 =	sadd.s32 s1, s30  }
0xbb: {  	s0 =	sor.u32 s3, s0;
	s1 =	sshll.u32 s1, $0x11  }
0xbc: {  	s0 =	sor.u32 s1, s0  }
0xbd: {  	s0 =	sadd.s32 $0x8F2B, s0  }
0xbe: {  	[sflag:s0] =	ssyncadd.remote.s32 $0x1  }
0xbf: {  	_ =	sfence.sel $0xFFFF  }
0xc0: {  	[dreg:$0x0] =	wrdreg $0xFFFFFFFF;
	(pc) =	sbr.abs _section_cstart, $3  }
0xc1: {  	[dreg:$0x1] =	wrdreg $0xFFFFFFFF  }
0xc2: {  	_ =	task.clear_ibuf [dreg:s7], $0x2FFFF;
	_ =	strace $0x9FFFFFFF  }
0xc3: {  	(tm) =	ssettm $0x7FFFFFFF  }
tec
execute0_lowered:
.L_overlay_start_1:
0x0: {  	(tag) =	ssettag $0x1  }
0x1: {  	s0 =	rddreg [dreg:$0x0]  }
0x2: {  	s1 =	rddreg [dreg:$0x1]  }
0x3: {  	s2 =	rddreg [dreg:$0x2];
	s6 =	simm.s32 $0x0;
	s3 =	srdreg.scid  }
0x4: {  	s5 =	stileid.u32;
	s11 =	simm.s32 $0x11;
	s12 =	simm.s32 $0x80  }
0x5: {  	s13 =	simm.s32 $0x5000;
	s14 =	simm.s32 $0x7000;
	s16 =	simm.s32 $0x9000  }
0x6: {  	s18 =	simm.s32 $0xB000;
	s20 =	simm.s32 $0xD000;
	s29 =	simm.s32 $0x1  }
0x7: {  	s30 =	simm.s32 $0x2;
	s31 =	simm.s32 $0x3;
	s15 =	simm.s32 $0x5  }
0x8: {  	s17 =	simm.s32 $0x6;
	s19 =	simm.s32 $0x8;
	s21 =	simm.s32 $0x9  }
0x9: {  	s28 =	simm.s32 $0xC;
	s9 =	simm.s32 $0x0;
	s3 =	sand.u32 $0x1, s3  }
0xa: {  	s4 =	sshll.u32 s5, $0x1;
	s5 =	smul.u32 $0xA000, s5;
	[smem:$0x7FF] =	sst s6  }
0xb: {  	s4 =	sor.u32 s3, s4;
	s22 =	smul.u32 $0xA0000, s3;
	_ =	strace $0x8000004A  }
0xc: {  	s3 =	ssub.s32 $0x2, s3;
	s7 =	smul.u32 $0x500, s4;
	s4 =	sadd.s32 $0x15000, s0  }
0xd: {  	s8 =	sshrl.u32 s3, $0x1;
	s25 =	sadd.s32 s5, s2;
	s6 =	sadd.s32 s5, s22  }
0xe: {  	s3 =	ssub.s32 s3, s8;
	[dreg:$0x6] =	wrdreg s25;
	s5 =	sshrl.u32 s5, $0x3  }
0xf: {  	s22 =	simm.s32 $0xF000;
	s25 =	simm.s32 $0xB;
	s8 =	simm.s32 $0x10  }
0x10: {  	s7 =	sadd.s32 s7, s0;
	s6 =	sshrl.u32 s6, $0x3;
	s1 =	sadd.s32 s1, s5  }
0x11: {  	s26 =	smax.u32 s3, $0x1;
	s5 =	simm.s32 $0xD;
	s0 =	sadd.s32 s6, s0  }
0x12: {  	s23 =	sadd.s32 $0xB000, s7;
	s24 =	sadd.s32 $0x1000, s7;
	[dreg:$0x7] =	wrdreg s1  }
0x13: {  	[dreg:$0x9] =	wrdreg s26;
	s26 =	simm.s32 $0x13000;
	s1 =	simm.s32 $0x7  }
0x14: {  	s6 =	simm.s32 $0xE;
	s7 =	simm.s32 $0xF;
	[dreg:$0x4] =	wrdreg s23  }
0x15: {  	[dreg:$0x5] =	wrdreg s24;
	s0 =	sadd.s32 $0x28A00, s0;
	s24 =	simm.s32 $0x11000  }
0x16: {  	s23 =	simm.s32 $0xA;
	[dreg:$0x8] =	wrdreg s0;
	s0 =	simm.s32 $0x4  }
.LBB2_1:
0x17: {  	[dreg:$0xa] =	wrdreg s9  }
0x18: {  	s3 =	simm.s32 $0x0;
	s10 =	rddreg [dreg:$0x4]  }
0x19: {  	[tilespmem:s3], [sflag:$0x11] =	stream.linear.gather [hbm4b:s10+s3], $0x2800, $0x38;
	[tilespmem:$0x1F000] =	vst v63  }
0x1a: {  	_ =	swait.ge [sflag:s11], $0x2800  }
0x1b: {  	[sflag:s11] =	ssyncset.done $0x0  }
0x1c: {  	[sflag:s11] =	ssyncadd.s32 $0xFFFFD800  }
0x1d: {  	[tilespmem:s13], [sflag:$0x1] =	stream.indirect.gather [hbm4b:s4+s12], $0x40, s3, s12, $0xb8;
	[tilespmem:$0x1F000] =	vst v63  }
0x1e: {  	_ = 	snop  }
0x1f: {  	[tilespmem:s14], [sflag:$0x2] =	stream.indirect.gather [hbm4b:s4+s12], $0x40, s12, s12, $0xb8;
	[tilespmem:$0x1F000] =	vst v63  }
0x20: {  	s9 =	simm.s32 $0x100  }
0x21: {  	[tilespmem:s16], [sflag:$0x3] =	stream.indirect.gather [hbm4b:s4+s12], $0x40, s9, s12, $0xb8;
	[tilespmem:$0x1F000] =	vst v63  }
0x22: {  	s9 =	simm.s32 $0x180  }
0x23: {  	[tilespmem:s18], [sflag:$0x4] =	stream.indirect.gather [hbm4b:s4+s12], $0x40, s9, s12, $0xb8;
	[tilespmem:$0x1F000] =	vst v63  }
0x24: {  	s9 =	simm.s32 $0x200  }
0x25: {  	[tilespmem:s20], [sflag:$0x5] =	stream.indirect.gather [hbm4b:s4+s12], $0x40, s9, s12, $0xb8;
	[tilespmem:$0x1F000] =	vst v63  }
0x26: {  	s9 =	simm.s32 $0x280  }
0x27: {  	[tilespmem:s22], [sflag:$0x6] =	stream.indirect.gather [hbm4b:s4+s12], $0x40, s9, s12, $0xb8;
	[tilespmem:$0x1F000] =	vst v63  }
0x28: {  	s9 =	simm.s32 $0x300  }
0x29: {  	[tilespmem:s24], [sflag:$0x7] =	stream.indirect.gather [hbm4b:s4+s12], $0x40, s9, s12, $0xb8;
	[tilespmem:$0x1F000] =	vst v63  }
0x2a: {  	s9 =	simm.s32 $0x380  }
0x2b: {  	[tilespmem:s26], [sflag:$0x8] =	stream.indirect.gather [hbm4b:s4+s12], $0x40, s9, s12, $0xb8;
	[tilespmem:$0x1F000] =	vst v63  }
0x2c: {  	s10 =	rddreg [dreg:$0x5];
	s9 =	simm.s32 $0x2800  }
0x2d: {  	[tilespmem:s9], [sflag:$0x11] =	stream.linear.gather [hbm4b:s10+s3], $0x2800, $0x38;
	[tilespmem:$0x1F000] =	vst v63  }
0x2e: {  	s9 =	stileid.u32;
	_ =	swait.ge [sflag:s11], $0x2800  }
0x2f: {  	s3 =	sshll.u32 s9, $0x6;
	[sflag:s11] =	ssyncset.done $0x0;
	s10 =	rddreg [dreg:$0x6]  }
0x30: {  	s9 =	sor.u32 $0x1C11, s3;
	s3 =	rddreg [dreg:$0x7];
	s10 =	sshrl.u32 s10, $0x3  }
0x31: {  	[sflag:s11] =	ssyncadd.s32 $0xFFFFD800;
	[dreg:$0xb] =	wrdreg s10  }
0x32: {  	[spmem:s10], [sflag:s9] =	dma.local [hbm:s3], $0x1400  }
0x33: {  	_ =	swait.ge [sflag:s11], $0x1400  }
0x34: {  	[sflag:s11] =	ssyncset.done $0x0  }
0x35: {  	[sflag:s11] =	ssyncadd.s32 $0xFFFFEC00  }
0x36: {  	[bflag:$0x0] =	sbarrier.arrive $0xFFFF  }
0x37: {  	_ =	swait.ge [sflag:s29], $0x2000  }
0x38: {  	[sflag:s29] =	ssyncset.done $0x0  }
0x39: {  	s11 =	simm.s32 $0x2800;
	[sflag:s29] =	ssyncadd.s32 $0xFFFFE000  }
0x3a: {  	[spmem:s2] =	stream.indirect.scatter.add.f32 [tilespmem:s13], [sflag:$0x9], $0x40, s11, s12, $0xb8;
	[tilespmem:$0x1F000] =	vst v63  }
0x3b: {  	_ =	swait.ge [sflag:s30], $0x2000  }
0x3c: {  	[sflag:s30] =	ssyncset.done $0x0  }
0x3d: {  	s10 =	simm.s32 $0x2880;
	[sflag:s30] =	ssyncadd.s32 $0xFFFFE000  }
0x3e: {  	[spmem:s2] =	stream.indirect.scatter.add.f32 [tilespmem:s14], [sflag:$0xA], $0x40, s10, s12, $0xb8;
	[tilespmem:$0x1F000] =	vst v63  }
0x3f: {  	_ =	swait.ge [sflag:s31], $0x2000  }
0x40: {  	[sflag:s31] =	ssyncset.done $0x0  }
0x41: {  	s11 =	simm.s32 $0x2900;
	[sflag:s31] =	ssyncadd.s32 $0xFFFFE000  }
0x42: {  	[spmem:s2] =	stream.indirect.scatter.add.f32 [tilespmem:s16], [sflag:$0xB], $0x40, s11, s12, $0xb8;
	[tilespmem:$0x1F000] =	vst v63  }
0x43: {  	_ =	swait.ge [sflag:s0], $0x2000  }
0x44: {  	[sflag:s0] =	ssyncset.done $0x0  }
0x45: {  	s10 =	simm.s32 $0x2980;
	[sflag:s0] =	ssyncadd.s32 $0xFFFFE000  }
0x46: {  	[spmem:s2] =	stream.indirect.scatter.add.f32 [tilespmem:s18], [sflag:$0xC], $0x40, s10, s12, $0xb8;
	[tilespmem:$0x1F000] =	vst v63  }
0x47: {  	_ =	swait.ge [sflag:s15], $0x2000  }
0x48: {  	[sflag:s15] =	ssyncset.done $0x0  }
0x49: {  	s11 =	simm.s32 $0x2A00;
	[sflag:s15] =	ssyncadd.s32 $0xFFFFE000  }
0x4a: {  	[spmem:s2] =	stream.indirect.scatter.add.f32 [tilespmem:s20], [sflag:$0xD], $0x40, s11, s12, $0xb8;
	[tilespmem:$0x1F000] =	vst v63  }
0x4b: {  	_ =	swait.ge [sflag:s17], $0x2000  }
0x4c: {  	[sflag:s17] =	ssyncset.done $0x0  }
0x4d: {  	s10 =	simm.s32 $0x2A80;
	[sflag:s17] =	ssyncadd.s32 $0xFFFFE000  }
0x4e: {  	[spmem:s2] =	stream.indirect.scatter.add.f32 [tilespmem:s22], [sflag:$0xE], $0x40, s10, s12, $0xb8;
	[tilespmem:$0x1F000] =	vst v63  }
0x4f: {  	_ =	swait.ge [sflag:s1], $0x2000  }
0x50: {  	[sflag:s1] =	ssyncset.done $0x0  }
0x51: {  	s11 =	simm.s32 $0x2B00;
	[sflag:s1] =	ssyncadd.s32 $0xFFFFE000  }
0x52: {  	[spmem:s2] =	stream.indirect.scatter.add.f32 [tilespmem:s24], [sflag:$0xF], $0x40, s11, s12, $0xb8;
	[tilespmem:$0x1F000] =	vst v63  }
0x53: {  	_ =	swait.ge [sflag:s19], $0x2000  }
0x54: {  	[sflag:s19] =	ssyncset.done $0x0  }
0x55: {  	s10 =	simm.s32 $0x2B80;
	[sflag:s19] =	ssyncadd.s32 $0xFFFFE000  }
0x56: {  	[spmem:s2] =	stream.indirect.scatter.add.f32 [tilespmem:s26], [sflag:$0x10], $0x40, s10, s12, $0xb8;
	[tilespmem:$0x1F000] =	vst v63  }
0x57: {  	_ =	swait.ge [sflag:s21], $0x2000  }
0x58: {  	[sflag:s21] =	ssyncset.done $0x0  }
0x59: {  	s11 =	simm.s32 $0x400;
	[sflag:s21] =	ssyncadd.s32 $0xFFFFE000  }
0x5a: {  	[tilespmem:s13], [sflag:$0x1] =	stream.indirect.gather [hbm4b:s4+s12], $0x40, s11, s12, $0xb8;
	[tilespmem:$0x1F000] =	vst v63  }
0x5b: {  	_ =	swait.ge [sflag:s23], $0x2000  }
0x5c: {  	[sflag:s23] =	ssyncset.done $0x0  }
0x5d: {  	s10 =	simm.s32 $0x480;
	[sflag:s23] =	ssyncadd.s32 $0xFFFFE000  }
0x5e: {  	[tilespmem:s14], [sflag:$0x2] =	stream.indirect.gather [hbm4b:s4+s12], $0x40, s10, s12, $0xb8;
	[tilespmem:$0x1F000] =	vst v63  }
0x5f: {  	_ =	swait.ge [sflag:s25], $0x2000  }
0x60: {  	[sflag:s25] =	ssyncset.done $0x0  }
0x61: {  	s11 =	simm.s32 $0x500;
	[sflag:s25] =	ssyncadd.s32 $0xFFFFE000  }
0x62: {  	[tilespmem:s16], [sflag:$0x3] =	stream.indirect.gather [hbm4b:s4+s12], $0x40, s11, s12, $0xb8;
	[tilespmem:$0x1F000] =	vst v63  }
0x63: {  	_ =	swait.ge [sflag:s28], $0x2000  }
0x64: {  	[sflag:s28] =	ssyncset.done $0x0  }
0x65: {  	s10 =	simm.s32 $0x580;
	[sflag:s28] =	ssyncadd.s32 $0xFFFFE000  }
0x66: {  	[tilespmem:s18], [sflag:$0x4] =	stream.indirect.gather [hbm4b:s4+s12], $0x40, s10, s12, $0xb8;
	[tilespmem:$0x1F000] =	vst v63  }
0x67: {  	_ =	swait.ge [sflag:s5], $0x2000  }
0x68: {  	[sflag:s5] =	ssyncset.done $0x0  }
0x69: {  	s11 =	simm.s32 $0x600;
	[sflag:s5] =	ssyncadd.s32 $0xFFFFE000  }
0x6a: {  	[tilespmem:s20], [sflag:$0x5] =	stream.indirect.gather [hbm4b:s4+s12], $0x40, s11, s12, $0xb8;
	[tilespmem:$0x1F000] =	vst v63  }
0x6b: {  	_ =	swait.ge [sflag:s6], $0x2000  }
0x6c: {  	[sflag:s6] =	ssyncset.done $0x0  }
0x6d: {  	s10 =	simm.s32 $0x680;
	[sflag:s6] =	ssyncadd.s32 $0xFFFFE000  }
0x6e: {  	[tilespmem:s22], [sflag:$0x6] =	stream.indirect.gather [hbm4b:s4+s12], $0x40, s10, s12, $0xb8;
	[tilespmem:$0x1F000] =	vst v63  }
0x6f: {  	_ =	swait.ge [sflag:s7], $0x2000  }
0x70: {  	[sflag:s7] =	ssyncset.done $0x0  }
0x71: {  	s11 =	simm.s32 $0x700;
	[sflag:s7] =	ssyncadd.s32 $0xFFFFE000  }
0x72: {  	[tilespmem:s24], [sflag:$0x7] =	stream.indirect.gather [hbm4b:s4+s12], $0x40, s11, s12, $0xb8;
	[tilespmem:$0x1F000] =	vst v63  }
0x73: {  	_ =	swait.ge [sflag:s8], $0x2000  }
0x74: {  	[sflag:s8] =	ssyncset.done $0x0  }
0x75: {  	s3 =	simm.s32 $0x780;
	s10 =	simm.s32 $0x1000;
	[sflag:s8] =	ssyncadd.s32 $0xFFFFE000  }
.LBB2_2:
0x76: {  	[tilespmem:s26], [sflag:$0x8] =	stream.indirect.gather [hbm4b:s4+s12], $0x40, s3, s12, $0xb8;
	[tilespmem:$0x1F000] =	vst v63  }
0x77: {  	s3 =	smov.u32 s10  }
0x78: {  	p0 =	sne.s32 s10, $0x8000;
	s10 =	sadd.s32 $0x1000, s10;
	_ =	swait.ge [sflag:s29], $0x2000  }
0x79: {  	s3 =	sshra.s32 s3, $0x2;
	[sflag:s29] =	ssyncset.done $0x0  }
0x7a: {  	s11 =	sadd.s32 $0x2800, s3;
	[sflag:s29] =	ssyncadd.s32 $0xFFFFE000  }
0x7b: {  	[spmem:s2] =	stream.indirect.scatter.add.f32 [tilespmem:s13], [sflag:$0x9], $0x40, s11, s12, $0xb8;
	[tilespmem:$0x1F000] =	vst v63  }
0x7c: {  	_ =	swait.ge [sflag:s30], $0x2000  }
0x7d: {  	[sflag:s30] =	ssyncset.done $0x0  }
0x7e: {  	s11 =	sadd.s32 $0x2880, s3;
	[sflag:s30] =	ssyncadd.s32 $0xFFFFE000  }
0x7f: {  	[spmem:s2] =	stream.indirect.scatter.add.f32 [tilespmem:s14], [sflag:$0xA], $0x40, s11, s12, $0xb8;
	[tilespmem:$0x1F000] =	vst v63  }
0x80: {  	_ =	swait.ge [sflag:s31], $0x2000  }
0x81: {  	[sflag:s31] =	ssyncset.done $0x0  }
0x82: {  	s11 =	sadd.s32 $0x2900, s3;
	[sflag:s31] =	ssyncadd.s32 $0xFFFFE000  }
0x83: {  	[spmem:s2] =	stream.indirect.scatter.add.f32 [tilespmem:s16], [sflag:$0xB], $0x40, s11, s12, $0xb8;
	[tilespmem:$0x1F000] =	vst v63  }
0x84: {  	_ =	swait.ge [sflag:s0], $0x2000  }
0x85: {  	[sflag:s0] =	ssyncset.done $0x0  }
0x86: {  	s11 =	sadd.s32 $0x2980, s3;
	[sflag:s0] =	ssyncadd.s32 $0xFFFFE000  }
0x87: {  	[spmem:s2] =	stream.indirect.scatter.add.f32 [tilespmem:s18], [sflag:$0xC], $0x40, s11, s12, $0xb8;
	[tilespmem:$0x1F000] =	vst v63  }
0x88: {  	_ =	swait.ge [sflag:s15], $0x2000  }
0x89: {  	[sflag:s15] =	ssyncset.done $0x0  }
0x8a: {  	s11 =	sadd.s32 $0x2A00, s3;
	[sflag:s15] =	ssyncadd.s32 $0xFFFFE000  }
0x8b: {  	[spmem:s2] =	stream.indirect.scatter.add.f32 [tilespmem:s20], [sflag:$0xD], $0x40, s11, s12, $0xb8;
	[tilespmem:$0x1F000] =	vst v63  }
0x8c: {  	_ =	swait.ge [sflag:s17], $0x2000  }
0x8d: {  	[sflag:s17] =	ssyncset.done $0x0  }
0x8e: {  	s11 =	sadd.s32 $0x2A80, s3;
	[sflag:s17] =	ssyncadd.s32 $0xFFFFE000  }
0x8f: {  	[spmem:s2] =	stream.indirect.scatter.add.f32 [tilespmem:s22], [sflag:$0xE], $0x40, s11, s12, $0xb8;
	[tilespmem:$0x1F000] =	vst v63  }
0x90: {  	_ =	swait.ge [sflag:s1], $0x2000  }
0x91: {  	[sflag:s1] =	ssyncset.done $0x0  }
0x92: {  	s11 =	sadd.s32 $0x2B00, s3;
	[sflag:s1] =	ssyncadd.s32 $0xFFFFE000  }
0x93: {  	[spmem:s2] =	stream.indirect.scatter.add.f32 [tilespmem:s24], [sflag:$0xF], $0x40, s11, s12, $0xb8;
	[tilespmem:$0x1F000] =	vst v63  }
0x94: {  	_ =	swait.ge [sflag:s19], $0x2000  }
0x95: {  	[sflag:s19] =	ssyncset.done $0x0  }
0x96: {  	s11 =	sadd.s32 $0x2B80, s3;
	[sflag:s19] =	ssyncadd.s32 $0xFFFFE000  }
0x97: {  	[spmem:s2] =	stream.indirect.scatter.add.f32 [tilespmem:s26], [sflag:$0x10], $0x40, s11, s12, $0xb8;
	[tilespmem:$0x1F000] =	vst v63  }
0x98: {  	_ =	swait.ge [sflag:s21], $0x2000  }
0x99: {  	[sflag:s21] =	ssyncset.done $0x0  }
0x9a: {  	s11 =	sadd.s32 $0x400, s3;
	[sflag:s21] =	ssyncadd.s32 $0xFFFFE000  }
0x9b: {  	[tilespmem:s13], [sflag:$0x1] =	stream.indirect.gather [hbm4b:s4+s12], $0x40, s11, s12, $0xb8;
	[tilespmem:$0x1F000] =	vst v63  }
0x9c: {  	_ =	swait.ge [sflag:s23], $0x2000  }
0x9d: {  	[sflag:s23] =	ssyncset.done $0x0  }
0x9e: {  	s11 =	sadd.s32 $0x480, s3;
	[sflag:s23] =	ssyncadd.s32 $0xFFFFE000  }
0x9f: {  	[tilespmem:s14], [sflag:$0x2] =	stream.indirect.gather [hbm4b:s4+s12], $0x40, s11, s12, $0xb8;
	[tilespmem:$0x1F000] =	vst v63  }
0xa0: {  	_ =	swait.ge [sflag:s25], $0x2000  }
0xa1: {  	[sflag:s25] =	ssyncset.done $0x0  }
0xa2: {  	s11 =	sadd.s32 $0x500, s3;
	[sflag:s25] =	ssyncadd.s32 $0xFFFFE000  }
0xa3: {  	[tilespmem:s16], [sflag:$0x3] =	stream.indirect.gather [hbm4b:s4+s12], $0x40, s11, s12, $0xb8;
	[tilespmem:$0x1F000] =	vst v63  }
0xa4: {  	_ =	swait.ge [sflag:s28], $0x2000  }
0xa5: {  	[sflag:s28] =	ssyncset.done $0x0  }
0xa6: {  	s11 =	sadd.s32 $0x580, s3;
	[sflag:s28] =	ssyncadd.s32 $0xFFFFE000  }
0xa7: {  	[tilespmem:s18], [sflag:$0x4] =	stream.indirect.gather [hbm4b:s4+s12], $0x40, s11, s12, $0xb8;
	[tilespmem:$0x1F000] =	vst v63  }
0xa8: {  	_ =	swait.ge [sflag:s5], $0x2000  }
0xa9: {  	[sflag:s5] =	ssyncset.done $0x0  }
0xaa: {  	s11 =	sadd.s32 $0x600, s3;
	[sflag:s5] =	ssyncadd.s32 $0xFFFFE000  }
0xab: {  	[tilespmem:s20], [sflag:$0x5] =	stream.indirect.gather [hbm4b:s4+s12], $0x40, s11, s12, $0xb8;
	[tilespmem:$0x1F000] =	vst v63  }
0xac: {  	_ =	swait.ge [sflag:s6], $0x2000  }
0xad: {  	[sflag:s6] =	ssyncset.done $0x0  }
0xae: {  	s11 =	sadd.s32 $0x680, s3;
	[sflag:s6] =	ssyncadd.s32 $0xFFFFE000  }
0xaf: {  	[tilespmem:s22], [sflag:$0x6] =	stream.indirect.gather [hbm4b:s4+s12], $0x40, s11, s12, $0xb8;
	[tilespmem:$0x1F000] =	vst v63  }
0xb0: {  	_ =	swait.ge [sflag:s7], $0x2000  }
0xb1: {  	[sflag:s7] =	ssyncset.done $0x0  }
.Ltmp0:
0xb2: {  	s11 =	sadd.s32 $0x700, s3;
	[sflag:s7] =	ssyncadd.s32 $0xFFFFE000;
	(pc) =	sbr.rel @p0 .LBB2_2-.Ltmp0, $4  }
0xb3: {  	[tilespmem:s24], [sflag:$0x7] =	stream.indirect.gather [hbm4b:s4+s12], $0x40, s11, s12, $0xb8;
	[tilespmem:$0x1F000] =	vst v63  }
0xb4: {  	_ =	swait.ge [sflag:s8], $0x2000  }
0xb5: {  	[sflag:s8] =	ssyncset.done $0x0  }
0xb6: {  	s3 =	sadd.s32 $0x780, s3;
	[sflag:s8] =	ssyncadd.s32 $0xFFFFE000  }
0xb7: {  	[tilespmem:s26], [sflag:$0x8] =	stream.indirect.gather [hbm4b:s4+s12], $0x40, s3, s12, $0xb8;
	[tilespmem:$0x1F000] =	vst v63  }
0xb8: {  	_ =	swait.ge [sflag:s29], $0x2000  }
0xb9: {  	[sflag:s29] =	ssyncset.done $0x0  }
0xba: {  	s11 =	simm.s32 $0x4C00;
	[sflag:s29] =	ssyncadd.s32 $0xFFFFE000  }
0xbb: {  	[spmem:s2] =	stream.indirect.scatter.add.f32 [tilespmem:s13], [sflag:$0x9], $0x40, s11, s12, $0xb8;
	[tilespmem:$0x1F000] =	vst v63  }
0xbc: {  	_ =	swait.ge [sflag:s30], $0x2000  }
0xbd: {  	[sflag:s30] =	ssyncset.done $0x0  }
0xbe: {  	s10 =	simm.s32 $0x4C80;
	[sflag:s30] =	ssyncadd.s32 $0xFFFFE000  }
0xbf: {  	[spmem:s2] =	stream.indirect.scatter.add.f32 [tilespmem:s14], [sflag:$0xA], $0x40, s10, s12, $0xb8;
	[tilespmem:$0x1F000] =	vst v63  }
0xc0: {  	_ =	swait.ge [sflag:s31], $0x2000  }
0xc1: {  	[sflag:s31] =	ssyncset.done $0x0  }
0xc2: {  	s11 =	simm.s32 $0x4D00;
	[sflag:s31] =	ssyncadd.s32 $0xFFFFE000  }
0xc3: {  	[spmem:s2] =	stream.indirect.scatter.add.f32 [tilespmem:s16], [sflag:$0xB], $0x40, s11, s12, $0xb8;
	[tilespmem:$0x1F000] =	vst v63  }
0xc4: {  	_ =	swait.ge [sflag:s0], $0x2000  }
0xc5: {  	[sflag:s0] =	ssyncset.done $0x0  }
0xc6: {  	s10 =	simm.s32 $0x4D80;
	[sflag:s0] =	ssyncadd.s32 $0xFFFFE000  }
0xc7: {  	[spmem:s2] =	stream.indirect.scatter.add.f32 [tilespmem:s18], [sflag:$0xC], $0x40, s10, s12, $0xb8;
	[tilespmem:$0x1F000] =	vst v63  }
0xc8: {  	_ =	swait.ge [sflag:s15], $0x2000  }
0xc9: {  	[sflag:s15] =	ssyncset.done $0x0  }
0xca: {  	s11 =	simm.s32 $0x4E00;
	[sflag:s15] =	ssyncadd.s32 $0xFFFFE000  }
0xcb: {  	[spmem:s2] =	stream.indirect.scatter.add.f32 [tilespmem:s20], [sflag:$0xD], $0x40, s11, s12, $0xb8;
	[tilespmem:$0x1F000] =	vst v63  }
0xcc: {  	_ =	swait.ge [sflag:s17], $0x2000  }
0xcd: {  	[sflag:s17] =	ssyncset.done $0x0  }
0xce: {  	s10 =	simm.s32 $0x4E80;
	[sflag:s17] =	ssyncadd.s32 $0xFFFFE000  }
0xcf: {  	[spmem:s2] =	stream.indirect.scatter.add.f32 [tilespmem:s22], [sflag:$0xE], $0x40, s10, s12, $0xb8;
	[tilespmem:$0x1F000] =	vst v63  }
0xd0: {  	_ =	swait.ge [sflag:s1], $0x2000  }
0xd1: {  	[sflag:s1] =	ssyncset.done $0x0  }
0xd2: {  	s11 =	simm.s32 $0x4F00;
	[sflag:s1] =	ssyncadd.s32 $0xFFFFE000  }
0xd3: {  	[spmem:s2] =	stream.indirect.scatter.add.f32 [tilespmem:s24], [sflag:$0xF], $0x40, s11, s12, $0xb8;
	[tilespmem:$0x1F000] =	vst v63  }
0xd4: {  	_ =	swait.ge [sflag:s19], $0x2000  }
0xd5: {  	[sflag:s19] =	ssyncset.done $0x0  }
0xd6: {  	s10 =	simm.s32 $0x4F80;
	[sflag:s19] =	ssyncadd.s32 $0xFFFFE000  }
0xd7: {  	[spmem:s2] =	stream.indirect.scatter.add.f32 [tilespmem:s26], [sflag:$0x10], $0x40, s10, s12, $0xb8;
	[tilespmem:$0x1F000] =	vst v63  }
0xd8: {  	_ =	swait.ge [sflag:s21], $0x2000  }
0xd9: {  	[sflag:s21] =	ssyncset.done $0x0  }
0xda: {  	[sflag:s21] =	ssyncadd.s32 $0xFFFFE000  }
0xdb: {  	_ =	swait.ge [sflag:s23], $0x2000  }
0xdc: {  	[sflag:s23] =	ssyncset.done $0x0  }
0xdd: {  	[sflag:s23] =	ssyncadd.s32 $0xFFFFE000  }
0xde: {  	_ =	swait.ge [sflag:s25], $0x2000  }
0xdf: {  	[sflag:s25] =	ssyncset.done $0x0  }
0xe0: {  	[sflag:s25] =	ssyncadd.s32 $0xFFFFE000  }
0xe1: {  	_ =	swait.ge [sflag:s28], $0x2000  }
0xe2: {  	[sflag:s28] =	ssyncset.done $0x0  }
0xe3: {  	[sflag:s28] =	ssyncadd.s32 $0xFFFFE000  }
0xe4: {  	_ =	swait.ge [sflag:s5], $0x2000  }
0xe5: {  	[sflag:s5] =	ssyncset.done $0x0  }
0xe6: {  	[sflag:s5] =	ssyncadd.s32 $0xFFFFE000  }
0xe7: {  	_ =	swait.ge [sflag:s6], $0x2000  }
0xe8: {  	[sflag:s6] =	ssyncset.done $0x0  }
0xe9: {  	[sflag:s6] =	ssyncadd.s32 $0xFFFFE000  }
0xea: {  	_ =	swait.ge [sflag:s7], $0x2000  }
0xeb: {  	[sflag:s7] =	ssyncset.done $0x0  }
0xec: {  	[sflag:s7] =	ssyncadd.s32 $0xFFFFE000  }
0xed: {  	_ =	swait.ge [sflag:s8], $0x2000  }
0xee: {  	[sflag:s8] =	ssyncset.done $0x0  }
0xef: {  	[sflag:s8] =	ssyncadd.s32 $0xFFFFE000  }
0xf0: {  	[bflag:$0x0] =	sbarrier.arrive $0xFFFF  }
0xf1: {  	s11 =	rddreg [dreg:$0x8]  }
0xf2: {  	s10 =	rddreg [dreg:$0xb]  }
0xf3: {  	[hbm:s11], [sflag:s9] =	dma.local [spmem:s10], $0x1400  }
0xf4: {  	s11 =	simm.s32 $0x11  }
0xf5: {  	_ =	swait.ge [sflag:s11], $0x1400  }
0xf6: {  	s3 =	rddreg [dreg:$0xa]  }
0xf7: {  	s10 =	rddreg [dreg:$0x9];
	s9 =	sadd.s32 $0x1, s3  }
0xf8: {  	p0 =	sne.s32 s9, s10  }
.Ltmp1:
0xf9: {  	_ = 	snop;
	(pc) =	sbr.rel @p0 .LBB2_1-.Ltmp1, $3  }
0xfa: {  	_ =	sdelay $0x1  }
0xfb: {  	[sflag:s11] =	ssyncset.done $0x0  }
0xfc: {  	[sflag:s11] =	ssyncadd.s32 $0xFFFFEC00  }
0xfd: {  	_ =	sfence.sel $0x180000  }
0xfe: {  	[bflag:$0x0] =	sbarrier.arrive $0xFFFF  }
0xff: {  	_ =	strace $0x9000004A  }
0x100: {  	s0 =	stileid.u32;
	[bflag:$0x2] =	sbarrier.arrive $0xFFFF  }
0x101: {  	p0 =	sne.s32 s0, $0x0;
	s0 =	rddreg [dreg:$0x3]  }
0x102: {  	s0 =	sadd.s32 @!p0 $0x100000, s0  }
0x103: {  	[sflag:s0] =	ssyncadd.tile.s32 @!p0 $0x1;
	_ =	shalt  }
.Lfunc_end2:
_tile_overlayer_lowered:
.L_overlay_start_2:
0x104: {  	(tag) =	ssettag $0x2  }
0x105: {  	s0 =	rddreg [dreg:$0x0];
	s2 =	stileid.u32  }
0x106: {  	s1 =	rddreg [dreg:$0x1];
	p0 =	sne.s32 s2, $0x0  }
0x107: {  	s3 =	rddreg [dreg:$0x2];
	[bflag:$0x3] =	sbarrier.arrive $0xFFFF;
	s2 =	simm.s32 @!p0 $0x1C11  }
0x108: {  	[timem:s3], [sflag:s2] =	dma.local @!p0 [hbm:s0], s1  }
0x109: {  	s0 =	simm.s32 @!p0 $0x11  }
0x10a: {  	_ =	swait.ge @!p0 [sflag:s0], s1  }
0x10b: {  	s1 =	ssub.s32 @!p0 $0x0, s1;
	[sflag:s0] =	ssyncset.done @!p0 $0x0  }
0x10c: {  	[sflag:s0] =	ssyncadd.s32 @!p0 s1  }
0x10d: {  	[bflag:$0x3] =	sbarrier.arrive $0xFFFF  }
0x10e: {  	_ =	shalt  }

// kernel: kernel.14.cloned.1.call-start
scs
__scs_entry_jumppad:
0x0: {  	(pc) =	sbr.rel $0x88, $3  }
0x1: {  	(tag) =	ssettag $0x0;
	lr =	simm.s32 $0x1  }
0x2: {  	[smem:$0x3F9B] =	sst lr;
	_ =	strace $0xD0000000  }
0x3: {  	_ = 	snop  }
0x4: {  	_ = 	snop  }
0x5: {  	_ = 	snop  }
0x6: {  	_ = 	snop  }
0x7: {  	_ = 	snop  }
__scs_overlays_trampoline_lowered:
0x8: {  	[smem:$0x3FAA] =	sst s0  }
0x9: {  	[smem:$0x3FAB] =	sst s1  }
0xa: {  	[smem:$0x3FAC] =	sst s2  }
0xb: {  	[smem:$0x3FAD] =	sst s3  }
0xc: {  	[smem:$0x3FAE] =	sst s4  }
0xd: {  	[smem:$0x3FAF] =	sst s5  }
0xe: {  	[smem:$0x3FB0] =	sst s6  }
0xf: {  	[smem:$0x3FB1] =	sst s7  }
0x10: {  	[smem:$0x3FB2] =	sst s8  }
0x11: {  	[smem:$0x3FB3] =	sst s9;
	s0 =	simm.s32 @!p0 $0x0  }
0x12: {  	s1 =	sld [smem:$0x3F99];
	s0 =	simm.s32 @p0 $0x1  }
0x13: {  	[smem:$0x3FB4] =	sst s0;
	s0 =	simm.s32 @!p1 $0x0  }
0x14: {  	s2 =	sld [smem:$0x3F98];
	s0 =	simm.s32 @p1 $0x1  }
0x15: {  	[smem:$0x3FB5] =	sst s0;
	s0 =	simm.s32 @!p2 $0x0  }
0x16: {  	s3 =	sld [smem:$0x3FDB];
	s0 =	simm.s32 @p2 $0x1  }
0x17: {  	s4 =	simm.s32 $0x1BF5;
	[smem:$0x3FB7] =	sst s0  }
0x18: {  	s0 =	sld [smem:$0x3F9A];
	_ =	swait.ge [sflag:s4], $0x0  }
0x19: {  	s7 =	sld [smem:$0x3F9B]  }
0x1a: {  	s8 =	sadd.s32 $0xFFFFE003, lr  }
0x1b: {  	s9 =	sadd.s32 $0xFFFFFEF7, lr;
	s5 =	simm.s32 $0xFFFFFFFF;
	p2 =	slt.u32 s8, $0xFFFFF086  }
0x1c: {  	p1 =	slt.u32 s9, $0xF7A;
	s5 =	simm.s32 @!p2 $0x0  }
0x1d: {  	s5 =	simm.s32 @p1 $0x1;
	p0 =	seq.s32 s7, s2  }
0x1e: {  	s7 =	smul.u32 @!p0 $0xF7A, s2;
	p2 =	seq.s32 @!p0 s5, $0x0  }
0x1f: {  	s9 =	smul.u32 $0xF7A, s1;
	s8 =	simm.s32 @!p0 $0x1BF5;
	p2 =	por !p2, p0  }
0x20: {  	[sflag:s8] =	ssyncset.s32 @!p0 $0xFFFFF086;
	s6 =	sadd.s32 @!p0 s3, s7;
	s7 =	simm.s32 @!p0 $0x108  }
0x21: {  	s3 =	sadd.s32 s3, s9;
	s6 =	sadd.s32 @!p0 $0x88, s6;
	s7 =	simm.s32 @p2 $0x1082  }
0x22: {  	[simem:s7], [sflag:s8] =	dma.local @!p0 [hbm:s6], $0xF7A  }
0x23: {  	s9 =	sor.u32 $0xD0000000, s2;
	s6 =	simm.s32 $0x108;
	_ =	swait.ge @!p0 [sflag:s8], $0x0  }
0x24: {  	s3 =	sadd.s32 $0x88, s3;
	s6 =	simm.s32 @!p1 $0x1082;
	[sflag:s4] =	ssyncset.s32 $0xFFFFF086  }
0x25: {  	[simem:s6], [sflag:s4] =	dma.local [hbm:s3], $0xF7A  }
0x26: {  	[smem:$0x3F9B] =	sst s1;
	(tag) =	ssettag s2;
	_ =	strace s9  }
0x27: {  	s1 =	sld [smem:$0x3FAB]  }
0x28: {  	s2 =	sld [smem:$0x3FAC]  }
0x29: {  	s4 =	sld [smem:$0x3FAE]  }
0x2a: {  	p0 =	seq.s32 s5, $0x0;
	s5 =	sld [smem:$0x3FAF]  }
0x2b: {  	s6 =	sld [smem:$0x3FB0]  }
0x2c: {  	s7 =	sld [smem:$0x3FB1]  }
0x2d: {  	s3 =	simm.s32 $0x108;
	s8 =	sld [smem:$0x3FB2]  }
0x2e: {  	s3 =	simm.s32 @!p0 $0x1082;
	s9 =	sld [smem:$0x3FB3]  }
0x2f: {  	lr =	sadd.s32 s0, s3;
	s0 =	sld [smem:$0x3FAA]  }
0x30: {  	s3 =	sld [smem:$0x3FAD]  }
0x31: {  	[smem:$0x3FB6] =	sst s10  }
0x32: {  	s10 =	sld [smem:$0x3FB4];
	_ =	sdelay $0x3  }
0x33: {  	p0 =	seq.s32 s10, $0x1;
	s10 =	sld [smem:$0x3FB6];
	_ =	sdelay $0x3  }
0x34: {  	[smem:$0x3FB6] =	sst s10  }
0x35: {  	s10 =	sld [smem:$0x3FB5];
	_ =	sdelay $0x3  }
0x36: {  	p1 =	seq.s32 s10, $0x1;
	s10 =	sld [smem:$0x3FB6];
	_ =	sdelay $0x3  }
0x37: {  	[smem:$0x3FB6] =	sst s10  }
0x38: {  	s10 =	sld [smem:$0x3FB7]  }
0x39: {  	_ = 	snop;
	(pc) =	sbr.ind lr, $3  }
0x3a: {  	_ = 	snop  }
0x3b: {  	_ = 	snop  }
0x3c: {  	p2 =	seq.s32 s10, $0x1;
	s10 =	sld [smem:$0x3FB6]  }
0x3d: {  	_ =	shalt  }
0x3e: {  	_ =	shalt  }
0x3f: {  	_ =	shalt  }
0x40: {  	_ =	shalt  }
0x41: {  	_ =	shalt  }
0x42: {  	_ =	shalt  }
0x43: {  	_ =	shalt  }
0x44: {  	_ =	shalt  }
0x45: {  	_ =	shalt  }
0x46: {  	_ =	shalt  }
0x47: {  	_ =	shalt  }
0x48: {  	_ =	shalt  }
0x49: {  	_ =	shalt  }
0x4a: {  	_ =	shalt  }
0x4b: {  	_ =	shalt  }
0x4c: {  	_ =	shalt  }
0x4d: {  	_ =	shalt  }
0x4e: {  	_ =	shalt  }
0x4f: {  	_ =	shalt  }
0x50: {  	_ =	shalt  }
0x51: {  	_ =	shalt  }
0x52: {  	_ =	shalt  }
0x53: {  	_ =	shalt  }
0x54: {  	_ =	shalt  }
0x55: {  	_ =	shalt  }
0x56: {  	_ =	shalt  }
0x57: {  	_ =	shalt  }
0x58: {  	_ =	shalt  }
0x59: {  	_ =	shalt  }
0x5a: {  	_ =	shalt  }
0x5b: {  	_ =	shalt  }
0x5c: {  	_ =	shalt  }
0x5d: {  	_ =	shalt  }
0x5e: {  	_ =	shalt  }
0x5f: {  	_ =	shalt  }
0x60: {  	_ =	shalt  }
0x61: {  	_ =	shalt  }
0x62: {  	_ =	shalt  }
0x63: {  	_ =	shalt  }
0x64: {  	_ =	shalt  }
0x65: {  	_ =	shalt  }
0x66: {  	_ =	shalt  }
0x67: {  	_ =	shalt  }
0x68: {  	_ =	shalt  }
0x69: {  	_ =	shalt  }
0x6a: {  	_ =	shalt  }
0x6b: {  	_ =	shalt  }
0x6c: {  	_ =	shalt  }
0x6d: {  	_ =	shalt  }
0x6e: {  	_ =	shalt  }
0x6f: {  	_ =	shalt  }
0x70: {  	_ =	shalt  }
0x71: {  	_ =	shalt  }
0x72: {  	_ =	shalt  }
0x73: {  	_ =	shalt  }
0x74: {  	_ =	shalt  }
0x75: {  	_ =	shalt  }
0x76: {  	_ =	shalt  }
0x77: {  	_ =	shalt  }
0x78: {  	_ =	shalt  }
0x79: {  	_ =	shalt  }
0x7a: {  	_ =	shalt  }
0x7b: {  	_ =	shalt  }
0x7c: {  	_ =	shalt  }
0x7d: {  	_ =	shalt  }
0x7e: {  	_ =	shalt  }
0x7f: {  	_ =	shalt  }
0x80: {  	_ =	shalt  }
0x81: {  	_ =	shalt  }
0x82: {  	_ =	shalt  }
0x83: {  	_ =	shalt  }
0x84: {  	_ =	shalt  }
0x85: {  	_ =	shalt  }
0x86: {  	_ =	shalt  }
0x87: {  	_ =	shalt  }
.Lfunc_end0:
.L_simem_size_0:
called_computation.2_lowered:
.L_overlay_start_0:
0x88: {  	s2 =	sld [smem:$0x3FD9]  }
0x89: {  	s3 =	sld [smem:$0x3FFE];
	_ =	sdelay $0x1  }
0x8a: {  	s1 =	srdreg.scid  }
0x8b: {  	s0 =	sand.u32 $0x1, s1  }
0x8c: {  	s17 =	sshll.u32 s0, $0xA;
	s2 =	sadd.s32 s3, s2  }
0x8d: {  	s2 =	sadd.s32 s2, s17  }
0x8e: {  	[smem:$0x3FC2] =	sst s2  }
0x8f: {  	_ = 	snop  }
0x90: {  	s2 =	sld [smem:$0x3FD0];
	(tm) =	ssettm $0x1  }
0x91: {  	s18 =	sld [smem:$0x3FFB];
	_ =	sdelay $0x3  }
0x92: {  	_ =	strace s18  }
0x93: {  	s3 =	sld [smem:$0x3FFC];
	_ =	sdelay $0x3  }
0x94: {  	_ =	strace s3  }
0x95: {  	s3 =	sld [smem:$0x3FFD];
	_ =	sdelay $0x3  }
0x96: {  	_ =	strace s3  }
0x97: {  	_ =	strace $0x8FFFFFFF  }
0x98: {  	s19 =	sld [smem:$0x3FDB];
	_ =	sdelay $0x1  }
0x99: {  	s4 =	simm.s32 $_scs_section_size  }
0x9a: {  	s5 =	simm.s32 $_size__tile_overlayer_lowered;
	s6 =	simm.s32 $_tile_overlayer_lowered  }
0x9b: {  	s22 =	simm.s32 $0x1BFF;
	s21 =	sshll.u32 s6, $0x1;
	s3 =	sadd.s32 s4, s19  }
0x9c: {  	s7 =	simm.s32 $0x0;
	s20 =	sshll.u32 s5, $0x1;
	s5 =	sadd.s32 s21, s3  }
0x9d: {  	[timem:s7], [sflag:s22] =	dma.local [hbm:s5], s20  }
0x9e: {  	_ =	swait.ge [sflag:s22], s20  }
0x9f: {  	s4 =	ssub.s32 $0x0, s20;
	[sflag:s22] =	ssyncset.done $0x0  }
0xa0: {  	[sflag:s22] =	ssyncadd.s32 s4;
	_ =	sdelay $0x1  }
0xa1: {  	s23 =	simm.s32 $0x1B8B  }
0xa2: {  	_ =	swait.ge [sflag:s23], $0x1  }
0xa3: {  	[sflag:s23] =	ssyncset.done $0x0  }
0xa4: {  	s25 =	simm.s32 $0x1B8E;
	s24 =	sld [smem:$0x3FFE];
	[sflag:s23] =	ssyncadd.s32 $0xFFFFFFFF  }
0xa5: {  	s26 =	simm.s32 $execute0_lowered;
	[smem:$0x3FD2] =	sst s25  }
0xa6: {  	s5 =	sshll.u32 s26, $0x1;
	_ =	strace $0x8000004C;
	[dreg:$0x1] =	wrdreg $0xFFFFFFFF  }
0xa7: {  	s28 =	simm.s32 $_size_execute0_lowered;
	s3 =	sadd.s32 s3, s5;
	[dreg:$0x0] =	wrdreg $0x0  }
0xa8: {  	s5 =	sshll.u32 s28, $0x1;
	[dreg:$0x2] =	wrdreg s3  }
0xa9: {  	[dreg:$0x3] =	wrdreg s5  }
0xaa: {  	[dreg:$0x4] =	wrdreg $0xC0  }
0xab: {  	_ =	task [dreg:s7], $0x5FFFF  }
0xac: {  	[dreg:$0x1] =	wrdreg $0xFFFFFFFF  }
0xad: {  	[dreg:$0x0] =	wrdreg $0x60  }
0xae: {  	[dreg:$0x2] =	wrdreg s24  }
0xaf: {  	[dreg:$0x3] =	wrdreg s2  }
0xb0: {  	[dreg:$0x4] =	wrdreg $0x150000  }
0xb1: {  	[dreg:$0x5] =	wrdreg $0x9  }
0xb2: {  	_ =	task.clear_ibuf [dreg:s7], $0x6FFFF;
	_ =	strace $0x9000004C  }
0xb3: {  	s29 =	simm.s32 $0x9;
	_ =	strace $0x8000004E  }
0xb4: {  	_ =	swait.ge [sflag:s29], $0x1  }
0xb5: {  	[sflag:s29] =	ssyncadd.s32 $0xFFFFFFFF  }
0xb6: {  	_ =	strace $0x9000004E  }
0xb7: {  	_ =	sfence  }
0xb8: {  	s30 =	sld [smem:$0x0];
	_ =	sdelay $0x2  }
0xb9: {  	s31 =	sshll.u32 s1, $0xD;
	s1 =	sshrl.u32 s1, $0x2  }
0xba: {  	s3 =	sand.u32 $0x4000, s31;
	s1 =	sadd.s32 s1, s30  }
0xbb: {  	s0 =	sor.u32 s3, s0;
	s1 =	sshll.u32 s1, $0x11  }
0xbc: {  	s0 =	sor.u32 s1, s0  }
0xbd: {  	s0 =	sadd.s32 $0x8F2B, s0  }
0xbe: {  	[sflag:s0] =	ssyncadd.remote.s32 $0x1  }
0xbf: {  	_ =	sfence.sel $0xFFFF  }
0xc0: {  	[dreg:$0x0] =	wrdreg $0xFFFFFFFF;
	(pc) =	sbr.abs _section_cstart, $3  }
0xc1: {  	[dreg:$0x1] =	wrdreg $0xFFFFFFFF  }
0xc2: {  	_ =	task.clear_ibuf [dreg:s7], $0x2FFFF;
	_ =	strace $0x9FFFFFFF  }
0xc3: {  	(tm) =	ssettm $0x7FFFFFFF  }
tec
execute0_lowered:
.L_overlay_start_1:
0x0: {  	(tag) =	ssettag $0x1  }
0x1: {  	s0 =	rddreg [dreg:$0x0]  }
0x2: {  	s1 =	rddreg [dreg:$0x1]  }
0x3: {  	s2 =	rddreg [dreg:$0x2];
	s6 =	simm.s32 $0x0;
	s3 =	srdreg.scid  }
0x4: {  	s5 =	stileid.u32;
	s11 =	simm.s32 $0x11;
	s12 =	simm.s32 $0x80  }
0x5: {  	s13 =	simm.s32 $0x5000;
	s14 =	simm.s32 $0x7000;
	s16 =	simm.s32 $0x9000  }
0x6: {  	s18 =	simm.s32 $0xB000;
	s20 =	simm.s32 $0xD000;
	s29 =	simm.s32 $0x1  }
0x7: {  	s30 =	simm.s32 $0x2;
	s31 =	simm.s32 $0x3;
	s15 =	simm.s32 $0x5  }
0x8: {  	s17 =	simm.s32 $0x6;
	s19 =	simm.s32 $0x8;
	s21 =	simm.s32 $0x9  }
0x9: {  	s28 =	simm.s32 $0xC;
	s9 =	simm.s32 $0x0;
	s3 =	sand.u32 $0x1, s3  }
0xa: {  	s4 =	sshll.u32 s5, $0x1;
	s5 =	smul.u32 $0xA000, s5;
	[smem:$0x7FF] =	sst s6  }
0xb: {  	s4 =	sor.u32 s3, s4;
	s22 =	smul.u32 $0xA0000, s3;
	_ =	strace $0x8000004D  }
0xc: {  	s3 =	ssub.s32 $0x2, s3;
	s7 =	smul.u32 $0x500, s4;
	s4 =	sadd.s32 $0x15000, s0  }
0xd: {  	s8 =	sshrl.u32 s3, $0x1;
	s25 =	sadd.s32 s5, s2;
	s6 =	sadd.s32 s5, s22  }
0xe: {  	s3 =	ssub.s32 s3, s8;
	[dreg:$0x6] =	wrdreg s25;
	s5 =	sshrl.u32 s5, $0x3  }
0xf: {  	s22 =	simm.s32 $0xF000;
	s25 =	simm.s32 $0xB;
	s8 =	simm.s32 $0x10  }
0x10: {  	s7 =	sadd.s32 s7, s0;
	s6 =	sshrl.u32 s6, $0x3;
	s1 =	sadd.s32 s1, s5  }
0x11: {  	s26 =	smax.u32 s3, $0x1;
	s5 =	simm.s32 $0xD;
	s0 =	sadd.s32 s6, s0  }
0x12: {  	s23 =	sadd.s32 $0xB000, s7;
	s24 =	sadd.s32 $0x1000, s7;
	[dreg:$0x7] =	wrdreg s1  }
0x13: {  	[dreg:$0x9] =	wrdreg s26;
	s26 =	simm.s32 $0x13000;
	s1 =	simm.s32 $0x7  }
0x14: {  	s6 =	simm.s32 $0xE;
	s7 =	simm.s32 $0xF;
	[dreg:$0x4] =	wrdreg s23  }
0x15: {  	[dreg:$0x5] =	wrdreg s24;
	s0 =	sadd.s32 $0x28A00, s0;
	s24 =	simm.s32 $0x11000  }
0x16: {  	s23 =	simm.s32 $0xA;
	[dreg:$0x8] =	wrdreg s0;
	s0 =	simm.s32 $0x4  }
.LBB2_1:
0x17: {  	[dreg:$0xa] =	wrdreg s9  }
0x18: {  	s3 =	simm.s32 $0x0;
	s10 =	rddreg [dreg:$0x4]  }
0x19: {  	[tilespmem:s3], [sflag:$0x11] =	stream.linear.gather [hbm4b:s10+s3], $0x2800, $0x38;
	[tilespmem:$0x1F000] =	vst v63  }
0x1a: {  	_ =	swait.ge [sflag:s11], $0x2800  }
0x1b: {  	[sflag:s11] =	ssyncset.done $0x0  }
0x1c: {  	[sflag:s11] =	ssyncadd.s32 $0xFFFFD800  }
0x1d: {  	[tilespmem:s13], [sflag:$0x1] =	stream.indirect.gather [hbm4b:s4+s12], $0x40, s3, s12, $0xb8;
	[tilespmem:$0x1F000] =	vst v63  }
0x1e: {  	_ = 	snop  }
0x1f: {  	[tilespmem:s14], [sflag:$0x2] =	stream.indirect.gather [hbm4b:s4+s12], $0x40, s12, s12, $0xb8;
	[tilespmem:$0x1F000] =	vst v63  }
0x20: {  	s9 =	simm.s32 $0x100  }
0x21: {  	[tilespmem:s16], [sflag:$0x3] =	stream.indirect.gather [hbm4b:s4+s12], $0x40, s9, s12, $0xb8;
	[tilespmem:$0x1F000] =	vst v63  }
0x22: {  	s9 =	simm.s32 $0x180  }
0x23: {  	[tilespmem:s18], [sflag:$0x4] =	stream.indirect.gather [hbm4b:s4+s12], $0x40, s9, s12, $0xb8;
	[tilespmem:$0x1F000] =	vst v63  }
0x24: {  	s9 =	simm.s32 $0x200  }
0x25: {  	[tilespmem:s20], [sflag:$0x5] =	stream.indirect.gather [hbm4b:s4+s12], $0x40, s9, s12, $0xb8;
	[tilespmem:$0x1F000] =	vst v63  }
0x26: {  	s9 =	simm.s32 $0x280  }
0x27: {  	[tilespmem:s22], [sflag:$0x6] =	stream.indirect.gather [hbm4b:s4+s12], $0x40, s9, s12, $0xb8;
	[tilespmem:$0x1F000] =	vst v63  }
0x28: {  	s9 =	simm.s32 $0x300  }
0x29: {  	[tilespmem:s24], [sflag:$0x7] =	stream.indirect.gather [hbm4b:s4+s12], $0x40, s9, s12, $0xb8;
	[tilespmem:$0x1F000] =	vst v63  }
0x2a: {  	s9 =	simm.s32 $0x380  }
0x2b: {  	[tilespmem:s26], [sflag:$0x8] =	stream.indirect.gather [hbm4b:s4+s12], $0x40, s9, s12, $0xb8;
	[tilespmem:$0x1F000] =	vst v63  }
0x2c: {  	s10 =	rddreg [dreg:$0x5];
	s9 =	simm.s32 $0x2800  }
0x2d: {  	[tilespmem:s9], [sflag:$0x11] =	stream.linear.gather [hbm4b:s10+s3], $0x2800, $0x38;
	[tilespmem:$0x1F000] =	vst v63  }
0x2e: {  	s9 =	stileid.u32;
	_ =	swait.ge [sflag:s11], $0x2800  }
0x2f: {  	s3 =	sshll.u32 s9, $0x6;
	[sflag:s11] =	ssyncset.done $0x0;
	s10 =	rddreg [dreg:$0x6]  }
0x30: {  	s9 =	sor.u32 $0x1C11, s3;
	s3 =	rddreg [dreg:$0x7];
	s10 =	sshrl.u32 s10, $0x3  }
0x31: {  	[sflag:s11] =	ssyncadd.s32 $0xFFFFD800;
	[dreg:$0xb] =	wrdreg s10  }
0x32: {  	[spmem:s10], [sflag:s9] =	dma.local [hbm:s3], $0x1400  }
0x33: {  	_ =	swait.ge [sflag:s11], $0x1400  }
0x34: {  	[sflag:s11] =	ssyncset.done $0x0  }
0x35: {  	[sflag:s11] =	ssyncadd.s32 $0xFFFFEC00  }
0x36: {  	[bflag:$0x0] =	sbarrier.arrive $0xFFFF  }
0x37: {  	_ =	swait.ge [sflag:s29], $0x2000  }
0x38: {  	[sflag:s29] =	ssyncset.done $0x0  }
0x39: {  	s11 =	simm.s32 $0x2800;
	[sflag:s29] =	ssyncadd.s32 $0xFFFFE000  }
0x3a: {  	[spmem:s2] =	stream.indirect.scatter.add.f32 [tilespmem:s13], [sflag:$0x9], $0x40, s11, s12, $0xb8;
	[tilespmem:$0x1F000] =	vst v63  }
0x3b: {  	_ =	swait.ge [sflag:s30], $0x2000  }
0x3c: {  	[sflag:s30] =	ssyncset.done $0x0  }
0x3d: {  	s10 =	simm.s32 $0x2880;
	[sflag:s30] =	ssyncadd.s32 $0xFFFFE000  }
0x3e: {  	[spmem:s2] =	stream.indirect.scatter.add.f32 [tilespmem:s14], [sflag:$0xA], $0x40, s10, s12, $0xb8;
	[tilespmem:$0x1F000] =	vst v63  }
0x3f: {  	_ =	swait.ge [sflag:s31], $0x2000  }
0x40: {  	[sflag:s31] =	ssyncset.done $0x0  }
0x41: {  	s11 =	simm.s32 $0x2900;
	[sflag:s31] =	ssyncadd.s32 $0xFFFFE000  }
0x42: {  	[spmem:s2] =	stream.indirect.scatter.add.f32 [tilespmem:s16], [sflag:$0xB], $0x40, s11, s12, $0xb8;
	[tilespmem:$0x1F000] =	vst v63  }
0x43: {  	_ =	swait.ge [sflag:s0], $0x2000  }
0x44: {  	[sflag:s0] =	ssyncset.done $0x0  }
0x45: {  	s10 =	simm.s32 $0x2980;
	[sflag:s0] =	ssyncadd.s32 $0xFFFFE000  }
0x46: {  	[spmem:s2] =	stream.indirect.scatter.add.f32 [tilespmem:s18], [sflag:$0xC], $0x40, s10, s12, $0xb8;
	[tilespmem:$0x1F000] =	vst v63  }
0x47: {  	_ =	swait.ge [sflag:s15], $0x2000  }
0x48: {  	[sflag:s15] =	ssyncset.done $0x0  }
0x49: {  	s11 =	simm.s32 $0x2A00;
	[sflag:s15] =	ssyncadd.s32 $0xFFFFE000  }
0x4a: {  	[spmem:s2] =	stream.indirect.scatter.add.f32 [tilespmem:s20], [sflag:$0xD], $0x40, s11, s12, $0xb8;
	[tilespmem:$0x1F000] =	vst v63  }
0x4b: {  	_ =	swait.ge [sflag:s17], $0x2000  }
0x4c: {  	[sflag:s17] =	ssyncset.done $0x0  }
0x4d: {  	s10 =	simm.s32 $0x2A80;
	[sflag:s17] =	ssyncadd.s32 $0xFFFFE000  }
0x4e: {  	[spmem:s2] =	stream.indirect.scatter.add.f32 [tilespmem:s22], [sflag:$0xE], $0x40, s10, s12, $0xb8;
	[tilespmem:$0x1F000] =	vst v63  }
0x4f: {  	_ =	swait.ge [sflag:s1], $0x2000  }
0x50: {  	[sflag:s1] =	ssyncset.done $0x0  }
0x51: {  	s11 =	simm.s32 $0x2B00;
	[sflag:s1] =	ssyncadd.s32 $0xFFFFE000  }
0x52: {  	[spmem:s2] =	stream.indirect.scatter.add.f32 [tilespmem:s24], [sflag:$0xF], $0x40, s11, s12, $0xb8;
	[tilespmem:$0x1F000] =	vst v63  }
0x53: {  	_ =	swait.ge [sflag:s19], $0x2000  }
0x54: {  	[sflag:s19] =	ssyncset.done $0x0  }
0x55: {  	s10 =	simm.s32 $0x2B80;
	[sflag:s19] =	ssyncadd.s32 $0xFFFFE000  }
0x56: {  	[spmem:s2] =	stream.indirect.scatter.add.f32 [tilespmem:s26], [sflag:$0x10], $0x40, s10, s12, $0xb8;
	[tilespmem:$0x1F000] =	vst v63  }
0x57: {  	_ =	swait.ge [sflag:s21], $0x2000  }
0x58: {  	[sflag:s21] =	ssyncset.done $0x0  }
0x59: {  	s11 =	simm.s32 $0x400;
	[sflag:s21] =	ssyncadd.s32 $0xFFFFE000  }
0x5a: {  	[tilespmem:s13], [sflag:$0x1] =	stream.indirect.gather [hbm4b:s4+s12], $0x40, s11, s12, $0xb8;
	[tilespmem:$0x1F000] =	vst v63  }
0x5b: {  	_ =	swait.ge [sflag:s23], $0x2000  }
0x5c: {  	[sflag:s23] =	ssyncset.done $0x0  }
0x5d: {  	s10 =	simm.s32 $0x480;
	[sflag:s23] =	ssyncadd.s32 $0xFFFFE000  }
0x5e: {  	[tilespmem:s14], [sflag:$0x2] =	stream.indirect.gather [hbm4b:s4+s12], $0x40, s10, s12, $0xb8;
	[tilespmem:$0x1F000] =	vst v63  }
0x5f: {  	_ =	swait.ge [sflag:s25], $0x2000  }
0x60: {  	[sflag:s25] =	ssyncset.done $0x0  }
0x61: {  	s11 =	simm.s32 $0x500;
	[sflag:s25] =	ssyncadd.s32 $0xFFFFE000  }
0x62: {  	[tilespmem:s16], [sflag:$0x3] =	stream.indirect.gather [hbm4b:s4+s12], $0x40, s11, s12, $0xb8;
	[tilespmem:$0x1F000] =	vst v63  }
0x63: {  	_ =	swait.ge [sflag:s28], $0x2000  }
0x64: {  	[sflag:s28] =	ssyncset.done $0x0  }
0x65: {  	s10 =	simm.s32 $0x580;
	[sflag:s28] =	ssyncadd.s32 $0xFFFFE000  }
0x66: {  	[tilespmem:s18], [sflag:$0x4] =	stream.indirect.gather [hbm4b:s4+s12], $0x40, s10, s12, $0xb8;
	[tilespmem:$0x1F000] =	vst v63  }
0x67: {  	_ =	swait.ge [sflag:s5], $0x2000  }
0x68: {  	[sflag:s5] =	ssyncset.done $0x0  }
0x69: {  	s11 =	simm.s32 $0x600;
	[sflag:s5] =	ssyncadd.s32 $0xFFFFE000  }
0x6a: {  	[tilespmem:s20], [sflag:$0x5] =	stream.indirect.gather [hbm4b:s4+s12], $0x40, s11, s12, $0xb8;
	[tilespmem:$0x1F000] =	vst v63  }
0x6b: {  	_ =	swait.ge [sflag:s6], $0x2000  }
0x6c: {  	[sflag:s6] =	ssyncset.done $0x0  }
0x6d: {  	s10 =	simm.s32 $0x680;
	[sflag:s6] =	ssyncadd.s32 $0xFFFFE000  }
0x6e: {  	[tilespmem:s22], [sflag:$0x6] =	stream.indirect.gather [hbm4b:s4+s12], $0x40, s10, s12, $0xb8;
	[tilespmem:$0x1F000] =	vst v63  }
0x6f: {  	_ =	swait.ge [sflag:s7], $0x2000  }
0x70: {  	[sflag:s7] =	ssyncset.done $0x0  }
0x71: {  	s11 =	simm.s32 $0x700;
	[sflag:s7] =	ssyncadd.s32 $0xFFFFE000  }
0x72: {  	[tilespmem:s24], [sflag:$0x7] =	stream.indirect.gather [hbm4b:s4+s12], $0x40, s11, s12, $0xb8;
	[tilespmem:$0x1F000] =	vst v63  }
0x73: {  	_ =	swait.ge [sflag:s8], $0x2000  }
0x74: {  	[sflag:s8] =	ssyncset.done $0x0  }
0x75: {  	s3 =	simm.s32 $0x780;
	s10 =	simm.s32 $0x1000;
	[sflag:s8] =	ssyncadd.s32 $0xFFFFE000  }
.LBB2_2:
0x76: {  	[tilespmem:s26], [sflag:$0x8] =	stream.indirect.gather [hbm4b:s4+s12], $0x40, s3, s12, $0xb8;
	[tilespmem:$0x1F000] =	vst v63  }
0x77: {  	s3 =	smov.u32 s10  }
0x78: {  	p0 =	sne.s32 s10, $0x8000;
	s10 =	sadd.s32 $0x1000, s10;
	_ =	swait.ge [sflag:s29], $0x2000  }
0x79: {  	s3 =	sshra.s32 s3, $0x2;
	[sflag:s29] =	ssyncset.done $0x0  }
0x7a: {  	s11 =	sadd.s32 $0x2800, s3;
	[sflag:s29] =	ssyncadd.s32 $0xFFFFE000  }
0x7b: {  	[spmem:s2] =	stream.indirect.scatter.add.f32 [tilespmem:s13], [sflag:$0x9], $0x40, s11, s12, $0xb8;
	[tilespmem:$0x1F000] =	vst v63  }
0x7c: {  	_ =	swait.ge [sflag:s30], $0x2000  }
0x7d: {  	[sflag:s30] =	ssyncset.done $0x0  }
0x7e: {  	s11 =	sadd.s32 $0x2880, s3;
	[sflag:s30] =	ssyncadd.s32 $0xFFFFE000  }
0x7f: {  	[spmem:s2] =	stream.indirect.scatter.add.f32 [tilespmem:s14], [sflag:$0xA], $0x40, s11, s12, $0xb8;
	[tilespmem:$0x1F000] =	vst v63  }
0x80: {  	_ =	swait.ge [sflag:s31], $0x2000  }
0x81: {  	[sflag:s31] =	ssyncset.done $0x0  }
0x82: {  	s11 =	sadd.s32 $0x2900, s3;
	[sflag:s31] =	ssyncadd.s32 $0xFFFFE000  }
0x83: {  	[spmem:s2] =	stream.indirect.scatter.add.f32 [tilespmem:s16], [sflag:$0xB], $0x40, s11, s12, $0xb8;
	[tilespmem:$0x1F000] =	vst v63  }
0x84: {  	_ =	swait.ge [sflag:s0], $0x2000  }
0x85: {  	[sflag:s0] =	ssyncset.done $0x0  }
0x86: {  	s11 =	sadd.s32 $0x2980, s3;
	[sflag:s0] =	ssyncadd.s32 $0xFFFFE000  }
0x87: {  	[spmem:s2] =	stream.indirect.scatter.add.f32 [tilespmem:s18], [sflag:$0xC], $0x40, s11, s12, $0xb8;
	[tilespmem:$0x1F000] =	vst v63  }
0x88: {  	_ =	swait.ge [sflag:s15], $0x2000  }
0x89: {  	[sflag:s15] =	ssyncset.done $0x0  }
0x8a: {  	s11 =	sadd.s32 $0x2A00, s3;
	[sflag:s15] =	ssyncadd.s32 $0xFFFFE000  }
0x8b: {  	[spmem:s2] =	stream.indirect.scatter.add.f32 [tilespmem:s20], [sflag:$0xD], $0x40, s11, s12, $0xb8;
	[tilespmem:$0x1F000] =	vst v63  }
0x8c: {  	_ =	swait.ge [sflag:s17], $0x2000  }
0x8d: {  	[sflag:s17] =	ssyncset.done $0x0  }
0x8e: {  	s11 =	sadd.s32 $0x2A80, s3;
	[sflag:s17] =	ssyncadd.s32 $0xFFFFE000  }
0x8f: {  	[spmem:s2] =	stream.indirect.scatter.add.f32 [tilespmem:s22], [sflag:$0xE], $0x40, s11, s12, $0xb8;
	[tilespmem:$0x1F000] =	vst v63  }
0x90: {  	_ =	swait.ge [sflag:s1], $0x2000  }
0x91: {  	[sflag:s1] =	ssyncset.done $0x0  }
0x92: {  	s11 =	sadd.s32 $0x2B00, s3;
	[sflag:s1] =	ssyncadd.s32 $0xFFFFE000  }
0x93: {  	[spmem:s2] =	stream.indirect.scatter.add.f32 [tilespmem:s24], [sflag:$0xF], $0x40, s11, s12, $0xb8;
	[tilespmem:$0x1F000] =	vst v63  }
0x94: {  	_ =	swait.ge [sflag:s19], $0x2000  }
0x95: {  	[sflag:s19] =	ssyncset.done $0x0  }
0x96: {  	s11 =	sadd.s32 $0x2B80, s3;
	[sflag:s19] =	ssyncadd.s32 $0xFFFFE000  }
0x97: {  	[spmem:s2] =	stream.indirect.scatter.add.f32 [tilespmem:s26], [sflag:$0x10], $0x40, s11, s12, $0xb8;
	[tilespmem:$0x1F000] =	vst v63  }
0x98: {  	_ =	swait.ge [sflag:s21], $0x2000  }
0x99: {  	[sflag:s21] =	ssyncset.done $0x0  }
0x9a: {  	s11 =	sadd.s32 $0x400, s3;
	[sflag:s21] =	ssyncadd.s32 $0xFFFFE000  }
0x9b: {  	[tilespmem:s13], [sflag:$0x1] =	stream.indirect.gather [hbm4b:s4+s12], $0x40, s11, s12, $0xb8;
	[tilespmem:$0x1F000] =	vst v63  }
0x9c: {  	_ =	swait.ge [sflag:s23], $0x2000  }
0x9d: {  	[sflag:s23] =	ssyncset.done $0x0  }
0x9e: {  	s11 =	sadd.s32 $0x480, s3;
	[sflag:s23] =	ssyncadd.s32 $0xFFFFE000  }
0x9f: {  	[tilespmem:s14], [sflag:$0x2] =	stream.indirect.gather [hbm4b:s4+s12], $0x40, s11, s12, $0xb8;
	[tilespmem:$0x1F000] =	vst v63  }
0xa0: {  	_ =	swait.ge [sflag:s25], $0x2000  }
0xa1: {  	[sflag:s25] =	ssyncset.done $0x0  }
0xa2: {  	s11 =	sadd.s32 $0x500, s3;
	[sflag:s25] =	ssyncadd.s32 $0xFFFFE000  }
0xa3: {  	[tilespmem:s16], [sflag:$0x3] =	stream.indirect.gather [hbm4b:s4+s12], $0x40, s11, s12, $0xb8;
	[tilespmem:$0x1F000] =	vst v63  }
0xa4: {  	_ =	swait.ge [sflag:s28], $0x2000  }
0xa5: {  	[sflag:s28] =	ssyncset.done $0x0  }
0xa6: {  	s11 =	sadd.s32 $0x580, s3;
	[sflag:s28] =	ssyncadd.s32 $0xFFFFE000  }
0xa7: {  	[tilespmem:s18], [sflag:$0x4] =	stream.indirect.gather [hbm4b:s4+s12], $0x40, s11, s12, $0xb8;
	[tilespmem:$0x1F000] =	vst v63  }
0xa8: {  	_ =	swait.ge [sflag:s5], $0x2000  }
0xa9: {  	[sflag:s5] =	ssyncset.done $0x0  }
0xaa: {  	s11 =	sadd.s32 $0x600, s3;
	[sflag:s5] =	ssyncadd.s32 $0xFFFFE000  }
0xab: {  	[tilespmem:s20], [sflag:$0x5] =	stream.indirect.gather [hbm4b:s4+s12], $0x40, s11, s12, $0xb8;
	[tilespmem:$0x1F000] =	vst v63  }
0xac: {  	_ =	swait.ge [sflag:s6], $0x2000  }
0xad: {  	[sflag:s6] =	ssyncset.done $0x0  }
0xae: {  	s11 =	sadd.s32 $0x680, s3;
	[sflag:s6] =	ssyncadd.s32 $0xFFFFE000  }
0xaf: {  	[tilespmem:s22], [sflag:$0x6] =	stream.indirect.gather [hbm4b:s4+s12], $0x40, s11, s12, $0xb8;
	[tilespmem:$0x1F000] =	vst v63  }
0xb0: {  	_ =	swait.ge [sflag:s7], $0x2000  }
0xb1: {  	[sflag:s7] =	ssyncset.done $0x0  }
.Ltmp0:
0xb2: {  	s11 =	sadd.s32 $0x700, s3;
	[sflag:s7] =	ssyncadd.s32 $0xFFFFE000;
	(pc) =	sbr.rel @p0 .LBB2_2-.Ltmp0, $4  }
0xb3: {  	[tilespmem:s24], [sflag:$0x7] =	stream.indirect.gather [hbm4b:s4+s12], $0x40, s11, s12, $0xb8;
	[tilespmem:$0x1F000] =	vst v63  }
0xb4: {  	_ =	swait.ge [sflag:s8], $0x2000  }
0xb5: {  	[sflag:s8] =	ssyncset.done $0x0  }
0xb6: {  	s3 =	sadd.s32 $0x780, s3;
	[sflag:s8] =	ssyncadd.s32 $0xFFFFE000  }
0xb7: {  	[tilespmem:s26], [sflag:$0x8] =	stream.indirect.gather [hbm4b:s4+s12], $0x40, s3, s12, $0xb8;
	[tilespmem:$0x1F000] =	vst v63  }
0xb8: {  	_ =	swait.ge [sflag:s29], $0x2000  }
0xb9: {  	[sflag:s29] =	ssyncset.done $0x0  }
0xba: {  	s11 =	simm.s32 $0x4C00;
	[sflag:s29] =	ssyncadd.s32 $0xFFFFE000  }
0xbb: {  	[spmem:s2] =	stream.indirect.scatter.add.f32 [tilespmem:s13], [sflag:$0x9], $0x40, s11, s12, $0xb8;
	[tilespmem:$0x1F000] =	vst v63  }
0xbc: {  	_ =	swait.ge [sflag:s30], $0x2000  }
0xbd: {  	[sflag:s30] =	ssyncset.done $0x0  }
0xbe: {  	s10 =	simm.s32 $0x4C80;
	[sflag:s30] =	ssyncadd.s32 $0xFFFFE000  }
0xbf: {  	[spmem:s2] =	stream.indirect.scatter.add.f32 [tilespmem:s14], [sflag:$0xA], $0x40, s10, s12, $0xb8;
	[tilespmem:$0x1F000] =	vst v63  }
0xc0: {  	_ =	swait.ge [sflag:s31], $0x2000  }
0xc1: {  	[sflag:s31] =	ssyncset.done $0x0  }
0xc2: {  	s11 =	simm.s32 $0x4D00;
	[sflag:s31] =	ssyncadd.s32 $0xFFFFE000  }
0xc3: {  	[spmem:s2] =	stream.indirect.scatter.add.f32 [tilespmem:s16], [sflag:$0xB], $0x40, s11, s12, $0xb8;
	[tilespmem:$0x1F000] =	vst v63  }
0xc4: {  	_ =	swait.ge [sflag:s0], $0x2000  }
0xc5: {  	[sflag:s0] =	ssyncset.done $0x0  }
0xc6: {  	s10 =	simm.s32 $0x4D80;
	[sflag:s0] =	ssyncadd.s32 $0xFFFFE000  }
0xc7: {  	[spmem:s2] =	stream.indirect.scatter.add.f32 [tilespmem:s18], [sflag:$0xC], $0x40, s10, s12, $0xb8;
	[tilespmem:$0x1F000] =	vst v63  }
0xc8: {  	_ =	swait.ge [sflag:s15], $0x2000  }
0xc9: {  	[sflag:s15] =	ssyncset.done $0x0  }
0xca: {  	s11 =	simm.s32 $0x4E00;
	[sflag:s15] =	ssyncadd.s32 $0xFFFFE000  }
0xcb: {  	[spmem:s2] =	stream.indirect.scatter.add.f32 [tilespmem:s20], [sflag:$0xD], $0x40, s11, s12, $0xb8;
	[tilespmem:$0x1F000] =	vst v63  }
0xcc: {  	_ =	swait.ge [sflag:s17], $0x2000  }
0xcd: {  	[sflag:s17] =	ssyncset.done $0x0  }
0xce: {  	s10 =	simm.s32 $0x4E80;
	[sflag:s17] =	ssyncadd.s32 $0xFFFFE000  }
0xcf: {  	[spmem:s2] =	stream.indirect.scatter.add.f32 [tilespmem:s22], [sflag:$0xE], $0x40, s10, s12, $0xb8;
	[tilespmem:$0x1F000] =	vst v63  }
0xd0: {  	_ =	swait.ge [sflag:s1], $0x2000  }
0xd1: {  	[sflag:s1] =	ssyncset.done $0x0  }
0xd2: {  	s11 =	simm.s32 $0x4F00;
	[sflag:s1] =	ssyncadd.s32 $0xFFFFE000  }
0xd3: {  	[spmem:s2] =	stream.indirect.scatter.add.f32 [tilespmem:s24], [sflag:$0xF], $0x40, s11, s12, $0xb8;
	[tilespmem:$0x1F000] =	vst v63  }
0xd4: {  	_ =	swait.ge [sflag:s19], $0x2000  }
0xd5: {  	[sflag:s19] =	ssyncset.done $0x0  }
0xd6: {  	s10 =	simm.s32 $0x4F80;
	[sflag:s19] =	ssyncadd.s32 $0xFFFFE000  }
0xd7: {  	[spmem:s2] =	stream.indirect.scatter.add.f32 [tilespmem:s26], [sflag:$0x10], $0x40, s10, s12, $0xb8;
	[tilespmem:$0x1F000] =	vst v63  }
0xd8: {  	_ =	swait.ge [sflag:s21], $0x2000  }
0xd9: {  	[sflag:s21] =	ssyncset.done $0x0  }
0xda: {  	[sflag:s21] =	ssyncadd.s32 $0xFFFFE000  }
0xdb: {  	_ =	swait.ge [sflag:s23], $0x2000  }
0xdc: {  	[sflag:s23] =	ssyncset.done $0x0  }
0xdd: {  	[sflag:s23] =	ssyncadd.s32 $0xFFFFE000  }
0xde: {  	_ =	swait.ge [sflag:s25], $0x2000  }
0xdf: {  	[sflag:s25] =	ssyncset.done $0x0  }
0xe0: {  	[sflag:s25] =	ssyncadd.s32 $0xFFFFE000  }
0xe1: {  	_ =	swait.ge [sflag:s28], $0x2000  }
0xe2: {  	[sflag:s28] =	ssyncset.done $0x0  }
0xe3: {  	[sflag:s28] =	ssyncadd.s32 $0xFFFFE000  }
0xe4: {  	_ =	swait.ge [sflag:s5], $0x2000  }
0xe5: {  	[sflag:s5] =	ssyncset.done $0x0  }
0xe6: {  	[sflag:s5] =	ssyncadd.s32 $0xFFFFE000  }
0xe7: {  	_ =	swait.ge [sflag:s6], $0x2000  }
0xe8: {  	[sflag:s6] =	ssyncset.done $0x0  }
0xe9: {  	[sflag:s6] =	ssyncadd.s32 $0xFFFFE000  }
0xea: {  	_ =	swait.ge [sflag:s7], $0x2000  }
0xeb: {  	[sflag:s7] =	ssyncset.done $0x0  }
0xec: {  	[sflag:s7] =	ssyncadd.s32 $0xFFFFE000  }
0xed: {  	_ =	swait.ge [sflag:s8], $0x2000  }
0xee: {  	[sflag:s8] =	ssyncset.done $0x0  }
0xef: {  	[sflag:s8] =	ssyncadd.s32 $0xFFFFE000  }
0xf0: {  	[bflag:$0x0] =	sbarrier.arrive $0xFFFF  }
0xf1: {  	s11 =	rddreg [dreg:$0x8]  }
0xf2: {  	s10 =	rddreg [dreg:$0xb]  }
0xf3: {  	[hbm:s11], [sflag:s9] =	dma.local [spmem:s10], $0x1400  }
0xf4: {  	s11 =	simm.s32 $0x11  }
0xf5: {  	_ =	swait.ge [sflag:s11], $0x1400  }
0xf6: {  	s3 =	rddreg [dreg:$0xa]  }
0xf7: {  	s10 =	rddreg [dreg:$0x9];
	s9 =	sadd.s32 $0x1, s3  }
0xf8: {  	p0 =	sne.s32 s9, s10  }
.Ltmp1:
0xf9: {  	_ = 	snop;
	(pc) =	sbr.rel @p0 .LBB2_1-.Ltmp1, $3  }
0xfa: {  	_ =	sdelay $0x1  }
0xfb: {  	[sflag:s11] =	ssyncset.done $0x0  }
0xfc: {  	[sflag:s11] =	ssyncadd.s32 $0xFFFFEC00  }
0xfd: {  	_ =	sfence.sel $0x180000  }
0xfe: {  	[bflag:$0x0] =	sbarrier.arrive $0xFFFF  }
0xff: {  	_ =	strace $0x9000004D  }
0x100: {  	s0 =	stileid.u32;
	[bflag:$0x2] =	sbarrier.arrive $0xFFFF  }
0x101: {  	p0 =	sne.s32 s0, $0x0;
	s0 =	rddreg [dreg:$0x3]  }
0x102: {  	s0 =	sadd.s32 @!p0 $0x100000, s0  }
0x103: {  	[sflag:s0] =	ssyncadd.tile.s32 @!p0 $0x1;
	_ =	shalt  }
.Lfunc_end2:
_tile_overlayer_lowered:
.L_overlay_start_2:
0x104: {  	(tag) =	ssettag $0x2  }
0x105: {  	s0 =	rddreg [dreg:$0x0];
	s2 =	stileid.u32  }
0x106: {  	s1 =	rddreg [dreg:$0x1];
	p0 =	sne.s32 s2, $0x0  }
0x107: {  	s3 =	rddreg [dreg:$0x2];
	[bflag:$0x3] =	sbarrier.arrive $0xFFFF;
	s2 =	simm.s32 @!p0 $0x1C11  }
0x108: {  	[timem:s3], [sflag:s2] =	dma.local @!p0 [hbm:s0], s1  }
0x109: {  	s0 =	simm.s32 @!p0 $0x11  }
0x10a: {  	_ =	swait.ge @!p0 [sflag:s0], s1  }
0x10b: {  	s1 =	ssub.s32 @!p0 $0x0, s1;
	[sflag:s0] =	ssyncset.done @!p0 $0x0  }
0x10c: {  	[sflag:s0] =	ssyncadd.s32 @!p0 s1  }
0x10d: {  	[bflag:$0x3] =	sbarrier.arrive $0xFFFF  }
0x10e: {  	_ =	shalt  }

// kernel: kernel.8.cloned.1.call-start
scs
__scs_entry_jumppad:
0x0: {  	(pc) =	sbr.rel $0x88, $3  }
0x1: {  	(tag) =	ssettag $0x0;
	lr =	simm.s32 $0x1  }
0x2: {  	[smem:$0x3F9B] =	sst lr;
	_ =	strace $0xD0000000  }
0x3: {  	_ = 	snop  }
0x4: {  	_ = 	snop  }
0x5: {  	_ = 	snop  }
0x6: {  	_ = 	snop  }
0x7: {  	_ = 	snop  }
__scs_overlays_trampoline_lowered:
0x8: {  	[smem:$0x3FAA] =	sst s0  }
0x9: {  	[smem:$0x3FAB] =	sst s1  }
0xa: {  	[smem:$0x3FAC] =	sst s2  }
0xb: {  	[smem:$0x3FAD] =	sst s3  }
0xc: {  	[smem:$0x3FAE] =	sst s4  }
0xd: {  	[smem:$0x3FAF] =	sst s5  }
0xe: {  	[smem:$0x3FB0] =	sst s6  }
0xf: {  	[smem:$0x3FB1] =	sst s7  }
0x10: {  	[smem:$0x3FB2] =	sst s8  }
0x11: {  	[smem:$0x3FB3] =	sst s9;
	s0 =	simm.s32 @!p0 $0x0  }
0x12: {  	s1 =	sld [smem:$0x3F99];
	s0 =	simm.s32 @p0 $0x1  }
0x13: {  	[smem:$0x3FB4] =	sst s0;
	s0 =	simm.s32 @!p1 $0x0  }
0x14: {  	s2 =	sld [smem:$0x3F98];
	s0 =	simm.s32 @p1 $0x1  }
0x15: {  	[smem:$0x3FB5] =	sst s0;
	s0 =	simm.s32 @!p2 $0x0  }
0x16: {  	s3 =	sld [smem:$0x3FDB];
	s0 =	simm.s32 @p2 $0x1  }
0x17: {  	s4 =	simm.s32 $0x1BF5;
	[smem:$0x3FB7] =	sst s0  }
0x18: {  	s0 =	sld [smem:$0x3F9A];
	_ =	swait.ge [sflag:s4], $0x0  }
0x19: {  	s7 =	sld [smem:$0x3F9B]  }
0x1a: {  	s8 =	sadd.s32 $0xFFFFE003, lr  }
0x1b: {  	s9 =	sadd.s32 $0xFFFFFEF7, lr;
	s5 =	simm.s32 $0xFFFFFFFF;
	p2 =	slt.u32 s8, $0xFFFFF086  }
0x1c: {  	p1 =	slt.u32 s9, $0xF7A;
	s5 =	simm.s32 @!p2 $0x0  }
0x1d: {  	s5 =	simm.s32 @p1 $0x1;
	p0 =	seq.s32 s7, s2  }
0x1e: {  	s7 =	smul.u32 @!p0 $0xF7A, s2;
	p2 =	seq.s32 @!p0 s5, $0x0  }
0x1f: {  	s9 =	smul.u32 $0xF7A, s1;
	s8 =	simm.s32 @!p0 $0x1BF5;
	p2 =	por !p2, p0  }
0x20: {  	[sflag:s8] =	ssyncset.s32 @!p0 $0xFFFFF086;
	s6 =	sadd.s32 @!p0 s3, s7;
	s7 =	simm.s32 @!p0 $0x108  }
0x21: {  	s3 =	sadd.s32 s3, s9;
	s6 =	sadd.s32 @!p0 $0x88, s6;
	s7 =	simm.s32 @p2 $0x1082  }
0x22: {  	[simem:s7], [sflag:s8] =	dma.local @!p0 [hbm:s6], $0xF7A  }
0x23: {  	s9 =	sor.u32 $0xD0000000, s2;
	s6 =	simm.s32 $0x108;
	_ =	swait.ge @!p0 [sflag:s8], $0x0  }
0x24: {  	s3 =	sadd.s32 $0x88, s3;
	s6 =	simm.s32 @!p1 $0x1082;
	[sflag:s4] =	ssyncset.s32 $0xFFFFF086  }
0x25: {  	[simem:s6], [sflag:s4] =	dma.local [hbm:s3], $0xF7A  }
0x26: {  	[smem:$0x3F9B] =	sst s1;
	(tag) =	ssettag s2;
	_ =	strace s9  }
0x27: {  	s1 =	sld [smem:$0x3FAB]  }
0x28: {  	s2 =	sld [smem:$0x3FAC]  }
0x29: {  	s4 =	sld [smem:$0x3FAE]  }
0x2a: {  	p0 =	seq.s32 s5, $0x0;
	s5 =	sld [smem:$0x3FAF]  }
0x2b: {  	s6 =	sld [smem:$0x3FB0]  }
0x2c: {  	s7 =	sld [smem:$0x3FB1]  }
0x2d: {  	s3 =	simm.s32 $0x108;
	s8 =	sld [smem:$0x3FB2]  }
0x2e: {  	s3 =	simm.s32 @!p0 $0x1082;
	s9 =	sld [smem:$0x3FB3]  }
0x2f: {  	lr =	sadd.s32 s0, s3;
	s0 =	sld [smem:$0x3FAA]  }
0x30: {  	s3 =	sld [smem:$0x3FAD]  }
0x31: {  	[smem:$0x3FB6] =	sst s10  }
0x32: {  	s10 =	sld [smem:$0x3FB4];
	_ =	sdelay $0x3  }
0x33: {  	p0 =	seq.s32 s10, $0x1;
	s10 =	sld [smem:$0x3FB6];
	_ =	sdelay $0x3  }
0x34: {  	[smem:$0x3FB6] =	sst s10  }
0x35: {  	s10 =	sld [smem:$0x3FB5];
	_ =	sdelay $0x3  }
0x36: {  	p1 =	seq.s32 s10, $0x1;
	s10 =	sld [smem:$0x3FB6];
	_ =	sdelay $0x3  }
0x37: {  	[smem:$0x3FB6] =	sst s10  }
0x38: {  	s10 =	sld [smem:$0x3FB7]  }
0x39: {  	_ = 	snop;
	(pc) =	sbr.ind lr, $3  }
0x3a: {  	_ = 	snop  }
0x3b: {  	_ = 	snop  }
0x3c: {  	p2 =	seq.s32 s10, $0x1;
	s10 =	sld [smem:$0x3FB6]  }
0x3d: {  	_ =	shalt  }
0x3e: {  	_ =	shalt  }
0x3f: {  	_ =	shalt  }
0x40: {  	_ =	shalt  }
0x41: {  	_ =	shalt  }
0x42: {  	_ =	shalt  }
0x43: {  	_ =	shalt  }
0x44: {  	_ =	shalt  }
0x45: {  	_ =	shalt  }
0x46: {  	_ =	shalt  }
0x47: {  	_ =	shalt  }
0x48: {  	_ =	shalt  }
0x49: {  	_ =	shalt  }
0x4a: {  	_ =	shalt  }
0x4b: {  	_ =	shalt  }
0x4c: {  	_ =	shalt  }
0x4d: {  	_ =	shalt  }
0x4e: {  	_ =	shalt  }
0x4f: {  	_ =	shalt  }
0x50: {  	_ =	shalt  }
0x51: {  	_ =	shalt  }
0x52: {  	_ =	shalt  }
0x53: {  	_ =	shalt  }
0x54: {  	_ =	shalt  }
0x55: {  	_ =	shalt  }
0x56: {  	_ =	shalt  }
0x57: {  	_ =	shalt  }
0x58: {  	_ =	shalt  }
0x59: {  	_ =	shalt  }
0x5a: {  	_ =	shalt  }
0x5b: {  	_ =	shalt  }
0x5c: {  	_ =	shalt  }
0x5d: {  	_ =	shalt  }
0x5e: {  	_ =	shalt  }
0x5f: {  	_ =	shalt  }
0x60: {  	_ =	shalt  }
0x61: {  	_ =	shalt  }
0x62: {  	_ =	shalt  }
0x63: {  	_ =	shalt  }
0x64: {  	_ =	shalt  }
0x65: {  	_ =	shalt  }
0x66: {  	_ =	shalt  }
0x67: {  	_ =	shalt  }
0x68: {  	_ =	shalt  }
0x69: {  	_ =	shalt  }
0x6a: {  	_ =	shalt  }
0x6b: {  	_ =	shalt  }
0x6c: {  	_ =	shalt  }
0x6d: {  	_ =	shalt  }
0x6e: {  	_ =	shalt  }
0x6f: {  	_ =	shalt  }
0x70: {  	_ =	shalt  }
0x71: {  	_ =	shalt  }
0x72: {  	_ =	shalt  }
0x73: {  	_ =	shalt  }
0x74: {  	_ =	shalt  }
0x75: {  	_ =	shalt  }
0x76: {  	_ =	shalt  }
0x77: {  	_ =	shalt  }
0x78: {  	_ =	shalt  }
0x79: {  	_ =	shalt  }
0x7a: {  	_ =	shalt  }
0x7b: {  	_ =	shalt  }
0x7c: {  	_ =	shalt  }
0x7d: {  	_ =	shalt  }
0x7e: {  	_ =	shalt  }
0x7f: {  	_ =	shalt  }
0x80: {  	_ =	shalt  }
0x81: {  	_ =	shalt  }
0x82: {  	_ =	shalt  }
0x83: {  	_ =	shalt  }
0x84: {  	_ =	shalt  }
0x85: {  	_ =	shalt  }
0x86: {  	_ =	shalt  }
0x87: {  	_ =	shalt  }
.Lfunc_end0:
.L_simem_size_0:
called_computation_lowered:
.L_overlay_start_0:
0x88: {  	s2 =	sld [smem:$0x3FD9]  }
0x89: {  	s3 =	sld [smem:$0x3FFE];
	_ =	sdelay $0x1  }
0x8a: {  	s1 =	srdreg.scid  }
0x8b: {  	s0 =	sand.u32 $0x1, s1  }
0x8c: {  	s17 =	sshll.u32 s0, $0xA;
	s2 =	sadd.s32 s3, s2  }
0x8d: {  	s2 =	sadd.s32 s2, s17  }
0x8e: {  	[smem:$0x3FC2] =	sst s2  }
0x8f: {  	_ = 	snop  }
0x90: {  	s2 =	sld [smem:$0x3FD0];
	(tm) =	ssettm $0x1  }
0x91: {  	s18 =	sld [smem:$0x3FFB];
	_ =	sdelay $0x3  }
0x92: {  	_ =	strace s18  }
0x93: {  	s3 =	sld [smem:$0x3FFC];
	_ =	sdelay $0x3  }
0x94: {  	_ =	strace s3  }
0x95: {  	s3 =	sld [smem:$0x3FFD];
	_ =	sdelay $0x3  }
0x96: {  	_ =	strace s3  }
0x97: {  	_ =	strace $0x8FFFFFFF  }
0x98: {  	s19 =	sld [smem:$0x3FDB];
	_ =	sdelay $0x1  }
0x99: {  	s4 =	simm.s32 $_scs_section_size  }
0x9a: {  	s5 =	simm.s32 $_size__tile_overlayer_lowered;
	s6 =	simm.s32 $_tile_overlayer_lowered  }
0x9b: {  	s22 =	simm.s32 $0x1BFF;
	s21 =	sshll.u32 s6, $0x1;
	s3 =	sadd.s32 s4, s19  }
0x9c: {  	s7 =	simm.s32 $0x0;
	s20 =	sshll.u32 s5, $0x1;
	s5 =	sadd.s32 s21, s3  }
0x9d: {  	[timem:s7], [sflag:s22] =	dma.local [hbm:s5], s20  }
0x9e: {  	_ =	swait.ge [sflag:s22], s20  }
0x9f: {  	s4 =	ssub.s32 $0x0, s20;
	[sflag:s22] =	ssyncset.done $0x0  }
0xa0: {  	[sflag:s22] =	ssyncadd.s32 s4;
	_ =	sdelay $0x1  }
0xa1: {  	s23 =	simm.s32 $0x1B8B  }
0xa2: {  	_ =	swait.ge [sflag:s23], $0x1  }
0xa3: {  	[sflag:s23] =	ssyncset.done $0x0  }
0xa4: {  	s25 =	simm.s32 $0x1B8E;
	s24 =	sld [smem:$0x3FFE];
	[sflag:s23] =	ssyncadd.s32 $0xFFFFFFFF  }
0xa5: {  	s26 =	simm.s32 $execute0_lowered;
	[smem:$0x3FD2] =	sst s25  }
0xa6: {  	s5 =	sshll.u32 s26, $0x1;
	_ =	strace $0x80000046;
	[dreg:$0x1] =	wrdreg $0xFFFFFFFF  }
0xa7: {  	s28 =	simm.s32 $_size_execute0_lowered;
	s3 =	sadd.s32 s3, s5;
	[dreg:$0x0] =	wrdreg $0x0  }
0xa8: {  	s5 =	sshll.u32 s28, $0x1;
	[dreg:$0x2] =	wrdreg s3  }
0xa9: {  	[dreg:$0x3] =	wrdreg s5  }
0xaa: {  	[dreg:$0x4] =	wrdreg $0xC0  }
0xab: {  	_ =	task [dreg:s7], $0x5FFFF  }
0xac: {  	[dreg:$0x1] =	wrdreg $0xFFFFFFFF  }
0xad: {  	[dreg:$0x0] =	wrdreg $0x60  }
0xae: {  	[dreg:$0x2] =	wrdreg s24  }
0xaf: {  	[dreg:$0x3] =	wrdreg s2  }
0xb0: {  	[dreg:$0x4] =	wrdreg $0x28800  }
0xb1: {  	[dreg:$0x5] =	wrdreg $0x9  }
0xb2: {  	_ =	task.clear_ibuf [dreg:s7], $0x6FFFF;
	_ =	strace $0x90000046  }
0xb3: {  	s29 =	simm.s32 $0x9;
	_ =	strace $0x80000048  }
0xb4: {  	_ =	swait.ge [sflag:s29], $0x1  }
0xb5: {  	[sflag:s29] =	ssyncadd.s32 $0xFFFFFFFF  }
0xb6: {  	_ =	strace $0x90000048  }
0xb7: {  	_ =	sfence  }
0xb8: {  	s30 =	sld [smem:$0x0];
	_ =	sdelay $0x2  }
0xb9: {  	s31 =	sshll.u32 s1, $0xD;
	s1 =	sshrl.u32 s1, $0x2  }
0xba: {  	s3 =	sand.u32 $0x4000, s31;
	s1 =	sadd.s32 s1, s30  }
0xbb: {  	s0 =	sor.u32 s3, s0;
	s1 =	sshll.u32 s1, $0x11  }
0xbc: {  	s0 =	sor.u32 s1, s0  }
0xbd: {  	s0 =	sadd.s32 $0x8F2B, s0  }
0xbe: {  	[sflag:s0] =	ssyncadd.remote.s32 $0x1  }
0xbf: {  	_ =	sfence.sel $0xFFFF  }
0xc0: {  	[dreg:$0x0] =	wrdreg $0xFFFFFFFF;
	(pc) =	sbr.abs _section_cstart, $3  }
0xc1: {  	[dreg:$0x1] =	wrdreg $0xFFFFFFFF  }
0xc2: {  	_ =	task.clear_ibuf [dreg:s7], $0x2FFFF;
	_ =	strace $0x9FFFFFFF  }
0xc3: {  	(tm) =	ssettm $0x7FFFFFFF  }
tec
execute0_lowered:
.L_overlay_start_1:
0x0: {  	(tag) =	ssettag $0x1  }
0x1: {  	s4 =	rddreg [dreg:$0x0];
	s1 =	srdreg.scid  }
0x2: {  	s0 =	stileid.u32;
	s6 =	rddreg [dreg:$0x1]  }
0x3: {  	s2 =	rddreg [dreg:$0x2];
	s3 =	simm.s32 $0x0;
	s12 =	simm.s32 $0x2800  }
0x4: {  	s13 =	simm.s32 $0x100;
	s14 =	simm.s32 $0x180;
	s15 =	simm.s32 $0x200  }
0x5: {  	s16 =	simm.s32 $0x280;
	s17 =	simm.s32 $0x300;
	s18 =	simm.s32 $0x380  }
0x6: {  	s19 =	simm.s32 $0x1;
	s20 =	simm.s32 $0x2;
	s21 =	simm.s32 $0x3  }
0x7: {  	s22 =	simm.s32 $0x4;
	s23 =	simm.s32 $0x5;
	s24 =	simm.s32 $0x6  }
0x8: {  	s25 =	simm.s32 $0x7;
	s5 =	sand.u32 $0x1, s1;
	s1 =	rddreg [dreg:$0x3]  }
0x9: {  	s28 =	simm.s32 $0x0;
	s26 =	sshll.u32 s0, $0x1;
	[smem:$0x7FF] =	sst s3  }
0xa: {  	s8 =	smul.u32 $0x280, s0;
	s31 =	sshll.u32 s0, $0x6;
	s7 =	sor.u32 s5, s26  }
0xb: {  	_ =	strace $0x80000047;
	s9 =	ssub.s32 $0x2, s5;
	s5 =	smul.u32 $0x2800, s5  }
0xc: {  	s26 =	simm.s32 $0x8;
	s7 =	smul.u32 $0x500, s7;
	s10 =	sshrl.u32 s8, $0x3  }
0xd: {  	s11 =	sshrl.u32 s9, $0x1;
	s29 =	sadd.s32 s8, s2;
	s10 =	sadd.s32 s10, s4  }
0xe: {  	s9 =	ssub.s32 s9, s11;
	s5 =	sadd.s32 s8, s5;
	s8 =	simm.s32 $0x9  }
0xf: {  	s11 =	simm.s32 $0x80;
	s7 =	sadd.s32 s7, s4;
	s30 =	sshrl.u32 s5, $0x3  }
0x10: {  	s5 =	sadd.s32 $0x15000, s10;
	s10 =	sshrl.u32 s29, $0x3;
	s4 =	sadd.s32 $0x1000, s7  }
0x11: {  	v0 =	vimm.f32 $1.000000000e+00;
	s6 =	sadd.s32 s6, s30;
	s7 =	smax.u32 s9, $0x1;
	s9 =	sor.u32 $0x1C09, s31  }
.LBB2_1:
0x12: {  	[tilespmem:s3], [sflag:$0x9] =	stream.linear.gather [hbm4b:s4+s3], $0x2800, $0x38;
	[tilespmem:$0x2B00] =	vst v63  }
0x13: {  	_ =	swait.ge [sflag:s8], $0x2800  }
0x14: {  	[sflag:s8] =	ssyncset.done $0x0  }
0x15: {  	[sflag:s8] =	ssyncadd.s32 $0xFFFFD800  }
0x16: {  	[tilespmem:$0x2800] =	vst v0  }
0x17: {  	[tilespmem:$0x2810] =	vst v0  }
0x18: {  	[tilespmem:$0x2820] =	vst v0  }
0x19: {  	[tilespmem:$0x2830] =	vst v0  }
0x1a: {  	[tilespmem:$0x2840] =	vst v0  }
0x1b: {  	[tilespmem:$0x2850] =	vst v0  }
0x1c: {  	[tilespmem:$0x2860] =	vst v0  }
0x1d: {  	[tilespmem:$0x2870] =	vst v0  }
0x1e: {  	[spmem:s10], [sflag:s9] =	dma.local [hbm:s5], $0x50  }
0x1f: {  	_ =	swait.ge [sflag:s8], $0x50  }
0x20: {  	[sflag:s8] =	ssyncset.done $0x0  }
0x21: {  	[sflag:s8] =	ssyncadd.s32 $0xFFFFFFB0  }
0x22: {  	[bflag:$0x0] =	sbarrier.arrive $0xFFFF  }
0x23: {  	[spmem:s2] =	stream.indirect.scatter.add.f32 [tilespmem:s12], [sflag:$0x1], $0x1, s3, s11, $0xb8;
	[tilespmem:$0x2B00] =	vst v63  }
0x24: {  	_ = 	snop  }
0x25: {  	[spmem:s2] =	stream.indirect.scatter.add.f32 [tilespmem:s12], [sflag:$0x2], $0x1, s11, s11, $0xb8;
	[tilespmem:$0x2B00] =	vst v63  }
0x26: {  	_ = 	snop  }
0x27: {  	[spmem:s2] =	stream.indirect.scatter.add.f32 [tilespmem:s12], [sflag:$0x3], $0x1, s13, s11, $0xb8;
	[tilespmem:$0x2B00] =	vst v63  }
0x28: {  	_ = 	snop  }
0x29: {  	[spmem:s2] =	stream.indirect.scatter.add.f32 [tilespmem:s12], [sflag:$0x4], $0x1, s14, s11, $0xb8;
	[tilespmem:$0x2B00] =	vst v63  }
0x2a: {  	_ = 	snop  }
0x2b: {  	[spmem:s2] =	stream.indirect.scatter.add.f32 [tilespmem:s12], [sflag:$0x5], $0x1, s15, s11, $0xb8;
	[tilespmem:$0x2B00] =	vst v63  }
0x2c: {  	_ = 	snop  }
0x2d: {  	[spmem:s2] =	stream.indirect.scatter.add.f32 [tilespmem:s12], [sflag:$0x6], $0x1, s16, s11, $0xb8;
	[tilespmem:$0x2B00] =	vst v63  }
0x2e: {  	_ = 	snop  }
0x2f: {  	[spmem:s2] =	stream.indirect.scatter.add.f32 [tilespmem:s12], [sflag:$0x7], $0x1, s17, s11, $0xb8;
	[tilespmem:$0x2B00] =	vst v63  }
0x30: {  	_ = 	snop  }
0x31: {  	[spmem:s2] =	stream.indirect.scatter.add.f32 [tilespmem:s12], [sflag:$0x8], $0x1, s18, s11, $0xb8;
	[tilespmem:$0x2B00] =	vst v63  }
0x32: {  	_ =	swait.ge [sflag:s19], $0x80  }
0x33: {  	[sflag:s19] =	ssyncset.done $0x0  }
0x34: {  	s29 =	simm.s32 $0x400;
	[sflag:s19] =	ssyncadd.s32 $0xFFFFFF80  }
0x35: {  	[spmem:s2] =	stream.indirect.scatter.add.f32 [tilespmem:s12], [sflag:$0x1], $0x1, s29, s11, $0xb8;
	[tilespmem:$0x2B00] =	vst v63  }
0x36: {  	_ =	swait.ge [sflag:s20], $0x80  }
0x37: {  	[sflag:s20] =	ssyncset.done $0x0  }
0x38: {  	s29 =	simm.s32 $0x480;
	[sflag:s20] =	ssyncadd.s32 $0xFFFFFF80  }
0x39: {  	[spmem:s2] =	stream.indirect.scatter.add.f32 [tilespmem:s12], [sflag:$0x2], $0x1, s29, s11, $0xb8;
	[tilespmem:$0x2B00] =	vst v63  }
0x3a: {  	_ =	swait.ge [sflag:s21], $0x80  }
0x3b: {  	[sflag:s21] =	ssyncset.done $0x0  }
0x3c: {  	s29 =	simm.s32 $0x500;
	[sflag:s21] =	ssyncadd.s32 $0xFFFFFF80  }
0x3d: {  	[spmem:s2] =	stream.indirect.scatter.add.f32 [tilespmem:s12], [sflag:$0x3], $0x1, s29, s11, $0xb8;
	[tilespmem:$0x2B00] =	vst v63  }
0x3e: {  	_ =	swait.ge [sflag:s22], $0x80  }
0x3f: {  	[sflag:s22] =	ssyncset.done $0x0  }
0x40: {  	s29 =	simm.s32 $0x580;
	[sflag:s22] =	ssyncadd.s32 $0xFFFFFF80  }
0x41: {  	[spmem:s2] =	stream.indirect.scatter.add.f32 [tilespmem:s12], [sflag:$0x4], $0x1, s29, s11, $0xb8;
	[tilespmem:$0x2B00] =	vst v63  }
0x42: {  	_ =	swait.ge [sflag:s23], $0x80  }
0x43: {  	[sflag:s23] =	ssyncset.done $0x0  }
0x44: {  	s29 =	simm.s32 $0x600;
	[sflag:s23] =	ssyncadd.s32 $0xFFFFFF80  }
0x45: {  	[spmem:s2] =	stream.indirect.scatter.add.f32 [tilespmem:s12], [sflag:$0x5], $0x1, s29, s11, $0xb8;
	[tilespmem:$0x2B00] =	vst v63  }
0x46: {  	_ =	swait.ge [sflag:s24], $0x80  }
0x47: {  	[sflag:s24] =	ssyncset.done $0x0  }
0x48: {  	s29 =	simm.s32 $0x680;
	[sflag:s24] =	ssyncadd.s32 $0xFFFFFF80  }
0x49: {  	[spmem:s2] =	stream.indirect.scatter.add.f32 [tilespmem:s12], [sflag:$0x6], $0x1, s29, s11, $0xb8;
	[tilespmem:$0x2B00] =	vst v63  }
0x4a: {  	_ =	swait.ge [sflag:s25], $0x80  }
0x4b: {  	[sflag:s25] =	ssyncset.done $0x0  }
0x4c: {  	s29 =	simm.s32 $0x700;
	[sflag:s25] =	ssyncadd.s32 $0xFFFFFF80  }
0x4d: {  	[spmem:s2] =	stream.indirect.scatter.add.f32 [tilespmem:s12], [sflag:$0x7], $0x1, s29, s11, $0xb8;
	[tilespmem:$0x2B00] =	vst v63  }
0x4e: {  	_ =	swait.ge [sflag:s26], $0x80  }
0x4f: {  	[sflag:s26] =	ssyncset.done $0x0  }
0x50: {  	s30 =	simm.s32 $0x780;
	s29 =	simm.s32 $0x1000;
	[sflag:s26] =	ssyncadd.s32 $0xFFFFFF80  }
.LBB2_2:
0x51: {  	[spmem:s2] =	stream.indirect.scatter.add.f32 [tilespmem:s12], [sflag:$0x8], $0x1, s30, s11, $0xb8;
	[tilespmem:$0x2B00] =	vst v63  }
0x52: {  	s30 =	smov.u32 s29  }
0x53: {  	p0 =	sne.s32 s29, $0x8000;
	s29 =	sadd.s32 $0x1000, s29;
	_ =	swait.ge [sflag:s19], $0x80  }
0x54: {  	s30 =	sshra.s32 s30, $0x2;
	[sflag:s19] =	ssyncset.done $0x0  }
0x55: {  	s31 =	sadd.s32 $0x400, s30;
	[sflag:s19] =	ssyncadd.s32 $0xFFFFFF80  }
0x56: {  	[spmem:s2] =	stream.indirect.scatter.add.f32 [tilespmem:s12], [sflag:$0x1], $0x1, s31, s11, $0xb8;
	[tilespmem:$0x2B00] =	vst v63  }
0x57: {  	_ =	swait.ge [sflag:s20], $0x80  }
0x58: {  	[sflag:s20] =	ssyncset.done $0x0  }
0x59: {  	s31 =	sadd.s32 $0x480, s30;
	[sflag:s20] =	ssyncadd.s32 $0xFFFFFF80  }
0x5a: {  	[spmem:s2] =	stream.indirect.scatter.add.f32 [tilespmem:s12], [sflag:$0x2], $0x1, s31, s11, $0xb8;
	[tilespmem:$0x2B00] =	vst v63  }
0x5b: {  	_ =	swait.ge [sflag:s21], $0x80  }
0x5c: {  	[sflag:s21] =	ssyncset.done $0x0  }
0x5d: {  	s31 =	sadd.s32 $0x500, s30;
	[sflag:s21] =	ssyncadd.s32 $0xFFFFFF80  }
0x5e: {  	[spmem:s2] =	stream.indirect.scatter.add.f32 [tilespmem:s12], [sflag:$0x3], $0x1, s31, s11, $0xb8;
	[tilespmem:$0x2B00] =	vst v63  }
0x5f: {  	_ =	swait.ge [sflag:s22], $0x80  }
0x60: {  	[sflag:s22] =	ssyncset.done $0x0  }
0x61: {  	s31 =	sadd.s32 $0x580, s30;
	[sflag:s22] =	ssyncadd.s32 $0xFFFFFF80  }
0x62: {  	[spmem:s2] =	stream.indirect.scatter.add.f32 [tilespmem:s12], [sflag:$0x4], $0x1, s31, s11, $0xb8;
	[tilespmem:$0x2B00] =	vst v63  }
0x63: {  	_ =	swait.ge [sflag:s23], $0x80  }
0x64: {  	[sflag:s23] =	ssyncset.done $0x0  }
0x65: {  	s31 =	sadd.s32 $0x600, s30;
	[sflag:s23] =	ssyncadd.s32 $0xFFFFFF80  }
0x66: {  	[spmem:s2] =	stream.indirect.scatter.add.f32 [tilespmem:s12], [sflag:$0x5], $0x1, s31, s11, $0xb8;
	[tilespmem:$0x2B00] =	vst v63  }
0x67: {  	_ =	swait.ge [sflag:s24], $0x80  }
0x68: {  	[sflag:s24] =	ssyncset.done $0x0  }
0x69: {  	s31 =	sadd.s32 $0x680, s30;
	[sflag:s24] =	ssyncadd.s32 $0xFFFFFF80  }
0x6a: {  	[spmem:s2] =	stream.indirect.scatter.add.f32 [tilespmem:s12], [sflag:$0x6], $0x1, s31, s11, $0xb8;
	[tilespmem:$0x2B00] =	vst v63  }
0x6b: {  	_ =	swait.ge [sflag:s25], $0x80  }
0x6c: {  	[sflag:s25] =	ssyncset.done $0x0  }
.Ltmp0:
0x6d: {  	s31 =	sadd.s32 $0x700, s30;
	[sflag:s25] =	ssyncadd.s32 $0xFFFFFF80;
	(pc) =	sbr.rel @p0 .LBB2_2-.Ltmp0, $4  }
0x6e: {  	[spmem:s2] =	stream.indirect.scatter.add.f32 [tilespmem:s12], [sflag:$0x7], $0x1, s31, s11, $0xb8;
	[tilespmem:$0x2B00] =	vst v63  }
0x6f: {  	_ =	swait.ge [sflag:s26], $0x80  }
0x70: {  	[sflag:s26] =	ssyncset.done $0x0  }
0x71: {  	s30 =	sadd.s32 $0x780, s30;
	[sflag:s26] =	ssyncadd.s32 $0xFFFFFF80  }
0x72: {  	[spmem:s2] =	stream.indirect.scatter.add.f32 [tilespmem:s12], [sflag:$0x8], $0x1, s30, s11, $0xb8;
	[tilespmem:$0x2B00] =	vst v63  }
0x73: {  	_ =	swait.ge [sflag:s19], $0x80  }
0x74: {  	[sflag:s19] =	ssyncset.done $0x0  }
0x75: {  	[sflag:s19] =	ssyncadd.s32 $0xFFFFFF80  }
0x76: {  	_ =	swait.ge [sflag:s20], $0x80  }
0x77: {  	[sflag:s20] =	ssyncset.done $0x0  }
0x78: {  	[sflag:s20] =	ssyncadd.s32 $0xFFFFFF80  }
0x79: {  	_ =	swait.ge [sflag:s21], $0x80  }
0x7a: {  	[sflag:s21] =	ssyncset.done $0x0  }
0x7b: {  	[sflag:s21] =	ssyncadd.s32 $0xFFFFFF80  }
0x7c: {  	_ =	swait.ge [sflag:s22], $0x80  }
0x7d: {  	[sflag:s22] =	ssyncset.done $0x0  }
0x7e: {  	[sflag:s22] =	ssyncadd.s32 $0xFFFFFF80  }
0x7f: {  	_ =	swait.ge [sflag:s23], $0x80  }
0x80: {  	[sflag:s23] =	ssyncset.done $0x0  }
0x81: {  	[sflag:s23] =	ssyncadd.s32 $0xFFFFFF80  }
0x82: {  	_ =	swait.ge [sflag:s24], $0x80  }
0x83: {  	[sflag:s24] =	ssyncset.done $0x0  }
0x84: {  	[sflag:s24] =	ssyncadd.s32 $0xFFFFFF80  }
0x85: {  	_ =	swait.ge [sflag:s25], $0x80  }
0x86: {  	[sflag:s25] =	ssyncset.done $0x0  }
0x87: {  	[sflag:s25] =	ssyncadd.s32 $0xFFFFFF80  }
0x88: {  	_ =	swait.ge [sflag:s26], $0x80  }
0x89: {  	s28 =	sadd.s32 $0x1, s28;
	[sflag:s26] =	ssyncset.done $0x0  }
0x8a: {  	p0 =	sne.s32 s28, s7;
	[sflag:s26] =	ssyncadd.s32 $0xFFFFFF80  }
.Ltmp1:
0x8b: {  	[bflag:$0x0] =	sbarrier.arrive $0xFFFF;
	(pc) =	sbr.rel @p0 .LBB2_1-.Ltmp1, $4  }
0x8c: {  	[hbm:s6], [sflag:s9] =	dma.local [spmem:s10], $0x50  }
0x8d: {  	_ =	swait.ge [sflag:s8], $0x50  }
0x8e: {  	[sflag:s8] =	ssyncset.done $0x0  }
0x8f: {  	[sflag:s8] =	ssyncadd.s32 $0xFFFFFFB0  }
0x90: {  	_ =	sfence.sel $0x180000  }
0x91: {  	[bflag:$0x0] =	sbarrier.arrive $0xFFFF  }
0x92: {  	p0 =	sne.s32 s0, $0x0;
	_ =	strace $0x90000047  }
0x93: {  	s0 =	sadd.s32 @!p0 $0x100000, s1;
	[bflag:$0x2] =	sbarrier.arrive $0xFFFF  }
0x94: {  	[sflag:s0] =	ssyncadd.tile.s32 @!p0 $0x1;
	_ =	shalt  }
.Lfunc_end2:
_tile_overlayer_lowered:
.L_overlay_start_2:
0x95: {  	(tag) =	ssettag $0x2  }
0x96: {  	s0 =	rddreg [dreg:$0x0];
	s2 =	stileid.u32  }
0x97: {  	s1 =	rddreg [dreg:$0x1];
	p0 =	sne.s32 s2, $0x0  }
0x98: {  	s3 =	rddreg [dreg:$0x2];
	[bflag:$0x3] =	sbarrier.arrive $0xFFFF;
	s2 =	simm.s32 @!p0 $0x1C09  }
0x99: {  	[timem:s3], [sflag:s2] =	dma.local @!p0 [hbm:s0], s1  }
0x9a: {  	s0 =	simm.s32 @!p0 $0x9  }
0x9b: {  	_ =	swait.ge @!p0 [sflag:s0], s1  }
0x9c: {  	s1 =	ssub.s32 @!p0 $0x0, s1;
	[sflag:s0] =	ssyncset.done @!p0 $0x0  }
0x9d: {  	[sflag:s0] =	ssyncadd.s32 @!p0 s1  }
0x9e: {  	[bflag:$0x3] =	sbarrier.arrive $0xFFFF  }
0x9f: {  	_ =	shalt  }

</sc_bundles>
